<compile_context>
chip_gen: v7x
topology: tpu7x:2x2x1
jax: 0.10.2.dev20260603
libtpu: 0.0.44.dev20260713+nightly
codegen_flags: <defaults>
</compile_context>

<pallas_src>
import functools

import jax
import jax.numpy as jnp
from jax import lax
from jax.experimental import pallas as pl
from jax.experimental.pallas import tpu as pltpu
from jax.experimental.pallas import tpu_sc as plsc

N_NODES = 10000
D = 128

NC = 2
NS = 16

HALF = 5120
CHUNK = 64
LCAP = 328
ACC_ROWS = 5632
ROWS_PER_TILE = ACC_ROWS // NS
DUMMY = HALF + 64
BIGPAD = 1 << 20

ICHUNK = 128
INCH = 160
E_PAD = NS * INCH * ICHUNK

_NBUF = 5
_LEAD = 3
_SLACK = _NBUF - _LEAD

_mesh = plsc.VectorSubcoreMesh(
    core_axis_name="c", subcore_axis_name="s", num_cores=NC, num_subcores=NS
)


def _fill_rows(buf, nrows, w16, value):
    def row(r, _):
        for c in range(w16):
            buf[r, pl.ds(c * 16, 16)] = jnp.full((16,), value, jnp.float32)
        return 0
    lax.fori_loop(0, nrows, row, 0)


def _prep_body(srci_hbm, dsti_hbm,
               degp_hbm, srcf_hbm, dstf_hbm, cnt_hbm,
               sstg, dstg, slist, dlist, ones, cbuf, dacc, sem):
    c = lax.axis_index("c")
    s = lax.axis_index("s")
    lo = c * HALF

    pltpu.sync_copy(srci_hbm.at[s], sstg)
    pltpu.sync_copy(dsti_hbm.at[s], dstg)

    _fill_rows(ones, CHUNK, 1, 0.0)
    base = s * ROWS_PER_TILE
    for k, (off, n) in enumerate([(0, 64), (64, 64), (128, 64), (192, 64),
                                  (256, 64), (320, 32)]):
        pltpu.sync_copy(ones.at[pl.ds(0, n)],
                        dacc.at[pl.ds(base + off, n)])
    _fill_rows(ones, CHUNK, 1, 1.0)

    def pre2(i, _):
        for g in range(4):
            slist[i, pl.ds(g * 16, 16)] = jnp.zeros((16,), jnp.int32)
            dlist[i, pl.ds(g * 16, 16)] = jnp.full((16,), DUMMY, jnp.int32)
        return 0
    lax.fori_loop(0, LCAP, pre2, 0)

    def frow(r, ovec):
        for g in range(8):
            srcv = sstg[r, pl.ds(g * 16, 16)]
            dstv = dstg[r, pl.ds(g * 16, 16)]
            m = (dstv >= lo) & (dstv < lo + HALF)
            dloc = dstv - lo
            incl = plsc.cumsum(jnp.where(m, 1, 0).astype(jnp.int32))
            pos = ovec + incl - 1
            plsc.store_scatter(slist, [pos >> 6, pos & 63], srcv, mask=m)
            plsc.store_scatter(dlist, [pos >> 6, pos & 63], dloc, mask=m)
            ovec = ovec + plsc.all_reduce_population_count(m)
        return ovec
    ovec = lax.fori_loop(0, INCH, frow, jnp.zeros((16,), jnp.int32))

    n = ovec[0]
    nch = (n + (CHUNK - 1)) // CHUNK

    plsc.subcore_barrier()

    def fire(j, _):
        pltpu.async_copy(ones, dacc.at[dlist.at[j]], sem, add=True)
        return 0
    lax.fori_loop(0, nch, fire, 0)
    def drain(j, _):
        pltpu.make_async_copy(ones, dacc.at[dlist.at[j]], sem).wait()
        return 0
    lax.fori_loop(0, nch, drain, 0)

    pltpu.sync_copy(slist, srcf_hbm.at[c, s])
    pltpu.sync_copy(dlist, dstf_hbm.at[c, s])
    cbuf[pl.ds(0, 16)] = ovec
    pltpu.sync_copy(cbuf, cnt_hbm.at[c, s])
    plsc.subcore_barrier()
    pltpu.sync_copy(dacc.at[pl.ds(base, ROWS_PER_TILE)],
                    degp_hbm.at[c, pl.ds(base, ROWS_PER_TILE)])


_prep_call = functools.partial(
    pl.kernel,
    _prep_body,
    out_type=(
        jax.ShapeDtypeStruct((NC, ACC_ROWS, 16), jnp.float32),
        jax.ShapeDtypeStruct((NC, NS, LCAP, CHUNK), jnp.int32),
        jax.ShapeDtypeStruct((NC, NS, LCAP, CHUNK), jnp.int32),
        jax.ShapeDtypeStruct((NC, NS, 16), jnp.int32),
    ),
    mesh=_mesh,
    compiler_params=pltpu.CompilerParams(use_tc_tiling_on_sc=False, needs_layout_passes=False),
    scratch_types=[
        pltpu.VMEM((INCH, ICHUNK), jnp.int32),
        pltpu.VMEM((INCH, ICHUNK), jnp.int32),
        pltpu.VMEM((LCAP, CHUNK), jnp.int32),
        pltpu.VMEM((LCAP, CHUNK), jnp.int32),
        pltpu.VMEM((CHUNK, 16), jnp.float32),
        pltpu.VMEM((16,), jnp.int32),
        pltpu.VMEM_SHARED((ACC_ROWS, 16), jnp.float32),
        pltpu.SemaphoreType.DMA,
    ],
)()


def _agg_body(gs_hbm, srcf_hbm, dstf_hbm, cnt_hbm, aggp_hbm,
              sidx, didx, cbuf, *rest):
    bufs = list(rest[:_NBUF])
    acc = rest[_NBUF]
    sg = list(rest[_NBUF + 1:_NBUF + 1 + _NBUF])
    ss = list(rest[_NBUF + 1 + _NBUF:_NBUF + 1 + 2 * _NBUF])
    c = lax.axis_index("c")
    s = lax.axis_index("s")

    pltpu.sync_copy(srcf_hbm.at[c, s], sidx)
    pltpu.sync_copy(dstf_hbm.at[c, s], didx)
    pltpu.sync_copy(cnt_hbm.at[c, s], cbuf)
    n = cbuf[pl.ds(0, 16)][0]
    nch = (n + (CHUNK - 1)) // CHUNK
    nch = jnp.maximum(((nch + _NBUF - 1) // _NBUF) * _NBUF, _NBUF)

    _fill_rows(bufs[0], CHUNK, D // 16, 0.0)
    base = s * ROWS_PER_TILE
    for off, m in [(0, 64), (64, 64), (128, 64), (192, 64),
                   (256, 64), (320, 32)]:
        pltpu.sync_copy(bufs[0].at[pl.ds(0, m)],
                        acc.at[pl.ds(base + off, m)])
    plsc.subcore_barrier()

    for b in range(_LEAD):
        pltpu.async_copy(gs_hbm.at[sidx.at[b]], bufs[b], sg[b])

    def step(i, _):
        g = i * _NBUF
        for b in range(_NBUF):
            j = g + b
            nb = (b + _LEAD) % _NBUF
            pltpu.make_async_copy(gs_hbm.at[sidx.at[j]], bufs[b], sg[b]).wait()
            @pl.when(j >= _SLACK)
            def _():
                pltpu.make_async_copy(
                    bufs[nb], acc.at[didx.at[j - _SLACK]], ss[nb]).wait()
            @pl.when(j + _LEAD < nch)
            def _():
                pltpu.async_copy(gs_hbm.at[sidx.at[j + _LEAD]], bufs[nb],
                                 sg[nb])
            pltpu.async_copy(bufs[b], acc.at[didx.at[j]], ss[b], add=True)
        return 0
    lax.fori_loop(0, nch // _NBUF, step, 0)

    pltpu.make_async_copy(bufs[_NBUF - 2], acc.at[didx.at[nch - 2]],
                          ss[_NBUF - 2]).wait()
    pltpu.make_async_copy(bufs[_NBUF - 1], acc.at[didx.at[nch - 1]],
                          ss[_NBUF - 1]).wait()
    plsc.subcore_barrier()

    pltpu.sync_copy(acc.at[pl.ds(base, ROWS_PER_TILE)],
                    aggp_hbm.at[c, pl.ds(base, ROWS_PER_TILE)])


_agg_call = functools.partial(
    pl.kernel,
    _agg_body,
    out_type=jax.ShapeDtypeStruct((NC, ACC_ROWS, D), jnp.float32),
    mesh=_mesh,
    compiler_params=pltpu.CompilerParams(use_tc_tiling_on_sc=False, needs_layout_passes=False),
    scratch_types=(
        [pltpu.VMEM((LCAP, CHUNK), jnp.int32),
         pltpu.VMEM((LCAP, CHUNK), jnp.int32),
         pltpu.VMEM((16,), jnp.int32)]
        + [pltpu.VMEM((CHUNK, D), jnp.float32) for _ in range(_NBUF)]
        + [pltpu.VMEM_SHARED((ACC_ROWS, D), jnp.float32)]
        + [pltpu.SemaphoreType.DMA for _ in range(2 * _NBUF)]
    ),
)()


def _dis_col(degp_ref):
    dcol = jnp.concatenate(
        [degp_ref[0, :HALF, 0:1],
         degp_ref[1, :N_NODES - HALF, 0:1]], axis=0)
    return lax.rsqrt(1.0 + dcol)


def _stitch(aggp_ref):
    return jnp.concatenate(
        [aggp_ref[0, :HALF, :], aggp_ref[1, :N_NODES - HALF, :]], axis=0)


def _lin1_body(x_ref, w1_ref, degp_ref, gs_ref):
    dis = _dis_col(degp_ref)
    gs_ref[...] = jnp.dot(x_ref[...], w1_ref[...],
                          preferred_element_type=jnp.float32) * dis


def _mid_body(gs1_ref, aggp_ref, degp_ref, b1_ref, w2_ref, gs2_ref):
    dis = _dis_col(degp_ref)
    agg = _stitch(aggp_ref) + gs1_ref[...]
    h = jnp.maximum(agg * dis + b1_ref[...], 0.0)
    gs2_ref[...] = jnp.dot(
        h, w2_ref[...], preferred_element_type=jnp.float32) * dis


def _out_body(gs2_ref, aggp_ref, degp_ref, b2_ref, out_ref):
    dis = _dis_col(degp_ref)
    agg = _stitch(aggp_ref) + gs2_ref[...]
    out_ref[...] = agg * dis + b2_ref[...]


_lin1_call = pl.pallas_call(
    _lin1_body, out_shape=jax.ShapeDtypeStruct((N_NODES, D), jnp.float32))
_mid_call = pl.pallas_call(
    _mid_body, out_shape=jax.ShapeDtypeStruct((N_NODES, D), jnp.float32))
_out_call = pl.pallas_call(
    _out_body, out_shape=jax.ShapeDtypeStruct((N_NODES, D), jnp.float32))


def kernel(x, edge_index, W1, b1, W2, b2):
    src = edge_index[0].astype(jnp.int32)
    dst = edge_index[1].astype(jnp.int32)
    pad = E_PAD - src.shape[0]
    src_p = jnp.concatenate(
        [src, jnp.zeros((pad,), jnp.int32)]).reshape(NS, INCH, ICHUNK)
    dst_p = jnp.concatenate(
        [dst, jnp.full((pad,), BIGPAD, jnp.int32)]).reshape(NS, INCH, ICHUNK)

    degp, srcf, dstf, cnt = _prep_call(src_p, dst_p)
    gs1 = _lin1_call(x, W1, degp)
    agg1 = _agg_call(gs1, srcf, dstf, cnt)
    gs2 = _mid_call(gs1, agg1, degp, b1, W2)
    agg2 = _agg_call(gs2, srcf, dstf, cnt)
    out = _out_call(gs2, agg2, degp, b2)
    return out

# --- scband reference (transcript-rebuilt; emitter-appended) ---
"""Pipeline reference for scband-gcn-76020921139207 (READ-ONLY COPY).

The authoritative reference and input builder live on the scoring server;
editing this copy changes nothing except your own understanding.
"""

import jax, jax.numpy as jnp
import numpy as np

N_NODES = 10000
N_EDGES = 320000
D_IN = 128
D_HID = 128
D_OUT = 128

def setup_inputs(seed: int = 0) -> dict:
    key = jax.random.key(seed)
    k_x, k_ei, k_w1, k_b1, k_w2, k_b2 = jax.random.split(key, 6)
    x = jax.random.normal(k_x, (N_NODES, D_IN), dtype=jnp.float32)
    edge_index = jax.random.randint(k_ei, (2, N_EDGES), 0, N_NODES, dtype=jnp.int64)
    # Glorot init for GCNConv weights, zeros for bias (PyG default)
    s1 = float(np.sqrt(6.0 / (D_IN + D_HID)))
    W1 = jax.random.uniform(k_w1, (D_IN, D_HID), dtype=jnp.float32, minval=-s1, maxval=s1)
    b1 = jnp.zeros((D_HID,), dtype=jnp.float32)
    s2 = float(np.sqrt(6.0 / (D_HID + D_OUT)))
    W2 = jax.random.uniform(k_w2, (D_HID, D_OUT), dtype=jnp.float32, minval=-s2, maxval=s2)
    b2 = jnp.zeros((D_OUT,), dtype=jnp.float32)
    return {"x": x, "edge_index": edge_index, "W1": W1, "b1": b1, "W2": W2, "b2": b2}

def _gcn_conv(x, src, dst, W, b, num_nodes):
    # Linear transform first (PyG GCNConv applies lin then propagate)
    h = x @ W
    # Degree with self-loops (src/dst already include self-loops)
    ones = jnp.ones((src.shape[0],), dtype=h.dtype)
    deg = jnp.zeros((num_nodes,), dtype=h.dtype).at[dst].add(ones)
    deg_inv_sqrt = jnp.where(deg > 0, 1.0 / jnp.sqrt(deg), 0.0)
    norm = deg_inv_sqrt[src] * deg_inv_sqrt[dst]
    # Message passing: scatter-add normalized source features into dst
    msgs = h[src] * norm[:, None]
    out = jnp.zeros((num_nodes, h.shape[1]), dtype=h.dtype).at[dst].add(msgs)
    return out + b

def reference(x, edge_index, W1, b1, W2, b2):
    num_nodes = x.shape[0]
    loop = jnp.arange(num_nodes, dtype=edge_index.dtype)
    src = jnp.concatenate([edge_index[0], loop])
    dst = jnp.concatenate([edge_index[1], loop])
    h = _gcn_conv(x, src, dst, W1, b1, num_nodes)
    h = jax.nn.relu(h)
    out = _gcn_conv(h, src, dst, W2, b2, num_nodes)
    return out

if __name__ == "__main__":
    import jax
    _d = setup_inputs()
    print(jax.jit(kernel)(*tuple(_d.values())))

</pallas_src>

<mosaic_0001>
#map = affine_map<(d0, d1) -> (0, 0)>
#map1 = affine_map<(d0, d1) -> (0, 0, 0, 0)>
#map2 = affine_map<(d0, d1) -> (0, 0, 0)>
module attributes {stable_mosaic.version = 14 : i64} {
  func.func @_agg_body(%arg0: i32, %arg1: i32, %arg2: memref<10000x128xf32, #tpu.memory_space<hbm>>, %arg3: memref<2x16x328x64xi32, #tpu.memory_space<hbm>>, %arg4: memref<2x16x328x64xi32, #tpu.memory_space<hbm>>, %arg5: memref<2x16x16xi32, #tpu.memory_space<hbm>>, %arg6: memref<2x5632x128xf32, #tpu.memory_space<hbm>>, %arg7: memref<328x64xi32, #tpu.memory_space<vmem>>, %arg8: memref<328x64xi32, #tpu.memory_space<vmem>>, %arg9: memref<16xi32, #tpu.memory_space<vmem>>, %arg10: memref<64x128xf32, #tpu.memory_space<vmem>>, %arg11: memref<64x128xf32, #tpu.memory_space<vmem>>, %arg12: memref<64x128xf32, #tpu.memory_space<vmem>>, %arg13: memref<64x128xf32, #tpu.memory_space<vmem>>, %arg14: memref<64x128xf32, #tpu.memory_space<vmem>>, %arg15: memref<5632x128xf32, #tpu.memory_space<vmem_shared>>, %arg16: memref<!tpu.dma_semaphore, #tpu.memory_space<semaphore_mem>>, %arg17: memref<!tpu.dma_semaphore, #tpu.memory_space<semaphore_mem>>, %arg18: memref<!tpu.dma_semaphore, #tpu.memory_space<semaphore_mem>>, %arg19: memref<!tpu.dma_semaphore, #tpu.memory_space<semaphore_mem>>, %arg20: memref<!tpu.dma_semaphore, #tpu.memory_space<semaphore_mem>>, %arg21: memref<!tpu.dma_semaphore, #tpu.memory_space<semaphore_mem>>, %arg22: memref<!tpu.dma_semaphore, #tpu.memory_space<semaphore_mem>>, %arg23: memref<!tpu.dma_semaphore, #tpu.memory_space<semaphore_mem>>, %arg24: memref<!tpu.dma_semaphore, #tpu.memory_space<semaphore_mem>>, %arg25: memref<!tpu.dma_semaphore, #tpu.memory_space<semaphore_mem>>) attributes {dimension_semantics = [#tpu.dimension_semantics<core_parallel>, #tpu.dimension_semantics<subcore_parallel>], iteration_bounds = array<i64: 2, 16>, scalar_prefetch = 0 : i64, scratch_operands = 19 : i64, tpu.core_type = #tpu.core_type<sc_vector_subcore>, window_params = [{transform_indices = #map}, {transform_indices = #map1}, {transform_indices = #map1}, {transform_indices = #map2}, {transform_indices = #map2}]} {
    "tpu.region"() ({
      %run_scoped3A = tpu.sem_alloc : memref<!tpu.dma_semaphore, #tpu.memory_space<semaphore_mem>>
      %dma_start3A_139 = arith.constant 0 : i32
      %dma_start3A_140 = arith.constant 0 : i32
      %dma_start3A_141 = tpu.memref_slice %arg3[%arg0, %arg1, %dma_start3A_139, %dma_start3A_140] : memref<2x16x328x64xi32, #tpu.memory_space<hbm>> -> memref<1x1x328x64xi32, #tpu.memory_space<hbm>>
      %dma_start3A_142 = tpu.memref_squeeze %dma_start3A_141 : memref<1x1x328x64xi32, #tpu.memory_space<hbm>> -> memref<328x64xi32, #tpu.memory_space<hbm>>
      %dma_start3A_143 = arith.constant 0 : i32
      %dma_start3A_144 = arith.constant 0 : i32
      %dma_start3A_145 = tpu.memref_slice %arg3[%arg0, %arg1, %dma_start3A_143, %dma_start3A_144] : memref<2x16x328x64xi32, #tpu.memory_space<hbm>> -> memref<1x1x328x64xi32, #tpu.memory_space<hbm>>
      %dma_start3A_146 = tpu.memref_squeeze %dma_start3A_145 : memref<1x1x328x64xi32, #tpu.memory_space<hbm>> -> memref<328x64xi32, #tpu.memory_space<hbm>>
      tpu.enqueue_dma source(%dma_start3A_146 : memref<328x64xi32, #tpu.memory_space<hbm>>) target(%arg7 : memref<328x64xi32, #tpu.memory_space<vmem>>) target_semaphore(%run_scoped3A : memref<!tpu.dma_semaphore, #tpu.memory_space<semaphore_mem>>)
      %dma_wait3A_147 = arith.constant 0 : i32
      %dma_wait3A_148 = arith.constant 0 : i32
      %dma_wait3A_149 = tpu.memref_slice %arg3[%arg0, %arg1, %dma_wait3A_147, %dma_wait3A_148] : memref<2x16x328x64xi32, #tpu.memory_space<hbm>> -> memref<1x1x328x64xi32, #tpu.memory_space<hbm>>
      %dma_wait3A_150 = tpu.memref_squeeze %dma_wait3A_149 : memref<1x1x328x64xi32, #tpu.memory_space<hbm>> -> memref<328x64xi32, #tpu.memory_space<hbm>>
      %dma_wait3A_151 = arith.constant 0 : i32
      %dma_wait3A_152 = arith.constant 0 : i32
      %dma_wait3A_153 = tpu.memref_slice %arg3[%arg0, %arg1, %dma_wait3A_151, %dma_wait3A_152] : memref<2x16x328x64xi32, #tpu.memory_space<hbm>> -> memref<1x1x328x64xi32, #tpu.memory_space<hbm>>
      %dma_wait3A_154 = tpu.memref_squeeze %dma_wait3A_153 : memref<1x1x328x64xi32, #tpu.memory_space<hbm>> -> memref<328x64xi32, #tpu.memory_space<hbm>>
      tpu.wait_dma2 semaphore(%run_scoped3A : memref<!tpu.dma_semaphore, #tpu.memory_space<semaphore_mem>>) src(%dma_wait3A_154 : memref<328x64xi32, #tpu.memory_space<hbm>>) dst(%arg7 : memref<328x64xi32, #tpu.memory_space<vmem>>)
      tpu.yield
    }) : () -> ()
    "tpu.region"() ({
      %run_scoped3A = tpu.sem_alloc : memref<!tpu.dma_semaphore, #tpu.memory_space<semaphore_mem>>
      %dma_start3A_139 = arith.constant 0 : i32
      %dma_start3A_140 = arith.constant 0 : i32
      %dma_start3A_141 = tpu.memref_slice %arg4[%arg0, %arg1, %dma_start3A_139, %dma_start3A_140] : memref<2x16x328x64xi32, #tpu.memory_space<hbm>> -> memref<1x1x328x64xi32, #tpu.memory_space<hbm>>
      %dma_start3A_142 = tpu.memref_squeeze %dma_start3A_141 : memref<1x1x328x64xi32, #tpu.memory_space<hbm>> -> memref<328x64xi32, #tpu.memory_space<hbm>>
      %dma_start3A_143 = arith.constant 0 : i32
      %dma_start3A_144 = arith.constant 0 : i32
      %dma_start3A_145 = tpu.memref_slice %arg4[%arg0, %arg1, %dma_start3A_143, %dma_start3A_144] : memref<2x16x328x64xi32, #tpu.memory_space<hbm>> -> memref<1x1x328x64xi32, #tpu.memory_space<hbm>>
      %dma_start3A_146 = tpu.memref_squeeze %dma_start3A_145 : memref<1x1x328x64xi32, #tpu.memory_space<hbm>> -> memref<328x64xi32, #tpu.memory_space<hbm>>
      tpu.enqueue_dma source(%dma_start3A_146 : memref<328x64xi32, #tpu.memory_space<hbm>>) target(%arg8 : memref<328x64xi32, #tpu.memory_space<vmem>>) target_semaphore(%run_scoped3A : memref<!tpu.dma_semaphore, #tpu.memory_space<semaphore_mem>>)
      %dma_wait3A_147 = arith.constant 0 : i32
      %dma_wait3A_148 = arith.constant 0 : i32
      %dma_wait3A_149 = tpu.memref_slice %arg4[%arg0, %arg1, %dma_wait3A_147, %dma_wait3A_148] : memref<2x16x328x64xi32, #tpu.memory_space<hbm>> -> memref<1x1x328x64xi32, #tpu.memory_space<hbm>>
      %dma_wait3A_150 = tpu.memref_squeeze %dma_wait3A_149 : memref<1x1x328x64xi32, #tpu.memory_space<hbm>> -> memref<328x64xi32, #tpu.memory_space<hbm>>
      %dma_wait3A_151 = arith.constant 0 : i32
      %dma_wait3A_152 = arith.constant 0 : i32
      %dma_wait3A_153 = tpu.memref_slice %arg4[%arg0, %arg1, %dma_wait3A_151, %dma_wait3A_152] : memref<2x16x328x64xi32, #tpu.memory_space<hbm>> -> memref<1x1x328x64xi32, #tpu.memory_space<hbm>>
      %dma_wait3A_154 = tpu.memref_squeeze %dma_wait3A_153 : memref<1x1x328x64xi32, #tpu.memory_space<hbm>> -> memref<328x64xi32, #tpu.memory_space<hbm>>
      tpu.wait_dma2 semaphore(%run_scoped3A : memref<!tpu.dma_semaphore, #tpu.memory_space<semaphore_mem>>) src(%dma_wait3A_154 : memref<328x64xi32, #tpu.memory_space<hbm>>) dst(%arg8 : memref<328x64xi32, #tpu.memory_space<vmem>>)
      tpu.yield
    }) : () -> ()
    "tpu.region"() ({
      %run_scoped3A = tpu.sem_alloc : memref<!tpu.dma_semaphore, #tpu.memory_space<semaphore_mem>>
      %dma_start3A_139 = arith.constant 0 : i32
      %dma_start3A_140 = tpu.memref_slice %arg5[%arg0, %arg1, %dma_start3A_139] : memref<2x16x16xi32, #tpu.memory_space<hbm>> -> memref<1x1x16xi32, #tpu.memory_space<hbm>>
      %dma_start3A_141 = tpu.memref_squeeze %dma_start3A_140 : memref<1x1x16xi32, #tpu.memory_space<hbm>> -> memref<16xi32, #tpu.memory_space<hbm>>
      %dma_start3A_142 = arith.constant 0 : i32
      %dma_start3A_143 = tpu.memref_slice %arg5[%arg0, %arg1, %dma_start3A_142] : memref<2x16x16xi32, #tpu.memory_space<hbm>> -> memref<1x1x16xi32, #tpu.memory_space<hbm>>
      %dma_start3A_144 = tpu.memref_squeeze %dma_start3A_143 : memref<1x1x16xi32, #tpu.memory_space<hbm>> -> memref<16xi32, #tpu.memory_space<hbm>>
      tpu.enqueue_dma source(%dma_start3A_144 : memref<16xi32, #tpu.memory_space<hbm>>) target(%arg9 : memref<16xi32, #tpu.memory_space<vmem>>) target_semaphore(%run_scoped3A : memref<!tpu.dma_semaphore, #tpu.memory_space<semaphore_mem>>)
      %dma_wait3A_145 = arith.constant 0 : i32
      %dma_wait3A_146 = tpu.memref_slice %arg5[%arg0, %arg1, %dma_wait3A_145] : memref<2x16x16xi32, #tpu.memory_space<hbm>> -> memref<1x1x16xi32, #tpu.memory_space<hbm>>
      %dma_wait3A_147 = tpu.memref_squeeze %dma_wait3A_146 : memref<1x1x16xi32, #tpu.memory_space<hbm>> -> memref<16xi32, #tpu.memory_space<hbm>>
      %dma_wait3A_148 = arith.constant 0 : i32
      %dma_wait3A_149 = tpu.memref_slice %arg5[%arg0, %arg1, %dma_wait3A_148] : memref<2x16x16xi32, #tpu.memory_space<hbm>> -> memref<1x1x16xi32, #tpu.memory_space<hbm>>
      %dma_wait3A_150 = tpu.memref_squeeze %dma_wait3A_149 : memref<1x1x16xi32, #tpu.memory_space<hbm>> -> memref<16xi32, #tpu.memory_space<hbm>>
      tpu.wait_dma2 semaphore(%run_scoped3A : memref<!tpu.dma_semaphore, #tpu.memory_space<semaphore_mem>>) src(%dma_wait3A_150 : memref<16xi32, #tpu.memory_space<hbm>>) dst(%arg9 : memref<16xi32, #tpu.memory_space<vmem>>)
      tpu.yield
    }) : () -> ()
    %get3A = arith.constant 0 : index
    %get3A_0 = tpu.vector_load %arg9[%get3A] {strides = array<i32>} : memref<16xi32, #tpu.memory_space<vmem>>, vector<16xi32>,
    %slice3A = vector.extract_strided_slice %get3A_0 {offsets = [0], sizes = [1], strides = [1]} : vector<16xi32> to vector<1xi32>
    %squeeze3A = vector.extract %slice3A[0] : i32 from vector<1xi32>
    %add3A = arith.constant 63 : i32
    %add3A_1 = arith.addi %squeeze3A, %add3A : i32
    %jit3A = arith.constant 64 : i32
    %div3A = arith.divsi %add3A_1, %jit3A : i32
    %sign3A = arith.constant 0 : i32
    %sign3A_2 = arith.cmpi sgt, %add3A_1, %sign3A : i32
    %sign3A_3 = arith.extui %sign3A_2 : i1 to i32
    %sign3A_4 = arith.constant 0 : i32
    %sign3A_5 = arith.cmpi slt, %add3A_1, %sign3A_4 : i32
    %sign3A_6 = arith.extui %sign3A_5 : i1 to i32
    %sign3A_7 = arith.subi %sign3A_3, %sign3A_6 : i32
    %sign3A_8 = arith.constant 0 : i32
    %sign3A_9 = arith.cmpi sgt, %jit3A, %sign3A_8 : i32
    %sign3A_10 = arith.extui %sign3A_9 : i1 to i32
    %sign3A_11 = arith.constant 0 : i32
    %sign3A_12 = arith.cmpi slt, %jit3A, %sign3A_11 : i32
    %sign3A_13 = arith.extui %sign3A_12 : i1 to i32
    %sign3A_14 = arith.subi %sign3A_10, %sign3A_13 : i32
    %ne3A = arith.cmpi ne, %sign3A_7, %sign3A_14 : i32
    %rem3A = arith.remsi %add3A_1, %jit3A : i32
    %ne3A_15 = arith.constant 0 : i32
    %ne3A_16 = arith.cmpi ne, %rem3A, %ne3A_15 : i32
    %and3A = arith.andi %ne3A, %ne3A_16 : i1
    %sub3A = arith.constant 1 : i32
    %sub3A_17 = arith.subi %div3A, %sub3A : i32
    %select_n3A = arith.select %and3A, %sub3A_17, %div3A : i32
    %add3A_18 = arith.constant 5 : i32
    %add3A_19 = arith.addi %select_n3A, %add3A_18 : i32
    %sub3A_20 = arith.constant 1 : i32
    %sub3A_21 = arith.subi %add3A_19, %sub3A_20 : i32
    %jit3A_22 = arith.constant 5 : i32
    %div3A_23 = arith.divsi %sub3A_21, %jit3A_22 : i32
    %sign3A_24 = arith.constant 0 : i32
    %sign3A_25 = arith.cmpi sgt, %sub3A_21, %sign3A_24 : i32
    %sign3A_26 = arith.extui %sign3A_25 : i1 to i32
    %sign3A_27 = arith.constant 0 : i32
    %sign3A_28 = arith.cmpi slt, %sub3A_21, %sign3A_27 : i32
    %sign3A_29 = arith.extui %sign3A_28 : i1 to i32
    %sign3A_30 = arith.subi %sign3A_26, %sign3A_29 : i32
    %sign3A_31 = arith.constant 0 : i32
    %sign3A_32 = arith.cmpi sgt, %jit3A_22, %sign3A_31 : i32
    %sign3A_33 = arith.extui %sign3A_32 : i1 to i32
    %sign3A_34 = arith.constant 0 : i32
    %sign3A_35 = arith.cmpi slt, %jit3A_22, %sign3A_34 : i32
    %sign3A_36 = arith.extui %sign3A_35 : i1 to i32
    %sign3A_37 = arith.subi %sign3A_33, %sign3A_36 : i32
    %ne3A_38 = arith.cmpi ne, %sign3A_30, %sign3A_37 : i32
    %rem3A_39 = arith.remsi %sub3A_21, %jit3A_22 : i32
    %ne3A_40 = arith.constant 0 : i32
    %ne3A_41 = arith.cmpi ne, %rem3A_39, %ne3A_40 : i32
    %and3A_42 = arith.andi %ne3A_38, %ne3A_41 : i1
    %sub3A_43 = arith.constant 1 : i32
    %sub3A_44 = arith.subi %div3A_23, %sub3A_43 : i32
    %select_n3A_45 = arith.select %and3A_42, %sub3A_44, %div3A_23 : i32
    %mul3A = arith.constant 5 : i32
    %mul3A_46 = arith.muli %select_n3A_45, %mul3A : i32
    %max3A = arith.constant 5 : i32
    %max3A_47 = arith.maxsi %mul3A_46, %max3A : i32
    %scan3A = arith.constant 0 : i32
    %scan3A_48 = arith.constant 0 : i32
    %scan3A_49 = arith.constant 64 : i32
    %scan3A_50 = arith.addi %scan3A_48, %scan3A_49 : i32
    %scan3A_51 = arith.constant 1 : i32
    %scan3A_52 = scf.for %scan3A_139 = %scan3A_48 to %scan3A_50 step %scan3A_51 iter_args(%scan3A_140 = %scan3A) -> (i32)  : i32 {
      %broadcast_in_dim3A = arith.constant 0.000000e+00 : f32
      %broadcast_in_dim3A_141 = vector.broadcast %broadcast_in_dim3A : f32 to vector<16xf32>
      %swap3A = arith.index_cast %scan3A_139 : i32 to index
      %swap3A_142 = arith.constant 0 : index
      %swap3A_143 = tpu.vector_load %arg10[%swap3A, %swap3A_142] {strides = array<i32>} : memref<64x128xf32, #tpu.memory_space<vmem>>, vector<16xf32>,
      tpu.vector_store %arg10[%swap3A, %swap3A_142], %broadcast_in_dim3A_141 {strides = array<i32>} : memref<64x128xf32, #tpu.memory_space<vmem>>, vector<16xf32>,
      %broadcast_in_dim3A_144 = arith.constant 0.000000e+00 : f32
      %broadcast_in_dim3A_145 = vector.broadcast %broadcast_in_dim3A_144 : f32 to vector<16xf32>
      %swap3A_146 = arith.index_cast %scan3A_139 : i32 to index
      %swap3A_147 = arith.constant 16 : index
      %swap3A_148 = tpu.vector_load %arg10[%swap3A_146, %swap3A_147] {strides = array<i32>} : memref<64x128xf32, #tpu.memory_space<vmem>>, vector<16xf32>,
      tpu.vector_store %arg10[%swap3A_146, %swap3A_147], %broadcast_in_dim3A_145 {strides = array<i32>} : memref<64x128xf32, #tpu.memory_space<vmem>>, vector<16xf32>,
      %broadcast_in_dim3A_149 = arith.constant 0.000000e+00 : f32
      %broadcast_in_dim3A_150 = vector.broadcast %broadcast_in_dim3A_149 : f32 to vector<16xf32>
      %swap3A_151 = arith.index_cast %scan3A_139 : i32 to index
      %swap3A_152 = arith.constant 32 : index
      %swap3A_153 = tpu.vector_load %arg10[%swap3A_151, %swap3A_152] {strides = array<i32>} : memref<64x128xf32, #tpu.memory_space<vmem>>, vector<16xf32>,
      tpu.vector_store %arg10[%swap3A_151, %swap3A_152], %broadcast_in_dim3A_150 {strides = array<i32>} : memref<64x128xf32, #tpu.memory_space<vmem>>, vector<16xf32>,
      %broadcast_in_dim3A_154 = arith.constant 0.000000e+00 : f32
      %broadcast_in_dim3A_155 = vector.broadcast %broadcast_in_dim3A_154 : f32 to vector<16xf32>
      %swap3A_156 = arith.index_cast %scan3A_139 : i32 to index
      %swap3A_157 = arith.constant 48 : index
      %swap3A_158 = tpu.vector_load %arg10[%swap3A_156, %swap3A_157] {strides = array<i32>} : memref<64x128xf32, #tpu.memory_space<vmem>>, vector<16xf32>,
      tpu.vector_store %arg10[%swap3A_156, %swap3A_157], %broadcast_in_dim3A_155 {strides = array<i32>} : memref<64x128xf32, #tpu.memory_space<vmem>>, vector<16xf32>,
      %broadcast_in_dim3A_159 = arith.constant 0.000000e+00 : f32
      %broadcast_in_dim3A_160 = vector.broadcast %broadcast_in_dim3A_159 : f32 to vector<16xf32>
      %swap3A_161 = arith.index_cast %scan3A_139 : i32 to index
      %swap3A_162 = arith.constant 64 : index
      %swap3A_163 = tpu.vector_load %arg10[%swap3A_161, %swap3A_162] {strides = array<i32>} : memref<64x128xf32, #tpu.memory_space<vmem>>, vector<16xf32>,
      tpu.vector_store %arg10[%swap3A_161, %swap3A_162], %broadcast_in_dim3A_160 {strides = array<i32>} : memref<64x128xf32, #tpu.memory_space<vmem>>, vector<16xf32>,
      %broadcast_in_dim3A_164 = arith.constant 0.000000e+00 : f32
      %broadcast_in_dim3A_165 = vector.broadcast %broadcast_in_dim3A_164 : f32 to vector<16xf32>
      %swap3A_166 = arith.index_cast %scan3A_139 : i32 to index
      %swap3A_167 = arith.constant 80 : index
      %swap3A_168 = tpu.vector_load %arg10[%swap3A_166, %swap3A_167] {strides = array<i32>} : memref<64x128xf32, #tpu.memory_space<vmem>>, vector<16xf32>,
      tpu.vector_store %arg10[%swap3A_166, %swap3A_167], %broadcast_in_dim3A_165 {strides = array<i32>} : memref<64x128xf32, #tpu.memory_space<vmem>>, vector<16xf32>,
      %broadcast_in_dim3A_169 = arith.constant 0.000000e+00 : f32
      %broadcast_in_dim3A_170 = vector.broadcast %broadcast_in_dim3A_169 : f32 to vector<16xf32>
      %swap3A_171 = arith.index_cast %scan3A_139 : i32 to index
      %swap3A_172 = arith.constant 96 : index
      %swap3A_173 = tpu.vector_load %arg10[%swap3A_171, %swap3A_172] {strides = array<i32>} : memref<64x128xf32, #tpu.memory_space<vmem>>, vector<16xf32>,
      tpu.vector_store %arg10[%swap3A_171, %swap3A_172], %broadcast_in_dim3A_170 {strides = array<i32>} : memref<64x128xf32, #tpu.memory_space<vmem>>, vector<16xf32>,
      %broadcast_in_dim3A_174 = arith.constant 0.000000e+00 : f32
      %broadcast_in_dim3A_175 = vector.broadcast %broadcast_in_dim3A_174 : f32 to vector<16xf32>
      %swap3A_176 = arith.index_cast %scan3A_139 : i32 to index
      %swap3A_177 = arith.constant 112 : index
      %swap3A_178 = tpu.vector_load %arg10[%swap3A_176, %swap3A_177] {strides = array<i32>} : memref<64x128xf32, #tpu.memory_space<vmem>>, vector<16xf32>,
      tpu.vector_store %arg10[%swap3A_176, %swap3A_177], %broadcast_in_dim3A_175 {strides = array<i32>} : memref<64x128xf32, #tpu.memory_space<vmem>>, vector<16xf32>,
      %scan3A_179 = arith.constant 0 : i32
      scf.yield %scan3A_179 : i32
    }
    %scan3A_53 = arith.constant 64 : i32
    %mul3A_54 = arith.constant 352 : i32
    %mul3A_55 = arith.muli %arg1, %mul3A_54 : i32
    %add3A_56 = arith.constant 0 : i32
    %add3A_57 = arith.addi %mul3A_55, %add3A_56 : i32
    "tpu.region"() ({
      %run_scoped3A = tpu.sem_alloc : memref<!tpu.dma_semaphore, #tpu.memory_space<semaphore_mem>>
      %dma_start3A_139 = arith.constant 0 : i32
      %dma_start3A_140 = arith.constant 0 : i32
      %dma_start3A_141 = tpu.memref_slice %arg10[%dma_start3A_139, %dma_start3A_140] : memref<64x128xf32, #tpu.memory_space<vmem>> -> memref<64x128xf32, #tpu.memory_space<vmem>>
      %dma_start3A_142 = arith.constant 0 : i32
      %dma_start3A_143 = tpu.memref_slice %arg15[%add3A_57, %dma_start3A_142] : memref<5632x128xf32, #tpu.memory_space<vmem_shared>> -> memref<64x128xf32, #tpu.memory_space<vmem_shared>>
      %dma_start3A_144 = arith.constant 0 : i32
      %dma_start3A_145 = tpu.memref_slice %arg15[%add3A_57, %dma_start3A_144] : memref<5632x128xf32, #tpu.memory_space<vmem_shared>> -> memref<64x128xf32, #tpu.memory_space<vmem_shared>>
      %dma_start3A_146 = arith.constant 0 : i32
      %dma_start3A_147 = arith.constant 0 : i32
      %dma_start3A_148 = tpu.memref_slice %arg10[%dma_start3A_146, %dma_start3A_147] : memref<64x128xf32, #tpu.memory_space<vmem>> -> memref<64x128xf32, #tpu.memory_space<vmem>>
      tpu.enqueue_dma source(%dma_start3A_148 : memref<64x128xf32, #tpu.memory_space<vmem>>) target(%dma_start3A_145 : memref<64x128xf32, #tpu.memory_space<vmem_shared>>) target_semaphore(%run_scoped3A : memref<!tpu.dma_semaphore, #tpu.memory_space<semaphore_mem>>)
      %dma_wait3A_149 = arith.constant 0 : i32
      %dma_wait3A_150 = arith.constant 0 : i32
      %dma_wait3A_151 = tpu.memref_slice %arg10[%dma_wait3A_149, %dma_wait3A_150] : memref<64x128xf32, #tpu.memory_space<vmem>> -> memref<64x128xf32, #tpu.memory_space<vmem>>
      %dma_wait3A_152 = arith.constant 0 : i32
      %dma_wait3A_153 = tpu.memref_slice %arg15[%add3A_57, %dma_wait3A_152] : memref<5632x128xf32, #tpu.memory_space<vmem_shared>> -> memref<64x128xf32, #tpu.memory_space<vmem_shared>>
      %dma_wait3A_154 = arith.constant 0 : i32
      %dma_wait3A_155 = tpu.memref_slice %arg15[%add3A_57, %dma_wait3A_154] : memref<5632x128xf32, #tpu.memory_space<vmem_shared>> -> memref<64x128xf32, #tpu.memory_space<vmem_shared>>
      %dma_wait3A_156 = arith.constant 0 : i32
      %dma_wait3A_157 = arith.constant 0 : i32
      %dma_wait3A_158 = tpu.memref_slice %arg10[%dma_wait3A_156, %dma_wait3A_157] : memref<64x128xf32, #tpu.memory_space<vmem>> -> memref<64x128xf32, #tpu.memory_space<vmem>>
      tpu.wait_dma2 semaphore(%run_scoped3A : memref<!tpu.dma_semaphore, #tpu.memory_space<semaphore_mem>>) src(%dma_wait3A_158 : memref<64x128xf32, #tpu.memory_space<vmem>>) dst(%dma_wait3A_155 : memref<64x128xf32, #tpu.memory_space<vmem_shared>>)
      tpu.yield
    }) : () -> ()
    %add3A_58 = arith.constant 64 : i32
    %add3A_59 = arith.addi %mul3A_55, %add3A_58 : i32
    "tpu.region"() ({
      %run_scoped3A = tpu.sem_alloc : memref<!tpu.dma_semaphore, #tpu.memory_space<semaphore_mem>>
      %dma_start3A_139 = arith.constant 0 : i32
      %dma_start3A_140 = arith.constant 0 : i32
      %dma_start3A_141 = tpu.memref_slice %arg10[%dma_start3A_139, %dma_start3A_140] : memref<64x128xf32, #tpu.memory_space<vmem>> -> memref<64x128xf32, #tpu.memory_space<vmem>>
      %dma_start3A_142 = arith.constant 0 : i32
      %dma_start3A_143 = tpu.memref_slice %arg15[%add3A_59, %dma_start3A_142] : memref<5632x128xf32, #tpu.memory_space<vmem_shared>> -> memref<64x128xf32, #tpu.memory_space<vmem_shared>>
      %dma_start3A_144 = arith.constant 0 : i32
      %dma_start3A_145 = tpu.memref_slice %arg15[%add3A_59, %dma_start3A_144] : memref<5632x128xf32, #tpu.memory_space<vmem_shared>> -> memref<64x128xf32, #tpu.memory_space<vmem_shared>>
      %dma_start3A_146 = arith.constant 0 : i32
      %dma_start3A_147 = arith.constant 0 : i32
      %dma_start3A_148 = tpu.memref_slice %arg10[%dma_start3A_146, %dma_start3A_147] : memref<64x128xf32, #tpu.memory_space<vmem>> -> memref<64x128xf32, #tpu.memory_space<vmem>>
      tpu.enqueue_dma source(%dma_start3A_148 : memref<64x128xf32, #tpu.memory_space<vmem>>) target(%dma_start3A_145 : memref<64x128xf32, #tpu.memory_space<vmem_shared>>) target_semaphore(%run_scoped3A : memref<!tpu.dma_semaphore, #tpu.memory_space<semaphore_mem>>)
      %dma_wait3A_149 = arith.constant 0 : i32
      %dma_wait3A_150 = arith.constant 0 : i32
      %dma_wait3A_151 = tpu.memref_slice %arg10[%dma_wait3A_149, %dma_wait3A_150] : memref<64x128xf32, #tpu.memory_space<vmem>> -> memref<64x128xf32, #tpu.memory_space<vmem>>
      %dma_wait3A_152 = arith.constant 0 : i32
      %dma_wait3A_153 = tpu.memref_slice %arg15[%add3A_59, %dma_wait3A_152] : memref<5632x128xf32, #tpu.memory_space<vmem_shared>> -> memref<64x128xf32, #tpu.memory_space<vmem_shared>>
      %dma_wait3A_154 = arith.constant 0 : i32
      %dma_wait3A_155 = tpu.memref_slice %arg15[%add3A_59, %dma_wait3A_154] : memref<5632x128xf32, #tpu.memory_space<vmem_shared>> -> memref<64x128xf32, #tpu.memory_space<vmem_shared>>
      %dma_wait3A_156 = arith.constant 0 : i32
      %dma_wait3A_157 = arith.constant 0 : i32
      %dma_wait3A_158 = tpu.memref_slice %arg10[%dma_wait3A_156, %dma_wait3A_157] : memref<64x128xf32, #tpu.memory_space<vmem>> -> memref<64x128xf32, #tpu.memory_space<vmem>>
      tpu.wait_dma2 semaphore(%run_scoped3A : memref<!tpu.dma_semaphore, #tpu.memory_space<semaphore_mem>>) src(%dma_wait3A_158 : memref<64x128xf32, #tpu.memory_space<vmem>>) dst(%dma_wait3A_155 : memref<64x128xf32, #tpu.memory_space<vmem_shared>>)
      tpu.yield
    }) : () -> ()
    %add3A_60 = arith.constant 128 : i32
    %add3A_61 = arith.addi %mul3A_55, %add3A_60 : i32
    "tpu.region"() ({
      %run_scoped3A = tpu.sem_alloc : memref<!tpu.dma_semaphore, #tpu.memory_space<semaphore_mem>>
      %dma_start3A_139 = arith.constant 0 : i32
      %dma_start3A_140 = arith.constant 0 : i32
      %dma_start3A_141 = tpu.memref_slice %arg10[%dma_start3A_139, %dma_start3A_140] : memref<64x128xf32, #tpu.memory_space<vmem>> -> memref<64x128xf32, #tpu.memory_space<vmem>>
      %dma_start3A_142 = arith.constant 0 : i32
      %dma_start3A_143 = tpu.memref_slice %arg15[%add3A_61, %dma_start3A_142] : memref<5632x128xf32, #tpu.memory_space<vmem_shared>> -> memref<64x128xf32, #tpu.memory_space<vmem_shared>>
      %dma_start3A_144 = arith.constant 0 : i32
      %dma_start3A_145 = tpu.memref_slice %arg15[%add3A_61, %dma_start3A_144] : memref<5632x128xf32, #tpu.memory_space<vmem_shared>> -> memref<64x128xf32, #tpu.memory_space<vmem_shared>>
      %dma_start3A_146 = arith.constant 0 : i32
      %dma_start3A_147 = arith.constant 0 : i32
      %dma_start3A_148 = tpu.memref_slice %arg10[%dma_start3A_146, %dma_start3A_147] : memref<64x128xf32, #tpu.memory_space<vmem>> -> memref<64x128xf32, #tpu.memory_space<vmem>>
      tpu.enqueue_dma source(%dma_start3A_148 : memref<64x128xf32, #tpu.memory_space<vmem>>) target(%dma_start3A_145 : memref<64x128xf32, #tpu.memory_space<vmem_shared>>) target_semaphore(%run_scoped3A : memref<!tpu.dma_semaphore, #tpu.memory_space<semaphore_mem>>)
      %dma_wait3A_149 = arith.constant 0 : i32
      %dma_wait3A_150 = arith.constant 0 : i32
      %dma_wait3A_151 = tpu.memref_slice %arg10[%dma_wait3A_149, %dma_wait3A_150] : memref<64x128xf32, #tpu.memory_space<vmem>> -> memref<64x128xf32, #tpu.memory_space<vmem>>
      %dma_wait3A_152 = arith.constant 0 : i32
      %dma_wait3A_153 = tpu.memref_slice %arg15[%add3A_61, %dma_wait3A_152] : memref<5632x128xf32, #tpu.memory_space<vmem_shared>> -> memref<64x128xf32, #tpu.memory_space<vmem_shared>>
      %dma_wait3A_154 = arith.constant 0 : i32
      %dma_wait3A_155 = tpu.memref_slice %arg15[%add3A_61, %dma_wait3A_154] : memref<5632x128xf32, #tpu.memory_space<vmem_shared>> -> memref<64x128xf32, #tpu.memory_space<vmem_shared>>
      %dma_wait3A_156 = arith.constant 0 : i32
      %dma_wait3A_157 = arith.constant 0 : i32
      %dma_wait3A_158 = tpu.memref_slice %arg10[%dma_wait3A_156, %dma_wait3A_157] : memref<64x128xf32, #tpu.memory_space<vmem>> -> memref<64x128xf32, #tpu.memory_space<vmem>>
      tpu.wait_dma2 semaphore(%run_scoped3A : memref<!tpu.dma_semaphore, #tpu.memory_space<semaphore_mem>>) src(%dma_wait3A_158 : memref<64x128xf32, #tpu.memory_space<vmem>>) dst(%dma_wait3A_155 : memref<64x128xf32, #tpu.memory_space<vmem_shared>>)
      tpu.yield
    }) : () -> ()
    %add3A_62 = arith.constant 192 : i32
    %add3A_63 = arith.addi %mul3A_55, %add3A_62 : i32
    "tpu.region"() ({
      %run_scoped3A = tpu.sem_alloc : memref<!tpu.dma_semaphore, #tpu.memory_space<semaphore_mem>>
      %dma_start3A_139 = arith.constant 0 : i32
      %dma_start3A_140 = arith.constant 0 : i32
      %dma_start3A_141 = tpu.memref_slice %arg10[%dma_start3A_139, %dma_start3A_140] : memref<64x128xf32, #tpu.memory_space<vmem>> -> memref<64x128xf32, #tpu.memory_space<vmem>>
      %dma_start3A_142 = arith.constant 0 : i32
      %dma_start3A_143 = tpu.memref_slice %arg15[%add3A_63, %dma_start3A_142] : memref<5632x128xf32, #tpu.memory_space<vmem_shared>> -> memref<64x128xf32, #tpu.memory_space<vmem_shared>>
      %dma_start3A_144 = arith.constant 0 : i32
      %dma_start3A_145 = tpu.memref_slice %arg15[%add3A_63, %dma_start3A_144] : memref<5632x128xf32, #tpu.memory_space<vmem_shared>> -> memref<64x128xf32, #tpu.memory_space<vmem_shared>>
      %dma_start3A_146 = arith.constant 0 : i32
      %dma_start3A_147 = arith.constant 0 : i32
      %dma_start3A_148 = tpu.memref_slice %arg10[%dma_start3A_146, %dma_start3A_147] : memref<64x128xf32, #tpu.memory_space<vmem>> -> memref<64x128xf32, #tpu.memory_space<vmem>>
      tpu.enqueue_dma source(%dma_start3A_148 : memref<64x128xf32, #tpu.memory_space<vmem>>) target(%dma_start3A_145 : memref<64x128xf32, #tpu.memory_space<vmem_shared>>) target_semaphore(%run_scoped3A : memref<!tpu.dma_semaphore, #tpu.memory_space<semaphore_mem>>)
      %dma_wait3A_149 = arith.constant 0 : i32
      %dma_wait3A_150 = arith.constant 0 : i32
      %dma_wait3A_151 = tpu.memref_slice %arg10[%dma_wait3A_149, %dma_wait3A_150] : memref<64x128xf32, #tpu.memory_space<vmem>> -> memref<64x128xf32, #tpu.memory_space<vmem>>
      %dma_wait3A_152 = arith.constant 0 : i32
      %dma_wait3A_153 = tpu.memref_slice %arg15[%add3A_63, %dma_wait3A_152] : memref<5632x128xf32, #tpu.memory_space<vmem_shared>> -> memref<64x128xf32, #tpu.memory_space<vmem_shared>>
      %dma_wait3A_154 = arith.constant 0 : i32
      %dma_wait3A_155 = tpu.memref_slice %arg15[%add3A_63, %dma_wait3A_154] : memref<5632x128xf32, #tpu.memory_space<vmem_shared>> -> memref<64x128xf32, #tpu.memory_space<vmem_shared>>
      %dma_wait3A_156 = arith.constant 0 : i32
      %dma_wait3A_157 = arith.constant 0 : i32
      %dma_wait3A_158 = tpu.memref_slice %arg10[%dma_wait3A_156, %dma_wait3A_157] : memref<64x128xf32, #tpu.memory_space<vmem>> -> memref<64x128xf32, #tpu.memory_space<vmem>>
      tpu.wait_dma2 semaphore(%run_scoped3A : memref<!tpu.dma_semaphore, #tpu.memory_space<semaphore_mem>>) src(%dma_wait3A_158 : memref<64x128xf32, #tpu.memory_space<vmem>>) dst(%dma_wait3A_155 : memref<64x128xf32, #tpu.memory_space<vmem_shared>>)
      tpu.yield
    }) : () -> ()
    %add3A_64 = arith.constant 256 : i32
    %add3A_65 = arith.addi %mul3A_55, %add3A_64 : i32
    "tpu.region"() ({
      %run_scoped3A = tpu.sem_alloc : memref<!tpu.dma_semaphore, #tpu.memory_space<semaphore_mem>>
      %dma_start3A_139 = arith.constant 0 : i32
      %dma_start3A_140 = arith.constant 0 : i32
      %dma_start3A_141 = tpu.memref_slice %arg10[%dma_start3A_139, %dma_start3A_140] : memref<64x128xf32, #tpu.memory_space<vmem>> -> memref<64x128xf32, #tpu.memory_space<vmem>>
      %dma_start3A_142 = arith.constant 0 : i32
      %dma_start3A_143 = tpu.memref_slice %arg15[%add3A_65, %dma_start3A_142] : memref<5632x128xf32, #tpu.memory_space<vmem_shared>> -> memref<64x128xf32, #tpu.memory_space<vmem_shared>>
      %dma_start3A_144 = arith.constant 0 : i32
      %dma_start3A_145 = tpu.memref_slice %arg15[%add3A_65, %dma_start3A_144] : memref<5632x128xf32, #tpu.memory_space<vmem_shared>> -> memref<64x128xf32, #tpu.memory_space<vmem_shared>>
      %dma_start3A_146 = arith.constant 0 : i32
      %dma_start3A_147 = arith.constant 0 : i32
      %dma_start3A_148 = tpu.memref_slice %arg10[%dma_start3A_146, %dma_start3A_147] : memref<64x128xf32, #tpu.memory_space<vmem>> -> memref<64x128xf32, #tpu.memory_space<vmem>>
      tpu.enqueue_dma source(%dma_start3A_148 : memref<64x128xf32, #tpu.memory_space<vmem>>) target(%dma_start3A_145 : memref<64x128xf32, #tpu.memory_space<vmem_shared>>) target_semaphore(%run_scoped3A : memref<!tpu.dma_semaphore, #tpu.memory_space<semaphore_mem>>)
      %dma_wait3A_149 = arith.constant 0 : i32
      %dma_wait3A_150 = arith.constant 0 : i32
      %dma_wait3A_151 = tpu.memref_slice %arg10[%dma_wait3A_149, %dma_wait3A_150] : memref<64x128xf32, #tpu.memory_space<vmem>> -> memref<64x128xf32, #tpu.memory_space<vmem>>
      %dma_wait3A_152 = arith.constant 0 : i32
      %dma_wait3A_153 = tpu.memref_slice %arg15[%add3A_65, %dma_wait3A_152] : memref<5632x128xf32, #tpu.memory_space<vmem_shared>> -> memref<64x128xf32, #tpu.memory_space<vmem_shared>>
      %dma_wait3A_154 = arith.constant 0 : i32
      %dma_wait3A_155 = tpu.memref_slice %arg15[%add3A_65, %dma_wait3A_154] : memref<5632x128xf32, #tpu.memory_space<vmem_shared>> -> memref<64x128xf32, #tpu.memory_space<vmem_shared>>
      %dma_wait3A_156 = arith.constant 0 : i32
      %dma_wait3A_157 = arith.constant 0 : i32
      %dma_wait3A_158 = tpu.memref_slice %arg10[%dma_wait3A_156, %dma_wait3A_157] : memref<64x128xf32, #tpu.memory_space<vmem>> -> memref<64x128xf32, #tpu.memory_space<vmem>>
      tpu.wait_dma2 semaphore(%run_scoped3A : memref<!tpu.dma_semaphore, #tpu.memory_space<semaphore_mem>>) src(%dma_wait3A_158 : memref<64x128xf32, #tpu.memory_space<vmem>>) dst(%dma_wait3A_155 : memref<64x128xf32, #tpu.memory_space<vmem_shared>>)
      tpu.yield
    }) : () -> ()
    %add3A_66 = arith.constant 320 : i32
    %add3A_67 = arith.addi %mul3A_55, %add3A_66 : i32
    "tpu.region"() ({
      %run_scoped3A = tpu.sem_alloc : memref<!tpu.dma_semaphore, #tpu.memory_space<semaphore_mem>>
      %dma_start3A_139 = arith.constant 0 : i32
      %dma_start3A_140 = arith.constant 0 : i32
      %dma_start3A_141 = tpu.memref_slice %arg10[%dma_start3A_139, %dma_start3A_140] : memref<64x128xf32, #tpu.memory_space<vmem>> -> memref<32x128xf32, #tpu.memory_space<vmem>>
      %dma_start3A_142 = arith.constant 0 : i32
      %dma_start3A_143 = tpu.memref_slice %arg15[%add3A_67, %dma_start3A_142] : memref<5632x128xf32, #tpu.memory_space<vmem_shared>> -> memref<32x128xf32, #tpu.memory_space<vmem_shared>>
      %dma_start3A_144 = arith.constant 0 : i32
      %dma_start3A_145 = tpu.memref_slice %arg15[%add3A_67, %dma_start3A_144] : memref<5632x128xf32, #tpu.memory_space<vmem_shared>> -> memref<32x128xf32, #tpu.memory_space<vmem_shared>>
      %dma_start3A_146 = arith.constant 0 : i32
      %dma_start3A_147 = arith.constant 0 : i32
      %dma_start3A_148 = tpu.memref_slice %arg10[%dma_start3A_146, %dma_start3A_147] : memref<64x128xf32, #tpu.memory_space<vmem>> -> memref<32x128xf32, #tpu.memory_space<vmem>>
      tpu.enqueue_dma source(%dma_start3A_148 : memref<32x128xf32, #tpu.memory_space<vmem>>) target(%dma_start3A_145 : memref<32x128xf32, #tpu.memory_space<vmem_shared>>) target_semaphore(%run_scoped3A : memref<!tpu.dma_semaphore, #tpu.memory_space<semaphore_mem>>)
      %dma_wait3A_149 = arith.constant 0 : i32
      %dma_wait3A_150 = arith.constant 0 : i32
      %dma_wait3A_151 = tpu.memref_slice %arg10[%dma_wait3A_149, %dma_wait3A_150] : memref<64x128xf32, #tpu.memory_space<vmem>> -> memref<32x128xf32, #tpu.memory_space<vmem>>
      %dma_wait3A_152 = arith.constant 0 : i32
      %dma_wait3A_153 = tpu.memref_slice %arg15[%add3A_67, %dma_wait3A_152] : memref<5632x128xf32, #tpu.memory_space<vmem_shared>> -> memref<32x128xf32, #tpu.memory_space<vmem_shared>>
      %dma_wait3A_154 = arith.constant 0 : i32
      %dma_wait3A_155 = tpu.memref_slice %arg15[%add3A_67, %dma_wait3A_154] : memref<5632x128xf32, #tpu.memory_space<vmem_shared>> -> memref<32x128xf32, #tpu.memory_space<vmem_shared>>
      %dma_wait3A_156 = arith.constant 0 : i32
      %dma_wait3A_157 = arith.constant 0 : i32
      %dma_wait3A_158 = tpu.memref_slice %arg10[%dma_wait3A_156, %dma_wait3A_157] : memref<64x128xf32, #tpu.memory_space<vmem>> -> memref<32x128xf32, #tpu.memory_space<vmem>>
      tpu.wait_dma2 semaphore(%run_scoped3A : memref<!tpu.dma_semaphore, #tpu.memory_space<semaphore_mem>>) src(%dma_wait3A_158 : memref<32x128xf32, #tpu.memory_space<vmem>>) dst(%dma_wait3A_155 : memref<32x128xf32, #tpu.memory_space<vmem_shared>>)
      tpu.yield
    }) : () -> ()
    %barrier3A = arith.constant 0 : index
    tpu.barrier barrier_id(%barrier3A)
    %dma_start3A = arith.constant 0 : i32
    %dma_start3A_68 = arith.constant 0 : i32
    %dma_start3A_69 = tpu.memref_slice %arg7[%dma_start3A, %dma_start3A_68] : memref<328x64xi32, #tpu.memory_space<vmem>> -> memref<1x64xi32, #tpu.memory_space<vmem>>
    %dma_start3A_70 = tpu.memref_squeeze %dma_start3A_69 : memref<1x64xi32, #tpu.memory_space<vmem>> -> memref<64xi32, #tpu.memory_space<vmem>>
    %dma_start3A_71 = arith.constant 0 : i32
    %dma_start3A_72 = arith.constant 0 : i32
    %dma_start3A_73 = tpu.memref_slice %arg2[%dma_start3A_71, %dma_start3A_72] : memref<10000x128xf32, #tpu.memory_space<hbm>> -> memref<10000x128xf32, #tpu.memory_space<hbm>>
    tpu.enqueue_indirect_dma source(%dma_start3A_73 : memref<10000x128xf32, #tpu.memory_space<hbm>>) target(%arg10 : memref<64x128xf32, #tpu.memory_space<vmem>>) offsets(%dma_start3A_70 : memref<64xi32, #tpu.memory_space<vmem>>) semaphore(%arg16 : memref<!tpu.dma_semaphore, #tpu.memory_space<semaphore_mem>>)
    %dma_start3A_74 = arith.constant 1 : i32
    %dma_start3A_75 = arith.constant 0 : i32
    %dma_start3A_76 = tpu.memref_slice %arg7[%dma_start3A_74, %dma_start3A_75] : memref<328x64xi32, #tpu.memory_space<vmem>> -> memref<1x64xi32, #tpu.memory_space<vmem>>
    %dma_start3A_77 = tpu.memref_squeeze %dma_start3A_76 : memref<1x64xi32, #tpu.memory_space<vmem>> -> memref<64xi32, #tpu.memory_space<vmem>>
    %dma_start3A_78 = arith.constant 0 : i32
    %dma_start3A_79 = arith.constant 0 : i32
    %dma_start3A_80 = tpu.memref_slice %arg2[%dma_start3A_78, %dma_start3A_79] : memref<10000x128xf32, #tpu.memory_space<hbm>> -> memref<10000x128xf32, #tpu.memory_space<hbm>>
    tpu.enqueue_indirect_dma source(%dma_start3A_80 : memref<10000x128xf32, #tpu.memory_space<hbm>>) target(%arg11 : memref<64x128xf32, #tpu.memory_space<vmem>>) offsets(%dma_start3A_77 : memref<64xi32, #tpu.memory_space<vmem>>) semaphore(%arg17 : memref<!tpu.dma_semaphore, #tpu.memory_space<semaphore_mem>>)
    %dma_start3A_81 = arith.constant 2 : i32
    %dma_start3A_82 = arith.constant 0 : i32
    %dma_start3A_83 = tpu.memref_slice %arg7[%dma_start3A_81, %dma_start3A_82] : memref<328x64xi32, #tpu.memory_space<vmem>> -> memref<1x64xi32, #tpu.memory_space<vmem>>
    %dma_start3A_84 = tpu.memref_squeeze %dma_start3A_83 : memref<1x64xi32, #tpu.memory_space<vmem>> -> memref<64xi32, #tpu.memory_space<vmem>>
    %dma_start3A_85 = arith.constant 0 : i32
    %dma_start3A_86 = arith.constant 0 : i32
    %dma_start3A_87 = tpu.memref_slice %arg2[%dma_start3A_85, %dma_start3A_86] : memref<10000x128xf32, #tpu.memory_space<hbm>> -> memref<10000x128xf32, #tpu.memory_space<hbm>>
    tpu.enqueue_indirect_dma source(%dma_start3A_87 : memref<10000x128xf32, #tpu.memory_space<hbm>>) target(%arg12 : memref<64x128xf32, #tpu.memory_space<vmem>>) offsets(%dma_start3A_84 : memref<64xi32, #tpu.memory_space<vmem>>) semaphore(%arg18 : memref<!tpu.dma_semaphore, #tpu.memory_space<semaphore_mem>>)
    %jit3A_88 = arith.constant 5 : i32
    %div3A_89 = arith.divsi %max3A_47, %jit3A_88 : i32
    %sign3A_90 = arith.constant 0 : i32
    %sign3A_91 = arith.cmpi sgt, %max3A_47, %sign3A_90 : i32
    %sign3A_92 = arith.extui %sign3A_91 : i1 to i32
    %sign3A_93 = arith.constant 0 : i32
    %sign3A_94 = arith.cmpi slt, %max3A_47, %sign3A_93 : i32
    %sign3A_95 = arith.extui %sign3A_94 : i1 to i32
    %sign3A_96 = arith.subi %sign3A_92, %sign3A_95 : i32
    %sign3A_97 = arith.constant 0 : i32
    %sign3A_98 = arith.cmpi sgt, %jit3A_88, %sign3A_97 : i32
    %sign3A_99 = arith.extui %sign3A_98 : i1 to i32
    %sign3A_100 = arith.constant 0 : i32
    %sign3A_101 = arith.cmpi slt, %jit3A_88, %sign3A_100 : i32
    %sign3A_102 = arith.extui %sign3A_101 : i1 to i32
    %sign3A_103 = arith.subi %sign3A_99, %sign3A_102 : i32
    %ne3A_104 = arith.cmpi ne, %sign3A_96, %sign3A_103 : i32
    %rem3A_105 = arith.remsi %max3A_47, %jit3A_88 : i32
    %ne3A_106 = arith.constant 0 : i32
    %ne3A_107 = arith.cmpi ne, %rem3A_105, %ne3A_106 : i32
    %and3A_108 = arith.andi %ne3A_104, %ne3A_107 : i1
    %sub3A_109 = arith.constant 1 : i32
    %sub3A_110 = arith.subi %div3A_89, %sub3A_109 : i32
    %select_n3A_111 = arith.select %and3A_108, %sub3A_110, %div3A_89 : i32
    %while3A = arith.constant 0 : i32
    %while3A_112 = arith.constant 0 : i32
    %while3A_113 = arith.subi %select_n3A_111, %while3A : i32
    %while3A_114 = arith.addi %while3A, %while3A_113 : i32
    %while3A_115 = arith.constant 1 : i32
    %while3A_116 = arith.divsi %while3A_113, %while3A_115 : i32
    %while3A_117 = arith.muli %while3A_116, %while3A_115 : i32
    %while3A_118 = arith.addi %while3A, %while3A_117 : i32
    %while3A_119 = arith.constant 1 : i32
    %while3A_120 = scf.for %while3A_139 = %while3A to %while3A_118 step %while3A_119 iter_args(%while3A_140 = %while3A_112) -> (i32)  : i32 {
      %mul3A_141 = arith.constant 5 : i32
      %mul3A_142 = arith.muli %while3A_139, %mul3A_141 : i32
      %add3A_143 = arith.constant 0 : i32
      %add3A_144 = arith.addi %mul3A_142, %add3A_143 : i32
      %dma_wait3A_145 = arith.constant 0 : i32
      %dma_wait3A_146 = tpu.memref_slice %arg7[%add3A_144, %dma_wait3A_145] : memref<328x64xi32, #tpu.memory_space<vmem>> -> memref<1x64xi32, #tpu.memory_space<vmem>>
      %dma_wait3A_147 = tpu.memref_squeeze %dma_wait3A_146 : memref<1x64xi32, #tpu.memory_space<vmem>> -> memref<64xi32, #tpu.memory_space<vmem>>
      %dma_wait3A_148 = arith.constant 0 : i32
      %dma_wait3A_149 = arith.constant 0 : i32
      %dma_wait3A_150 = tpu.memref_slice %arg2[%dma_wait3A_148, %dma_wait3A_149] : memref<10000x128xf32, #tpu.memory_space<hbm>> -> memref<10000x128xf32, #tpu.memory_space<hbm>>
      tpu.wait_indirect_dma semaphore(%arg16 : memref<!tpu.dma_semaphore, #tpu.memory_space<semaphore_mem>>) src(%dma_wait3A_150 : memref<10000x128xf32, #tpu.memory_space<hbm>>) dst(%arg10 : memref<64x128xf32, #tpu.memory_space<vmem>>)
      %ge3A = arith.constant 2 : i32
      %ge3A_151 = arith.cmpi sge, %add3A_144, %ge3A : i32
      %convert_element_type3A = arith.extui %ge3A_151 : i1 to i32
      %cond3A = arith.constant 0 : i32
      %cond3A_152 = arith.cmpi ne, %convert_element_type3A, %cond3A : i32
      scf.if %cond3A_152 {
        %sub3A_265 = arith.constant 2 : i32
        %sub3A_266 = arith.subi %add3A_144, %sub3A_265 : i32
        %dma_wait3A_267 = arith.constant 0 : i32
        %dma_wait3A_268 = tpu.memref_slice %arg8[%sub3A_266, %dma_wait3A_267] : memref<328x64xi32, #tpu.memory_space<vmem>> -> memref<1x64xi32, #tpu.memory_space<vmem>>
        %dma_wait3A_269 = tpu.memref_squeeze %dma_wait3A_268 : memref<1x64xi32, #tpu.memory_space<vmem>> -> memref<64xi32, #tpu.memory_space<vmem>>
        %dma_wait3A_270 = arith.constant 0 : i32
        %dma_wait3A_271 = arith.constant 0 : i32
        %dma_wait3A_272 = tpu.memref_slice %arg15[%dma_wait3A_270, %dma_wait3A_271] : memref<5632x128xf32, #tpu.memory_space<vmem_shared>> -> memref<5632x128xf32, #tpu.memory_space<vmem_shared>>
        tpu.wait_indirect_dma semaphore(%arg24 : memref<!tpu.dma_semaphore, #tpu.memory_space<semaphore_mem>>) src(%arg13 : memref<64x128xf32, #tpu.memory_space<vmem>>) dst(%dma_wait3A_272 : memref<5632x128xf32, #tpu.memory_space<vmem_shared>>)
      } else {
      }
      %add3A_153 = arith.constant 3 : i32
      %add3A_154 = arith.addi %add3A_144, %add3A_153 : i32
      %lt3A = arith.cmpi slt, %add3A_154, %max3A_47 : i32
      %convert_element_type3A_155 = arith.extui %lt3A : i1 to i32
      %cond3A_156 = arith.constant 0 : i32
      %cond3A_157 = arith.cmpi ne, %convert_element_type3A_155, %cond3A_156 : i32
      scf.if %cond3A_157 {
        %add3A_265 = arith.constant 3 : i32
        %add3A_266 = arith.addi %add3A_144, %add3A_265 : i32
        %dma_start3A_267 = arith.constant 0 : i32
        %dma_start3A_268 = tpu.memref_slice %arg7[%add3A_266, %dma_start3A_267] : memref<328x64xi32, #tpu.memory_space<vmem>> -> memref<1x64xi32, #tpu.memory_space<vmem>>
        %dma_start3A_269 = tpu.memref_squeeze %dma_start3A_268 : memref<1x64xi32, #tpu.memory_space<vmem>> -> memref<64xi32, #tpu.memory_space<vmem>>
        %dma_start3A_270 = arith.constant 0 : i32
        %dma_start3A_271 = arith.constant 0 : i32
        %dma_start3A_272 = tpu.memref_slice %arg2[%dma_start3A_270, %dma_start3A_271] : memref<10000x128xf32, #tpu.memory_space<hbm>> -> memref<10000x128xf32, #tpu.memory_space<hbm>>
        tpu.enqueue_indirect_dma source(%dma_start3A_272 : memref<10000x128xf32, #tpu.memory_space<hbm>>) target(%arg13 : memref<64x128xf32, #tpu.memory_space<vmem>>) offsets(%dma_start3A_269 : memref<64xi32, #tpu.memory_space<vmem>>) semaphore(%arg19 : memref<!tpu.dma_semaphore, #tpu.memory_space<semaphore_mem>>)
      } else {
      }
      %dma_start3A_158 = arith.constant 0 : i32
      %dma_start3A_159 = tpu.memref_slice %arg8[%add3A_144, %dma_start3A_158] : memref<328x64xi32, #tpu.memory_space<vmem>> -> memref<1x64xi32, #tpu.memory_space<vmem>>
      %dma_start3A_160 = tpu.memref_squeeze %dma_start3A_159 : memref<1x64xi32, #tpu.memory_space<vmem>> -> memref<64xi32, #tpu.memory_space<vmem>>
      %dma_start3A_161 = arith.constant 0 : i32
      %dma_start3A_162 = arith.constant 0 : i32
      %dma_start3A_163 = tpu.memref_slice %arg15[%dma_start3A_161, %dma_start3A_162] : memref<5632x128xf32, #tpu.memory_space<vmem_shared>> -> memref<5632x128xf32, #tpu.memory_space<vmem_shared>>
      tpu.enqueue_indirect_dma source(%arg10 : memref<64x128xf32, #tpu.memory_space<vmem>>) target(%dma_start3A_163 : memref<5632x128xf32, #tpu.memory_space<vmem_shared>>) offsets(%dma_start3A_160 : memref<64xi32, #tpu.memory_space<vmem>>) semaphore(%arg21 : memref<!tpu.dma_semaphore, #tpu.memory_space<semaphore_mem>>) {add = true}
      %add3A_164 = arith.constant 1 : i32
      %add3A_165 = arith.addi %mul3A_142, %add3A_164 : i32
      %dma_wait3A_166 = arith.constant 0 : i32
      %dma_wait3A_167 = tpu.memref_slice %arg7[%add3A_165, %dma_wait3A_166] : memref<328x64xi32, #tpu.memory_space<vmem>> -> memref<1x64xi32, #tpu.memory_space<vmem>>
      %dma_wait3A_168 = tpu.memref_squeeze %dma_wait3A_167 : memref<1x64xi32, #tpu.memory_space<vmem>> -> memref<64xi32, #tpu.memory_space<vmem>>
      %dma_wait3A_169 = arith.constant 0 : i32
      %dma_wait3A_170 = arith.constant 0 : i32
      %dma_wait3A_171 = tpu.memref_slice %arg2[%dma_wait3A_169, %dma_wait3A_170] : memref<10000x128xf32, #tpu.memory_space<hbm>> -> memref<10000x128xf32, #tpu.memory_space<hbm>>
      tpu.wait_indirect_dma semaphore(%arg17 : memref<!tpu.dma_semaphore, #tpu.memory_space<semaphore_mem>>) src(%dma_wait3A_171 : memref<10000x128xf32, #tpu.memory_space<hbm>>) dst(%arg11 : memref<64x128xf32, #tpu.memory_space<vmem>>)
      %ge3A_172 = arith.constant 2 : i32
      %ge3A_173 = arith.cmpi sge, %add3A_165, %ge3A_172 : i32
      %convert_element_type3A_174 = arith.extui %ge3A_173 : i1 to i32
      %cond3A_175 = arith.constant 0 : i32
      %cond3A_176 = arith.cmpi ne, %convert_element_type3A_174, %cond3A_175 : i32
      scf.if %cond3A_176 {
        %sub3A_265 = arith.constant 2 : i32
        %sub3A_266 = arith.subi %add3A_165, %sub3A_265 : i32
        %dma_wait3A_267 = arith.constant 0 : i32
        %dma_wait3A_268 = tpu.memref_slice %arg8[%sub3A_266, %dma_wait3A_267] : memref<328x64xi32, #tpu.memory_space<vmem>> -> memref<1x64xi32, #tpu.memory_space<vmem>>
        %dma_wait3A_269 = tpu.memref_squeeze %dma_wait3A_268 : memref<1x64xi32, #tpu.memory_space<vmem>> -> memref<64xi32, #tpu.memory_space<vmem>>
        %dma_wait3A_270 = arith.constant 0 : i32
        %dma_wait3A_271 = arith.constant 0 : i32
        %dma_wait3A_272 = tpu.memref_slice %arg15[%dma_wait3A_270, %dma_wait3A_271] : memref<5632x128xf32, #tpu.memory_space<vmem_shared>> -> memref<5632x128xf32, #tpu.memory_space<vmem_shared>>
        tpu.wait_indirect_dma semaphore(%arg25 : memref<!tpu.dma_semaphore, #tpu.memory_space<semaphore_mem>>) src(%arg14 : memref<64x128xf32, #tpu.memory_space<vmem>>) dst(%dma_wait3A_272 : memref<5632x128xf32, #tpu.memory_space<vmem_shared>>)
      } else {
      }
      %add3A_177 = arith.constant 3 : i32
      %add3A_178 = arith.addi %add3A_165, %add3A_177 : i32
      %lt3A_179 = arith.cmpi slt, %add3A_178, %max3A_47 : i32
      %convert_element_type3A_180 = arith.extui %lt3A_179 : i1 to i32
      %cond3A_181 = arith.constant 0 : i32
      %cond3A_182 = arith.cmpi ne, %convert_element_type3A_180, %cond3A_181 : i32
      scf.if %cond3A_182 {
        %add3A_265 = arith.constant 3 : i32
        %add3A_266 = arith.addi %add3A_165, %add3A_265 : i32
        %dma_start3A_267 = arith.constant 0 : i32
        %dma_start3A_268 = tpu.memref_slice %arg7[%add3A_266, %dma_start3A_267] : memref<328x64xi32, #tpu.memory_space<vmem>> -> memref<1x64xi32, #tpu.memory_space<vmem>>
        %dma_start3A_269 = tpu.memref_squeeze %dma_start3A_268 : memref<1x64xi32, #tpu.memory_space<vmem>> -> memref<64xi32, #tpu.memory_space<vmem>>
        %dma_start3A_270 = arith.constant 0 : i32
        %dma_start3A_271 = arith.constant 0 : i32
        %dma_start3A_272 = tpu.memref_slice %arg2[%dma_start3A_270, %dma_start3A_271] : memref<10000x128xf32, #tpu.memory_space<hbm>> -> memref<10000x128xf32, #tpu.memory_space<hbm>>
        tpu.enqueue_indirect_dma source(%dma_start3A_272 : memref<10000x128xf32, #tpu.memory_space<hbm>>) target(%arg14 : memref<64x128xf32, #tpu.memory_space<vmem>>) offsets(%dma_start3A_269 : memref<64xi32, #tpu.memory_space<vmem>>) semaphore(%arg20 : memref<!tpu.dma_semaphore, #tpu.memory_space<semaphore_mem>>)
      } else {
      }
      %dma_start3A_183 = arith.constant 0 : i32
      %dma_start3A_184 = tpu.memref_slice %arg8[%add3A_165, %dma_start3A_183] : memref<328x64xi32, #tpu.memory_space<vmem>> -> memref<1x64xi32, #tpu.memory_space<vmem>>
      %dma_start3A_185 = tpu.memref_squeeze %dma_start3A_184 : memref<1x64xi32, #tpu.memory_space<vmem>> -> memref<64xi32, #tpu.memory_space<vmem>>
      %dma_start3A_186 = arith.constant 0 : i32
      %dma_start3A_187 = arith.constant 0 : i32
      %dma_start3A_188 = tpu.memref_slice %arg15[%dma_start3A_186, %dma_start3A_187] : memref<5632x128xf32, #tpu.memory_space<vmem_shared>> -> memref<5632x128xf32, #tpu.memory_space<vmem_shared>>
      tpu.enqueue_indirect_dma source(%arg11 : memref<64x128xf32, #tpu.memory_space<vmem>>) target(%dma_start3A_188 : memref<5632x128xf32, #tpu.memory_space<vmem_shared>>) offsets(%dma_start3A_185 : memref<64xi32, #tpu.memory_space<vmem>>) semaphore(%arg22 : memref<!tpu.dma_semaphore, #tpu.memory_space<semaphore_mem>>) {add = true}
      %add3A_189 = arith.constant 2 : i32
      %add3A_190 = arith.addi %mul3A_142, %add3A_189 : i32
      %dma_wait3A_191 = arith.constant 0 : i32
      %dma_wait3A_192 = tpu.memref_slice %arg7[%add3A_190, %dma_wait3A_191] : memref<328x64xi32, #tpu.memory_space<vmem>> -> memref<1x64xi32, #tpu.memory_space<vmem>>
      %dma_wait3A_193 = tpu.memref_squeeze %dma_wait3A_192 : memref<1x64xi32, #tpu.memory_space<vmem>> -> memref<64xi32, #tpu.memory_space<vmem>>
      %dma_wait3A_194 = arith.constant 0 : i32
      %dma_wait3A_195 = arith.constant 0 : i32
      %dma_wait3A_196 = tpu.memref_slice %arg2[%dma_wait3A_194, %dma_wait3A_195] : memref<10000x128xf32, #tpu.memory_space<hbm>> -> memref<10000x128xf32, #tpu.memory_space<hbm>>
      tpu.wait_indirect_dma semaphore(%arg18 : memref<!tpu.dma_semaphore, #tpu.memory_space<semaphore_mem>>) src(%dma_wait3A_196 : memref<10000x128xf32, #tpu.memory_space<hbm>>) dst(%arg12 : memref<64x128xf32, #tpu.memory_space<vmem>>)
      %ge3A_197 = arith.constant 2 : i32
      %ge3A_198 = arith.cmpi sge, %add3A_190, %ge3A_197 : i32
      %convert_element_type3A_199 = arith.extui %ge3A_198 : i1 to i32
      %cond3A_200 = arith.constant 0 : i32
      %cond3A_201 = arith.cmpi ne, %convert_element_type3A_199, %cond3A_200 : i32
      scf.if %cond3A_201 {
        %sub3A_265 = arith.constant 2 : i32
        %sub3A_266 = arith.subi %add3A_190, %sub3A_265 : i32
        %dma_wait3A_267 = arith.constant 0 : i32
        %dma_wait3A_268 = tpu.memref_slice %arg8[%sub3A_266, %dma_wait3A_267] : memref<328x64xi32, #tpu.memory_space<vmem>> -> memref<1x64xi32, #tpu.memory_space<vmem>>
        %dma_wait3A_269 = tpu.memref_squeeze %dma_wait3A_268 : memref<1x64xi32, #tpu.memory_space<vmem>> -> memref<64xi32, #tpu.memory_space<vmem>>
        %dma_wait3A_270 = arith.constant 0 : i32
        %dma_wait3A_271 = arith.constant 0 : i32
        %dma_wait3A_272 = tpu.memref_slice %arg15[%dma_wait3A_270, %dma_wait3A_271] : memref<5632x128xf32, #tpu.memory_space<vmem_shared>> -> memref<5632x128xf32, #tpu.memory_space<vmem_shared>>
        tpu.wait_indirect_dma semaphore(%arg21 : memref<!tpu.dma_semaphore, #tpu.memory_space<semaphore_mem>>) src(%arg10 : memref<64x128xf32, #tpu.memory_space<vmem>>) dst(%dma_wait3A_272 : memref<5632x128xf32, #tpu.memory_space<vmem_shared>>)
      } else {
      }
      %add3A_202 = arith.constant 3 : i32
      %add3A_203 = arith.addi %add3A_190, %add3A_202 : i32
      %lt3A_204 = arith.cmpi slt, %add3A_203, %max3A_47 : i32
      %convert_element_type3A_205 = arith.extui %lt3A_204 : i1 to i32
      %cond3A_206 = arith.constant 0 : i32
      %cond3A_207 = arith.cmpi ne, %convert_element_type3A_205, %cond3A_206 : i32
      scf.if %cond3A_207 {
        %add3A_265 = arith.constant 3 : i32
        %add3A_266 = arith.addi %add3A_190, %add3A_265 : i32
        %dma_start3A_267 = arith.constant 0 : i32
        %dma_start3A_268 = tpu.memref_slice %arg7[%add3A_266, %dma_start3A_267] : memref<328x64xi32, #tpu.memory_space<vmem>> -> memref<1x64xi32, #tpu.memory_space<vmem>>
        %dma_start3A_269 = tpu.memref_squeeze %dma_start3A_268 : memref<1x64xi32, #tpu.memory_space<vmem>> -> memref<64xi32, #tpu.memory_space<vmem>>
        %dma_start3A_270 = arith.constant 0 : i32
        %dma_start3A_271 = arith.constant 0 : i32
        %dma_start3A_272 = tpu.memref_slice %arg2[%dma_start3A_270, %dma_start3A_271] : memref<10000x128xf32, #tpu.memory_space<hbm>> -> memref<10000x128xf32, #tpu.memory_space<hbm>>
        tpu.enqueue_indirect_dma source(%dma_start3A_272 : memref<10000x128xf32, #tpu.memory_space<hbm>>) target(%arg10 : memref<64x128xf32, #tpu.memory_space<vmem>>) offsets(%dma_start3A_269 : memref<64xi32, #tpu.memory_space<vmem>>) semaphore(%arg16 : memref<!tpu.dma_semaphore, #tpu.memory_space<semaphore_mem>>)
      } else {
      }
      %dma_start3A_208 = arith.constant 0 : i32
      %dma_start3A_209 = tpu.memref_slice %arg8[%add3A_190, %dma_start3A_208] : memref<328x64xi32, #tpu.memory_space<vmem>> -> memref<1x64xi32, #tpu.memory_space<vmem>>
      %dma_start3A_210 = tpu.memref_squeeze %dma_start3A_209 : memref<1x64xi32, #tpu.memory_space<vmem>> -> memref<64xi32, #tpu.memory_space<vmem>>
      %dma_start3A_211 = arith.constant 0 : i32
      %dma_start3A_212 = arith.constant 0 : i32
      %dma_start3A_213 = tpu.memref_slice %arg15[%dma_start3A_211, %dma_start3A_212] : memref<5632x128xf32, #tpu.memory_space<vmem_shared>> -> memref<5632x128xf32, #tpu.memory_space<vmem_shared>>
      tpu.enqueue_indirect_dma source(%arg12 : memref<64x128xf32, #tpu.memory_space<vmem>>) target(%dma_start3A_213 : memref<5632x128xf32, #tpu.memory_space<vmem_shared>>) offsets(%dma_start3A_210 : memref<64xi32, #tpu.memory_space<vmem>>) semaphore(%arg23 : memref<!tpu.dma_semaphore, #tpu.memory_space<semaphore_mem>>) {add = true}
      %add3A_214 = arith.constant 3 : i32
      %add3A_215 = arith.addi %mul3A_142, %add3A_214 : i32
      %dma_wait3A_216 = arith.constant 0 : i32
      %dma_wait3A_217 = tpu.memref_slice %arg7[%add3A_215, %dma_wait3A_216] : memref<328x64xi32, #tpu.memory_space<vmem>> -> memref<1x64xi32, #tpu.memory_space<vmem>>
      %dma_wait3A_218 = tpu.memref_squeeze %dma_wait3A_217 : memref<1x64xi32, #tpu.memory_space<vmem>> -> memref<64xi32, #tpu.memory_space<vmem>>
      %dma_wait3A_219 = arith.constant 0 : i32
      %dma_wait3A_220 = arith.constant 0 : i32
      %dma_wait3A_221 = tpu.memref_slice %arg2[%dma_wait3A_219, %dma_wait3A_220] : memref<10000x128xf32, #tpu.memory_space<hbm>> -> memref<10000x128xf32, #tpu.memory_space<hbm>>
      tpu.wait_indirect_dma semaphore(%arg19 : memref<!tpu.dma_semaphore, #tpu.memory_space<semaphore_mem>>) src(%dma_wait3A_221 : memref<10000x128xf32, #tpu.memory_space<hbm>>) dst(%arg13 : memref<64x128xf32, #tpu.memory_space<vmem>>)
      %ge3A_222 = arith.constant 2 : i32
      %ge3A_223 = arith.cmpi sge, %add3A_215, %ge3A_222 : i32
      %convert_element_type3A_224 = arith.extui %ge3A_223 : i1 to i32
      %cond3A_225 = arith.constant 0 : i32
      %cond3A_226 = arith.cmpi ne, %convert_element_type3A_224, %cond3A_225 : i32
      scf.if %cond3A_226 {
        %sub3A_265 = arith.constant 2 : i32
        %sub3A_266 = arith.subi %add3A_215, %sub3A_265 : i32
        %dma_wait3A_267 = arith.constant 0 : i32
        %dma_wait3A_268 = tpu.memref_slice %arg8[%sub3A_266, %dma_wait3A_267] : memref<328x64xi32, #tpu.memory_space<vmem>> -> memref<1x64xi32, #tpu.memory_space<vmem>>
        %dma_wait3A_269 = tpu.memref_squeeze %dma_wait3A_268 : memref<1x64xi32, #tpu.memory_space<vmem>> -> memref<64xi32, #tpu.memory_space<vmem>>
        %dma_wait3A_270 = arith.constant 0 : i32
        %dma_wait3A_271 = arith.constant 0 : i32
        %dma_wait3A_272 = tpu.memref_slice %arg15[%dma_wait3A_270, %dma_wait3A_271] : memref<5632x128xf32, #tpu.memory_space<vmem_shared>> -> memref<5632x128xf32, #tpu.memory_space<vmem_shared>>
        tpu.wait_indirect_dma semaphore(%arg22 : memref<!tpu.dma_semaphore, #tpu.memory_space<semaphore_mem>>) src(%arg11 : memref<64x128xf32, #tpu.memory_space<vmem>>) dst(%dma_wait3A_272 : memref<5632x128xf32, #tpu.memory_space<vmem_shared>>)
      } else {
      }
      %add3A_227 = arith.constant 3 : i32
      %add3A_228 = arith.addi %add3A_215, %add3A_227 : i32
      %lt3A_229 = arith.cmpi slt, %add3A_228, %max3A_47 : i32
      %convert_element_type3A_230 = arith.extui %lt3A_229 : i1 to i32
      %cond3A_231 = arith.constant 0 : i32
      %cond3A_232 = arith.cmpi ne, %convert_element_type3A_230, %cond3A_231 : i32
      scf.if %cond3A_232 {
        %add3A_265 = arith.constant 3 : i32
        %add3A_266 = arith.addi %add3A_215, %add3A_265 : i32
        %dma_start3A_267 = arith.constant 0 : i32
        %dma_start3A_268 = tpu.memref_slice %arg7[%add3A_266, %dma_start3A_267] : memref<328x64xi32, #tpu.memory_space<vmem>> -> memref<1x64xi32, #tpu.memory_space<vmem>>
        %dma_start3A_269 = tpu.memref_squeeze %dma_start3A_268 : memref<1x64xi32, #tpu.memory_space<vmem>> -> memref<64xi32, #tpu.memory_space<vmem>>
        %dma_start3A_270 = arith.constant 0 : i32
        %dma_start3A_271 = arith.constant 0 : i32
        %dma_start3A_272 = tpu.memref_slice %arg2[%dma_start3A_270, %dma_start3A_271] : memref<10000x128xf32, #tpu.memory_space<hbm>> -> memref<10000x128xf32, #tpu.memory_space<hbm>>
        tpu.enqueue_indirect_dma source(%dma_start3A_272 : memref<10000x128xf32, #tpu.memory_space<hbm>>) target(%arg11 : memref<64x128xf32, #tpu.memory_space<vmem>>) offsets(%dma_start3A_269 : memref<64xi32, #tpu.memory_space<vmem>>) semaphore(%arg17 : memref<!tpu.dma_semaphore, #tpu.memory_space<semaphore_mem>>)
      } else {
      }
      %dma_start3A_233 = arith.constant 0 : i32
      %dma_start3A_234 = tpu.memref_slice %arg8[%add3A_215, %dma_start3A_233] : memref<328x64xi32, #tpu.memory_space<vmem>> -> memref<1x64xi32, #tpu.memory_space<vmem>>
      %dma_start3A_235 = tpu.memref_squeeze %dma_start3A_234 : memref<1x64xi32, #tpu.memory_space<vmem>> -> memref<64xi32, #tpu.memory_space<vmem>>
      %dma_start3A_236 = arith.constant 0 : i32
      %dma_start3A_237 = arith.constant 0 : i32
      %dma_start3A_238 = tpu.memref_slice %arg15[%dma_start3A_236, %dma_start3A_237] : memref<5632x128xf32, #tpu.memory_space<vmem_shared>> -> memref<5632x128xf32, #tpu.memory_space<vmem_shared>>
      tpu.enqueue_indirect_dma source(%arg13 : memref<64x128xf32, #tpu.memory_space<vmem>>) target(%dma_start3A_238 : memref<5632x128xf32, #tpu.memory_space<vmem_shared>>) offsets(%dma_start3A_235 : memref<64xi32, #tpu.memory_space<vmem>>) semaphore(%arg24 : memref<!tpu.dma_semaphore, #tpu.memory_space<semaphore_mem>>) {add = true}
      %add3A_239 = arith.constant 4 : i32
      %add3A_240 = arith.addi %mul3A_142, %add3A_239 : i32
      %dma_wait3A_241 = arith.constant 0 : i32
      %dma_wait3A_242 = tpu.memref_slice %arg7[%add3A_240, %dma_wait3A_241] : memref<328x64xi32, #tpu.memory_space<vmem>> -> memref<1x64xi32, #tpu.memory_space<vmem>>
      %dma_wait3A_243 = tpu.memref_squeeze %dma_wait3A_242 : memref<1x64xi32, #tpu.memory_space<vmem>> -> memref<64xi32, #tpu.memory_space<vmem>>
      %dma_wait3A_244 = arith.constant 0 : i32
      %dma_wait3A_245 = arith.constant 0 : i32
      %dma_wait3A_246 = tpu.memref_slice %arg2[%dma_wait3A_244, %dma_wait3A_245] : memref<10000x128xf32, #tpu.memory_space<hbm>> -> memref<10000x128xf32, #tpu.memory_space<hbm>>
      tpu.wait_indirect_dma semaphore(%arg20 : memref<!tpu.dma_semaphore, #tpu.memory_space<semaphore_mem>>) src(%dma_wait3A_246 : memref<10000x128xf32, #tpu.memory_space<hbm>>) dst(%arg14 : memref<64x128xf32, #tpu.memory_space<vmem>>)
      %ge3A_247 = arith.constant 2 : i32
      %ge3A_248 = arith.cmpi sge, %add3A_240, %ge3A_247 : i32
      %convert_element_type3A_249 = arith.extui %ge3A_248 : i1 to i32
      %cond3A_250 = arith.constant 0 : i32
      %cond3A_251 = arith.cmpi ne, %convert_element_type3A_249, %cond3A_250 : i32
      scf.if %cond3A_251 {
        %sub3A_265 = arith.constant 2 : i32
        %sub3A_266 = arith.subi %add3A_240, %sub3A_265 : i32
        %dma_wait3A_267 = arith.constant 0 : i32
        %dma_wait3A_268 = tpu.memref_slice %arg8[%sub3A_266, %dma_wait3A_267] : memref<328x64xi32, #tpu.memory_space<vmem>> -> memref<1x64xi32, #tpu.memory_space<vmem>>
        %dma_wait3A_269 = tpu.memref_squeeze %dma_wait3A_268 : memref<1x64xi32, #tpu.memory_space<vmem>> -> memref<64xi32, #tpu.memory_space<vmem>>
        %dma_wait3A_270 = arith.constant 0 : i32
        %dma_wait3A_271 = arith.constant 0 : i32
        %dma_wait3A_272 = tpu.memref_slice %arg15[%dma_wait3A_270, %dma_wait3A_271] : memref<5632x128xf32, #tpu.memory_space<vmem_shared>> -> memref<5632x128xf32, #tpu.memory_space<vmem_shared>>
        tpu.wait_indirect_dma semaphore(%arg23 : memref<!tpu.dma_semaphore, #tpu.memory_space<semaphore_mem>>) src(%arg12 : memref<64x128xf32, #tpu.memory_space<vmem>>) dst(%dma_wait3A_272 : memref<5632x128xf32, #tpu.memory_space<vmem_shared>>)
      } else {
      }
      %add3A_252 = arith.constant 3 : i32
      %add3A_253 = arith.addi %add3A_240, %add3A_252 : i32
      %lt3A_254 = arith.cmpi slt, %add3A_253, %max3A_47 : i32
      %convert_element_type3A_255 = arith.extui %lt3A_254 : i1 to i32
      %cond3A_256 = arith.constant 0 : i32
      %cond3A_257 = arith.cmpi ne, %convert_element_type3A_255, %cond3A_256 : i32
      scf.if %cond3A_257 {
        %add3A_265 = arith.constant 3 : i32
        %add3A_266 = arith.addi %add3A_240, %add3A_265 : i32
        %dma_start3A_267 = arith.constant 0 : i32
        %dma_start3A_268 = tpu.memref_slice %arg7[%add3A_266, %dma_start3A_267] : memref<328x64xi32, #tpu.memory_space<vmem>> -> memref<1x64xi32, #tpu.memory_space<vmem>>
        %dma_start3A_269 = tpu.memref_squeeze %dma_start3A_268 : memref<1x64xi32, #tpu.memory_space<vmem>> -> memref<64xi32, #tpu.memory_space<vmem>>
        %dma_start3A_270 = arith.constant 0 : i32
        %dma_start3A_271 = arith.constant 0 : i32
        %dma_start3A_272 = tpu.memref_slice %arg2[%dma_start3A_270, %dma_start3A_271] : memref<10000x128xf32, #tpu.memory_space<hbm>> -> memref<10000x128xf32, #tpu.memory_space<hbm>>
        tpu.enqueue_indirect_dma source(%dma_start3A_272 : memref<10000x128xf32, #tpu.memory_space<hbm>>) target(%arg12 : memref<64x128xf32, #tpu.memory_space<vmem>>) offsets(%dma_start3A_269 : memref<64xi32, #tpu.memory_space<vmem>>) semaphore(%arg18 : memref<!tpu.dma_semaphore, #tpu.memory_space<semaphore_mem>>)
      } else {
      }
      %dma_start3A_258 = arith.constant 0 : i32
      %dma_start3A_259 = tpu.memref_slice %arg8[%add3A_240, %dma_start3A_258] : memref<328x64xi32, #tpu.memory_space<vmem>> -> memref<1x64xi32, #tpu.memory_space<vmem>>
      %dma_start3A_260 = tpu.memref_squeeze %dma_start3A_259 : memref<1x64xi32, #tpu.memory_space<vmem>> -> memref<64xi32, #tpu.memory_space<vmem>>
      %dma_start3A_261 = arith.constant 0 : i32
      %dma_start3A_262 = arith.constant 0 : i32
      %dma_start3A_263 = tpu.memref_slice %arg15[%dma_start3A_261, %dma_start3A_262] : memref<5632x128xf32, #tpu.memory_space<vmem_shared>> -> memref<5632x128xf32, #tpu.memory_space<vmem_shared>>
      tpu.enqueue_indirect_dma source(%arg14 : memref<64x128xf32, #tpu.memory_space<vmem>>) target(%dma_start3A_263 : memref<5632x128xf32, #tpu.memory_space<vmem_shared>>) offsets(%dma_start3A_260 : memref<64xi32, #tpu.memory_space<vmem>>) semaphore(%arg25 : memref<!tpu.dma_semaphore, #tpu.memory_space<semaphore_mem>>) {add = true}
      %while3A_264 = arith.constant 0 : i32
      scf.yield %while3A_264 : i32
    }
    %while3A_121 = arith.constant 1 : i32
    %while3A_122 = scf.for %while3A_139 = %while3A_118 to %while3A_114 step %while3A_121 iter_args(%while3A_140 = %while3A_120) -> (i32)  : i32 {
      %mul3A_141 = arith.constant 5 : i32
      %mul3A_142 = arith.muli %while3A_139, %mul3A_141 : i32
      %add3A_143 = arith.constant 0 : i32
      %add3A_144 = arith.addi %mul3A_142, %add3A_143 : i32
      %dma_wait3A_145 = arith.constant 0 : i32
      %dma_wait3A_146 = tpu.memref_slice %arg7[%add3A_144, %dma_wait3A_145] : memref<328x64xi32, #tpu.memory_space<vmem>> -> memref<1x64xi32, #tpu.memory_space<vmem>>
      %dma_wait3A_147 = tpu.memref_squeeze %dma_wait3A_146 : memref<1x64xi32, #tpu.memory_space<vmem>> -> memref<64xi32, #tpu.memory_space<vmem>>
      %dma_wait3A_148 = arith.constant 0 : i32
      %dma_wait3A_149 = arith.constant 0 : i32
      %dma_wait3A_150 = tpu.memref_slice %arg2[%dma_wait3A_148, %dma_wait3A_149] : memref<10000x128xf32, #tpu.memory_space<hbm>> -> memref<10000x128xf32, #tpu.memory_space<hbm>>
      tpu.wait_indirect_dma semaphore(%arg16 : memref<!tpu.dma_semaphore, #tpu.memory_space<semaphore_mem>>) src(%dma_wait3A_150 : memref<10000x128xf32, #tpu.memory_space<hbm>>) dst(%arg10 : memref<64x128xf32, #tpu.memory_space<vmem>>)
      %ge3A = arith.constant 2 : i32
      %ge3A_151 = arith.cmpi sge, %add3A_144, %ge3A : i32
      %convert_element_type3A = arith.extui %ge3A_151 : i1 to i32
      %cond3A = arith.constant 0 : i32
      %cond3A_152 = arith.cmpi ne, %convert_element_type3A, %cond3A : i32
      scf.if %cond3A_152 {
        %sub3A_265 = arith.constant 2 : i32
        %sub3A_266 = arith.subi %add3A_144, %sub3A_265 : i32
        %dma_wait3A_267 = arith.constant 0 : i32
        %dma_wait3A_268 = tpu.memref_slice %arg8[%sub3A_266, %dma_wait3A_267] : memref<328x64xi32, #tpu.memory_space<vmem>> -> memref<1x64xi32, #tpu.memory_space<vmem>>
        %dma_wait3A_269 = tpu.memref_squeeze %dma_wait3A_268 : memref<1x64xi32, #tpu.memory_space<vmem>> -> memref<64xi32, #tpu.memory_space<vmem>>
        %dma_wait3A_270 = arith.constant 0 : i32
        %dma_wait3A_271 = arith.constant 0 : i32
        %dma_wait3A_272 = tpu.memref_slice %arg15[%dma_wait3A_270, %dma_wait3A_271] : memref<5632x128xf32, #tpu.memory_space<vmem_shared>> -> memref<5632x128xf32, #tpu.memory_space<vmem_shared>>
        tpu.wait_indirect_dma semaphore(%arg24 : memref<!tpu.dma_semaphore, #tpu.memory_space<semaphore_mem>>) src(%arg13 : memref<64x128xf32, #tpu.memory_space<vmem>>) dst(%dma_wait3A_272 : memref<5632x128xf32, #tpu.memory_space<vmem_shared>>)
      } else {
      }
      %add3A_153 = arith.constant 3 : i32
      %add3A_154 = arith.addi %add3A_144, %add3A_153 : i32
      %lt3A = arith.cmpi slt, %add3A_154, %max3A_47 : i32
      %convert_element_type3A_155 = arith.extui %lt3A : i1 to i32
      %cond3A_156 = arith.constant 0 : i32
      %cond3A_157 = arith.cmpi ne, %convert_element_type3A_155, %cond3A_156 : i32
      scf.if %cond3A_157 {
        %add3A_265 = arith.constant 3 : i32
        %add3A_266 = arith.addi %add3A_144, %add3A_265 : i32
        %dma_start3A_267 = arith.constant 0 : i32
        %dma_start3A_268 = tpu.memref_slice %arg7[%add3A_266, %dma_start3A_267] : memref<328x64xi32, #tpu.memory_space<vmem>> -> memref<1x64xi32, #tpu.memory_space<vmem>>
        %dma_start3A_269 = tpu.memref_squeeze %dma_start3A_268 : memref<1x64xi32, #tpu.memory_space<vmem>> -> memref<64xi32, #tpu.memory_space<vmem>>
        %dma_start3A_270 = arith.constant 0 : i32
        %dma_start3A_271 = arith.constant 0 : i32
        %dma_start3A_272 = tpu.memref_slice %arg2[%dma_start3A_270, %dma_start3A_271] : memref<10000x128xf32, #tpu.memory_space<hbm>> -> memref<10000x128xf32, #tpu.memory_space<hbm>>
        tpu.enqueue_indirect_dma source(%dma_start3A_272 : memref<10000x128xf32, #tpu.memory_space<hbm>>) target(%arg13 : memref<64x128xf32, #tpu.memory_space<vmem>>) offsets(%dma_start3A_269 : memref<64xi32, #tpu.memory_space<vmem>>) semaphore(%arg19 : memref<!tpu.dma_semaphore, #tpu.memory_space<semaphore_mem>>)
      } else {
      }
      %dma_start3A_158 = arith.constant 0 : i32
      %dma_start3A_159 = tpu.memref_slice %arg8[%add3A_144, %dma_start3A_158] : memref<328x64xi32, #tpu.memory_space<vmem>> -> memref<1x64xi32, #tpu.memory_space<vmem>>
      %dma_start3A_160 = tpu.memref_squeeze %dma_start3A_159 : memref<1x64xi32, #tpu.memory_space<vmem>> -> memref<64xi32, #tpu.memory_space<vmem>>
      %dma_start3A_161 = arith.constant 0 : i32
      %dma_start3A_162 = arith.constant 0 : i32
      %dma_start3A_163 = tpu.memref_slice %arg15[%dma_start3A_161, %dma_start3A_162] : memref<5632x128xf32, #tpu.memory_space<vmem_shared>> -> memref<5632x128xf32, #tpu.memory_space<vmem_shared>>
      tpu.enqueue_indirect_dma source(%arg10 : memref<64x128xf32, #tpu.memory_space<vmem>>) target(%dma_start3A_163 : memref<5632x128xf32, #tpu.memory_space<vmem_shared>>) offsets(%dma_start3A_160 : memref<64xi32, #tpu.memory_space<vmem>>) semaphore(%arg21 : memref<!tpu.dma_semaphore, #tpu.memory_space<semaphore_mem>>) {add = true}
      %add3A_164 = arith.constant 1 : i32
      %add3A_165 = arith.addi %mul3A_142, %add3A_164 : i32
      %dma_wait3A_166 = arith.constant 0 : i32
      %dma_wait3A_167 = tpu.memref_slice %arg7[%add3A_165, %dma_wait3A_166] : memref<328x64xi32, #tpu.memory_space<vmem>> -> memref<1x64xi32, #tpu.memory_space<vmem>>
      %dma_wait3A_168 = tpu.memref_squeeze %dma_wait3A_167 : memref<1x64xi32, #tpu.memory_space<vmem>> -> memref<64xi32, #tpu.memory_space<vmem>>
      %dma_wait3A_169 = arith.constant 0 : i32
      %dma_wait3A_170 = arith.constant 0 : i32
      %dma_wait3A_171 = tpu.memref_slice %arg2[%dma_wait3A_169, %dma_wait3A_170] : memref<10000x128xf32, #tpu.memory_space<hbm>> -> memref<10000x128xf32, #tpu.memory_space<hbm>>
      tpu.wait_indirect_dma semaphore(%arg17 : memref<!tpu.dma_semaphore, #tpu.memory_space<semaphore_mem>>) src(%dma_wait3A_171 : memref<10000x128xf32, #tpu.memory_space<hbm>>) dst(%arg11 : memref<64x128xf32, #tpu.memory_space<vmem>>)
      %ge3A_172 = arith.constant 2 : i32
      %ge3A_173 = arith.cmpi sge, %add3A_165, %ge3A_172 : i32
      %convert_element_type3A_174 = arith.extui %ge3A_173 : i1 to i32
      %cond3A_175 = arith.constant 0 : i32
      %cond3A_176 = arith.cmpi ne, %convert_element_type3A_174, %cond3A_175 : i32
      scf.if %cond3A_176 {
        %sub3A_265 = arith.constant 2 : i32
        %sub3A_266 = arith.subi %add3A_165, %sub3A_265 : i32
        %dma_wait3A_267 = arith.constant 0 : i32
        %dma_wait3A_268 = tpu.memref_slice %arg8[%sub3A_266, %dma_wait3A_267] : memref<328x64xi32, #tpu.memory_space<vmem>> -> memref<1x64xi32, #tpu.memory_space<vmem>>
        %dma_wait3A_269 = tpu.memref_squeeze %dma_wait3A_268 : memref<1x64xi32, #tpu.memory_space<vmem>> -> memref<64xi32, #tpu.memory_space<vmem>>
        %dma_wait3A_270 = arith.constant 0 : i32
        %dma_wait3A_271 = arith.constant 0 : i32
        %dma_wait3A_272 = tpu.memref_slice %arg15[%dma_wait3A_270, %dma_wait3A_271] : memref<5632x128xf32, #tpu.memory_space<vmem_shared>> -> memref<5632x128xf32, #tpu.memory_space<vmem_shared>>
        tpu.wait_indirect_dma semaphore(%arg25 : memref<!tpu.dma_semaphore, #tpu.memory_space<semaphore_mem>>) src(%arg14 : memref<64x128xf32, #tpu.memory_space<vmem>>) dst(%dma_wait3A_272 : memref<5632x128xf32, #tpu.memory_space<vmem_shared>>)
      } else {
      }
      %add3A_177 = arith.constant 3 : i32
      %add3A_178 = arith.addi %add3A_165, %add3A_177 : i32
      %lt3A_179 = arith.cmpi slt, %add3A_178, %max3A_47 : i32
      %convert_element_type3A_180 = arith.extui %lt3A_179 : i1 to i32
      %cond3A_181 = arith.constant 0 : i32
      %cond3A_182 = arith.cmpi ne, %convert_element_type3A_180, %cond3A_181 : i32
      scf.if %cond3A_182 {
        %add3A_265 = arith.constant 3 : i32
        %add3A_266 = arith.addi %add3A_165, %add3A_265 : i32
        %dma_start3A_267 = arith.constant 0 : i32
        %dma_start3A_268 = tpu.memref_slice %arg7[%add3A_266, %dma_start3A_267] : memref<328x64xi32, #tpu.memory_space<vmem>> -> memref<1x64xi32, #tpu.memory_space<vmem>>
        %dma_start3A_269 = tpu.memref_squeeze %dma_start3A_268 : memref<1x64xi32, #tpu.memory_space<vmem>> -> memref<64xi32, #tpu.memory_space<vmem>>
        %dma_start3A_270 = arith.constant 0 : i32
        %dma_start3A_271 = arith.constant 0 : i32
        %dma_start3A_272 = tpu.memref_slice %arg2[%dma_start3A_270, %dma_start3A_271] : memref<10000x128xf32, #tpu.memory_space<hbm>> -> memref<10000x128xf32, #tpu.memory_space<hbm>>
        tpu.enqueue_indirect_dma source(%dma_start3A_272 : memref<10000x128xf32, #tpu.memory_space<hbm>>) target(%arg14 : memref<64x128xf32, #tpu.memory_space<vmem>>) offsets(%dma_start3A_269 : memref<64xi32, #tpu.memory_space<vmem>>) semaphore(%arg20 : memref<!tpu.dma_semaphore, #tpu.memory_space<semaphore_mem>>)
      } else {
      }
      %dma_start3A_183 = arith.constant 0 : i32
      %dma_start3A_184 = tpu.memref_slice %arg8[%add3A_165, %dma_start3A_183] : memref<328x64xi32, #tpu.memory_space<vmem>> -> memref<1x64xi32, #tpu.memory_space<vmem>>
      %dma_start3A_185 = tpu.memref_squeeze %dma_start3A_184 : memref<1x64xi32, #tpu.memory_space<vmem>> -> memref<64xi32, #tpu.memory_space<vmem>>
      %dma_start3A_186 = arith.constant 0 : i32
      %dma_start3A_187 = arith.constant 0 : i32
      %dma_start3A_188 = tpu.memref_slice %arg15[%dma_start3A_186, %dma_start3A_187] : memref<5632x128xf32, #tpu.memory_space<vmem_shared>> -> memref<5632x128xf32, #tpu.memory_space<vmem_shared>>
      tpu.enqueue_indirect_dma source(%arg11 : memref<64x128xf32, #tpu.memory_space<vmem>>) target(%dma_start3A_188 : memref<5632x128xf32, #tpu.memory_space<vmem_shared>>) offsets(%dma_start3A_185 : memref<64xi32, #tpu.memory_space<vmem>>) semaphore(%arg22 : memref<!tpu.dma_semaphore, #tpu.memory_space<semaphore_mem>>) {add = true}
      %add3A_189 = arith.constant 2 : i32
      %add3A_190 = arith.addi %mul3A_142, %add3A_189 : i32
      %dma_wait3A_191 = arith.constant 0 : i32
      %dma_wait3A_192 = tpu.memref_slice %arg7[%add3A_190, %dma_wait3A_191] : memref<328x64xi32, #tpu.memory_space<vmem>> -> memref<1x64xi32, #tpu.memory_space<vmem>>
      %dma_wait3A_193 = tpu.memref_squeeze %dma_wait3A_192 : memref<1x64xi32, #tpu.memory_space<vmem>> -> memref<64xi32, #tpu.memory_space<vmem>>
      %dma_wait3A_194 = arith.constant 0 : i32
      %dma_wait3A_195 = arith.constant 0 : i32
      %dma_wait3A_196 = tpu.memref_slice %arg2[%dma_wait3A_194, %dma_wait3A_195] : memref<10000x128xf32, #tpu.memory_space<hbm>> -> memref<10000x128xf32, #tpu.memory_space<hbm>>
      tpu.wait_indirect_dma semaphore(%arg18 : memref<!tpu.dma_semaphore, #tpu.memory_space<semaphore_mem>>) src(%dma_wait3A_196 : memref<10000x128xf32, #tpu.memory_space<hbm>>) dst(%arg12 : memref<64x128xf32, #tpu.memory_space<vmem>>)
      %ge3A_197 = arith.constant 2 : i32
      %ge3A_198 = arith.cmpi sge, %add3A_190, %ge3A_197 : i32
      %convert_element_type3A_199 = arith.extui %ge3A_198 : i1 to i32
      %cond3A_200 = arith.constant 0 : i32
      %cond3A_201 = arith.cmpi ne, %convert_element_type3A_199, %cond3A_200 : i32
      scf.if %cond3A_201 {
        %sub3A_265 = arith.constant 2 : i32
        %sub3A_266 = arith.subi %add3A_190, %sub3A_265 : i32
        %dma_wait3A_267 = arith.constant 0 : i32
        %dma_wait3A_268 = tpu.memref_slice %arg8[%sub3A_266, %dma_wait3A_267] : memref<328x64xi32, #tpu.memory_space<vmem>> -> memref<1x64xi32, #tpu.memory_space<vmem>>
        %dma_wait3A_269 = tpu.memref_squeeze %dma_wait3A_268 : memref<1x64xi32, #tpu.memory_space<vmem>> -> memref<64xi32, #tpu.memory_space<vmem>>
        %dma_wait3A_270 = arith.constant 0 : i32
        %dma_wait3A_271 = arith.constant 0 : i32
        %dma_wait3A_272 = tpu.memref_slice %arg15[%dma_wait3A_270, %dma_wait3A_271] : memref<5632x128xf32, #tpu.memory_space<vmem_shared>> -> memref<5632x128xf32, #tpu.memory_space<vmem_shared>>
        tpu.wait_indirect_dma semaphore(%arg21 : memref<!tpu.dma_semaphore, #tpu.memory_space<semaphore_mem>>) src(%arg10 : memref<64x128xf32, #tpu.memory_space<vmem>>) dst(%dma_wait3A_272 : memref<5632x128xf32, #tpu.memory_space<vmem_shared>>)
      } else {
      }
      %add3A_202 = arith.constant 3 : i32
      %add3A_203 = arith.addi %add3A_190, %add3A_202 : i32
      %lt3A_204 = arith.cmpi slt, %add3A_203, %max3A_47 : i32
      %convert_element_type3A_205 = arith.extui %lt3A_204 : i1 to i32
      %cond3A_206 = arith.constant 0 : i32
      %cond3A_207 = arith.cmpi ne, %convert_element_type3A_205, %cond3A_206 : i32
      scf.if %cond3A_207 {
        %add3A_265 = arith.constant 3 : i32
        %add3A_266 = arith.addi %add3A_190, %add3A_265 : i32
        %dma_start3A_267 = arith.constant 0 : i32
        %dma_start3A_268 = tpu.memref_slice %arg7[%add3A_266, %dma_start3A_267] : memref<328x64xi32, #tpu.memory_space<vmem>> -> memref<1x64xi32, #tpu.memory_space<vmem>>
        %dma_start3A_269 = tpu.memref_squeeze %dma_start3A_268 : memref<1x64xi32, #tpu.memory_space<vmem>> -> memref<64xi32, #tpu.memory_space<vmem>>
        %dma_start3A_270 = arith.constant 0 : i32
        %dma_start3A_271 = arith.constant 0 : i32
        %dma_start3A_272 = tpu.memref_slice %arg2[%dma_start3A_270, %dma_start3A_271] : memref<10000x128xf32, #tpu.memory_space<hbm>> -> memref<10000x128xf32, #tpu.memory_space<hbm>>
        tpu.enqueue_indirect_dma source(%dma_start3A_272 : memref<10000x128xf32, #tpu.memory_space<hbm>>) target(%arg10 : memref<64x128xf32, #tpu.memory_space<vmem>>) offsets(%dma_start3A_269 : memref<64xi32, #tpu.memory_space<vmem>>) semaphore(%arg16 : memref<!tpu.dma_semaphore, #tpu.memory_space<semaphore_mem>>)
      } else {
      }
      %dma_start3A_208 = arith.constant 0 : i32
      %dma_start3A_209 = tpu.memref_slice %arg8[%add3A_190, %dma_start3A_208] : memref<328x64xi32, #tpu.memory_space<vmem>> -> memref<1x64xi32, #tpu.memory_space<vmem>>
      %dma_start3A_210 = tpu.memref_squeeze %dma_start3A_209 : memref<1x64xi32, #tpu.memory_space<vmem>> -> memref<64xi32, #tpu.memory_space<vmem>>
      %dma_start3A_211 = arith.constant 0 : i32
      %dma_start3A_212 = arith.constant 0 : i32
      %dma_start3A_213 = tpu.memref_slice %arg15[%dma_start3A_211, %dma_start3A_212] : memref<5632x128xf32, #tpu.memory_space<vmem_shared>> -> memref<5632x128xf32, #tpu.memory_space<vmem_shared>>
      tpu.enqueue_indirect_dma source(%arg12 : memref<64x128xf32, #tpu.memory_space<vmem>>) target(%dma_start3A_213 : memref<5632x128xf32, #tpu.memory_space<vmem_shared>>) offsets(%dma_start3A_210 : memref<64xi32, #tpu.memory_space<vmem>>) semaphore(%arg23 : memref<!tpu.dma_semaphore, #tpu.memory_space<semaphore_mem>>) {add = true}
      %add3A_214 = arith.constant 3 : i32
      %add3A_215 = arith.addi %mul3A_142, %add3A_214 : i32
      %dma_wait3A_216 = arith.constant 0 : i32
      %dma_wait3A_217 = tpu.memref_slice %arg7[%add3A_215, %dma_wait3A_216] : memref<328x64xi32, #tpu.memory_space<vmem>> -> memref<1x64xi32, #tpu.memory_space<vmem>>
      %dma_wait3A_218 = tpu.memref_squeeze %dma_wait3A_217 : memref<1x64xi32, #tpu.memory_space<vmem>> -> memref<64xi32, #tpu.memory_space<vmem>>
      %dma_wait3A_219 = arith.constant 0 : i32
      %dma_wait3A_220 = arith.constant 0 : i32
      %dma_wait3A_221 = tpu.memref_slice %arg2[%dma_wait3A_219, %dma_wait3A_220] : memref<10000x128xf32, #tpu.memory_space<hbm>> -> memref<10000x128xf32, #tpu.memory_space<hbm>>
      tpu.wait_indirect_dma semaphore(%arg19 : memref<!tpu.dma_semaphore, #tpu.memory_space<semaphore_mem>>) src(%dma_wait3A_221 : memref<10000x128xf32, #tpu.memory_space<hbm>>) dst(%arg13 : memref<64x128xf32, #tpu.memory_space<vmem>>)
      %ge3A_222 = arith.constant 2 : i32
      %ge3A_223 = arith.cmpi sge, %add3A_215, %ge3A_222 : i32
      %convert_element_type3A_224 = arith.extui %ge3A_223 : i1 to i32
      %cond3A_225 = arith.constant 0 : i32
      %cond3A_226 = arith.cmpi ne, %convert_element_type3A_224, %cond3A_225 : i32
      scf.if %cond3A_226 {
        %sub3A_265 = arith.constant 2 : i32
        %sub3A_266 = arith.subi %add3A_215, %sub3A_265 : i32
        %dma_wait3A_267 = arith.constant 0 : i32
        %dma_wait3A_268 = tpu.memref_slice %arg8[%sub3A_266, %dma_wait3A_267] : memref<328x64xi32, #tpu.memory_space<vmem>> -> memref<1x64xi32, #tpu.memory_space<vmem>>
        %dma_wait3A_269 = tpu.memref_squeeze %dma_wait3A_268 : memref<1x64xi32, #tpu.memory_space<vmem>> -> memref<64xi32, #tpu.memory_space<vmem>>
        %dma_wait3A_270 = arith.constant 0 : i32
        %dma_wait3A_271 = arith.constant 0 : i32
        %dma_wait3A_272 = tpu.memref_slice %arg15[%dma_wait3A_270, %dma_wait3A_271] : memref<5632x128xf32, #tpu.memory_space<vmem_shared>> -> memref<5632x128xf32, #tpu.memory_space<vmem_shared>>
        tpu.wait_indirect_dma semaphore(%arg22 : memref<!tpu.dma_semaphore, #tpu.memory_space<semaphore_mem>>) src(%arg11 : memref<64x128xf32, #tpu.memory_space<vmem>>) dst(%dma_wait3A_272 : memref<5632x128xf32, #tpu.memory_space<vmem_shared>>)
      } else {
      }
      %add3A_227 = arith.constant 3 : i32
      %add3A_228 = arith.addi %add3A_215, %add3A_227 : i32
      %lt3A_229 = arith.cmpi slt, %add3A_228, %max3A_47 : i32
      %convert_element_type3A_230 = arith.extui %lt3A_229 : i1 to i32
      %cond3A_231 = arith.constant 0 : i32
      %cond3A_232 = arith.cmpi ne, %convert_element_type3A_230, %cond3A_231 : i32
      scf.if %cond3A_232 {
        %add3A_265 = arith.constant 3 : i32
        %add3A_266 = arith.addi %add3A_215, %add3A_265 : i32
        %dma_start3A_267 = arith.constant 0 : i32
        %dma_start3A_268 = tpu.memref_slice %arg7[%add3A_266, %dma_start3A_267] : memref<328x64xi32, #tpu.memory_space<vmem>> -> memref<1x64xi32, #tpu.memory_space<vmem>>
        %dma_start3A_269 = tpu.memref_squeeze %dma_start3A_268 : memref<1x64xi32, #tpu.memory_space<vmem>> -> memref<64xi32, #tpu.memory_space<vmem>>
        %dma_start3A_270 = arith.constant 0 : i32
        %dma_start3A_271 = arith.constant 0 : i32
        %dma_start3A_272 = tpu.memref_slice %arg2[%dma_start3A_270, %dma_start3A_271] : memref<10000x128xf32, #tpu.memory_space<hbm>> -> memref<10000x128xf32, #tpu.memory_space<hbm>>
        tpu.enqueue_indirect_dma source(%dma_start3A_272 : memref<10000x128xf32, #tpu.memory_space<hbm>>) target(%arg11 : memref<64x128xf32, #tpu.memory_space<vmem>>) offsets(%dma_start3A_269 : memref<64xi32, #tpu.memory_space<vmem>>) semaphore(%arg17 : memref<!tpu.dma_semaphore, #tpu.memory_space<semaphore_mem>>)
      } else {
      }
      %dma_start3A_233 = arith.constant 0 : i32
      %dma_start3A_234 = tpu.memref_slice %arg8[%add3A_215, %dma_start3A_233] : memref<328x64xi32, #tpu.memory_space<vmem>> -> memref<1x64xi32, #tpu.memory_space<vmem>>
      %dma_start3A_235 = tpu.memref_squeeze %dma_start3A_234 : memref<1x64xi32, #tpu.memory_space<vmem>> -> memref<64xi32, #tpu.memory_space<vmem>>
      %dma_start3A_236 = arith.constant 0 : i32
      %dma_start3A_237 = arith.constant 0 : i32
      %dma_start3A_238 = tpu.memref_slice %arg15[%dma_start3A_236, %dma_start3A_237] : memref<5632x128xf32, #tpu.memory_space<vmem_shared>> -> memref<5632x128xf32, #tpu.memory_space<vmem_shared>>
      tpu.enqueue_indirect_dma source(%arg13 : memref<64x128xf32, #tpu.memory_space<vmem>>) target(%dma_start3A_238 : memref<5632x128xf32, #tpu.memory_space<vmem_shared>>) offsets(%dma_start3A_235 : memref<64xi32, #tpu.memory_space<vmem>>) semaphore(%arg24 : memref<!tpu.dma_semaphore, #tpu.memory_space<semaphore_mem>>) {add = true}
      %add3A_239 = arith.constant 4 : i32
      %add3A_240 = arith.addi %mul3A_142, %add3A_239 : i32
      %dma_wait3A_241 = arith.constant 0 : i32
      %dma_wait3A_242 = tpu.memref_slice %arg7[%add3A_240, %dma_wait3A_241] : memref<328x64xi32, #tpu.memory_space<vmem>> -> memref<1x64xi32, #tpu.memory_space<vmem>>
      %dma_wait3A_243 = tpu.memref_squeeze %dma_wait3A_242 : memref<1x64xi32, #tpu.memory_space<vmem>> -> memref<64xi32, #tpu.memory_space<vmem>>
      %dma_wait3A_244 = arith.constant 0 : i32
      %dma_wait3A_245 = arith.constant 0 : i32
      %dma_wait3A_246 = tpu.memref_slice %arg2[%dma_wait3A_244, %dma_wait3A_245] : memref<10000x128xf32, #tpu.memory_space<hbm>> -> memref<10000x128xf32, #tpu.memory_space<hbm>>
      tpu.wait_indirect_dma semaphore(%arg20 : memref<!tpu.dma_semaphore, #tpu.memory_space<semaphore_mem>>) src(%dma_wait3A_246 : memref<10000x128xf32, #tpu.memory_space<hbm>>) dst(%arg14 : memref<64x128xf32, #tpu.memory_space<vmem>>)
      %ge3A_247 = arith.constant 2 : i32
      %ge3A_248 = arith.cmpi sge, %add3A_240, %ge3A_247 : i32
      %convert_element_type3A_249 = arith.extui %ge3A_248 : i1 to i32
      %cond3A_250 = arith.constant 0 : i32
      %cond3A_251 = arith.cmpi ne, %convert_element_type3A_249, %cond3A_250 : i32
      scf.if %cond3A_251 {
        %sub3A_265 = arith.constant 2 : i32
        %sub3A_266 = arith.subi %add3A_240, %sub3A_265 : i32
        %dma_wait3A_267 = arith.constant 0 : i32
        %dma_wait3A_268 = tpu.memref_slice %arg8[%sub3A_266, %dma_wait3A_267] : memref<328x64xi32, #tpu.memory_space<vmem>> -> memref<1x64xi32, #tpu.memory_space<vmem>>
        %dma_wait3A_269 = tpu.memref_squeeze %dma_wait3A_268 : memref<1x64xi32, #tpu.memory_space<vmem>> -> memref<64xi32, #tpu.memory_space<vmem>>
        %dma_wait3A_270 = arith.constant 0 : i32
        %dma_wait3A_271 = arith.constant 0 : i32
        %dma_wait3A_272 = tpu.memref_slice %arg15[%dma_wait3A_270, %dma_wait3A_271] : memref<5632x128xf32, #tpu.memory_space<vmem_shared>> -> memref<5632x128xf32, #tpu.memory_space<vmem_shared>>
        tpu.wait_indirect_dma semaphore(%arg23 : memref<!tpu.dma_semaphore, #tpu.memory_space<semaphore_mem>>) src(%arg12 : memref<64x128xf32, #tpu.memory_space<vmem>>) dst(%dma_wait3A_272 : memref<5632x128xf32, #tpu.memory_space<vmem_shared>>)
      } else {
      }
      %add3A_252 = arith.constant 3 : i32
      %add3A_253 = arith.addi %add3A_240, %add3A_252 : i32
      %lt3A_254 = arith.cmpi slt, %add3A_253, %max3A_47 : i32
      %convert_element_type3A_255 = arith.extui %lt3A_254 : i1 to i32
      %cond3A_256 = arith.constant 0 : i32
      %cond3A_257 = arith.cmpi ne, %convert_element_type3A_255, %cond3A_256 : i32
      scf.if %cond3A_257 {
        %add3A_265 = arith.constant 3 : i32
        %add3A_266 = arith.addi %add3A_240, %add3A_265 : i32
        %dma_start3A_267 = arith.constant 0 : i32
        %dma_start3A_268 = tpu.memref_slice %arg7[%add3A_266, %dma_start3A_267] : memref<328x64xi32, #tpu.memory_space<vmem>> -> memref<1x64xi32, #tpu.memory_space<vmem>>
        %dma_start3A_269 = tpu.memref_squeeze %dma_start3A_268 : memref<1x64xi32, #tpu.memory_space<vmem>> -> memref<64xi32, #tpu.memory_space<vmem>>
        %dma_start3A_270 = arith.constant 0 : i32
        %dma_start3A_271 = arith.constant 0 : i32
        %dma_start3A_272 = tpu.memref_slice %arg2[%dma_start3A_270, %dma_start3A_271] : memref<10000x128xf32, #tpu.memory_space<hbm>> -> memref<10000x128xf32, #tpu.memory_space<hbm>>
        tpu.enqueue_indirect_dma source(%dma_start3A_272 : memref<10000x128xf32, #tpu.memory_space<hbm>>) target(%arg12 : memref<64x128xf32, #tpu.memory_space<vmem>>) offsets(%dma_start3A_269 : memref<64xi32, #tpu.memory_space<vmem>>) semaphore(%arg18 : memref<!tpu.dma_semaphore, #tpu.memory_space<semaphore_mem>>)
      } else {
      }
      %dma_start3A_258 = arith.constant 0 : i32
      %dma_start3A_259 = tpu.memref_slice %arg8[%add3A_240, %dma_start3A_258] : memref<328x64xi32, #tpu.memory_space<vmem>> -> memref<1x64xi32, #tpu.memory_space<vmem>>
      %dma_start3A_260 = tpu.memref_squeeze %dma_start3A_259 : memref<1x64xi32, #tpu.memory_space<vmem>> -> memref<64xi32, #tpu.memory_space<vmem>>
      %dma_start3A_261 = arith.constant 0 : i32
      %dma_start3A_262 = arith.constant 0 : i32
      %dma_start3A_263 = tpu.memref_slice %arg15[%dma_start3A_261, %dma_start3A_262] : memref<5632x128xf32, #tpu.memory_space<vmem_shared>> -> memref<5632x128xf32, #tpu.memory_space<vmem_shared>>
      tpu.enqueue_indirect_dma source(%arg14 : memref<64x128xf32, #tpu.memory_space<vmem>>) target(%dma_start3A_263 : memref<5632x128xf32, #tpu.memory_space<vmem_shared>>) offsets(%dma_start3A_260 : memref<64xi32, #tpu.memory_space<vmem>>) semaphore(%arg25 : memref<!tpu.dma_semaphore, #tpu.memory_space<semaphore_mem>>) {add = true}
      %while3A_264 = arith.constant 0 : i32
      scf.yield %while3A_264 : i32
    }
    %sub3A_123 = arith.constant 2 : i32
    %sub3A_124 = arith.subi %max3A_47, %sub3A_123 : i32
    %dma_wait3A = arith.constant 0 : i32
    %dma_wait3A_125 = tpu.memref_slice %arg8[%sub3A_124, %dma_wait3A] : memref<328x64xi32, #tpu.memory_space<vmem>> -> memref<1x64xi32, #tpu.memory_space<vmem>>
    %dma_wait3A_126 = tpu.memref_squeeze %dma_wait3A_125 : memref<1x64xi32, #tpu.memory_space<vmem>> -> memref<64xi32, #tpu.memory_space<vmem>>
    %dma_wait3A_127 = arith.constant 0 : i32
    %dma_wait3A_128 = arith.constant 0 : i32
    %dma_wait3A_129 = tpu.memref_slice %arg15[%dma_wait3A_127, %dma_wait3A_128] : memref<5632x128xf32, #tpu.memory_space<vmem_shared>> -> memref<5632x128xf32, #tpu.memory_space<vmem_shared>>
    tpu.wait_indirect_dma semaphore(%arg24 : memref<!tpu.dma_semaphore, #tpu.memory_space<semaphore_mem>>) src(%arg13 : memref<64x128xf32, #tpu.memory_space<vmem>>) dst(%dma_wait3A_129 : memref<5632x128xf32, #tpu.memory_space<vmem_shared>>)
    %sub3A_130 = arith.constant 1 : i32
    %sub3A_131 = arith.subi %max3A_47, %sub3A_130 : i32
    %dma_wait3A_132 = arith.constant 0 : i32
    %dma_wait3A_133 = tpu.memref_slice %arg8[%sub3A_131, %dma_wait3A_132] : memref<328x64xi32, #tpu.memory_space<vmem>> -> memref<1x64xi32, #tpu.memory_space<vmem>>
    %dma_wait3A_134 = tpu.memref_squeeze %dma_wait3A_133 : memref<1x64xi32, #tpu.memory_space<vmem>> -> memref<64xi32, #tpu.memory_space<vmem>>
    %dma_wait3A_135 = arith.constant 0 : i32
    %dma_wait3A_136 = arith.constant 0 : i32
    %dma_wait3A_137 = tpu.memref_slice %arg15[%dma_wait3A_135, %dma_wait3A_136] : memref<5632x128xf32, #tpu.memory_space<vmem_shared>> -> memref<5632x128xf32, #tpu.memory_space<vmem_shared>>
    tpu.wait_indirect_dma semaphore(%arg25 : memref<!tpu.dma_semaphore, #tpu.memory_space<semaphore_mem>>) src(%arg14 : memref<64x128xf32, #tpu.memory_space<vmem>>) dst(%dma_wait3A_137 : memref<5632x128xf32, #tpu.memory_space<vmem_shared>>)
    %barrier3A_138 = arith.constant 0 : index
    tpu.barrier barrier_id(%barrier3A_138)
    "tpu.region"() ({
      %run_scoped3A = tpu.sem_alloc : memref<!tpu.dma_semaphore, #tpu.memory_space<semaphore_mem>>
      %dma_start3A_139 = arith.constant 0 : i32
      %dma_start3A_140 = tpu.memref_slice %arg6[%arg0, %mul3A_55, %dma_start3A_139] : memref<2x5632x128xf32, #tpu.memory_space<hbm>> -> memref<1x352x128xf32, #tpu.memory_space<hbm>>
      %dma_start3A_141 = tpu.memref_squeeze %dma_start3A_140 : memref<1x352x128xf32, #tpu.memory_space<hbm>> -> memref<352x128xf32, #tpu.memory_space<hbm>>
      %dma_start3A_142 = arith.constant 0 : i32
      %dma_start3A_143 = tpu.memref_slice %arg15[%mul3A_55, %dma_start3A_142] : memref<5632x128xf32, #tpu.memory_space<vmem_shared>> -> memref<352x128xf32, #tpu.memory_space<vmem_shared>>
      tpu.enqueue_dma source(%dma_start3A_143 : memref<352x128xf32, #tpu.memory_space<vmem_shared>>) target(%dma_start3A_141 : memref<352x128xf32, #tpu.memory_space<hbm>>) target_semaphore(%run_scoped3A : memref<!tpu.dma_semaphore, #tpu.memory_space<semaphore_mem>>)
      %dma_wait3A_144 = arith.constant 0 : i32
      %dma_wait3A_145 = tpu.memref_slice %arg6[%arg0, %mul3A_55, %dma_wait3A_144] : memref<2x5632x128xf32, #tpu.memory_space<hbm>> -> memref<1x352x128xf32, #tpu.memory_space<hbm>>
      %dma_wait3A_146 = tpu.memref_squeeze %dma_wait3A_145 : memref<1x352x128xf32, #tpu.memory_space<hbm>> -> memref<352x128xf32, #tpu.memory_space<hbm>>
      %dma_wait3A_147 = arith.constant 0 : i32
      %dma_wait3A_148 = tpu.memref_slice %arg15[%mul3A_55, %dma_wait3A_147] : memref<5632x128xf32, #tpu.memory_space<vmem_shared>> -> memref<352x128xf32, #tpu.memory_space<vmem_shared>>
      tpu.wait_dma2 semaphore(%run_scoped3A : memref<!tpu.dma_semaphore, #tpu.memory_space<semaphore_mem>>) src(%dma_wait3A_148 : memref<352x128xf32, #tpu.memory_space<vmem_shared>>) dst(%dma_wait3A_146 : memref<352x128xf32, #tpu.memory_space<hbm>>)
      tpu.yield
    }) : () -> ()
    return
  }
}

#map = affine_map<(d0, d1) -> (0, 0)>
#map1 = affine_map<(d0, d1) -> (0, 0, 0, 0)>
#map2 = affine_map<(d0, d1) -> (0, 0, 0)>
module attributes {stable_mosaic.version = 14 : i64} {
  func.func @_agg_body(%arg0: i32, %arg1: i32, %arg2: memref<10000x128xf32, #tpu.memory_space<hbm>>, %arg3: memref<2x16x328x64xi32, #tpu.memory_space<hbm>>, %arg4: memref<2x16x328x64xi32, #tpu.memory_space<hbm>>, %arg5: memref<2x16x16xi32, #tpu.memory_space<hbm>>, %arg6: memref<2x5632x128xf32, #tpu.memory_space<hbm>>, %arg7: memref<328x64xi32, #tpu.memory_space<vmem>>, %arg8: memref<328x64xi32, #tpu.memory_space<vmem>>, %arg9: memref<16xi32, #tpu.memory_space<vmem>>, %arg10: memref<64x128xf32, #tpu.memory_space<vmem>>, %arg11: memref<64x128xf32, #tpu.memory_space<vmem>>, %arg12: memref<64x128xf32, #tpu.memory_space<vmem>>, %arg13: memref<64x128xf32, #tpu.memory_space<vmem>>, %arg14: memref<64x128xf32, #tpu.memory_space<vmem>>, %arg15: memref<5632x128xf32, #tpu.memory_space<vmem_shared>>, %arg16: memref<!tpu.dma_semaphore, #tpu.memory_space<semaphore_mem>>, %arg17: memref<!tpu.dma_semaphore, #tpu.memory_space<semaphore_mem>>, %arg18: memref<!tpu.dma_semaphore, #tpu.memory_space<semaphore_mem>>, %arg19: memref<!tpu.dma_semaphore, #tpu.memory_space<semaphore_mem>>, %arg20: memref<!tpu.dma_semaphore, #tpu.memory_space<semaphore_mem>>, %arg21: memref<!tpu.dma_semaphore, #tpu.memory_space<semaphore_mem>>, %arg22: memref<!tpu.dma_semaphore, #tpu.memory_space<semaphore_mem>>, %arg23: memref<!tpu.dma_semaphore, #tpu.memory_space<semaphore_mem>>, %arg24: memref<!tpu.dma_semaphore, #tpu.memory_space<semaphore_mem>>, %arg25: memref<!tpu.dma_semaphore, #tpu.memory_space<semaphore_mem>>) attributes {dimension_semantics = [#tpu.dimension_semantics<core_parallel>, #tpu.dimension_semantics<subcore_parallel>], iteration_bounds = array<i64: 2, 16>, scalar_prefetch = 0 : i64, scratch_operands = 19 : i64, tpu.core_type = #tpu.core_type<sc_vector_subcore>, window_params = [{transform_indices = #map}, {transform_indices = #map1}, {transform_indices = #map1}, {transform_indices = #map2}, {transform_indices = #map2}]} {
    "tpu.region"() ({
      %run_scoped3A = tpu.sem_alloc : memref<!tpu.dma_semaphore, #tpu.memory_space<semaphore_mem>>
      %dma_start3A_139 = arith.constant 0 : i32
      %dma_start3A_140 = arith.constant 0 : i32
      %dma_start3A_141 = tpu.memref_slice %arg3[%arg0, %arg1, %dma_start3A_139, %dma_start3A_140] : memref<2x16x328x64xi32, #tpu.memory_space<hbm>> -> memref<1x1x328x64xi32, #tpu.memory_space<hbm>>
      %dma_start3A_142 = tpu.memref_squeeze %dma_start3A_141 : memref<1x1x328x64xi32, #tpu.memory_space<hbm>> -> memref<328x64xi32, #tpu.memory_space<hbm>>
      %dma_start3A_143 = arith.constant 0 : i32
      %dma_start3A_144 = arith.constant 0 : i32
      %dma_start3A_145 = tpu.memref_slice %arg3[%arg0, %arg1, %dma_start3A_143, %dma_start3A_144] : memref<2x16x328x64xi32, #tpu.memory_space<hbm>> -> memref<1x1x328x64xi32, #tpu.memory_space<hbm>>
      %dma_start3A_146 = tpu.memref_squeeze %dma_start3A_145 : memref<1x1x328x64xi32, #tpu.memory_space<hbm>> -> memref<328x64xi32, #tpu.memory_space<hbm>>
      tpu.enqueue_dma source(%dma_start3A_146 : memref<328x64xi32, #tpu.memory_space<hbm>>) target(%arg7 : memref<328x64xi32, #tpu.memory_space<vmem>>) target_semaphore(%run_scoped3A : memref<!tpu.dma_semaphore, #tpu.memory_space<semaphore_mem>>)
      %dma_wait3A_147 = arith.constant 0 : i32
      %dma_wait3A_148 = arith.constant 0 : i32
      %dma_wait3A_149 = tpu.memref_slice %arg3[%arg0, %arg1, %dma_wait3A_147, %dma_wait3A_148] : memref<2x16x328x64xi32, #tpu.memory_space<hbm>> -> memref<1x1x328x64xi32, #tpu.memory_space<hbm>>
      %dma_wait3A_150 = tpu.memref_squeeze %dma_wait3A_149 : memref<1x1x328x64xi32, #tpu.memory_space<hbm>> -> memref<328x64xi32, #tpu.memory_space<hbm>>
      %dma_wait3A_151 = arith.constant 0 : i32
      %dma_wait3A_152 = arith.constant 0 : i32
      %dma_wait3A_153 = tpu.memref_slice %arg3[%arg0, %arg1, %dma_wait3A_151, %dma_wait3A_152] : memref<2x16x328x64xi32, #tpu.memory_space<hbm>> -> memref<1x1x328x64xi32, #tpu.memory_space<hbm>>
      %dma_wait3A_154 = tpu.memref_squeeze %dma_wait3A_153 : memref<1x1x328x64xi32, #tpu.memory_space<hbm>> -> memref<328x64xi32, #tpu.memory_space<hbm>>
      tpu.wait_dma2 semaphore(%run_scoped3A : memref<!tpu.dma_semaphore, #tpu.memory_space<semaphore_mem>>) src(%dma_wait3A_154 : memref<328x64xi32, #tpu.memory_space<hbm>>) dst(%arg7 : memref<328x64xi32, #tpu.memory_space<vmem>>)
      tpu.yield
    }) : () -> ()
    "tpu.region"() ({
      %run_scoped3A = tpu.sem_alloc : memref<!tpu.dma_semaphore, #tpu.memory_space<semaphore_mem>>
      %dma_start3A_139 = arith.constant 0 : i32
      %dma_start3A_140 = arith.constant 0 : i32
      %dma_start3A_141 = tpu.memref_slice %arg4[%arg0, %arg1, %dma_start3A_139, %dma_start3A_140] : memref<2x16x328x64xi32, #tpu.memory_space<hbm>> -> memref<1x1x328x64xi32, #tpu.memory_space<hbm>>
      %dma_start3A_142 = tpu.memref_squeeze %dma_start3A_141 : memref<1x1x328x64xi32, #tpu.memory_space<hbm>> -> memref<328x64xi32, #tpu.memory_space<hbm>>
      %dma_start3A_143 = arith.constant 0 : i32
      %dma_start3A_144 = arith.constant 0 : i32
      %dma_start3A_145 = tpu.memref_slice %arg4[%arg0, %arg1, %dma_start3A_143, %dma_start3A_144] : memref<2x16x328x64xi32, #tpu.memory_space<hbm>> -> memref<1x1x328x64xi32, #tpu.memory_space<hbm>>
      %dma_start3A_146 = tpu.memref_squeeze %dma_start3A_145 : memref<1x1x328x64xi32, #tpu.memory_space<hbm>> -> memref<328x64xi32, #tpu.memory_space<hbm>>
      tpu.enqueue_dma source(%dma_start3A_146 : memref<328x64xi32, #tpu.memory_space<hbm>>) target(%arg8 : memref<328x64xi32, #tpu.memory_space<vmem>>) target_semaphore(%run_scoped3A : memref<!tpu.dma_semaphore, #tpu.memory_space<semaphore_mem>>)
      %dma_wait3A_147 = arith.constant 0 : i32
      %dma_wait3A_148 = arith.constant 0 : i32
      %dma_wait3A_149 = tpu.memref_slice %arg4[%arg0, %arg1, %dma_wait3A_147, %dma_wait3A_148] : memref<2x16x328x64xi32, #tpu.memory_space<hbm>> -> memref<1x1x328x64xi32, #tpu.memory_space<hbm>>
      %dma_wait3A_150 = tpu.memref_squeeze %dma_wait3A_149 : memref<1x1x328x64xi32, #tpu.memory_space<hbm>> -> memref<328x64xi32, #tpu.memory_space<hbm>>
      %dma_wait3A_151 = arith.constant 0 : i32
      %dma_wait3A_152 = arith.constant 0 : i32
      %dma_wait3A_153 = tpu.memref_slice %arg4[%arg0, %arg1, %dma_wait3A_151, %dma_wait3A_152] : memref<2x16x328x64xi32, #tpu.memory_space<hbm>> -> memref<1x1x328x64xi32, #tpu.memory_space<hbm>>
      %dma_wait3A_154 = tpu.memref_squeeze %dma_wait3A_153 : memref<1x1x328x64xi32, #tpu.memory_space<hbm>> -> memref<328x64xi32, #tpu.memory_space<hbm>>
      tpu.wait_dma2 semaphore(%run_scoped3A : memref<!tpu.dma_semaphore, #tpu.memory_space<semaphore_mem>>) src(%dma_wait3A_154 : memref<328x64xi32, #tpu.memory_space<hbm>>) dst(%arg8 : memref<328x64xi32, #tpu.memory_space<vmem>>)
      tpu.yield
    }) : () -> ()
    "tpu.region"() ({
      %run_scoped3A = tpu.sem_alloc : memref<!tpu.dma_semaphore, #tpu.memory_space<semaphore_mem>>
      %dma_start3A_139 = arith.constant 0 : i32
      %dma_start3A_140 = tpu.memref_slice %arg5[%arg0, %arg1, %dma_start3A_139] : memref<2x16x16xi32, #tpu.memory_space<hbm>> -> memref<1x1x16xi32, #tpu.memory_space<hbm>>
      %dma_start3A_141 = tpu.memref_squeeze %dma_start3A_140 : memref<1x1x16xi32, #tpu.memory_space<hbm>> -> memref<16xi32, #tpu.memory_space<hbm>>
      %dma_start3A_142 = arith.constant 0 : i32
      %dma_start3A_143 = tpu.memref_slice %arg5[%arg0, %arg1, %dma_start3A_142] : memref<2x16x16xi32, #tpu.memory_space<hbm>> -> memref<1x1x16xi32, #tpu.memory_space<hbm>>
      %dma_start3A_144 = tpu.memref_squeeze %dma_start3A_143 : memref<1x1x16xi32, #tpu.memory_space<hbm>> -> memref<16xi32, #tpu.memory_space<hbm>>
      tpu.enqueue_dma source(%dma_start3A_144 : memref<16xi32, #tpu.memory_space<hbm>>) target(%arg9 : memref<16xi32, #tpu.memory_space<vmem>>) target_semaphore(%run_scoped3A : memref<!tpu.dma_semaphore, #tpu.memory_space<semaphore_mem>>)
      %dma_wait3A_145 = arith.constant 0 : i32
      %dma_wait3A_146 = tpu.memref_slice %arg5[%arg0, %arg1, %dma_wait3A_145] : memref<2x16x16xi32, #tpu.memory_space<hbm>> -> memref<1x1x16xi32, #tpu.memory_space<hbm>>
      %dma_wait3A_147 = tpu.memref_squeeze %dma_wait3A_146 : memref<1x1x16xi32, #tpu.memory_space<hbm>> -> memref<16xi32, #tpu.memory_space<hbm>>
      %dma_wait3A_148 = arith.constant 0 : i32
      %dma_wait3A_149 = tpu.memref_slice %arg5[%arg0, %arg1, %dma_wait3A_148] : memref<2x16x16xi32, #tpu.memory_space<hbm>> -> memref<1x1x16xi32, #tpu.memory_space<hbm>>
      %dma_wait3A_150 = tpu.memref_squeeze %dma_wait3A_149 : memref<1x1x16xi32, #tpu.memory_space<hbm>> -> memref<16xi32, #tpu.memory_space<hbm>>
      tpu.wait_dma2 semaphore(%run_scoped3A : memref<!tpu.dma_semaphore, #tpu.memory_space<semaphore_mem>>) src(%dma_wait3A_150 : memref<16xi32, #tpu.memory_space<hbm>>) dst(%arg9 : memref<16xi32, #tpu.memory_space<vmem>>)
      tpu.yield
    }) : () -> ()
    %get3A = arith.constant 0 : index
    %get3A_0 = tpu.vector_load %arg9[%get3A] {strides = array<i32>} : memref<16xi32, #tpu.memory_space<vmem>>, vector<16xi32>,
    %slice3A = vector.extract_strided_slice %get3A_0 {offsets = [0], sizes = [1], strides = [1]} : vector<16xi32> to vector<1xi32>
    %squeeze3A = vector.extract %slice3A[0] : i32 from vector<1xi32>
    %add3A = arith.constant 63 : i32
    %add3A_1 = arith.addi %squeeze3A, %add3A : i32
    %jit3A = arith.constant 64 : i32
    %div3A = arith.divsi %add3A_1, %jit3A : i32
    %sign3A = arith.constant 0 : i32
    %sign3A_2 = arith.cmpi sgt, %add3A_1, %sign3A : i32
    %sign3A_3 = arith.extui %sign3A_2 : i1 to i32
    %sign3A_4 = arith.constant 0 : i32
    %sign3A_5 = arith.cmpi slt, %add3A_1, %sign3A_4 : i32
    %sign3A_6 = arith.extui %sign3A_5 : i1 to i32
    %sign3A_7 = arith.subi %sign3A_3, %sign3A_6 : i32
    %sign3A_8 = arith.constant 0 : i32
    %sign3A_9 = arith.cmpi sgt, %jit3A, %sign3A_8 : i32
    %sign3A_10 = arith.extui %sign3A_9 : i1 to i32
    %sign3A_11 = arith.constant 0 : i32
    %sign3A_12 = arith.cmpi slt, %jit3A, %sign3A_11 : i32
    %sign3A_13 = arith.extui %sign3A_12 : i1 to i32
    %sign3A_14 = arith.subi %sign3A_10, %sign3A_13 : i32
    %ne3A = arith.cmpi ne, %sign3A_7, %sign3A_14 : i32
    %rem3A = arith.remsi %add3A_1, %jit3A : i32
    %ne3A_15 = arith.constant 0 : i32
    %ne3A_16 = arith.cmpi ne, %rem3A, %ne3A_15 : i32
    %and3A = arith.andi %ne3A, %ne3A_16 : i1
    %sub3A = arith.constant 1 : i32
    %sub3A_17 = arith.subi %div3A, %sub3A : i32
    %select_n3A = arith.select %and3A, %sub3A_17, %div3A : i32
    %add3A_18 = arith.constant 5 : i32
    %add3A_19 = arith.addi %select_n3A, %add3A_18 : i32
    %sub3A_20 = arith.constant 1 : i32
    %sub3A_21 = arith.subi %add3A_19, %sub3A_20 : i32
    %jit3A_22 = arith.constant 5 : i32
    %div3A_23 = arith.divsi %sub3A_21, %jit3A_22 : i32
    %sign3A_24 = arith.constant 0 : i32
    %sign3A_25 = arith.cmpi sgt, %sub3A_21, %sign3A_24 : i32
    %sign3A_26 = arith.extui %sign3A_25 : i1 to i32
    %sign3A_27 = arith.constant 0 : i32
    %sign3A_28 = arith.cmpi slt, %sub3A_21, %sign3A_27 : i32
    %sign3A_29 = arith.extui %sign3A_28 : i1 to i32
    %sign3A_30 = arith.subi %sign3A_26, %sign3A_29 : i32
    %sign3A_31 = arith.constant 0 : i32
    %sign3A_32 = arith.cmpi sgt, %jit3A_22, %sign3A_31 : i32
    %sign3A_33 = arith.extui %sign3A_32 : i1 to i32
    %sign3A_34 = arith.constant 0 : i32
    %sign3A_35 = arith.cmpi slt, %jit3A_22, %sign3A_34 : i32
    %sign3A_36 = arith.extui %sign3A_35 : i1 to i32
    %sign3A_37 = arith.subi %sign3A_33, %sign3A_36 : i32
    %ne3A_38 = arith.cmpi ne, %sign3A_30, %sign3A_37 : i32
    %rem3A_39 = arith.remsi %sub3A_21, %jit3A_22 : i32
    %ne3A_40 = arith.constant 0 : i32
    %ne3A_41 = arith.cmpi ne, %rem3A_39, %ne3A_40 : i32
    %and3A_42 = arith.andi %ne3A_38, %ne3A_41 : i1
    %sub3A_43 = arith.constant 1 : i32
    %sub3A_44 = arith.subi %div3A_23, %sub3A_43 : i32
    %select_n3A_45 = arith.select %and3A_42, %sub3A_44, %div3A_23 : i32
    %mul3A = arith.constant 5 : i32
    %mul3A_46 = arith.muli %select_n3A_45, %mul3A : i32
    %max3A = arith.constant 5 : i32
    %max3A_47 = arith.maxsi %mul3A_46, %max3A : i32
    %scan3A = arith.constant 0 : i32
    %scan3A_48 = arith.constant 0 : i32
    %scan3A_49 = arith.constant 64 : i32
    %scan3A_50 = arith.addi %scan3A_48, %scan3A_49 : i32
    %scan3A_51 = arith.constant 1 : i32
    %scan3A_52 = scf.for %scan3A_139 = %scan3A_48 to %scan3A_50 step %scan3A_51 iter_args(%scan3A_140 = %scan3A) -> (i32)  : i32 {
      %broadcast_in_dim3A = arith.constant 0.000000e+00 : f32
      %broadcast_in_dim3A_141 = vector.broadcast %broadcast_in_dim3A : f32 to vector<16xf32>
      %swap3A = arith.index_cast %scan3A_139 : i32 to index
      %swap3A_142 = arith.constant 0 : index
      %swap3A_143 = tpu.vector_load %arg10[%swap3A, %swap3A_142] {strides = array<i32>} : memref<64x128xf32, #tpu.memory_space<vmem>>, vector<16xf32>,
      tpu.vector_store %arg10[%swap3A, %swap3A_142], %broadcast_in_dim3A_141 {strides = array<i32>} : memref<64x128xf32, #tpu.memory_space<vmem>>, vector<16xf32>,
      %broadcast_in_dim3A_144 = arith.constant 0.000000e+00 : f32
      %broadcast_in_dim3A_145 = vector.broadcast %broadcast_in_dim3A_144 : f32 to vector<16xf32>
      %swap3A_146 = arith.index_cast %scan3A_139 : i32 to index
      %swap3A_147 = arith.constant 16 : index
      %swap3A_148 = tpu.vector_load %arg10[%swap3A_146, %swap3A_147] {strides = array<i32>} : memref<64x128xf32, #tpu.memory_space<vmem>>, vector<16xf32>,
      tpu.vector_store %arg10[%swap3A_146, %swap3A_147], %broadcast_in_dim3A_145 {strides = array<i32>} : memref<64x128xf32, #tpu.memory_space<vmem>>, vector<16xf32>,
      %broadcast_in_dim3A_149 = arith.constant 0.000000e+00 : f32
      %broadcast_in_dim3A_150 = vector.broadcast %broadcast_in_dim3A_149 : f32 to vector<16xf32>
      %swap3A_151 = arith.index_cast %scan3A_139 : i32 to index
      %swap3A_152 = arith.constant 32 : index
      %swap3A_153 = tpu.vector_load %arg10[%swap3A_151, %swap3A_152] {strides = array<i32>} : memref<64x128xf32, #tpu.memory_space<vmem>>, vector<16xf32>,
      tpu.vector_store %arg10[%swap3A_151, %swap3A_152], %broadcast_in_dim3A_150 {strides = array<i32>} : memref<64x128xf32, #tpu.memory_space<vmem>>, vector<16xf32>,
      %broadcast_in_dim3A_154 = arith.constant 0.000000e+00 : f32
      %broadcast_in_dim3A_155 = vector.broadcast %broadcast_in_dim3A_154 : f32 to vector<16xf32>
      %swap3A_156 = arith.index_cast %scan3A_139 : i32 to index
      %swap3A_157 = arith.constant 48 : index
      %swap3A_158 = tpu.vector_load %arg10[%swap3A_156, %swap3A_157] {strides = array<i32>} : memref<64x128xf32, #tpu.memory_space<vmem>>, vector<16xf32>,
      tpu.vector_store %arg10[%swap3A_156, %swap3A_157], %broadcast_in_dim3A_155 {strides = array<i32>} : memref<64x128xf32, #tpu.memory_space<vmem>>, vector<16xf32>,
      %broadcast_in_dim3A_159 = arith.constant 0.000000e+00 : f32
      %broadcast_in_dim3A_160 = vector.broadcast %broadcast_in_dim3A_159 : f32 to vector<16xf32>
      %swap3A_161 = arith.index_cast %scan3A_139 : i32 to index
      %swap3A_162 = arith.constant 64 : index
      %swap3A_163 = tpu.vector_load %arg10[%swap3A_161, %swap3A_162] {strides = array<i32>} : memref<64x128xf32, #tpu.memory_space<vmem>>, vector<16xf32>,
      tpu.vector_store %arg10[%swap3A_161, %swap3A_162], %broadcast_in_dim3A_160 {strides = array<i32>} : memref<64x128xf32, #tpu.memory_space<vmem>>, vector<16xf32>,
      %broadcast_in_dim3A_164 = arith.constant 0.000000e+00 : f32
      %broadcast_in_dim3A_165 = vector.broadcast %broadcast_in_dim3A_164 : f32 to vector<16xf32>
      %swap3A_166 = arith.index_cast %scan3A_139 : i32 to index
      %swap3A_167 = arith.constant 80 : index
      %swap3A_168 = tpu.vector_load %arg10[%swap3A_166, %swap3A_167] {strides = array<i32>} : memref<64x128xf32, #tpu.memory_space<vmem>>, vector<16xf32>,
      tpu.vector_store %arg10[%swap3A_166, %swap3A_167], %broadcast_in_dim3A_165 {strides = array<i32>} : memref<64x128xf32, #tpu.memory_space<vmem>>, vector<16xf32>,
      %broadcast_in_dim3A_169 = arith.constant 0.000000e+00 : f32
      %broadcast_in_dim3A_170 = vector.broadcast %broadcast_in_dim3A_169 : f32 to vector<16xf32>
      %swap3A_171 = arith.index_cast %scan3A_139 : i32 to index
      %swap3A_172 = arith.constant 96 : index
      %swap3A_173 = tpu.vector_load %arg10[%swap3A_171, %swap3A_172] {strides = array<i32>} : memref<64x128xf32, #tpu.memory_space<vmem>>, vector<16xf32>,
      tpu.vector_store %arg10[%swap3A_171, %swap3A_172], %broadcast_in_dim3A_170 {strides = array<i32>} : memref<64x128xf32, #tpu.memory_space<vmem>>, vector<16xf32>,
      %broadcast_in_dim3A_174 = arith.constant 0.000000e+00 : f32
      %broadcast_in_dim3A_175 = vector.broadcast %broadcast_in_dim3A_174 : f32 to vector<16xf32>
      %swap3A_176 = arith.index_cast %scan3A_139 : i32 to index
      %swap3A_177 = arith.constant 112 : index
      %swap3A_178 = tpu.vector_load %arg10[%swap3A_176, %swap3A_177] {strides = array<i32>} : memref<64x128xf32, #tpu.memory_space<vmem>>, vector<16xf32>,
      tpu.vector_store %arg10[%swap3A_176, %swap3A_177], %broadcast_in_dim3A_175 {strides = array<i32>} : memref<64x128xf32, #tpu.memory_space<vmem>>, vector<16xf32>,
      %scan3A_179 = arith.constant 0 : i32
      scf.yield %scan3A_179 : i32
    }
    %scan3A_53 = arith.constant 64 : i32
    %mul3A_54 = arith.constant 352 : i32
    %mul3A_55 = arith.muli %arg1, %mul3A_54 : i32
    %add3A_56 = arith.constant 0 : i32
    %add3A_57 = arith.addi %mul3A_55, %add3A_56 : i32
    "tpu.region"() ({
      %run_scoped3A = tpu.sem_alloc : memref<!tpu.dma_semaphore, #tpu.memory_space<semaphore_mem>>
      %dma_start3A_139 = arith.constant 0 : i32
      %dma_start3A_140 = arith.constant 0 : i32
      %dma_start3A_141 = tpu.memref_slice %arg10[%dma_start3A_139, %dma_start3A_140] : memref<64x128xf32, #tpu.memory_space<vmem>> -> memref<64x128xf32, #tpu.memory_space<vmem>>
      %dma_start3A_142 = arith.constant 0 : i32
      %dma_start3A_143 = tpu.memref_slice %arg15[%add3A_57, %dma_start3A_142] : memref<5632x128xf32, #tpu.memory_space<vmem_shared>> -> memref<64x128xf32, #tpu.memory_space<vmem_shared>>
      %dma_start3A_144 = arith.constant 0 : i32
      %dma_start3A_145 = tpu.memref_slice %arg15[%add3A_57, %dma_start3A_144] : memref<5632x128xf32, #tpu.memory_space<vmem_shared>> -> memref<64x128xf32, #tpu.memory_space<vmem_shared>>
      %dma_start3A_146 = arith.constant 0 : i32
      %dma_start3A_147 = arith.constant 0 : i32
      %dma_start3A_148 = tpu.memref_slice %arg10[%dma_start3A_146, %dma_start3A_147] : memref<64x128xf32, #tpu.memory_space<vmem>> -> memref<64x128xf32, #tpu.memory_space<vmem>>
      tpu.enqueue_dma source(%dma_start3A_148 : memref<64x128xf32, #tpu.memory_space<vmem>>) target(%dma_start3A_145 : memref<64x128xf32, #tpu.memory_space<vmem_shared>>) target_semaphore(%run_scoped3A : memref<!tpu.dma_semaphore, #tpu.memory_space<semaphore_mem>>)
      %dma_wait3A_149 = arith.constant 0 : i32
      %dma_wait3A_150 = arith.constant 0 : i32
      %dma_wait3A_151 = tpu.memref_slice %arg10[%dma_wait3A_149, %dma_wait3A_150] : memref<64x128xf32, #tpu.memory_space<vmem>> -> memref<64x128xf32, #tpu.memory_space<vmem>>
      %dma_wait3A_152 = arith.constant 0 : i32
      %dma_wait3A_153 = tpu.memref_slice %arg15[%add3A_57, %dma_wait3A_152] : memref<5632x128xf32, #tpu.memory_space<vmem_shared>> -> memref<64x128xf32, #tpu.memory_space<vmem_shared>>
      %dma_wait3A_154 = arith.constant 0 : i32
      %dma_wait3A_155 = tpu.memref_slice %arg15[%add3A_57, %dma_wait3A_154] : memref<5632x128xf32, #tpu.memory_space<vmem_shared>> -> memref<64x128xf32, #tpu.memory_space<vmem_shared>>
      %dma_wait3A_156 = arith.constant 0 : i32
      %dma_wait3A_157 = arith.constant 0 : i32
      %dma_wait3A_158 = tpu.memref_slice %arg10[%dma_wait3A_156, %dma_wait3A_157] : memref<64x128xf32, #tpu.memory_space<vmem>> -> memref<64x128xf32, #tpu.memory_space<vmem>>
      tpu.wait_dma2 semaphore(%run_scoped3A : memref<!tpu.dma_semaphore, #tpu.memory_space<semaphore_mem>>) src(%dma_wait3A_158 : memref<64x128xf32, #tpu.memory_space<vmem>>) dst(%dma_wait3A_155 : memref<64x128xf32, #tpu.memory_space<vmem_shared>>)
      tpu.yield
    }) : () -> ()
    %add3A_58 = arith.constant 64 : i32
    %add3A_59 = arith.addi %mul3A_55, %add3A_58 : i32
    "tpu.region"() ({
      %run_scoped3A = tpu.sem_alloc : memref<!tpu.dma_semaphore, #tpu.memory_space<semaphore_mem>>
      %dma_start3A_139 = arith.constant 0 : i32
      %dma_start3A_140 = arith.constant 0 : i32
      %dma_start3A_141 = tpu.memref_slice %arg10[%dma_start3A_139, %dma_start3A_140] : memref<64x128xf32, #tpu.memory_space<vmem>> -> memref<64x128xf32, #tpu.memory_space<vmem>>
      %dma_start3A_142 = arith.constant 0 : i32
      %dma_start3A_143 = tpu.memref_slice %arg15[%add3A_59, %dma_start3A_142] : memref<5632x128xf32, #tpu.memory_space<vmem_shared>> -> memref<64x128xf32, #tpu.memory_space<vmem_shared>>
      %dma_start3A_144 = arith.constant 0 : i32
      %dma_start3A_145 = tpu.memref_slice %arg15[%add3A_59, %dma_start3A_144] : memref<5632x128xf32, #tpu.memory_space<vmem_shared>> -> memref<64x128xf32, #tpu.memory_space<vmem_shared>>
      %dma_start3A_146 = arith.constant 0 : i32
      %dma_start3A_147 = arith.constant 0 : i32
      %dma_start3A_148 = tpu.memref_slice %arg10[%dma_start3A_146, %dma_start3A_147] : memref<64x128xf32, #tpu.memory_space<vmem>> -> memref<64x128xf32, #tpu.memory_space<vmem>>
      tpu.enqueue_dma source(%dma_start3A_148 : memref<64x128xf32, #tpu.memory_space<vmem>>) target(%dma_start3A_145 : memref<64x128xf32, #tpu.memory_space<vmem_shared>>) target_semaphore(%run_scoped3A : memref<!tpu.dma_semaphore, #tpu.memory_space<semaphore_mem>>)
      %dma_wait3A_149 = arith.constant 0 : i32
      %dma_wait3A_150 = arith.constant 0 : i32
      %dma_wait3A_151 = tpu.memref_slice %arg10[%dma_wait3A_149, %dma_wait3A_150] : memref<64x128xf32, #tpu.memory_space<vmem>> -> memref<64x128xf32, #tpu.memory_space<vmem>>
      %dma_wait3A_152 = arith.constant 0 : i32
      %dma_wait3A_153 = tpu.memref_slice %arg15[%add3A_59, %dma_wait3A_152] : memref<5632x128xf32, #tpu.memory_space<vmem_shared>> -> memref<64x128xf32, #tpu.memory_space<vmem_shared>>
      %dma_wait3A_154 = arith.constant 0 : i32
      %dma_wait3A_155 = tpu.memref_slice %arg15[%add3A_59, %dma_wait3A_154] : memref<5632x128xf32, #tpu.memory_space<vmem_shared>> -> memref<64x128xf32, #tpu.memory_space<vmem_shared>>
      %dma_wait3A_156 = arith.constant 0 : i32
      %dma_wait3A_157 = arith.constant 0 : i32
      %dma_wait3A_158 = tpu.memref_slice %arg10[%dma_wait3A_156, %dma_wait3A_157] : memref<64x128xf32, #tpu.memory_space<vmem>> -> memref<64x128xf32, #tpu.memory_space<vmem>>
      tpu.wait_dma2 semaphore(%run_scoped3A : memref<!tpu.dma_semaphore, #tpu.memory_space<semaphore_mem>>) src(%dma_wait3A_158 : memref<64x128xf32, #tpu.memory_space<vmem>>) dst(%dma_wait3A_155 : memref<64x128xf32, #tpu.memory_space<vmem_shared>>)
      tpu.yield
    }) : () -> ()
    %add3A_60 = arith.constant 128 : i32
    %add3A_61 = arith.addi %mul3A_55, %add3A_60 : i32
    "tpu.region"() ({
      %run_scoped3A = tpu.sem_alloc : memref<!tpu.dma_semaphore, #tpu.memory_space<semaphore_mem>>
      %dma_start3A_139 = arith.constant 0 : i32
      %dma_start3A_140 = arith.constant 0 : i32
      %dma_start3A_141 = tpu.memref_slice %arg10[%dma_start3A_139, %dma_start3A_140] : memref<64x128xf32, #tpu.memory_space<vmem>> -> memref<64x128xf32, #tpu.memory_space<vmem>>
      %dma_start3A_142 = arith.constant 0 : i32
      %dma_start3A_143 = tpu.memref_slice %arg15[%add3A_61, %dma_start3A_142] : memref<5632x128xf32, #tpu.memory_space<vmem_shared>> -> memref<64x128xf32, #tpu.memory_space<vmem_shared>>
      %dma_start3A_144 = arith.constant 0 : i32
      %dma_start3A_145 = tpu.memref_slice %arg15[%add3A_61, %dma_start3A_144] : memref<5632x128xf32, #tpu.memory_space<vmem_shared>> -> memref<64x128xf32, #tpu.memory_space<vmem_shared>>
      %dma_start3A_146 = arith.constant 0 : i32
      %dma_start3A_147 = arith.constant 0 : i32
      %dma_start3A_148 = tpu.memref_slice %arg10[%dma_start3A_146, %dma_start3A_147] : memref<64x128xf32, #tpu.memory_space<vmem>> -> memref<64x128xf32, #tpu.memory_space<vmem>>
      tpu.enqueue_dma source(%dma_start3A_148 : memref<64x128xf32, #tpu.memory_space<vmem>>) target(%dma_start3A_145 : memref<64x128xf32, #tpu.memory_space<vmem_shared>>) target_semaphore(%run_scoped3A : memref<!tpu.dma_semaphore, #tpu.memory_space<semaphore_mem>>)
      %dma_wait3A_149 = arith.constant 0 : i32
      %dma_wait3A_150 = arith.constant 0 : i32
      %dma_wait3A_151 = tpu.memref_slice %arg10[%dma_wait3A_149, %dma_wait3A_150] : memref<64x128xf32, #tpu.memory_space<vmem>> -> memref<64x128xf32, #tpu.memory_space<vmem>>
      %dma_wait3A_152 = arith.constant 0 : i32
      %dma_wait3A_153 = tpu.memref_slice %arg15[%add3A_61, %dma_wait3A_152] : memref<5632x128xf32, #tpu.memory_space<vmem_shared>> -> memref<64x128xf32, #tpu.memory_space<vmem_shared>>
      %dma_wait3A_154 = arith.constant 0 : i32
      %dma_wait3A_155 = tpu.memref_slice %arg15[%add3A_61, %dma_wait3A_154] : memref<5632x128xf32, #tpu.memory_space<vmem_shared>> -> memref<64x128xf32, #tpu.memory_space<vmem_shared>>
      %dma_wait3A_156 = arith.constant 0 : i32
      %dma_wait3A_157 = arith.constant 0 : i32
      %dma_wait3A_158 = tpu.memref_slice %arg10[%dma_wait3A_156, %dma_wait3A_157] : memref<64x128xf32, #tpu.memory_space<vmem>> -> memref<64x128xf32, #tpu.memory_space<vmem>>
      tpu.wait_dma2 semaphore(%run_scoped3A : memref<!tpu.dma_semaphore, #tpu.memory_space<semaphore_mem>>) src(%dma_wait3A_158 : memref<64x128xf32, #tpu.memory_space<vmem>>) dst(%dma_wait3A_155 : memref<64x128xf32, #tpu.memory_space<vmem_shared>>)
      tpu.yield
    }) : () -> ()
    %add3A_62 = arith.constant 192 : i32
    %add3A_63 = arith.addi %mul3A_55, %add3A_62 : i32
    "tpu.region"() ({
      %run_scoped3A = tpu.sem_alloc : memref<!tpu.dma_semaphore, #tpu.memory_space<semaphore_mem>>
      %dma_start3A_139 = arith.constant 0 : i32
      %dma_start3A_140 = arith.constant 0 : i32
      %dma_start3A_141 = tpu.memref_slice %arg10[%dma_start3A_139, %dma_start3A_140] : memref<64x128xf32, #tpu.memory_space<vmem>> -> memref<64x128xf32, #tpu.memory_space<vmem>>
      %dma_start3A_142 = arith.constant 0 : i32
      %dma_start3A_143 = tpu.memref_slice %arg15[%add3A_63, %dma_start3A_142] : memref<5632x128xf32, #tpu.memory_space<vmem_shared>> -> memref<64x128xf32, #tpu.memory_space<vmem_shared>>
      %dma_start3A_144 = arith.constant 0 : i32
      %dma_start3A_145 = tpu.memref_slice %arg15[%add3A_63, %dma_start3A_144] : memref<5632x128xf32, #tpu.memory_space<vmem_shared>> -> memref<64x128xf32, #tpu.memory_space<vmem_shared>>
      %dma_start3A_146 = arith.constant 0 : i32
      %dma_start3A_147 = arith.constant 0 : i32
      %dma_start3A_148 = tpu.memref_slice %arg10[%dma_start3A_146, %dma_start3A_147] : memref<64x128xf32, #tpu.memory_space<vmem>> -> memref<64x128xf32, #tpu.memory_space<vmem>>
      tpu.enqueue_dma source(%dma_start3A_148 : memref<64x128xf32, #tpu.memory_space<vmem>>) target(%dma_start3A_145 : memref<64x128xf32, #tpu.memory_space<vmem_shared>>) target_semaphore(%run_scoped3A : memref<!tpu.dma_semaphore, #tpu.memory_space<semaphore_mem>>)
      %dma_wait3A_149 = arith.constant 0 : i32
      %dma_wait3A_150 = arith.constant 0 : i32
      %dma_wait3A_151 = tpu.memref_slice %arg10[%dma_wait3A_149, %dma_wait3A_150] : memref<64x128xf32, #tpu.memory_space<vmem>> -> memref<64x128xf32, #tpu.memory_space<vmem>>
      %dma_wait3A_152 = arith.constant 0 : i32
      %dma_wait3A_153 = tpu.memref_slice %arg15[%add3A_63, %dma_wait3A_152] : memref<5632x128xf32, #tpu.memory_space<vmem_shared>> -> memref<64x128xf32, #tpu.memory_space<vmem_shared>>
      %dma_wait3A_154 = arith.constant 0 : i32
      %dma_wait3A_155 = tpu.memref_slice %arg15[%add3A_63, %dma_wait3A_154] : memref<5632x128xf32, #tpu.memory_space<vmem_shared>> -> memref<64x128xf32, #tpu.memory_space<vmem_shared>>
      %dma_wait3A_156 = arith.constant 0 : i32
      %dma_wait3A_157 = arith.constant 0 : i32
      %dma_wait3A_158 = tpu.memref_slice %arg10[%dma_wait3A_156, %dma_wait3A_157] : memref<64x128xf32, #tpu.memory_space<vmem>> -> memref<64x128xf32, #tpu.memory_space<vmem>>
      tpu.wait_dma2 semaphore(%run_scoped3A : memref<!tpu.dma_semaphore, #tpu.memory_space<semaphore_mem>>) src(%dma_wait3A_158 : memref<64x128xf32, #tpu.memory_space<vmem>>) dst(%dma_wait3A_155 : memref<64x128xf32, #tpu.memory_space<vmem_shared>>)
      tpu.yield
    }) : () -> ()
    %add3A_64 = arith.constant 256 : i32
    %add3A_65 = arith.addi %mul3A_55, %add3A_64 : i32
    "tpu.region"() ({
      %run_scoped3A = tpu.sem_alloc : memref<!tpu.dma_semaphore, #tpu.memory_space<semaphore_mem>>
      %dma_start3A_139 = arith.constant 0 : i32
      %dma_start3A_140 = arith.constant 0 : i32
      %dma_start3A_141 = tpu.memref_slice %arg10[%dma_start3A_139, %dma_start3A_140] : memref<64x128xf32, #tpu.memory_space<vmem>> -> memref<64x128xf32, #tpu.memory_space<vmem>>
      %dma_start3A_142 = arith.constant 0 : i32
      %dma_start3A_143 = tpu.memref_slice %arg15[%add3A_65, %dma_start3A_142] : memref<5632x128xf32, #tpu.memory_space<vmem_shared>> -> memref<64x128xf32, #tpu.memory_space<vmem_shared>>
      %dma_start3A_144 = arith.constant 0 : i32
      %dma_start3A_145 = tpu.memref_slice %arg15[%add3A_65, %dma_start3A_144] : memref<5632x128xf32, #tpu.memory_space<vmem_shared>> -> memref<64x128xf32, #tpu.memory_space<vmem_shared>>
      %dma_start3A_146 = arith.constant 0 : i32
      %dma_start3A_147 = arith.constant 0 : i32
      %dma_start3A_148 = tpu.memref_slice %arg10[%dma_start3A_146, %dma_start3A_147] : memref<64x128xf32, #tpu.memory_space<vmem>> -> memref<64x128xf32, #tpu.memory_space<vmem>>
      tpu.enqueue_dma source(%dma_start3A_148 : memref<64x128xf32, #tpu.memory_space<vmem>>) target(%dma_start3A_145 : memref<64x128xf32, #tpu.memory_space<vmem_shared>>) target_semaphore(%run_scoped3A : memref<!tpu.dma_semaphore, #tpu.memory_space<semaphore_mem>>)
      %dma_wait3A_149 = arith.constant 0 : i32
      %dma_wait3A_150 = arith.constant 0 : i32
      %dma_wait3A_151 = tpu.memref_slice %arg10[%dma_wait3A_149, %dma_wait3A_150] : memref<64x128xf32, #tpu.memory_space<vmem>> -> memref<64x128xf32, #tpu.memory_space<vmem>>
      %dma_wait3A_152 = arith.constant 0 : i32
      %dma_wait3A_153 = tpu.memref_slice %arg15[%add3A_65, %dma_wait3A_152] : memref<5632x128xf32, #tpu.memory_space<vmem_shared>> -> memref<64x128xf32, #tpu.memory_space<vmem_shared>>
      %dma_wait3A_154 = arith.constant 0 : i32
      %dma_wait3A_155 = tpu.memref_slice %arg15[%add3A_65, %dma_wait3A_154] : memref<5632x128xf32, #tpu.memory_space<vmem_shared>> -> memref<64x128xf32, #tpu.memory_space<vmem_shared>>
      %dma_wait3A_156 = arith.constant 0 : i32
      %dma_wait3A_157 = arith.constant 0 : i32
      %dma_wait3A_158 = tpu.memref_slice %arg10[%dma_wait3A_156, %dma_wait3A_157] : memref<64x128xf32, #tpu.memory_space<vmem>> -> memref<64x128xf32, #tpu.memory_space<vmem>>
      tpu.wait_dma2 semaphore(%run_scoped3A : memref<!tpu.dma_semaphore, #tpu.memory_space<semaphore_mem>>) src(%dma_wait3A_158 : memref<64x128xf32, #tpu.memory_space<vmem>>) dst(%dma_wait3A_155 : memref<64x128xf32, #tpu.memory_space<vmem_shared>>)
      tpu.yield
    }) : () -> ()
    %add3A_66 = arith.constant 320 : i32
    %add3A_67 = arith.addi %mul3A_55, %add3A_66 : i32
    "tpu.region"() ({
      %run_scoped3A = tpu.sem_alloc : memref<!tpu.dma_semaphore, #tpu.memory_space<semaphore_mem>>
      %dma_start3A_139 = arith.constant 0 : i32
      %dma_start3A_140 = arith.constant 0 : i32
      %dma_start3A_141 = tpu.memref_slice %arg10[%dma_start3A_139, %dma_start3A_140] : memref<64x128xf32, #tpu.memory_space<vmem>> -> memref<32x128xf32, #tpu.memory_space<vmem>>
      %dma_start3A_142 = arith.constant 0 : i32
      %dma_start3A_143 = tpu.memref_slice %arg15[%add3A_67, %dma_start3A_142] : memref<5632x128xf32, #tpu.memory_space<vmem_shared>> -> memref<32x128xf32, #tpu.memory_space<vmem_shared>>
      %dma_start3A_144 = arith.constant 0 : i32
      %dma_start3A_145 = tpu.memref_slice %arg15[%add3A_67, %dma_start3A_144] : memref<5632x128xf32, #tpu.memory_space<vmem_shared>> -> memref<32x128xf32, #tpu.memory_space<vmem_shared>>
      %dma_start3A_146 = arith.constant 0 : i32
      %dma_start3A_147 = arith.constant 0 : i32
      %dma_start3A_148 = tpu.memref_slice %arg10[%dma_start3A_146, %dma_start3A_147] : memref<64x128xf32, #tpu.memory_space<vmem>> -> memref<32x128xf32, #tpu.memory_space<vmem>>
      tpu.enqueue_dma source(%dma_start3A_148 : memref<32x128xf32, #tpu.memory_space<vmem>>) target(%dma_start3A_145 : memref<32x128xf32, #tpu.memory_space<vmem_shared>>) target_semaphore(%run_scoped3A : memref<!tpu.dma_semaphore, #tpu.memory_space<semaphore_mem>>)
      %dma_wait3A_149 = arith.constant 0 : i32
      %dma_wait3A_150 = arith.constant 0 : i32
      %dma_wait3A_151 = tpu.memref_slice %arg10[%dma_wait3A_149, %dma_wait3A_150] : memref<64x128xf32, #tpu.memory_space<vmem>> -> memref<32x128xf32, #tpu.memory_space<vmem>>
      %dma_wait3A_152 = arith.constant 0 : i32
      %dma_wait3A_153 = tpu.memref_slice %arg15[%add3A_67, %dma_wait3A_152] : memref<5632x128xf32, #tpu.memory_space<vmem_shared>> -> memref<32x128xf32, #tpu.memory_space<vmem_shared>>
      %dma_wait3A_154 = arith.constant 0 : i32
      %dma_wait3A_155 = tpu.memref_slice %arg15[%add3A_67, %dma_wait3A_154] : memref<5632x128xf32, #tpu.memory_space<vmem_shared>> -> memref<32x128xf32, #tpu.memory_space<vmem_shared>>
      %dma_wait3A_156 = arith.constant 0 : i32
      %dma_wait3A_157 = arith.constant 0 : i32
      %dma_wait3A_158 = tpu.memref_slice %arg10[%dma_wait3A_156, %dma_wait3A_157] : memref<64x128xf32, #tpu.memory_space<vmem>> -> memref<32x128xf32, #tpu.memory_space<vmem>>
      tpu.wait_dma2 semaphore(%run_scoped3A : memref<!tpu.dma_semaphore, #tpu.memory_space<semaphore_mem>>) src(%dma_wait3A_158 : memref<32x128xf32, #tpu.memory_space<vmem>>) dst(%dma_wait3A_155 : memref<32x128xf32, #tpu.memory_space<vmem_shared>>)
      tpu.yield
    }) : () -> ()
    %barrier3A = arith.constant 0 : index
    tpu.barrier barrier_id(%barrier3A)
    %dma_start3A = arith.constant 0 : i32
    %dma_start3A_68 = arith.constant 0 : i32
    %dma_start3A_69 = tpu.memref_slice %arg7[%dma_start3A, %dma_start3A_68] : memref<328x64xi32, #tpu.memory_space<vmem>> -> memref<1x64xi32, #tpu.memory_space<vmem>>
    %dma_start3A_70 = tpu.memref_squeeze %dma_start3A_69 : memref<1x64xi32, #tpu.memory_space<vmem>> -> memref<64xi32, #tpu.memory_space<vmem>>
    %dma_start3A_71 = arith.constant 0 : i32
    %dma_start3A_72 = arith.constant 0 : i32
    %dma_start3A_73 = tpu.memref_slice %arg2[%dma_start3A_71, %dma_start3A_72] : memref<10000x128xf32, #tpu.memory_space<hbm>> -> memref<10000x128xf32, #tpu.memory_space<hbm>>
    tpu.enqueue_indirect_dma source(%dma_start3A_73 : memref<10000x128xf32, #tpu.memory_space<hbm>>) target(%arg10 : memref<64x128xf32, #tpu.memory_space<vmem>>) offsets(%dma_start3A_70 : memref<64xi32, #tpu.memory_space<vmem>>) semaphore(%arg16 : memref<!tpu.dma_semaphore, #tpu.memory_space<semaphore_mem>>)
    %dma_start3A_74 = arith.constant 1 : i32
    %dma_start3A_75 = arith.constant 0 : i32
    %dma_start3A_76 = tpu.memref_slice %arg7[%dma_start3A_74, %dma_start3A_75] : memref<328x64xi32, #tpu.memory_space<vmem>> -> memref<1x64xi32, #tpu.memory_space<vmem>>
    %dma_start3A_77 = tpu.memref_squeeze %dma_start3A_76 : memref<1x64xi32, #tpu.memory_space<vmem>> -> memref<64xi32, #tpu.memory_space<vmem>>
    %dma_start3A_78 = arith.constant 0 : i32
    %dma_start3A_79 = arith.constant 0 : i32
    %dma_start3A_80 = tpu.memref_slice %arg2[%dma_start3A_78, %dma_start3A_79] : memref<10000x128xf32, #tpu.memory_space<hbm>> -> memref<10000x128xf32, #tpu.memory_space<hbm>>
    tpu.enqueue_indirect_dma source(%dma_start3A_80 : memref<10000x128xf32, #tpu.memory_space<hbm>>) target(%arg11 : memref<64x128xf32, #tpu.memory_space<vmem>>) offsets(%dma_start3A_77 : memref<64xi32, #tpu.memory_space<vmem>>) semaphore(%arg17 : memref<!tpu.dma_semaphore, #tpu.memory_space<semaphore_mem>>)
    %dma_start3A_81 = arith.constant 2 : i32
    %dma_start3A_82 = arith.constant 0 : i32
    %dma_start3A_83 = tpu.memref_slice %arg7[%dma_start3A_81, %dma_start3A_82] : memref<328x64xi32, #tpu.memory_space<vmem>> -> memref<1x64xi32, #tpu.memory_space<vmem>>
    %dma_start3A_84 = tpu.memref_squeeze %dma_start3A_83 : memref<1x64xi32, #tpu.memory_space<vmem>> -> memref<64xi32, #tpu.memory_space<vmem>>
    %dma_start3A_85 = arith.constant 0 : i32
    %dma_start3A_86 = arith.constant 0 : i32
    %dma_start3A_87 = tpu.memref_slice %arg2[%dma_start3A_85, %dma_start3A_86] : memref<10000x128xf32, #tpu.memory_space<hbm>> -> memref<10000x128xf32, #tpu.memory_space<hbm>>
    tpu.enqueue_indirect_dma source(%dma_start3A_87 : memref<10000x128xf32, #tpu.memory_space<hbm>>) target(%arg12 : memref<64x128xf32, #tpu.memory_space<vmem>>) offsets(%dma_start3A_84 : memref<64xi32, #tpu.memory_space<vmem>>) semaphore(%arg18 : memref<!tpu.dma_semaphore, #tpu.memory_space<semaphore_mem>>)
    %jit3A_88 = arith.constant 5 : i32
    %div3A_89 = arith.divsi %max3A_47, %jit3A_88 : i32
    %sign3A_90 = arith.constant 0 : i32
    %sign3A_91 = arith.cmpi sgt, %max3A_47, %sign3A_90 : i32
    %sign3A_92 = arith.extui %sign3A_91 : i1 to i32
    %sign3A_93 = arith.constant 0 : i32
    %sign3A_94 = arith.cmpi slt, %max3A_47, %sign3A_93 : i32
    %sign3A_95 = arith.extui %sign3A_94 : i1 to i32
    %sign3A_96 = arith.subi %sign3A_92, %sign3A_95 : i32
    %sign3A_97 = arith.constant 0 : i32
    %sign3A_98 = arith.cmpi sgt, %jit3A_88, %sign3A_97 : i32
    %sign3A_99 = arith.extui %sign3A_98 : i1 to i32
    %sign3A_100 = arith.constant 0 : i32
    %sign3A_101 = arith.cmpi slt, %jit3A_88, %sign3A_100 : i32
    %sign3A_102 = arith.extui %sign3A_101 : i1 to i32
    %sign3A_103 = arith.subi %sign3A_99, %sign3A_102 : i32
    %ne3A_104 = arith.cmpi ne, %sign3A_96, %sign3A_103 : i32
    %rem3A_105 = arith.remsi %max3A_47, %jit3A_88 : i32
    %ne3A_106 = arith.constant 0 : i32
    %ne3A_107 = arith.cmpi ne, %rem3A_105, %ne3A_106 : i32
    %and3A_108 = arith.andi %ne3A_104, %ne3A_107 : i1
    %sub3A_109 = arith.constant 1 : i32
    %sub3A_110 = arith.subi %div3A_89, %sub3A_109 : i32
    %select_n3A_111 = arith.select %and3A_108, %sub3A_110, %div3A_89 : i32
    %while3A = arith.constant 0 : i32
    %while3A_112 = arith.constant 0 : i32
    %while3A_113 = arith.subi %select_n3A_111, %while3A : i32
    %while3A_114 = arith.addi %while3A, %while3A_113 : i32
    %while3A_115 = arith.constant 1 : i32
    %while3A_116 = arith.divsi %while3A_113, %while3A_115 : i32
    %while3A_117 = arith.muli %while3A_116, %while3A_115 : i32
    %while3A_118 = arith.addi %while3A, %while3A_117 : i32
    %while3A_119 = arith.constant 1 : i32
    %while3A_120 = scf.for %while3A_139 = %while3A to %while3A_118 step %while3A_119 iter_args(%while3A_140 = %while3A_112) -> (i32)  : i32 {
      %mul3A_141 = arith.constant 5 : i32
      %mul3A_142 = arith.muli %while3A_139, %mul3A_141 : i32
      %add3A_143 = arith.constant 0 : i32
      %add3A_144 = arith.addi %mul3A_142, %add3A_143 : i32
      %dma_wait3A_145 = arith.constant 0 : i32
      %dma_wait3A_146 = tpu.memref_slice %arg7[%add3A_144, %dma_wait3A_145] : memref<328x64xi32, #tpu.memory_space<vmem>> -> memref<1x64xi32, #tpu.memory_space<vmem>>
      %dma_wait3A_147 = tpu.memref_squeeze %dma_wait3A_146 : memref<1x64xi32, #tpu.memory_space<vmem>> -> memref<64xi32, #tpu.memory_space<vmem>>
      %dma_wait3A_148 = arith.constant 0 : i32
      %dma_wait3A_149 = arith.constant 0 : i32
      %dma_wait3A_150 = tpu.memref_slice %arg2[%dma_wait3A_148, %dma_wait3A_149] : memref<10000x128xf32, #tpu.memory_space<hbm>> -> memref<10000x128xf32, #tpu.memory_space<hbm>>
      tpu.wait_indirect_dma semaphore(%arg16 : memref<!tpu.dma_semaphore, #tpu.memory_space<semaphore_mem>>) src(%dma_wait3A_150 : memref<10000x128xf32, #tpu.memory_space<hbm>>) dst(%arg10 : memref<64x128xf32, #tpu.memory_space<vmem>>)
      %ge3A = arith.constant 2 : i32
      %ge3A_151 = arith.cmpi sge, %add3A_144, %ge3A : i32
      %convert_element_type3A = arith.extui %ge3A_151 : i1 to i32
      %cond3A = arith.constant 0 : i32
      %cond3A_152 = arith.cmpi ne, %convert_element_type3A, %cond3A : i32
      scf.if %cond3A_152 {
        %sub3A_265 = arith.constant 2 : i32
        %sub3A_266 = arith.subi %add3A_144, %sub3A_265 : i32
        %dma_wait3A_267 = arith.constant 0 : i32
        %dma_wait3A_268 = tpu.memref_slice %arg8[%sub3A_266, %dma_wait3A_267] : memref<328x64xi32, #tpu.memory_space<vmem>> -> memref<1x64xi32, #tpu.memory_space<vmem>>
        %dma_wait3A_269 = tpu.memref_squeeze %dma_wait3A_268 : memref<1x64xi32, #tpu.memory_space<vmem>> -> memref<64xi32, #tpu.memory_space<vmem>>
        %dma_wait3A_270 = arith.constant 0 : i32
        %dma_wait3A_271 = arith.constant 0 : i32
        %dma_wait3A_272 = tpu.memref_slice %arg15[%dma_wait3A_270, %dma_wait3A_271] : memref<5632x128xf32, #tpu.memory_space<vmem_shared>> -> memref<5632x128xf32, #tpu.memory_space<vmem_shared>>
        tpu.wait_indirect_dma semaphore(%arg24 : memref<!tpu.dma_semaphore, #tpu.memory_space<semaphore_mem>>) src(%arg13 : memref<64x128xf32, #tpu.memory_space<vmem>>) dst(%dma_wait3A_272 : memref<5632x128xf32, #tpu.memory_space<vmem_shared>>)
      } else {
      }
      %add3A_153 = arith.constant 3 : i32
      %add3A_154 = arith.addi %add3A_144, %add3A_153 : i32
      %lt3A = arith.cmpi slt, %add3A_154, %max3A_47 : i32
      %convert_element_type3A_155 = arith.extui %lt3A : i1 to i32
      %cond3A_156 = arith.constant 0 : i32
      %cond3A_157 = arith.cmpi ne, %convert_element_type3A_155, %cond3A_156 : i32
      scf.if %cond3A_157 {
        %add3A_265 = arith.constant 3 : i32
        %add3A_266 = arith.addi %add3A_144, %add3A_265 : i32
        %dma_start3A_267 = arith.constant 0 : i32
        %dma_start3A_268 = tpu.memref_slice %arg7[%add3A_266, %dma_start3A_267] : memref<328x64xi32, #tpu.memory_space<vmem>> -> memref<1x64xi32, #tpu.memory_space<vmem>>
        %dma_start3A_269 = tpu.memref_squeeze %dma_start3A_268 : memref<1x64xi32, #tpu.memory_space<vmem>> -> memref<64xi32, #tpu.memory_space<vmem>>
        %dma_start3A_270 = arith.constant 0 : i32
        %dma_start3A_271 = arith.constant 0 : i32
        %dma_start3A_272 = tpu.memref_slice %arg2[%dma_start3A_270, %dma_start3A_271] : memref<10000x128xf32, #tpu.memory_space<hbm>> -> memref<10000x128xf32, #tpu.memory_space<hbm>>
        tpu.enqueue_indirect_dma source(%dma_start3A_272 : memref<10000x128xf32, #tpu.memory_space<hbm>>) target(%arg13 : memref<64x128xf32, #tpu.memory_space<vmem>>) offsets(%dma_start3A_269 : memref<64xi32, #tpu.memory_space<vmem>>) semaphore(%arg19 : memref<!tpu.dma_semaphore, #tpu.memory_space<semaphore_mem>>)
      } else {
      }
      %dma_start3A_158 = arith.constant 0 : i32
      %dma_start3A_159 = tpu.memref_slice %arg8[%add3A_144, %dma_start3A_158] : memref<328x64xi32, #tpu.memory_space<vmem>> -> memref<1x64xi32, #tpu.memory_space<vmem>>
      %dma_start3A_160 = tpu.memref_squeeze %dma_start3A_159 : memref<1x64xi32, #tpu.memory_space<vmem>> -> memref<64xi32, #tpu.memory_space<vmem>>
      %dma_start3A_161 = arith.constant 0 : i32
      %dma_start3A_162 = arith.constant 0 : i32
      %dma_start3A_163 = tpu.memref_slice %arg15[%dma_start3A_161, %dma_start3A_162] : memref<5632x128xf32, #tpu.memory_space<vmem_shared>> -> memref<5632x128xf32, #tpu.memory_space<vmem_shared>>
      tpu.enqueue_indirect_dma source(%arg10 : memref<64x128xf32, #tpu.memory_space<vmem>>) target(%dma_start3A_163 : memref<5632x128xf32, #tpu.memory_space<vmem_shared>>) offsets(%dma_start3A_160 : memref<64xi32, #tpu.memory_space<vmem>>) semaphore(%arg21 : memref<!tpu.dma_semaphore, #tpu.memory_space<semaphore_mem>>) {add = true}
      %add3A_164 = arith.constant 1 : i32
      %add3A_165 = arith.addi %mul3A_142, %add3A_164 : i32
      %dma_wait3A_166 = arith.constant 0 : i32
      %dma_wait3A_167 = tpu.memref_slice %arg7[%add3A_165, %dma_wait3A_166] : memref<328x64xi32, #tpu.memory_space<vmem>> -> memref<1x64xi32, #tpu.memory_space<vmem>>
      %dma_wait3A_168 = tpu.memref_squeeze %dma_wait3A_167 : memref<1x64xi32, #tpu.memory_space<vmem>> -> memref<64xi32, #tpu.memory_space<vmem>>
      %dma_wait3A_169 = arith.constant 0 : i32
      %dma_wait3A_170 = arith.constant 0 : i32
      %dma_wait3A_171 = tpu.memref_slice %arg2[%dma_wait3A_169, %dma_wait3A_170] : memref<10000x128xf32, #tpu.memory_space<hbm>> -> memref<10000x128xf32, #tpu.memory_space<hbm>>
      tpu.wait_indirect_dma semaphore(%arg17 : memref<!tpu.dma_semaphore, #tpu.memory_space<semaphore_mem>>) src(%dma_wait3A_171 : memref<10000x128xf32, #tpu.memory_space<hbm>>) dst(%arg11 : memref<64x128xf32, #tpu.memory_space<vmem>>)
      %ge3A_172 = arith.constant 2 : i32
      %ge3A_173 = arith.cmpi sge, %add3A_165, %ge3A_172 : i32
      %convert_element_type3A_174 = arith.extui %ge3A_173 : i1 to i32
      %cond3A_175 = arith.constant 0 : i32
      %cond3A_176 = arith.cmpi ne, %convert_element_type3A_174, %cond3A_175 : i32
      scf.if %cond3A_176 {
        %sub3A_265 = arith.constant 2 : i32
        %sub3A_266 = arith.subi %add3A_165, %sub3A_265 : i32
        %dma_wait3A_267 = arith.constant 0 : i32
        %dma_wait3A_268 = tpu.memref_slice %arg8[%sub3A_266, %dma_wait3A_267] : memref<328x64xi32, #tpu.memory_space<vmem>> -> memref<1x64xi32, #tpu.memory_space<vmem>>
        %dma_wait3A_269 = tpu.memref_squeeze %dma_wait3A_268 : memref<1x64xi32, #tpu.memory_space<vmem>> -> memref<64xi32, #tpu.memory_space<vmem>>
        %dma_wait3A_270 = arith.constant 0 : i32
        %dma_wait3A_271 = arith.constant 0 : i32
        %dma_wait3A_272 = tpu.memref_slice %arg15[%dma_wait3A_270, %dma_wait3A_271] : memref<5632x128xf32, #tpu.memory_space<vmem_shared>> -> memref<5632x128xf32, #tpu.memory_space<vmem_shared>>
        tpu.wait_indirect_dma semaphore(%arg25 : memref<!tpu.dma_semaphore, #tpu.memory_space<semaphore_mem>>) src(%arg14 : memref<64x128xf32, #tpu.memory_space<vmem>>) dst(%dma_wait3A_272 : memref<5632x128xf32, #tpu.memory_space<vmem_shared>>)
      } else {
      }
      %add3A_177 = arith.constant 3 : i32
      %add3A_178 = arith.addi %add3A_165, %add3A_177 : i32
      %lt3A_179 = arith.cmpi slt, %add3A_178, %max3A_47 : i32
      %convert_element_type3A_180 = arith.extui %lt3A_179 : i1 to i32
      %cond3A_181 = arith.constant 0 : i32
      %cond3A_182 = arith.cmpi ne, %convert_element_type3A_180, %cond3A_181 : i32
      scf.if %cond3A_182 {
        %add3A_265 = arith.constant 3 : i32
        %add3A_266 = arith.addi %add3A_165, %add3A_265 : i32
        %dma_start3A_267 = arith.constant 0 : i32
        %dma_start3A_268 = tpu.memref_slice %arg7[%add3A_266, %dma_start3A_267] : memref<328x64xi32, #tpu.memory_space<vmem>> -> memref<1x64xi32, #tpu.memory_space<vmem>>
        %dma_start3A_269 = tpu.memref_squeeze %dma_start3A_268 : memref<1x64xi32, #tpu.memory_space<vmem>> -> memref<64xi32, #tpu.memory_space<vmem>>
        %dma_start3A_270 = arith.constant 0 : i32
        %dma_start3A_271 = arith.constant 0 : i32
        %dma_start3A_272 = tpu.memref_slice %arg2[%dma_start3A_270, %dma_start3A_271] : memref<10000x128xf32, #tpu.memory_space<hbm>> -> memref<10000x128xf32, #tpu.memory_space<hbm>>
        tpu.enqueue_indirect_dma source(%dma_start3A_272 : memref<10000x128xf32, #tpu.memory_space<hbm>>) target(%arg14 : memref<64x128xf32, #tpu.memory_space<vmem>>) offsets(%dma_start3A_269 : memref<64xi32, #tpu.memory_space<vmem>>) semaphore(%arg20 : memref<!tpu.dma_semaphore, #tpu.memory_space<semaphore_mem>>)
      } else {
      }
      %dma_start3A_183 = arith.constant 0 : i32
      %dma_start3A_184 = tpu.memref_slice %arg8[%add3A_165, %dma_start3A_183] : memref<328x64xi32, #tpu.memory_space<vmem>> -> memref<1x64xi32, #tpu.memory_space<vmem>>
      %dma_start3A_185 = tpu.memref_squeeze %dma_start3A_184 : memref<1x64xi32, #tpu.memory_space<vmem>> -> memref<64xi32, #tpu.memory_space<vmem>>
      %dma_start3A_186 = arith.constant 0 : i32
      %dma_start3A_187 = arith.constant 0 : i32
      %dma_start3A_188 = tpu.memref_slice %arg15[%dma_start3A_186, %dma_start3A_187] : memref<5632x128xf32, #tpu.memory_space<vmem_shared>> -> memref<5632x128xf32, #tpu.memory_space<vmem_shared>>
      tpu.enqueue_indirect_dma source(%arg11 : memref<64x128xf32, #tpu.memory_space<vmem>>) target(%dma_start3A_188 : memref<5632x128xf32, #tpu.memory_space<vmem_shared>>) offsets(%dma_start3A_185 : memref<64xi32, #tpu.memory_space<vmem>>) semaphore(%arg22 : memref<!tpu.dma_semaphore, #tpu.memory_space<semaphore_mem>>) {add = true}
      %add3A_189 = arith.constant 2 : i32
      %add3A_190 = arith.addi %mul3A_142, %add3A_189 : i32
      %dma_wait3A_191 = arith.constant 0 : i32
      %dma_wait3A_192 = tpu.memref_slice %arg7[%add3A_190, %dma_wait3A_191] : memref<328x64xi32, #tpu.memory_space<vmem>> -> memref<1x64xi32, #tpu.memory_space<vmem>>
      %dma_wait3A_193 = tpu.memref_squeeze %dma_wait3A_192 : memref<1x64xi32, #tpu.memory_space<vmem>> -> memref<64xi32, #tpu.memory_space<vmem>>
      %dma_wait3A_194 = arith.constant 0 : i32
      %dma_wait3A_195 = arith.constant 0 : i32
      %dma_wait3A_196 = tpu.memref_slice %arg2[%dma_wait3A_194, %dma_wait3A_195] : memref<10000x128xf32, #tpu.memory_space<hbm>> -> memref<10000x128xf32, #tpu.memory_space<hbm>>
      tpu.wait_indirect_dma semaphore(%arg18 : memref<!tpu.dma_semaphore, #tpu.memory_space<semaphore_mem>>) src(%dma_wait3A_196 : memref<10000x128xf32, #tpu.memory_space<hbm>>) dst(%arg12 : memref<64x128xf32, #tpu.memory_space<vmem>>)
      %ge3A_197 = arith.constant 2 : i32
      %ge3A_198 = arith.cmpi sge, %add3A_190, %ge3A_197 : i32
      %convert_element_type3A_199 = arith.extui %ge3A_198 : i1 to i32
      %cond3A_200 = arith.constant 0 : i32
      %cond3A_201 = arith.cmpi ne, %convert_element_type3A_199, %cond3A_200 : i32
      scf.if %cond3A_201 {
        %sub3A_265 = arith.constant 2 : i32
        %sub3A_266 = arith.subi %add3A_190, %sub3A_265 : i32
        %dma_wait3A_267 = arith.constant 0 : i32
        %dma_wait3A_268 = tpu.memref_slice %arg8[%sub3A_266, %dma_wait3A_267] : memref<328x64xi32, #tpu.memory_space<vmem>> -> memref<1x64xi32, #tpu.memory_space<vmem>>
        %dma_wait3A_269 = tpu.memref_squeeze %dma_wait3A_268 : memref<1x64xi32, #tpu.memory_space<vmem>> -> memref<64xi32, #tpu.memory_space<vmem>>
        %dma_wait3A_270 = arith.constant 0 : i32
        %dma_wait3A_271 = arith.constant 0 : i32
        %dma_wait3A_272 = tpu.memref_slice %arg15[%dma_wait3A_270, %dma_wait3A_271] : memref<5632x128xf32, #tpu.memory_space<vmem_shared>> -> memref<5632x128xf32, #tpu.memory_space<vmem_shared>>
        tpu.wait_indirect_dma semaphore(%arg21 : memref<!tpu.dma_semaphore, #tpu.memory_space<semaphore_mem>>) src(%arg10 : memref<64x128xf32, #tpu.memory_space<vmem>>) dst(%dma_wait3A_272 : memref<5632x128xf32, #tpu.memory_space<vmem_shared>>)
      } else {
      }
      %add3A_202 = arith.constant 3 : i32
      %add3A_203 = arith.addi %add3A_190, %add3A_202 : i32
      %lt3A_204 = arith.cmpi slt, %add3A_203, %max3A_47 : i32
      %convert_element_type3A_205 = arith.extui %lt3A_204 : i1 to i32
      %cond3A_206 = arith.constant 0 : i32
      %cond3A_207 = arith.cmpi ne, %convert_element_type3A_205, %cond3A_206 : i32
      scf.if %cond3A_207 {
        %add3A_265 = arith.constant 3 : i32
        %add3A_266 = arith.addi %add3A_190, %add3A_265 : i32
        %dma_start3A_267 = arith.constant 0 : i32
        %dma_start3A_268 = tpu.memref_slice %arg7[%add3A_266, %dma_start3A_267] : memref<328x64xi32, #tpu.memory_space<vmem>> -> memref<1x64xi32, #tpu.memory_space<vmem>>
        %dma_start3A_269 = tpu.memref_squeeze %dma_start3A_268 : memref<1x64xi32, #tpu.memory_space<vmem>> -> memref<64xi32, #tpu.memory_space<vmem>>
        %dma_start3A_270 = arith.constant 0 : i32
        %dma_start3A_271 = arith.constant 0 : i32
        %dma_start3A_272 = tpu.memref_slice %arg2[%dma_start3A_270, %dma_start3A_271] : memref<10000x128xf32, #tpu.memory_space<hbm>> -> memref<10000x128xf32, #tpu.memory_space<hbm>>
        tpu.enqueue_indirect_dma source(%dma_start3A_272 : memref<10000x128xf32, #tpu.memory_space<hbm>>) target(%arg10 : memref<64x128xf32, #tpu.memory_space<vmem>>) offsets(%dma_start3A_269 : memref<64xi32, #tpu.memory_space<vmem>>) semaphore(%arg16 : memref<!tpu.dma_semaphore, #tpu.memory_space<semaphore_mem>>)
      } else {
      }
      %dma_start3A_208 = arith.constant 0 : i32
      %dma_start3A_209 = tpu.memref_slice %arg8[%add3A_190, %dma_start3A_208] : memref<328x64xi32, #tpu.memory_space<vmem>> -> memref<1x64xi32, #tpu.memory_space<vmem>>
      %dma_start3A_210 = tpu.memref_squeeze %dma_start3A_209 : memref<1x64xi32, #tpu.memory_space<vmem>> -> memref<64xi32, #tpu.memory_space<vmem>>
      %dma_start3A_211 = arith.constant 0 : i32
      %dma_start3A_212 = arith.constant 0 : i32
      %dma_start3A_213 = tpu.memref_slice %arg15[%dma_start3A_211, %dma_start3A_212] : memref<5632x128xf32, #tpu.memory_space<vmem_shared>> -> memref<5632x128xf32, #tpu.memory_space<vmem_shared>>
      tpu.enqueue_indirect_dma source(%arg12 : memref<64x128xf32, #tpu.memory_space<vmem>>) target(%dma_start3A_213 : memref<5632x128xf32, #tpu.memory_space<vmem_shared>>) offsets(%dma_start3A_210 : memref<64xi32, #tpu.memory_space<vmem>>) semaphore(%arg23 : memref<!tpu.dma_semaphore, #tpu.memory_space<semaphore_mem>>) {add = true}
      %add3A_214 = arith.constant 3 : i32
      %add3A_215 = arith.addi %mul3A_142, %add3A_214 : i32
      %dma_wait3A_216 = arith.constant 0 : i32
      %dma_wait3A_217 = tpu.memref_slice %arg7[%add3A_215, %dma_wait3A_216] : memref<328x64xi32, #tpu.memory_space<vmem>> -> memref<1x64xi32, #tpu.memory_space<vmem>>
      %dma_wait3A_218 = tpu.memref_squeeze %dma_wait3A_217 : memref<1x64xi32, #tpu.memory_space<vmem>> -> memref<64xi32, #tpu.memory_space<vmem>>
      %dma_wait3A_219 = arith.constant 0 : i32
      %dma_wait3A_220 = arith.constant 0 : i32
      %dma_wait3A_221 = tpu.memref_slice %arg2[%dma_wait3A_219, %dma_wait3A_220] : memref<10000x128xf32, #tpu.memory_space<hbm>> -> memref<10000x128xf32, #tpu.memory_space<hbm>>
      tpu.wait_indirect_dma semaphore(%arg19 : memref<!tpu.dma_semaphore, #tpu.memory_space<semaphore_mem>>) src(%dma_wait3A_221 : memref<10000x128xf32, #tpu.memory_space<hbm>>) dst(%arg13 : memref<64x128xf32, #tpu.memory_space<vmem>>)
      %ge3A_222 = arith.constant 2 : i32
      %ge3A_223 = arith.cmpi sge, %add3A_215, %ge3A_222 : i32
      %convert_element_type3A_224 = arith.extui %ge3A_223 : i1 to i32
      %cond3A_225 = arith.constant 0 : i32
      %cond3A_226 = arith.cmpi ne, %convert_element_type3A_224, %cond3A_225 : i32
      scf.if %cond3A_226 {
        %sub3A_265 = arith.constant 2 : i32
        %sub3A_266 = arith.subi %add3A_215, %sub3A_265 : i32
        %dma_wait3A_267 = arith.constant 0 : i32
        %dma_wait3A_268 = tpu.memref_slice %arg8[%sub3A_266, %dma_wait3A_267] : memref<328x64xi32, #tpu.memory_space<vmem>> -> memref<1x64xi32, #tpu.memory_space<vmem>>
        %dma_wait3A_269 = tpu.memref_squeeze %dma_wait3A_268 : memref<1x64xi32, #tpu.memory_space<vmem>> -> memref<64xi32, #tpu.memory_space<vmem>>
        %dma_wait3A_270 = arith.constant 0 : i32
        %dma_wait3A_271 = arith.constant 0 : i32
        %dma_wait3A_272 = tpu.memref_slice %arg15[%dma_wait3A_270, %dma_wait3A_271] : memref<5632x128xf32, #tpu.memory_space<vmem_shared>> -> memref<5632x128xf32, #tpu.memory_space<vmem_shared>>
        tpu.wait_indirect_dma semaphore(%arg22 : memref<!tpu.dma_semaphore, #tpu.memory_space<semaphore_mem>>) src(%arg11 : memref<64x128xf32, #tpu.memory_space<vmem>>) dst(%dma_wait3A_272 : memref<5632x128xf32, #tpu.memory_space<vmem_shared>>)
      } else {
      }
      %add3A_227 = arith.constant 3 : i32
      %add3A_228 = arith.addi %add3A_215, %add3A_227 : i32
      %lt3A_229 = arith.cmpi slt, %add3A_228, %max3A_47 : i32
      %convert_element_type3A_230 = arith.extui %lt3A_229 : i1 to i32
      %cond3A_231 = arith.constant 0 : i32
      %cond3A_232 = arith.cmpi ne, %convert_element_type3A_230, %cond3A_231 : i32
      scf.if %cond3A_232 {
        %add3A_265 = arith.constant 3 : i32
        %add3A_266 = arith.addi %add3A_215, %add3A_265 : i32
        %dma_start3A_267 = arith.constant 0 : i32
        %dma_start3A_268 = tpu.memref_slice %arg7[%add3A_266, %dma_start3A_267] : memref<328x64xi32, #tpu.memory_space<vmem>> -> memref<1x64xi32, #tpu.memory_space<vmem>>
        %dma_start3A_269 = tpu.memref_squeeze %dma_start3A_268 : memref<1x64xi32, #tpu.memory_space<vmem>> -> memref<64xi32, #tpu.memory_space<vmem>>
        %dma_start3A_270 = arith.constant 0 : i32
        %dma_start3A_271 = arith.constant 0 : i32
        %dma_start3A_272 = tpu.memref_slice %arg2[%dma_start3A_270, %dma_start3A_271] : memref<10000x128xf32, #tpu.memory_space<hbm>> -> memref<10000x128xf32, #tpu.memory_space<hbm>>
        tpu.enqueue_indirect_dma source(%dma_start3A_272 : memref<10000x128xf32, #tpu.memory_space<hbm>>) target(%arg11 : memref<64x128xf32, #tpu.memory_space<vmem>>) offsets(%dma_start3A_269 : memref<64xi32, #tpu.memory_space<vmem>>) semaphore(%arg17 : memref<!tpu.dma_semaphore, #tpu.memory_space<semaphore_mem>>)
      } else {
      }
      %dma_start3A_233 = arith.constant 0 : i32
      %dma_start3A_234 = tpu.memref_slice %arg8[%add3A_215, %dma_start3A_233] : memref<328x64xi32, #tpu.memory_space<vmem>> -> memref<1x64xi32, #tpu.memory_space<vmem>>
      %dma_start3A_235 = tpu.memref_squeeze %dma_start3A_234 : memref<1x64xi32, #tpu.memory_space<vmem>> -> memref<64xi32, #tpu.memory_space<vmem>>
      %dma_start3A_236 = arith.constant 0 : i32
      %dma_start3A_237 = arith.constant 0 : i32
      %dma_start3A_238 = tpu.memref_slice %arg15[%dma_start3A_236, %dma_start3A_237] : memref<5632x128xf32, #tpu.memory_space<vmem_shared>> -> memref<5632x128xf32, #tpu.memory_space<vmem_shared>>
      tpu.enqueue_indirect_dma source(%arg13 : memref<64x128xf32, #tpu.memory_space<vmem>>) target(%dma_start3A_238 : memref<5632x128xf32, #tpu.memory_space<vmem_shared>>) offsets(%dma_start3A_235 : memref<64xi32, #tpu.memory_space<vmem>>) semaphore(%arg24 : memref<!tpu.dma_semaphore, #tpu.memory_space<semaphore_mem>>) {add = true}
      %add3A_239 = arith.constant 4 : i32
      %add3A_240 = arith.addi %mul3A_142, %add3A_239 : i32
      %dma_wait3A_241 = arith.constant 0 : i32
      %dma_wait3A_242 = tpu.memref_slice %arg7[%add3A_240, %dma_wait3A_241] : memref<328x64xi32, #tpu.memory_space<vmem>> -> memref<1x64xi32, #tpu.memory_space<vmem>>
      %dma_wait3A_243 = tpu.memref_squeeze %dma_wait3A_242 : memref<1x64xi32, #tpu.memory_space<vmem>> -> memref<64xi32, #tpu.memory_space<vmem>>
      %dma_wait3A_244 = arith.constant 0 : i32
      %dma_wait3A_245 = arith.constant 0 : i32
      %dma_wait3A_246 = tpu.memref_slice %arg2[%dma_wait3A_244, %dma_wait3A_245] : memref<10000x128xf32, #tpu.memory_space<hbm>> -> memref<10000x128xf32, #tpu.memory_space<hbm>>
      tpu.wait_indirect_dma semaphore(%arg20 : memref<!tpu.dma_semaphore, #tpu.memory_space<semaphore_mem>>) src(%dma_wait3A_246 : memref<10000x128xf32, #tpu.memory_space<hbm>>) dst(%arg14 : memref<64x128xf32, #tpu.memory_space<vmem>>)
      %ge3A_247 = arith.constant 2 : i32
      %ge3A_248 = arith.cmpi sge, %add3A_240, %ge3A_247 : i32
      %convert_element_type3A_249 = arith.extui %ge3A_248 : i1 to i32
      %cond3A_250 = arith.constant 0 : i32
      %cond3A_251 = arith.cmpi ne, %convert_element_type3A_249, %cond3A_250 : i32
      scf.if %cond3A_251 {
        %sub3A_265 = arith.constant 2 : i32
        %sub3A_266 = arith.subi %add3A_240, %sub3A_265 : i32
        %dma_wait3A_267 = arith.constant 0 : i32
        %dma_wait3A_268 = tpu.memref_slice %arg8[%sub3A_266, %dma_wait3A_267] : memref<328x64xi32, #tpu.memory_space<vmem>> -> memref<1x64xi32, #tpu.memory_space<vmem>>
        %dma_wait3A_269 = tpu.memref_squeeze %dma_wait3A_268 : memref<1x64xi32, #tpu.memory_space<vmem>> -> memref<64xi32, #tpu.memory_space<vmem>>
        %dma_wait3A_270 = arith.constant 0 : i32
        %dma_wait3A_271 = arith.constant 0 : i32
        %dma_wait3A_272 = tpu.memref_slice %arg15[%dma_wait3A_270, %dma_wait3A_271] : memref<5632x128xf32, #tpu.memory_space<vmem_shared>> -> memref<5632x128xf32, #tpu.memory_space<vmem_shared>>
        tpu.wait_indirect_dma semaphore(%arg23 : memref<!tpu.dma_semaphore, #tpu.memory_space<semaphore_mem>>) src(%arg12 : memref<64x128xf32, #tpu.memory_space<vmem>>) dst(%dma_wait3A_272 : memref<5632x128xf32, #tpu.memory_space<vmem_shared>>)
      } else {
      }
      %add3A_252 = arith.constant 3 : i32
      %add3A_253 = arith.addi %add3A_240, %add3A_252 : i32
      %lt3A_254 = arith.cmpi slt, %add3A_253, %max3A_47 : i32
      %convert_element_type3A_255 = arith.extui %lt3A_254 : i1 to i32
      %cond3A_256 = arith.constant 0 : i32
      %cond3A_257 = arith.cmpi ne, %convert_element_type3A_255, %cond3A_256 : i32
      scf.if %cond3A_257 {
        %add3A_265 = arith.constant 3 : i32
        %add3A_266 = arith.addi %add3A_240, %add3A_265 : i32
        %dma_start3A_267 = arith.constant 0 : i32
        %dma_start3A_268 = tpu.memref_slice %arg7[%add3A_266, %dma_start3A_267] : memref<328x64xi32, #tpu.memory_space<vmem>> -> memref<1x64xi32, #tpu.memory_space<vmem>>
        %dma_start3A_269 = tpu.memref_squeeze %dma_start3A_268 : memref<1x64xi32, #tpu.memory_space<vmem>> -> memref<64xi32, #tpu.memory_space<vmem>>
        %dma_start3A_270 = arith.constant 0 : i32
        %dma_start3A_271 = arith.constant 0 : i32
        %dma_start3A_272 = tpu.memref_slice %arg2[%dma_start3A_270, %dma_start3A_271] : memref<10000x128xf32, #tpu.memory_space<hbm>> -> memref<10000x128xf32, #tpu.memory_space<hbm>>
        tpu.enqueue_indirect_dma source(%dma_start3A_272 : memref<10000x128xf32, #tpu.memory_space<hbm>>) target(%arg12 : memref<64x128xf32, #tpu.memory_space<vmem>>) offsets(%dma_start3A_269 : memref<64xi32, #tpu.memory_space<vmem>>) semaphore(%arg18 : memref<!tpu.dma_semaphore, #tpu.memory_space<semaphore_mem>>)
      } else {
      }
      %dma_start3A_258 = arith.constant 0 : i32
      %dma_start3A_259 = tpu.memref_slice %arg8[%add3A_240, %dma_start3A_258] : memref<328x64xi32, #tpu.memory_space<vmem>> -> memref<1x64xi32, #tpu.memory_space<vmem>>
      %dma_start3A_260 = tpu.memref_squeeze %dma_start3A_259 : memref<1x64xi32, #tpu.memory_space<vmem>> -> memref<64xi32, #tpu.memory_space<vmem>>
      %dma_start3A_261 = arith.constant 0 : i32
      %dma_start3A_262 = arith.constant 0 : i32
      %dma_start3A_263 = tpu.memref_slice %arg15[%dma_start3A_261, %dma_start3A_262] : memref<5632x128xf32, #tpu.memory_space<vmem_shared>> -> memref<5632x128xf32, #tpu.memory_space<vmem_shared>>
      tpu.enqueue_indirect_dma source(%arg14 : memref<64x128xf32, #tpu.memory_space<vmem>>) target(%dma_start3A_263 : memref<5632x128xf32, #tpu.memory_space<vmem_shared>>) offsets(%dma_start3A_260 : memref<64xi32, #tpu.memory_space<vmem>>) semaphore(%arg25 : memref<!tpu.dma_semaphore, #tpu.memory_space<semaphore_mem>>) {add = true}
      %while3A_264 = arith.constant 0 : i32
      scf.yield %while3A_264 : i32
    }
    %while3A_121 = arith.constant 1 : i32
    %while3A_122 = scf.for %while3A_139 = %while3A_118 to %while3A_114 step %while3A_121 iter_args(%while3A_140 = %while3A_120) -> (i32)  : i32 {
      %mul3A_141 = arith.constant 5 : i32
      %mul3A_142 = arith.muli %while3A_139, %mul3A_141 : i32
      %add3A_143 = arith.constant 0 : i32
      %add3A_144 = arith.addi %mul3A_142, %add3A_143 : i32
      %dma_wait3A_145 = arith.constant 0 : i32
      %dma_wait3A_146 = tpu.memref_slice %arg7[%add3A_144, %dma_wait3A_145] : memref<328x64xi32, #tpu.memory_space<vmem>> -> memref<1x64xi32, #tpu.memory_space<vmem>>
      %dma_wait3A_147 = tpu.memref_squeeze %dma_wait3A_146 : memref<1x64xi32, #tpu.memory_space<vmem>> -> memref<64xi32, #tpu.memory_space<vmem>>
      %dma_wait3A_148 = arith.constant 0 : i32
      %dma_wait3A_149 = arith.constant 0 : i32
      %dma_wait3A_150 = tpu.memref_slice %arg2[%dma_wait3A_148, %dma_wait3A_149] : memref<10000x128xf32, #tpu.memory_space<hbm>> -> memref<10000x128xf32, #tpu.memory_space<hbm>>
      tpu.wait_indirect_dma semaphore(%arg16 : memref<!tpu.dma_semaphore, #tpu.memory_space<semaphore_mem>>) src(%dma_wait3A_150 : memref<10000x128xf32, #tpu.memory_space<hbm>>) dst(%arg10 : memref<64x128xf32, #tpu.memory_space<vmem>>)
      %ge3A = arith.constant 2 : i32
      %ge3A_151 = arith.cmpi sge, %add3A_144, %ge3A : i32
      %convert_element_type3A = arith.extui %ge3A_151 : i1 to i32
      %cond3A = arith.constant 0 : i32
      %cond3A_152 = arith.cmpi ne, %convert_element_type3A, %cond3A : i32
      scf.if %cond3A_152 {
        %sub3A_265 = arith.constant 2 : i32
        %sub3A_266 = arith.subi %add3A_144, %sub3A_265 : i32
        %dma_wait3A_267 = arith.constant 0 : i32
        %dma_wait3A_268 = tpu.memref_slice %arg8[%sub3A_266, %dma_wait3A_267] : memref<328x64xi32, #tpu.memory_space<vmem>> -> memref<1x64xi32, #tpu.memory_space<vmem>>
        %dma_wait3A_269 = tpu.memref_squeeze %dma_wait3A_268 : memref<1x64xi32, #tpu.memory_space<vmem>> -> memref<64xi32, #tpu.memory_space<vmem>>
        %dma_wait3A_270 = arith.constant 0 : i32
        %dma_wait3A_271 = arith.constant 0 : i32
        %dma_wait3A_272 = tpu.memref_slice %arg15[%dma_wait3A_270, %dma_wait3A_271] : memref<5632x128xf32, #tpu.memory_space<vmem_shared>> -> memref<5632x128xf32, #tpu.memory_space<vmem_shared>>
        tpu.wait_indirect_dma semaphore(%arg24 : memref<!tpu.dma_semaphore, #tpu.memory_space<semaphore_mem>>) src(%arg13 : memref<64x128xf32, #tpu.memory_space<vmem>>) dst(%dma_wait3A_272 : memref<5632x128xf32, #tpu.memory_space<vmem_shared>>)
      } else {
      }
      %add3A_153 = arith.constant 3 : i32
      %add3A_154 = arith.addi %add3A_144, %add3A_153 : i32
      %lt3A = arith.cmpi slt, %add3A_154, %max3A_47 : i32
      %convert_element_type3A_155 = arith.extui %lt3A : i1 to i32
      %cond3A_156 = arith.constant 0 : i32
      %cond3A_157 = arith.cmpi ne, %convert_element_type3A_155, %cond3A_156 : i32
      scf.if %cond3A_157 {
        %add3A_265 = arith.constant 3 : i32
        %add3A_266 = arith.addi %add3A_144, %add3A_265 : i32
        %dma_start3A_267 = arith.constant 0 : i32
        %dma_start3A_268 = tpu.memref_slice %arg7[%add3A_266, %dma_start3A_267] : memref<328x64xi32, #tpu.memory_space<vmem>> -> memref<1x64xi32, #tpu.memory_space<vmem>>
        %dma_start3A_269 = tpu.memref_squeeze %dma_start3A_268 : memref<1x64xi32, #tpu.memory_space<vmem>> -> memref<64xi32, #tpu.memory_space<vmem>>
        %dma_start3A_270 = arith.constant 0 : i32
        %dma_start3A_271 = arith.constant 0 : i32
        %dma_start3A_272 = tpu.memref_slice %arg2[%dma_start3A_270, %dma_start3A_271] : memref<10000x128xf32, #tpu.memory_space<hbm>> -> memref<10000x128xf32, #tpu.memory_space<hbm>>
        tpu.enqueue_indirect_dma source(%dma_start3A_272 : memref<10000x128xf32, #tpu.memory_space<hbm>>) target(%arg13 : memref<64x128xf32, #tpu.memory_space<vmem>>) offsets(%dma_start3A_269 : memref<64xi32, #tpu.memory_space<vmem>>) semaphore(%arg19 : memref<!tpu.dma_semaphore, #tpu.memory_space<semaphore_mem>>)
      } else {
      }
      %dma_start3A_158 = arith.constant 0 : i32
      %dma_start3A_159 = tpu.memref_slice %arg8[%add3A_144, %dma_start3A_158] : memref<328x64xi32, #tpu.memory_space<vmem>> -> memref<1x64xi32, #tpu.memory_space<vmem>>
      %dma_start3A_160 = tpu.memref_squeeze %dma_start3A_159 : memref<1x64xi32, #tpu.memory_space<vmem>> -> memref<64xi32, #tpu.memory_space<vmem>>
      %dma_start3A_161 = arith.constant 0 : i32
      %dma_start3A_162 = arith.constant 0 : i32
      %dma_start3A_163 = tpu.memref_slice %arg15[%dma_start3A_161, %dma_start3A_162] : memref<5632x128xf32, #tpu.memory_space<vmem_shared>> -> memref<5632x128xf32, #tpu.memory_space<vmem_shared>>
      tpu.enqueue_indirect_dma source(%arg10 : memref<64x128xf32, #tpu.memory_space<vmem>>) target(%dma_start3A_163 : memref<5632x128xf32, #tpu.memory_space<vmem_shared>>) offsets(%dma_start3A_160 : memref<64xi32, #tpu.memory_space<vmem>>) semaphore(%arg21 : memref<!tpu.dma_semaphore, #tpu.memory_space<semaphore_mem>>) {add = true}
      %add3A_164 = arith.constant 1 : i32
      %add3A_165 = arith.addi %mul3A_142, %add3A_164 : i32
      %dma_wait3A_166 = arith.constant 0 : i32
      %dma_wait3A_167 = tpu.memref_slice %arg7[%add3A_165, %dma_wait3A_166] : memref<328x64xi32, #tpu.memory_space<vmem>> -> memref<1x64xi32, #tpu.memory_space<vmem>>
      %dma_wait3A_168 = tpu.memref_squeeze %dma_wait3A_167 : memref<1x64xi32, #tpu.memory_space<vmem>> -> memref<64xi32, #tpu.memory_space<vmem>>
      %dma_wait3A_169 = arith.constant 0 : i32
      %dma_wait3A_170 = arith.constant 0 : i32
      %dma_wait3A_171 = tpu.memref_slice %arg2[%dma_wait3A_169, %dma_wait3A_170] : memref<10000x128xf32, #tpu.memory_space<hbm>> -> memref<10000x128xf32, #tpu.memory_space<hbm>>
      tpu.wait_indirect_dma semaphore(%arg17 : memref<!tpu.dma_semaphore, #tpu.memory_space<semaphore_mem>>) src(%dma_wait3A_171 : memref<10000x128xf32, #tpu.memory_space<hbm>>) dst(%arg11 : memref<64x128xf32, #tpu.memory_space<vmem>>)
      %ge3A_172 = arith.constant 2 : i32
      %ge3A_173 = arith.cmpi sge, %add3A_165, %ge3A_172 : i32
      %convert_element_type3A_174 = arith.extui %ge3A_173 : i1 to i32
      %cond3A_175 = arith.constant 0 : i32
      %cond3A_176 = arith.cmpi ne, %convert_element_type3A_174, %cond3A_175 : i32
      scf.if %cond3A_176 {
        %sub3A_265 = arith.constant 2 : i32
        %sub3A_266 = arith.subi %add3A_165, %sub3A_265 : i32
        %dma_wait3A_267 = arith.constant 0 : i32
        %dma_wait3A_268 = tpu.memref_slice %arg8[%sub3A_266, %dma_wait3A_267] : memref<328x64xi32, #tpu.memory_space<vmem>> -> memref<1x64xi32, #tpu.memory_space<vmem>>
        %dma_wait3A_269 = tpu.memref_squeeze %dma_wait3A_268 : memref<1x64xi32, #tpu.memory_space<vmem>> -> memref<64xi32, #tpu.memory_space<vmem>>
        %dma_wait3A_270 = arith.constant 0 : i32
        %dma_wait3A_271 = arith.constant 0 : i32
        %dma_wait3A_272 = tpu.memref_slice %arg15[%dma_wait3A_270, %dma_wait3A_271] : memref<5632x128xf32, #tpu.memory_space<vmem_shared>> -> memref<5632x128xf32, #tpu.memory_space<vmem_shared>>
        tpu.wait_indirect_dma semaphore(%arg25 : memref<!tpu.dma_semaphore, #tpu.memory_space<semaphore_mem>>) src(%arg14 : memref<64x128xf32, #tpu.memory_space<vmem>>) dst(%dma_wait3A_272 : memref<5632x128xf32, #tpu.memory_space<vmem_shared>>)
      } else {
      }
      %add3A_177 = arith.constant 3 : i32
      %add3A_178 = arith.addi %add3A_165, %add3A_177 : i32
      %lt3A_179 = arith.cmpi slt, %add3A_178, %max3A_47 : i32
      %convert_element_type3A_180 = arith.extui %lt3A_179 : i1 to i32
      %cond3A_181 = arith.constant 0 : i32
      %cond3A_182 = arith.cmpi ne, %convert_element_type3A_180, %cond3A_181 : i32
      scf.if %cond3A_182 {
        %add3A_265 = arith.constant 3 : i32
        %add3A_266 = arith.addi %add3A_165, %add3A_265 : i32
        %dma_start3A_267 = arith.constant 0 : i32
        %dma_start3A_268 = tpu.memref_slice %arg7[%add3A_266, %dma_start3A_267] : memref<328x64xi32, #tpu.memory_space<vmem>> -> memref<1x64xi32, #tpu.memory_space<vmem>>
        %dma_start3A_269 = tpu.memref_squeeze %dma_start3A_268 : memref<1x64xi32, #tpu.memory_space<vmem>> -> memref<64xi32, #tpu.memory_space<vmem>>
        %dma_start3A_270 = arith.constant 0 : i32
        %dma_start3A_271 = arith.constant 0 : i32
        %dma_start3A_272 = tpu.memref_slice %arg2[%dma_start3A_270, %dma_start3A_271] : memref<10000x128xf32, #tpu.memory_space<hbm>> -> memref<10000x128xf32, #tpu.memory_space<hbm>>
        tpu.enqueue_indirect_dma source(%dma_start3A_272 : memref<10000x128xf32, #tpu.memory_space<hbm>>) target(%arg14 : memref<64x128xf32, #tpu.memory_space<vmem>>) offsets(%dma_start3A_269 : memref<64xi32, #tpu.memory_space<vmem>>) semaphore(%arg20 : memref<!tpu.dma_semaphore, #tpu.memory_space<semaphore_mem>>)
      } else {
      }
      %dma_start3A_183 = arith.constant 0 : i32
      %dma_start3A_184 = tpu.memref_slice %arg8[%add3A_165, %dma_start3A_183] : memref<328x64xi32, #tpu.memory_space<vmem>> -> memref<1x64xi32, #tpu.memory_space<vmem>>
      %dma_start3A_185 = tpu.memref_squeeze %dma_start3A_184 : memref<1x64xi32, #tpu.memory_space<vmem>> -> memref<64xi32, #tpu.memory_space<vmem>>
      %dma_start3A_186 = arith.constant 0 : i32
      %dma_start3A_187 = arith.constant 0 : i32
      %dma_start3A_188 = tpu.memref_slice %arg15[%dma_start3A_186, %dma_start3A_187] : memref<5632x128xf32, #tpu.memory_space<vmem_shared>> -> memref<5632x128xf32, #tpu.memory_space<vmem_shared>>
      tpu.enqueue_indirect_dma source(%arg11 : memref<64x128xf32, #tpu.memory_space<vmem>>) target(%dma_start3A_188 : memref<5632x128xf32, #tpu.memory_space<vmem_shared>>) offsets(%dma_start3A_185 : memref<64xi32, #tpu.memory_space<vmem>>) semaphore(%arg22 : memref<!tpu.dma_semaphore, #tpu.memory_space<semaphore_mem>>) {add = true}
      %add3A_189 = arith.constant 2 : i32
      %add3A_190 = arith.addi %mul3A_142, %add3A_189 : i32
      %dma_wait3A_191 = arith.constant 0 : i32
      %dma_wait3A_192 = tpu.memref_slice %arg7[%add3A_190, %dma_wait3A_191] : memref<328x64xi32, #tpu.memory_space<vmem>> -> memref<1x64xi32, #tpu.memory_space<vmem>>
      %dma_wait3A_193 = tpu.memref_squeeze %dma_wait3A_192 : memref<1x64xi32, #tpu.memory_space<vmem>> -> memref<64xi32, #tpu.memory_space<vmem>>
      %dma_wait3A_194 = arith.constant 0 : i32
      %dma_wait3A_195 = arith.constant 0 : i32
      %dma_wait3A_196 = tpu.memref_slice %arg2[%dma_wait3A_194, %dma_wait3A_195] : memref<10000x128xf32, #tpu.memory_space<hbm>> -> memref<10000x128xf32, #tpu.memory_space<hbm>>
      tpu.wait_indirect_dma semaphore(%arg18 : memref<!tpu.dma_semaphore, #tpu.memory_space<semaphore_mem>>) src(%dma_wait3A_196 : memref<10000x128xf32, #tpu.memory_space<hbm>>) dst(%arg12 : memref<64x128xf32, #tpu.memory_space<vmem>>)
      %ge3A_197 = arith.constant 2 : i32
      %ge3A_198 = arith.cmpi sge, %add3A_190, %ge3A_197 : i32
      %convert_element_type3A_199 = arith.extui %ge3A_198 : i1 to i32
      %cond3A_200 = arith.constant 0 : i32
      %cond3A_201 = arith.cmpi ne, %convert_element_type3A_199, %cond3A_200 : i32
      scf.if %cond3A_201 {
        %sub3A_265 = arith.constant 2 : i32
        %sub3A_266 = arith.subi %add3A_190, %sub3A_265 : i32
        %dma_wait3A_267 = arith.constant 0 : i32
        %dma_wait3A_268 = tpu.memref_slice %arg8[%sub3A_266, %dma_wait3A_267] : memref<328x64xi32, #tpu.memory_space<vmem>> -> memref<1x64xi32, #tpu.memory_space<vmem>>
        %dma_wait3A_269 = tpu.memref_squeeze %dma_wait3A_268 : memref<1x64xi32, #tpu.memory_space<vmem>> -> memref<64xi32, #tpu.memory_space<vmem>>
        %dma_wait3A_270 = arith.constant 0 : i32
        %dma_wait3A_271 = arith.constant 0 : i32
        %dma_wait3A_272 = tpu.memref_slice %arg15[%dma_wait3A_270, %dma_wait3A_271] : memref<5632x128xf32, #tpu.memory_space<vmem_shared>> -> memref<5632x128xf32, #tpu.memory_space<vmem_shared>>
        tpu.wait_indirect_dma semaphore(%arg21 : memref<!tpu.dma_semaphore, #tpu.memory_space<semaphore_mem>>) src(%arg10 : memref<64x128xf32, #tpu.memory_space<vmem>>) dst(%dma_wait3A_272 : memref<5632x128xf32, #tpu.memory_space<vmem_shared>>)
      } else {
      }
      %add3A_202 = arith.constant 3 : i32
      %add3A_203 = arith.addi %add3A_190, %add3A_202 : i32
      %lt3A_204 = arith.cmpi slt, %add3A_203, %max3A_47 : i32
      %convert_element_type3A_205 = arith.extui %lt3A_204 : i1 to i32
      %cond3A_206 = arith.constant 0 : i32
      %cond3A_207 = arith.cmpi ne, %convert_element_type3A_205, %cond3A_206 : i32
      scf.if %cond3A_207 {
        %add3A_265 = arith.constant 3 : i32
        %add3A_266 = arith.addi %add3A_190, %add3A_265 : i32
        %dma_start3A_267 = arith.constant 0 : i32
        %dma_start3A_268 = tpu.memref_slice %arg7[%add3A_266, %dma_start3A_267] : memref<328x64xi32, #tpu.memory_space<vmem>> -> memref<1x64xi32, #tpu.memory_space<vmem>>
        %dma_start3A_269 = tpu.memref_squeeze %dma_start3A_268 : memref<1x64xi32, #tpu.memory_space<vmem>> -> memref<64xi32, #tpu.memory_space<vmem>>
        %dma_start3A_270 = arith.constant 0 : i32
        %dma_start3A_271 = arith.constant 0 : i32
        %dma_start3A_272 = tpu.memref_slice %arg2[%dma_start3A_270, %dma_start3A_271] : memref<10000x128xf32, #tpu.memory_space<hbm>> -> memref<10000x128xf32, #tpu.memory_space<hbm>>
        tpu.enqueue_indirect_dma source(%dma_start3A_272 : memref<10000x128xf32, #tpu.memory_space<hbm>>) target(%arg10 : memref<64x128xf32, #tpu.memory_space<vmem>>) offsets(%dma_start3A_269 : memref<64xi32, #tpu.memory_space<vmem>>) semaphore(%arg16 : memref<!tpu.dma_semaphore, #tpu.memory_space<semaphore_mem>>)
      } else {
      }
      %dma_start3A_208 = arith.constant 0 : i32
      %dma_start3A_209 = tpu.memref_slice %arg8[%add3A_190, %dma_start3A_208] : memref<328x64xi32, #tpu.memory_space<vmem>> -> memref<1x64xi32, #tpu.memory_space<vmem>>
      %dma_start3A_210 = tpu.memref_squeeze %dma_start3A_209 : memref<1x64xi32, #tpu.memory_space<vmem>> -> memref<64xi32, #tpu.memory_space<vmem>>
      %dma_start3A_211 = arith.constant 0 : i32
      %dma_start3A_212 = arith.constant 0 : i32
      %dma_start3A_213 = tpu.memref_slice %arg15[%dma_start3A_211, %dma_start3A_212] : memref<5632x128xf32, #tpu.memory_space<vmem_shared>> -> memref<5632x128xf32, #tpu.memory_space<vmem_shared>>
      tpu.enqueue_indirect_dma source(%arg12 : memref<64x128xf32, #tpu.memory_space<vmem>>) target(%dma_start3A_213 : memref<5632x128xf32, #tpu.memory_space<vmem_shared>>) offsets(%dma_start3A_210 : memref<64xi32, #tpu.memory_space<vmem>>) semaphore(%arg23 : memref<!tpu.dma_semaphore, #tpu.memory_space<semaphore_mem>>) {add = true}
      %add3A_214 = arith.constant 3 : i32
      %add3A_215 = arith.addi %mul3A_142, %add3A_214 : i32
      %dma_wait3A_216 = arith.constant 0 : i32
      %dma_wait3A_217 = tpu.memref_slice %arg7[%add3A_215, %dma_wait3A_216] : memref<328x64xi32, #tpu.memory_space<vmem>> -> memref<1x64xi32, #tpu.memory_space<vmem>>
      %dma_wait3A_218 = tpu.memref_squeeze %dma_wait3A_217 : memref<1x64xi32, #tpu.memory_space<vmem>> -> memref<64xi32, #tpu.memory_space<vmem>>
      %dma_wait3A_219 = arith.constant 0 : i32
      %dma_wait3A_220 = arith.constant 0 : i32
      %dma_wait3A_221 = tpu.memref_slice %arg2[%dma_wait3A_219, %dma_wait3A_220] : memref<10000x128xf32, #tpu.memory_space<hbm>> -> memref<10000x128xf32, #tpu.memory_space<hbm>>
      tpu.wait_indirect_dma semaphore(%arg19 : memref<!tpu.dma_semaphore, #tpu.memory_space<semaphore_mem>>) src(%dma_wait3A_221 : memref<10000x128xf32, #tpu.memory_space<hbm>>) dst(%arg13 : memref<64x128xf32, #tpu.memory_space<vmem>>)
      %ge3A_222 = arith.constant 2 : i32
      %ge3A_223 = arith.cmpi sge, %add3A_215, %ge3A_222 : i32
      %convert_element_type3A_224 = arith.extui %ge3A_223 : i1 to i32
      %cond3A_225 = arith.constant 0 : i32
      %cond3A_226 = arith.cmpi ne, %convert_element_type3A_224, %cond3A_225 : i32
      scf.if %cond3A_226 {
        %sub3A_265 = arith.constant 2 : i32
        %sub3A_266 = arith.subi %add3A_215, %sub3A_265 : i32
        %dma_wait3A_267 = arith.constant 0 : i32
        %dma_wait3A_268 = tpu.memref_slice %arg8[%sub3A_266, %dma_wait3A_267] : memref<328x64xi32, #tpu.memory_space<vmem>> -> memref<1x64xi32, #tpu.memory_space<vmem>>
        %dma_wait3A_269 = tpu.memref_squeeze %dma_wait3A_268 : memref<1x64xi32, #tpu.memory_space<vmem>> -> memref<64xi32, #tpu.memory_space<vmem>>
        %dma_wait3A_270 = arith.constant 0 : i32
        %dma_wait3A_271 = arith.constant 0 : i32
        %dma_wait3A_272 = tpu.memref_slice %arg15[%dma_wait3A_270, %dma_wait3A_271] : memref<5632x128xf32, #tpu.memory_space<vmem_shared>> -> memref<5632x128xf32, #tpu.memory_space<vmem_shared>>
        tpu.wait_indirect_dma semaphore(%arg22 : memref<!tpu.dma_semaphore, #tpu.memory_space<semaphore_mem>>) src(%arg11 : memref<64x128xf32, #tpu.memory_space<vmem>>) dst(%dma_wait3A_272 : memref<5632x128xf32, #tpu.memory_space<vmem_shared>>)
      } else {
      }
      %add3A_227 = arith.constant 3 : i32
      %add3A_228 = arith.addi %add3A_215, %add3A_227 : i32
      %lt3A_229 = arith.cmpi slt, %add3A_228, %max3A_47 : i32
      %convert_element_type3A_230 = arith.extui %lt3A_229 : i1 to i32
      %cond3A_231 = arith.constant 0 : i32
      %cond3A_232 = arith.cmpi ne, %convert_element_type3A_230, %cond3A_231 : i32
      scf.if %cond3A_232 {
        %add3A_265 = arith.constant 3 : i32
        %add3A_266 = arith.addi %add3A_215, %add3A_265 : i32
        %dma_start3A_267 = arith.constant 0 : i32
        %dma_start3A_268 = tpu.memref_slice %arg7[%add3A_266, %dma_start3A_267] : memref<328x64xi32, #tpu.memory_space<vmem>> -> memref<1x64xi32, #tpu.memory_space<vmem>>
        %dma_start3A_269 = tpu.memref_squeeze %dma_start3A_268 : memref<1x64xi32, #tpu.memory_space<vmem>> -> memref<64xi32, #tpu.memory_space<vmem>>
        %dma_start3A_270 = arith.constant 0 : i32
        %dma_start3A_271 = arith.constant 0 : i32
        %dma_start3A_272 = tpu.memref_slice %arg2[%dma_start3A_270, %dma_start3A_271] : memref<10000x128xf32, #tpu.memory_space<hbm>> -> memref<10000x128xf32, #tpu.memory_space<hbm>>
        tpu.enqueue_indirect_dma source(%dma_start3A_272 : memref<10000x128xf32, #tpu.memory_space<hbm>>) target(%arg11 : memref<64x128xf32, #tpu.memory_space<vmem>>) offsets(%dma_start3A_269 : memref<64xi32, #tpu.memory_space<vmem>>) semaphore(%arg17 : memref<!tpu.dma_semaphore, #tpu.memory_space<semaphore_mem>>)
      } else {
      }
      %dma_start3A_233 = arith.constant 0 : i32
      %dma_start3A_234 = tpu.memref_slice %arg8[%add3A_215, %dma_start3A_233] : memref<328x64xi32, #tpu.memory_space<vmem>> -> memref<1x64xi32, #tpu.memory_space<vmem>>
      %dma_start3A_235 = tpu.memref_squeeze %dma_start3A_234 : memref<1x64xi32, #tpu.memory_space<vmem>> -> memref<64xi32, #tpu.memory_space<vmem>>
      %dma_start3A_236 = arith.constant 0 : i32
      %dma_start3A_237 = arith.constant 0 : i32
      %dma_start3A_238 = tpu.memref_slice %arg15[%dma_start3A_236, %dma_start3A_237] : memref<5632x128xf32, #tpu.memory_space<vmem_shared>> -> memref<5632x128xf32, #tpu.memory_space<vmem_shared>>
      tpu.enqueue_indirect_dma source(%arg13 : memref<64x128xf32, #tpu.memory_space<vmem>>) target(%dma_start3A_238 : memref<5632x128xf32, #tpu.memory_space<vmem_shared>>) offsets(%dma_start3A_235 : memref<64xi32, #tpu.memory_space<vmem>>) semaphore(%arg24 : memref<!tpu.dma_semaphore, #tpu.memory_space<semaphore_mem>>) {add = true}
      %add3A_239 = arith.constant 4 : i32
      %add3A_240 = arith.addi %mul3A_142, %add3A_239 : i32
      %dma_wait3A_241 = arith.constant 0 : i32
      %dma_wait3A_242 = tpu.memref_slice %arg7[%add3A_240, %dma_wait3A_241] : memref<328x64xi32, #tpu.memory_space<vmem>> -> memref<1x64xi32, #tpu.memory_space<vmem>>
      %dma_wait3A_243 = tpu.memref_squeeze %dma_wait3A_242 : memref<1x64xi32, #tpu.memory_space<vmem>> -> memref<64xi32, #tpu.memory_space<vmem>>
      %dma_wait3A_244 = arith.constant 0 : i32
      %dma_wait3A_245 = arith.constant 0 : i32
      %dma_wait3A_246 = tpu.memref_slice %arg2[%dma_wait3A_244, %dma_wait3A_245] : memref<10000x128xf32, #tpu.memory_space<hbm>> -> memref<10000x128xf32, #tpu.memory_space<hbm>>
      tpu.wait_indirect_dma semaphore(%arg20 : memref<!tpu.dma_semaphore, #tpu.memory_space<semaphore_mem>>) src(%dma_wait3A_246 : memref<10000x128xf32, #tpu.memory_space<hbm>>) dst(%arg14 : memref<64x128xf32, #tpu.memory_space<vmem>>)
      %ge3A_247 = arith.constant 2 : i32
      %ge3A_248 = arith.cmpi sge, %add3A_240, %ge3A_247 : i32
      %convert_element_type3A_249 = arith.extui %ge3A_248 : i1 to i32
      %cond3A_250 = arith.constant 0 : i32
      %cond3A_251 = arith.cmpi ne, %convert_element_type3A_249, %cond3A_250 : i32
      scf.if %cond3A_251 {
        %sub3A_265 = arith.constant 2 : i32
        %sub3A_266 = arith.subi %add3A_240, %sub3A_265 : i32
        %dma_wait3A_267 = arith.constant 0 : i32
        %dma_wait3A_268 = tpu.memref_slice %arg8[%sub3A_266, %dma_wait3A_267] : memref<328x64xi32, #tpu.memory_space<vmem>> -> memref<1x64xi32, #tpu.memory_space<vmem>>
        %dma_wait3A_269 = tpu.memref_squeeze %dma_wait3A_268 : memref<1x64xi32, #tpu.memory_space<vmem>> -> memref<64xi32, #tpu.memory_space<vmem>>
        %dma_wait3A_270 = arith.constant 0 : i32
        %dma_wait3A_271 = arith.constant 0 : i32
        %dma_wait3A_272 = tpu.memref_slice %arg15[%dma_wait3A_270, %dma_wait3A_271] : memref<5632x128xf32, #tpu.memory_space<vmem_shared>> -> memref<5632x128xf32, #tpu.memory_space<vmem_shared>>
        tpu.wait_indirect_dma semaphore(%arg23 : memref<!tpu.dma_semaphore, #tpu.memory_space<semaphore_mem>>) src(%arg12 : memref<64x128xf32, #tpu.memory_space<vmem>>) dst(%dma_wait3A_272 : memref<5632x128xf32, #tpu.memory_space<vmem_shared>>)
      } else {
      }
      %add3A_252 = arith.constant 3 : i32
      %add3A_253 = arith.addi %add3A_240, %add3A_252 : i32
      %lt3A_254 = arith.cmpi slt, %add3A_253, %max3A_47 : i32
      %convert_element_type3A_255 = arith.extui %lt3A_254 : i1 to i32
      %cond3A_256 = arith.constant 0 : i32
      %cond3A_257 = arith.cmpi ne, %convert_element_type3A_255, %cond3A_256 : i32
      scf.if %cond3A_257 {
        %add3A_265 = arith.constant 3 : i32
        %add3A_266 = arith.addi %add3A_240, %add3A_265 : i32
        %dma_start3A_267 = arith.constant 0 : i32
        %dma_start3A_268 = tpu.memref_slice %arg7[%add3A_266, %dma_start3A_267] : memref<328x64xi32, #tpu.memory_space<vmem>> -> memref<1x64xi32, #tpu.memory_space<vmem>>
        %dma_start3A_269 = tpu.memref_squeeze %dma_start3A_268 : memref<1x64xi32, #tpu.memory_space<vmem>> -> memref<64xi32, #tpu.memory_space<vmem>>
        %dma_start3A_270 = arith.constant 0 : i32
        %dma_start3A_271 = arith.constant 0 : i32
        %dma_start3A_272 = tpu.memref_slice %arg2[%dma_start3A_270, %dma_start3A_271] : memref<10000x128xf32, #tpu.memory_space<hbm>> -> memref<10000x128xf32, #tpu.memory_space<hbm>>
        tpu.enqueue_indirect_dma source(%dma_start3A_272 : memref<10000x128xf32, #tpu.memory_space<hbm>>) target(%arg12 : memref<64x128xf32, #tpu.memory_space<vmem>>) offsets(%dma_start3A_269 : memref<64xi32, #tpu.memory_space<vmem>>) semaphore(%arg18 : memref<!tpu.dma_semaphore, #tpu.memory_space<semaphore_mem>>)
      } else {
      }
      %dma_start3A_258 = arith.constant 0 : i32
      %dma_start3A_259 = tpu.memref_slice %arg8[%add3A_240, %dma_start3A_258] : memref<328x64xi32, #tpu.memory_space<vmem>> -> memref<1x64xi32, #tpu.memory_space<vmem>>
      %dma_start3A_260 = tpu.memref_squeeze %dma_start3A_259 : memref<1x64xi32, #tpu.memory_space<vmem>> -> memref<64xi32, #tpu.memory_space<vmem>>
      %dma_start3A_261 = arith.constant 0 : i32
      %dma_start3A_262 = arith.constant 0 : i32
      %dma_start3A_263 = tpu.memref_slice %arg15[%dma_start3A_261, %dma_start3A_262] : memref<5632x128xf32, #tpu.memory_space<vmem_shared>> -> memref<5632x128xf32, #tpu.memory_space<vmem_shared>>
      tpu.enqueue_indirect_dma source(%arg14 : memref<64x128xf32, #tpu.memory_space<vmem>>) target(%dma_start3A_263 : memref<5632x128xf32, #tpu.memory_space<vmem_shared>>) offsets(%dma_start3A_260 : memref<64xi32, #tpu.memory_space<vmem>>) semaphore(%arg25 : memref<!tpu.dma_semaphore, #tpu.memory_space<semaphore_mem>>) {add = true}
      %while3A_264 = arith.constant 0 : i32
      scf.yield %while3A_264 : i32
    }
    %sub3A_123 = arith.constant 2 : i32
    %sub3A_124 = arith.subi %max3A_47, %sub3A_123 : i32
    %dma_wait3A = arith.constant 0 : i32
    %dma_wait3A_125 = tpu.memref_slice %arg8[%sub3A_124, %dma_wait3A] : memref<328x64xi32, #tpu.memory_space<vmem>> -> memref<1x64xi32, #tpu.memory_space<vmem>>
    %dma_wait3A_126 = tpu.memref_squeeze %dma_wait3A_125 : memref<1x64xi32, #tpu.memory_space<vmem>> -> memref<64xi32, #tpu.memory_space<vmem>>
    %dma_wait3A_127 = arith.constant 0 : i32
    %dma_wait3A_128 = arith.constant 0 : i32
    %dma_wait3A_129 = tpu.memref_slice %arg15[%dma_wait3A_127, %dma_wait3A_128] : memref<5632x128xf32, #tpu.memory_space<vmem_shared>> -> memref<5632x128xf32, #tpu.memory_space<vmem_shared>>
    tpu.wait_indirect_dma semaphore(%arg24 : memref<!tpu.dma_semaphore, #tpu.memory_space<semaphore_mem>>) src(%arg13 : memref<64x128xf32, #tpu.memory_space<vmem>>) dst(%dma_wait3A_129 : memref<5632x128xf32, #tpu.memory_space<vmem_shared>>)
    %sub3A_130 = arith.constant 1 : i32
    %sub3A_131 = arith.subi %max3A_47, %sub3A_130 : i32
    %dma_wait3A_132 = arith.constant 0 : i32
    %dma_wait3A_133 = tpu.memref_slice %arg8[%sub3A_131, %dma_wait3A_132] : memref<328x64xi32, #tpu.memory_space<vmem>> -> memref<1x64xi32, #tpu.memory_space<vmem>>
    %dma_wait3A_134 = tpu.memref_squeeze %dma_wait3A_133 : memref<1x64xi32, #tpu.memory_space<vmem>> -> memref<64xi32, #tpu.memory_space<vmem>>
    %dma_wait3A_135 = arith.constant 0 : i32
    %dma_wait3A_136 = arith.constant 0 : i32
    %dma_wait3A_137 = tpu.memref_slice %arg15[%dma_wait3A_135, %dma_wait3A_136] : memref<5632x128xf32, #tpu.memory_space<vmem_shared>> -> memref<5632x128xf32, #tpu.memory_space<vmem_shared>>
    tpu.wait_indirect_dma semaphore(%arg25 : memref<!tpu.dma_semaphore, #tpu.memory_space<semaphore_mem>>) src(%arg14 : memref<64x128xf32, #tpu.memory_space<vmem>>) dst(%dma_wait3A_137 : memref<5632x128xf32, #tpu.memory_space<vmem_shared>>)
    %barrier3A_138 = arith.constant 0 : index
    tpu.barrier barrier_id(%barrier3A_138)
    "tpu.region"() ({
      %run_scoped3A = tpu.sem_alloc : memref<!tpu.dma_semaphore, #tpu.memory_space<semaphore_mem>>
      %dma_start3A_139 = arith.constant 0 : i32
      %dma_start3A_140 = tpu.memref_slice %arg6[%arg0, %mul3A_55, %dma_start3A_139] : memref<2x5632x128xf32, #tpu.memory_space<hbm>> -> memref<1x352x128xf32, #tpu.memory_space<hbm>>
      %dma_start3A_141 = tpu.memref_squeeze %dma_start3A_140 : memref<1x352x128xf32, #tpu.memory_space<hbm>> -> memref<352x128xf32, #tpu.memory_space<hbm>>
      %dma_start3A_142 = arith.constant 0 : i32
      %dma_start3A_143 = tpu.memref_slice %arg15[%mul3A_55, %dma_start3A_142] : memref<5632x128xf32, #tpu.memory_space<vmem_shared>> -> memref<352x128xf32, #tpu.memory_space<vmem_shared>>
      tpu.enqueue_dma source(%dma_start3A_143 : memref<352x128xf32, #tpu.memory_space<vmem_shared>>) target(%dma_start3A_141 : memref<352x128xf32, #tpu.memory_space<hbm>>) target_semaphore(%run_scoped3A : memref<!tpu.dma_semaphore, #tpu.memory_space<semaphore_mem>>)
      %dma_wait3A_144 = arith.constant 0 : i32
      %dma_wait3A_145 = tpu.memref_slice %arg6[%arg0, %mul3A_55, %dma_wait3A_144] : memref<2x5632x128xf32, #tpu.memory_space<hbm>> -> memref<1x352x128xf32, #tpu.memory_space<hbm>>
      %dma_wait3A_146 = tpu.memref_squeeze %dma_wait3A_145 : memref<1x352x128xf32, #tpu.memory_space<hbm>> -> memref<352x128xf32, #tpu.memory_space<hbm>>
      %dma_wait3A_147 = arith.constant 0 : i32
      %dma_wait3A_148 = tpu.memref_slice %arg15[%mul3A_55, %dma_wait3A_147] : memref<5632x128xf32, #tpu.memory_space<vmem_shared>> -> memref<352x128xf32, #tpu.memory_space<vmem_shared>>
      tpu.wait_dma2 semaphore(%run_scoped3A : memref<!tpu.dma_semaphore, #tpu.memory_space<semaphore_mem>>) src(%dma_wait3A_148 : memref<352x128xf32, #tpu.memory_space<vmem_shared>>) dst(%dma_wait3A_146 : memref<352x128xf32, #tpu.memory_space<hbm>>)
      tpu.yield
    }) : () -> ()
    return
  }
}

#map = affine_map<(d0, d1) -> (0, 0, 0)>
#map1 = affine_map<(d0, d1) -> (0, 0, 0, 0)>
module attributes {stable_mosaic.version = 14 : i64} {
  func.func @_prep_body(%arg0: i32, %arg1: i32, %arg2: memref<16x160x128xi32, #tpu.memory_space<hbm>>, %arg3: memref<16x160x128xi32, #tpu.memory_space<hbm>>, %arg4: memref<2x5632x16xf32, #tpu.memory_space<hbm>>, %arg5: memref<2x16x328x64xi32, #tpu.memory_space<hbm>>, %arg6: memref<2x16x328x64xi32, #tpu.memory_space<hbm>>, %arg7: memref<2x16x16xi32, #tpu.memory_space<hbm>>, %arg8: memref<160x128xi32, #tpu.memory_space<vmem>>, %arg9: memref<160x128xi32, #tpu.memory_space<vmem>>, %arg10: memref<328x64xi32, #tpu.memory_space<vmem>>, %arg11: memref<328x64xi32, #tpu.memory_space<vmem>>, %arg12: memref<64x16xf32, #tpu.memory_space<vmem>>, %arg13: memref<16xi32, #tpu.memory_space<vmem>>, %arg14: memref<5632x16xf32, #tpu.memory_space<vmem_shared>>, %arg15: memref<!tpu.dma_semaphore, #tpu.memory_space<semaphore_mem>>) attributes {dimension_semantics = [#tpu.dimension_semantics<core_parallel>, #tpu.dimension_semantics<subcore_parallel>], iteration_bounds = array<i64: 2, 16>, scalar_prefetch = 0 : i64, scratch_operands = 8 : i64, tpu.core_type = #tpu.core_type<sc_vector_subcore>, window_params = [{transform_indices = #map}, {transform_indices = #map}, {transform_indices = #map}, {transform_indices = #map1}, {transform_indices = #map1}, {transform_indices = #map}]} {
    %mul3A = arith.constant 5120 : i32
    %mul3A_0 = arith.muli %arg0, %mul3A : i32
    "tpu.region"() ({
      %run_scoped3A = tpu.sem_alloc : memref<!tpu.dma_semaphore, #tpu.memory_space<semaphore_mem>>
      %dma_start3A = arith.constant 0 : i32
      %dma_start3A_84 = arith.constant 0 : i32
      %dma_start3A_85 = tpu.memref_slice %arg2[%arg1, %dma_start3A, %dma_start3A_84] : memref<16x160x128xi32, #tpu.memory_space<hbm>> -> memref<1x160x128xi32, #tpu.memory_space<hbm>>
      %dma_start3A_86 = tpu.memref_squeeze %dma_start3A_85 : memref<1x160x128xi32, #tpu.memory_space<hbm>> -> memref<160x128xi32, #tpu.memory_space<hbm>>
      %dma_start3A_87 = arith.constant 0 : i32
      %dma_start3A_88 = arith.constant 0 : i32
      %dma_start3A_89 = tpu.memref_slice %arg2[%arg1, %dma_start3A_87, %dma_start3A_88] : memref<16x160x128xi32, #tpu.memory_space<hbm>> -> memref<1x160x128xi32, #tpu.memory_space<hbm>>
      %dma_start3A_90 = tpu.memref_squeeze %dma_start3A_89 : memref<1x160x128xi32, #tpu.memory_space<hbm>> -> memref<160x128xi32, #tpu.memory_space<hbm>>
      tpu.enqueue_dma source(%dma_start3A_90 : memref<160x128xi32, #tpu.memory_space<hbm>>) target(%arg8 : memref<160x128xi32, #tpu.memory_space<vmem>>) target_semaphore(%run_scoped3A : memref<!tpu.dma_semaphore, #tpu.memory_space<semaphore_mem>>)
      %dma_wait3A = arith.constant 0 : i32
      %dma_wait3A_91 = arith.constant 0 : i32
      %dma_wait3A_92 = tpu.memref_slice %arg2[%arg1, %dma_wait3A, %dma_wait3A_91] : memref<16x160x128xi32, #tpu.memory_space<hbm>> -> memref<1x160x128xi32, #tpu.memory_space<hbm>>
      %dma_wait3A_93 = tpu.memref_squeeze %dma_wait3A_92 : memref<1x160x128xi32, #tpu.memory_space<hbm>> -> memref<160x128xi32, #tpu.memory_space<hbm>>
      %dma_wait3A_94 = arith.constant 0 : i32
      %dma_wait3A_95 = arith.constant 0 : i32
      %dma_wait3A_96 = tpu.memref_slice %arg2[%arg1, %dma_wait3A_94, %dma_wait3A_95] : memref<16x160x128xi32, #tpu.memory_space<hbm>> -> memref<1x160x128xi32, #tpu.memory_space<hbm>>
      %dma_wait3A_97 = tpu.memref_squeeze %dma_wait3A_96 : memref<1x160x128xi32, #tpu.memory_space<hbm>> -> memref<160x128xi32, #tpu.memory_space<hbm>>
      tpu.wait_dma2 semaphore(%run_scoped3A : memref<!tpu.dma_semaphore, #tpu.memory_space<semaphore_mem>>) src(%dma_wait3A_97 : memref<160x128xi32, #tpu.memory_space<hbm>>) dst(%arg8 : memref<160x128xi32, #tpu.memory_space<vmem>>)
      tpu.yield
    }) : () -> ()
    "tpu.region"() ({
      %run_scoped3A = tpu.sem_alloc : memref<!tpu.dma_semaphore, #tpu.memory_space<semaphore_mem>>
      %dma_start3A = arith.constant 0 : i32
      %dma_start3A_84 = arith.constant 0 : i32
      %dma_start3A_85 = tpu.memref_slice %arg3[%arg1, %dma_start3A, %dma_start3A_84] : memref<16x160x128xi32, #tpu.memory_space<hbm>> -> memref<1x160x128xi32, #tpu.memory_space<hbm>>
      %dma_start3A_86 = tpu.memref_squeeze %dma_start3A_85 : memref<1x160x128xi32, #tpu.memory_space<hbm>> -> memref<160x128xi32, #tpu.memory_space<hbm>>
      %dma_start3A_87 = arith.constant 0 : i32
      %dma_start3A_88 = arith.constant 0 : i32
      %dma_start3A_89 = tpu.memref_slice %arg3[%arg1, %dma_start3A_87, %dma_start3A_88] : memref<16x160x128xi32, #tpu.memory_space<hbm>> -> memref<1x160x128xi32, #tpu.memory_space<hbm>>
      %dma_start3A_90 = tpu.memref_squeeze %dma_start3A_89 : memref<1x160x128xi32, #tpu.memory_space<hbm>> -> memref<160x128xi32, #tpu.memory_space<hbm>>
      tpu.enqueue_dma source(%dma_start3A_90 : memref<160x128xi32, #tpu.memory_space<hbm>>) target(%arg9 : memref<160x128xi32, #tpu.memory_space<vmem>>) target_semaphore(%run_scoped3A : memref<!tpu.dma_semaphore, #tpu.memory_space<semaphore_mem>>)
      %dma_wait3A = arith.constant 0 : i32
      %dma_wait3A_91 = arith.constant 0 : i32
      %dma_wait3A_92 = tpu.memref_slice %arg3[%arg1, %dma_wait3A, %dma_wait3A_91] : memref<16x160x128xi32, #tpu.memory_space<hbm>> -> memref<1x160x128xi32, #tpu.memory_space<hbm>>
      %dma_wait3A_93 = tpu.memref_squeeze %dma_wait3A_92 : memref<1x160x128xi32, #tpu.memory_space<hbm>> -> memref<160x128xi32, #tpu.memory_space<hbm>>
      %dma_wait3A_94 = arith.constant 0 : i32
      %dma_wait3A_95 = arith.constant 0 : i32
      %dma_wait3A_96 = tpu.memref_slice %arg3[%arg1, %dma_wait3A_94, %dma_wait3A_95] : memref<16x160x128xi32, #tpu.memory_space<hbm>> -> memref<1x160x128xi32, #tpu.memory_space<hbm>>
      %dma_wait3A_97 = tpu.memref_squeeze %dma_wait3A_96 : memref<1x160x128xi32, #tpu.memory_space<hbm>> -> memref<160x128xi32, #tpu.memory_space<hbm>>
      tpu.wait_dma2 semaphore(%run_scoped3A : memref<!tpu.dma_semaphore, #tpu.memory_space<semaphore_mem>>) src(%dma_wait3A_97 : memref<160x128xi32, #tpu.memory_space<hbm>>) dst(%arg9 : memref<160x128xi32, #tpu.memory_space<vmem>>)
      tpu.yield
    }) : () -> ()
    %scan3A = arith.constant 0 : i32
    %scan3A_1 = arith.constant 0 : i32
    %scan3A_2 = arith.constant 64 : i32
    %scan3A_3 = arith.addi %scan3A_1, %scan3A_2 : i32
    %scan3A_4 = arith.constant 1 : i32
    %scan3A_5 = scf.for %scan3A_84 = %scan3A_1 to %scan3A_3 step %scan3A_4 iter_args(%scan3A_85 = %scan3A) -> (i32)  : i32 {
      %broadcast_in_dim3A_86 = arith.constant 0.000000e+00 : f32
      %broadcast_in_dim3A_87 = vector.broadcast %broadcast_in_dim3A_86 : f32 to vector<16xf32>
      %swap3A_88 = arith.index_cast %scan3A_84 : i32 to index
      %swap3A_89 = arith.constant 0 : index
      %swap3A_90 = tpu.vector_load %arg12[%swap3A_88, %swap3A_89] {strides = array<i32>} : memref<64x16xf32, #tpu.memory_space<vmem>>, vector<16xf32>,
      tpu.vector_store %arg12[%swap3A_88, %swap3A_89], %broadcast_in_dim3A_87 {strides = array<i32>} : memref<64x16xf32, #tpu.memory_space<vmem>>, vector<16xf32>,
      %scan3A_91 = arith.constant 0 : i32
      scf.yield %scan3A_91 : i32
    }
    %scan3A_6 = arith.constant 64 : i32
    %mul3A_7 = arith.constant 352 : i32
    %mul3A_8 = arith.muli %arg1, %mul3A_7 : i32
    %add3A = arith.constant 0 : i32
    %add3A_9 = arith.addi %mul3A_8, %add3A : i32
    "tpu.region"() ({
      %run_scoped3A = tpu.sem_alloc : memref<!tpu.dma_semaphore, #tpu.memory_space<semaphore_mem>>
      %dma_start3A = arith.constant 0 : i32
      %dma_start3A_84 = arith.constant 0 : i32
      %dma_start3A_85 = tpu.memref_slice %arg12[%dma_start3A, %dma_start3A_84] : memref<64x16xf32, #tpu.memory_space<vmem>> -> memref<64x16xf32, #tpu.memory_space<vmem>>
      %dma_start3A_86 = arith.constant 0 : i32
      %dma_start3A_87 = tpu.memref_slice %arg14[%add3A_9, %dma_start3A_86] : memref<5632x16xf32, #tpu.memory_space<vmem_shared>> -> memref<64x16xf32, #tpu.memory_space<vmem_shared>>
      %dma_start3A_88 = arith.constant 0 : i32
      %dma_start3A_89 = tpu.memref_slice %arg14[%add3A_9, %dma_start3A_88] : memref<5632x16xf32, #tpu.memory_space<vmem_shared>> -> memref<64x16xf32, #tpu.memory_space<vmem_shared>>
      %dma_start3A_90 = arith.constant 0 : i32
      %dma_start3A_91 = arith.constant 0 : i32
      %dma_start3A_92 = tpu.memref_slice %arg12[%dma_start3A_90, %dma_start3A_91] : memref<64x16xf32, #tpu.memory_space<vmem>> -> memref<64x16xf32, #tpu.memory_space<vmem>>
      tpu.enqueue_dma source(%dma_start3A_92 : memref<64x16xf32, #tpu.memory_space<vmem>>) target(%dma_start3A_89 : memref<64x16xf32, #tpu.memory_space<vmem_shared>>) target_semaphore(%run_scoped3A : memref<!tpu.dma_semaphore, #tpu.memory_space<semaphore_mem>>)
      %dma_wait3A = arith.constant 0 : i32
      %dma_wait3A_93 = arith.constant 0 : i32
      %dma_wait3A_94 = tpu.memref_slice %arg12[%dma_wait3A, %dma_wait3A_93] : memref<64x16xf32, #tpu.memory_space<vmem>> -> memref<64x16xf32, #tpu.memory_space<vmem>>
      %dma_wait3A_95 = arith.constant 0 : i32
      %dma_wait3A_96 = tpu.memref_slice %arg14[%add3A_9, %dma_wait3A_95] : memref<5632x16xf32, #tpu.memory_space<vmem_shared>> -> memref<64x16xf32, #tpu.memory_space<vmem_shared>>
      %dma_wait3A_97 = arith.constant 0 : i32
      %dma_wait3A_98 = tpu.memref_slice %arg14[%add3A_9, %dma_wait3A_97] : memref<5632x16xf32, #tpu.memory_space<vmem_shared>> -> memref<64x16xf32, #tpu.memory_space<vmem_shared>>
      %dma_wait3A_99 = arith.constant 0 : i32
      %dma_wait3A_100 = arith.constant 0 : i32
      %dma_wait3A_101 = tpu.memref_slice %arg12[%dma_wait3A_99, %dma_wait3A_100] : memref<64x16xf32, #tpu.memory_space<vmem>> -> memref<64x16xf32, #tpu.memory_space<vmem>>
      tpu.wait_dma2 semaphore(%run_scoped3A : memref<!tpu.dma_semaphore, #tpu.memory_space<semaphore_mem>>) src(%dma_wait3A_101 : memref<64x16xf32, #tpu.memory_space<vmem>>) dst(%dma_wait3A_98 : memref<64x16xf32, #tpu.memory_space<vmem_shared>>)
      tpu.yield
    }) : () -> ()
    %add3A_10 = arith.constant 64 : i32
    %add3A_11 = arith.addi %mul3A_8, %add3A_10 : i32
    "tpu.region"() ({
      %run_scoped3A = tpu.sem_alloc : memref<!tpu.dma_semaphore, #tpu.memory_space<semaphore_mem>>
      %dma_start3A = arith.constant 0 : i32
      %dma_start3A_84 = arith.constant 0 : i32
      %dma_start3A_85 = tpu.memref_slice %arg12[%dma_start3A, %dma_start3A_84] : memref<64x16xf32, #tpu.memory_space<vmem>> -> memref<64x16xf32, #tpu.memory_space<vmem>>
      %dma_start3A_86 = arith.constant 0 : i32
      %dma_start3A_87 = tpu.memref_slice %arg14[%add3A_11, %dma_start3A_86] : memref<5632x16xf32, #tpu.memory_space<vmem_shared>> -> memref<64x16xf32, #tpu.memory_space<vmem_shared>>
      %dma_start3A_88 = arith.constant 0 : i32
      %dma_start3A_89 = tpu.memref_slice %arg14[%add3A_11, %dma_start3A_88] : memref<5632x16xf32, #tpu.memory_space<vmem_shared>> -> memref<64x16xf32, #tpu.memory_space<vmem_shared>>
      %dma_start3A_90 = arith.constant 0 : i32
      %dma_start3A_91 = arith.constant 0 : i32
      %dma_start3A_92 = tpu.memref_slice %arg12[%dma_start3A_90, %dma_start3A_91] : memref<64x16xf32, #tpu.memory_space<vmem>> -> memref<64x16xf32, #tpu.memory_space<vmem>>
      tpu.enqueue_dma source(%dma_start3A_92 : memref<64x16xf32, #tpu.memory_space<vmem>>) target(%dma_start3A_89 : memref<64x16xf32, #tpu.memory_space<vmem_shared>>) target_semaphore(%run_scoped3A : memref<!tpu.dma_semaphore, #tpu.memory_space<semaphore_mem>>)
      %dma_wait3A = arith.constant 0 : i32
      %dma_wait3A_93 = arith.constant 0 : i32
      %dma_wait3A_94 = tpu.memref_slice %arg12[%dma_wait3A, %dma_wait3A_93] : memref<64x16xf32, #tpu.memory_space<vmem>> -> memref<64x16xf32, #tpu.memory_space<vmem>>
      %dma_wait3A_95 = arith.constant 0 : i32
      %dma_wait3A_96 = tpu.memref_slice %arg14[%add3A_11, %dma_wait3A_95] : memref<5632x16xf32, #tpu.memory_space<vmem_shared>> -> memref<64x16xf32, #tpu.memory_space<vmem_shared>>
      %dma_wait3A_97 = arith.constant 0 : i32
      %dma_wait3A_98 = tpu.memref_slice %arg14[%add3A_11, %dma_wait3A_97] : memref<5632x16xf32, #tpu.memory_space<vmem_shared>> -> memref<64x16xf32, #tpu.memory_space<vmem_shared>>
      %dma_wait3A_99 = arith.constant 0 : i32
      %dma_wait3A_100 = arith.constant 0 : i32
      %dma_wait3A_101 = tpu.memref_slice %arg12[%dma_wait3A_99, %dma_wait3A_100] : memref<64x16xf32, #tpu.memory_space<vmem>> -> memref<64x16xf32, #tpu.memory_space<vmem>>
      tpu.wait_dma2 semaphore(%run_scoped3A : memref<!tpu.dma_semaphore, #tpu.memory_space<semaphore_mem>>) src(%dma_wait3A_101 : memref<64x16xf32, #tpu.memory_space<vmem>>) dst(%dma_wait3A_98 : memref<64x16xf32, #tpu.memory_space<vmem_shared>>)
      tpu.yield
    }) : () -> ()
    %add3A_12 = arith.constant 128 : i32
    %add3A_13 = arith.addi %mul3A_8, %add3A_12 : i32
    "tpu.region"() ({
      %run_scoped3A = tpu.sem_alloc : memref<!tpu.dma_semaphore, #tpu.memory_space<semaphore_mem>>
      %dma_start3A = arith.constant 0 : i32
      %dma_start3A_84 = arith.constant 0 : i32
      %dma_start3A_85 = tpu.memref_slice %arg12[%dma_start3A, %dma_start3A_84] : memref<64x16xf32, #tpu.memory_space<vmem>> -> memref<64x16xf32, #tpu.memory_space<vmem>>
      %dma_start3A_86 = arith.constant 0 : i32
      %dma_start3A_87 = tpu.memref_slice %arg14[%add3A_13, %dma_start3A_86] : memref<5632x16xf32, #tpu.memory_space<vmem_shared>> -> memref<64x16xf32, #tpu.memory_space<vmem_shared>>
      %dma_start3A_88 = arith.constant 0 : i32
      %dma_start3A_89 = tpu.memref_slice %arg14[%add3A_13, %dma_start3A_88] : memref<5632x16xf32, #tpu.memory_space<vmem_shared>> -> memref<64x16xf32, #tpu.memory_space<vmem_shared>>
      %dma_start3A_90 = arith.constant 0 : i32
      %dma_start3A_91 = arith.constant 0 : i32
      %dma_start3A_92 = tpu.memref_slice %arg12[%dma_start3A_90, %dma_start3A_91] : memref<64x16xf32, #tpu.memory_space<vmem>> -> memref<64x16xf32, #tpu.memory_space<vmem>>
      tpu.enqueue_dma source(%dma_start3A_92 : memref<64x16xf32, #tpu.memory_space<vmem>>) target(%dma_start3A_89 : memref<64x16xf32, #tpu.memory_space<vmem_shared>>) target_semaphore(%run_scoped3A : memref<!tpu.dma_semaphore, #tpu.memory_space<semaphore_mem>>)
      %dma_wait3A = arith.constant 0 : i32
      %dma_wait3A_93 = arith.constant 0 : i32
      %dma_wait3A_94 = tpu.memref_slice %arg12[%dma_wait3A, %dma_wait3A_93] : memref<64x16xf32, #tpu.memory_space<vmem>> -> memref<64x16xf32, #tpu.memory_space<vmem>>
      %dma_wait3A_95 = arith.constant 0 : i32
      %dma_wait3A_96 = tpu.memref_slice %arg14[%add3A_13, %dma_wait3A_95] : memref<5632x16xf32, #tpu.memory_space<vmem_shared>> -> memref<64x16xf32, #tpu.memory_space<vmem_shared>>
      %dma_wait3A_97 = arith.constant 0 : i32
      %dma_wait3A_98 = tpu.memref_slice %arg14[%add3A_13, %dma_wait3A_97] : memref<5632x16xf32, #tpu.memory_space<vmem_shared>> -> memref<64x16xf32, #tpu.memory_space<vmem_shared>>
      %dma_wait3A_99 = arith.constant 0 : i32
      %dma_wait3A_100 = arith.constant 0 : i32
      %dma_wait3A_101 = tpu.memref_slice %arg12[%dma_wait3A_99, %dma_wait3A_100] : memref<64x16xf32, #tpu.memory_space<vmem>> -> memref<64x16xf32, #tpu.memory_space<vmem>>
      tpu.wait_dma2 semaphore(%run_scoped3A : memref<!tpu.dma_semaphore, #tpu.memory_space<semaphore_mem>>) src(%dma_wait3A_101 : memref<64x16xf32, #tpu.memory_space<vmem>>) dst(%dma_wait3A_98 : memref<64x16xf32, #tpu.memory_space<vmem_shared>>)
      tpu.yield
    }) : () -> ()
    %add3A_14 = arith.constant 192 : i32
    %add3A_15 = arith.addi %mul3A_8, %add3A_14 : i32
    "tpu.region"() ({
      %run_scoped3A = tpu.sem_alloc : memref<!tpu.dma_semaphore, #tpu.memory_space<semaphore_mem>>
      %dma_start3A = arith.constant 0 : i32
      %dma_start3A_84 = arith.constant 0 : i32
      %dma_start3A_85 = tpu.memref_slice %arg12[%dma_start3A, %dma_start3A_84] : memref<64x16xf32, #tpu.memory_space<vmem>> -> memref<64x16xf32, #tpu.memory_space<vmem>>
      %dma_start3A_86 = arith.constant 0 : i32
      %dma_start3A_87 = tpu.memref_slice %arg14[%add3A_15, %dma_start3A_86] : memref<5632x16xf32, #tpu.memory_space<vmem_shared>> -> memref<64x16xf32, #tpu.memory_space<vmem_shared>>
      %dma_start3A_88 = arith.constant 0 : i32
      %dma_start3A_89 = tpu.memref_slice %arg14[%add3A_15, %dma_start3A_88] : memref<5632x16xf32, #tpu.memory_space<vmem_shared>> -> memref<64x16xf32, #tpu.memory_space<vmem_shared>>
      %dma_start3A_90 = arith.constant 0 : i32
      %dma_start3A_91 = arith.constant 0 : i32
      %dma_start3A_92 = tpu.memref_slice %arg12[%dma_start3A_90, %dma_start3A_91] : memref<64x16xf32, #tpu.memory_space<vmem>> -> memref<64x16xf32, #tpu.memory_space<vmem>>
      tpu.enqueue_dma source(%dma_start3A_92 : memref<64x16xf32, #tpu.memory_space<vmem>>) target(%dma_start3A_89 : memref<64x16xf32, #tpu.memory_space<vmem_shared>>) target_semaphore(%run_scoped3A : memref<!tpu.dma_semaphore, #tpu.memory_space<semaphore_mem>>)
      %dma_wait3A = arith.constant 0 : i32
      %dma_wait3A_93 = arith.constant 0 : i32
      %dma_wait3A_94 = tpu.memref_slice %arg12[%dma_wait3A, %dma_wait3A_93] : memref<64x16xf32, #tpu.memory_space<vmem>> -> memref<64x16xf32, #tpu.memory_space<vmem>>
      %dma_wait3A_95 = arith.constant 0 : i32
      %dma_wait3A_96 = tpu.memref_slice %arg14[%add3A_15, %dma_wait3A_95] : memref<5632x16xf32, #tpu.memory_space<vmem_shared>> -> memref<64x16xf32, #tpu.memory_space<vmem_shared>>
      %dma_wait3A_97 = arith.constant 0 : i32
      %dma_wait3A_98 = tpu.memref_slice %arg14[%add3A_15, %dma_wait3A_97] : memref<5632x16xf32, #tpu.memory_space<vmem_shared>> -> memref<64x16xf32, #tpu.memory_space<vmem_shared>>
      %dma_wait3A_99 = arith.constant 0 : i32
      %dma_wait3A_100 = arith.constant 0 : i32
      %dma_wait3A_101 = tpu.memref_slice %arg12[%dma_wait3A_99, %dma_wait3A_100] : memref<64x16xf32, #tpu.memory_space<vmem>> -> memref<64x16xf32, #tpu.memory_space<vmem>>
      tpu.wait_dma2 semaphore(%run_scoped3A : memref<!tpu.dma_semaphore, #tpu.memory_space<semaphore_mem>>) src(%dma_wait3A_101 : memref<64x16xf32, #tpu.memory_space<vmem>>) dst(%dma_wait3A_98 : memref<64x16xf32, #tpu.memory_space<vmem_shared>>)
      tpu.yield
    }) : () -> ()
    %add3A_16 = arith.constant 256 : i32
    %add3A_17 = arith.addi %mul3A_8, %add3A_16 : i32
    "tpu.region"() ({
      %run_scoped3A = tpu.sem_alloc : memref<!tpu.dma_semaphore, #tpu.memory_space<semaphore_mem>>
      %dma_start3A = arith.constant 0 : i32
      %dma_start3A_84 = arith.constant 0 : i32
      %dma_start3A_85 = tpu.memref_slice %arg12[%dma_start3A, %dma_start3A_84] : memref<64x16xf32, #tpu.memory_space<vmem>> -> memref<64x16xf32, #tpu.memory_space<vmem>>
      %dma_start3A_86 = arith.constant 0 : i32
      %dma_start3A_87 = tpu.memref_slice %arg14[%add3A_17, %dma_start3A_86] : memref<5632x16xf32, #tpu.memory_space<vmem_shared>> -> memref<64x16xf32, #tpu.memory_space<vmem_shared>>
      %dma_start3A_88 = arith.constant 0 : i32
      %dma_start3A_89 = tpu.memref_slice %arg14[%add3A_17, %dma_start3A_88] : memref<5632x16xf32, #tpu.memory_space<vmem_shared>> -> memref<64x16xf32, #tpu.memory_space<vmem_shared>>
      %dma_start3A_90 = arith.constant 0 : i32
      %dma_start3A_91 = arith.constant 0 : i32
      %dma_start3A_92 = tpu.memref_slice %arg12[%dma_start3A_90, %dma_start3A_91] : memref<64x16xf32, #tpu.memory_space<vmem>> -> memref<64x16xf32, #tpu.memory_space<vmem>>
      tpu.enqueue_dma source(%dma_start3A_92 : memref<64x16xf32, #tpu.memory_space<vmem>>) target(%dma_start3A_89 : memref<64x16xf32, #tpu.memory_space<vmem_shared>>) target_semaphore(%run_scoped3A : memref<!tpu.dma_semaphore, #tpu.memory_space<semaphore_mem>>)
      %dma_wait3A = arith.constant 0 : i32
      %dma_wait3A_93 = arith.constant 0 : i32
      %dma_wait3A_94 = tpu.memref_slice %arg12[%dma_wait3A, %dma_wait3A_93] : memref<64x16xf32, #tpu.memory_space<vmem>> -> memref<64x16xf32, #tpu.memory_space<vmem>>
      %dma_wait3A_95 = arith.constant 0 : i32
      %dma_wait3A_96 = tpu.memref_slice %arg14[%add3A_17, %dma_wait3A_95] : memref<5632x16xf32, #tpu.memory_space<vmem_shared>> -> memref<64x16xf32, #tpu.memory_space<vmem_shared>>
      %dma_wait3A_97 = arith.constant 0 : i32
      %dma_wait3A_98 = tpu.memref_slice %arg14[%add3A_17, %dma_wait3A_97] : memref<5632x16xf32, #tpu.memory_space<vmem_shared>> -> memref<64x16xf32, #tpu.memory_space<vmem_shared>>
      %dma_wait3A_99 = arith.constant 0 : i32
      %dma_wait3A_100 = arith.constant 0 : i32
      %dma_wait3A_101 = tpu.memref_slice %arg12[%dma_wait3A_99, %dma_wait3A_100] : memref<64x16xf32, #tpu.memory_space<vmem>> -> memref<64x16xf32, #tpu.memory_space<vmem>>
      tpu.wait_dma2 semaphore(%run_scoped3A : memref<!tpu.dma_semaphore, #tpu.memory_space<semaphore_mem>>) src(%dma_wait3A_101 : memref<64x16xf32, #tpu.memory_space<vmem>>) dst(%dma_wait3A_98 : memref<64x16xf32, #tpu.memory_space<vmem_shared>>)
      tpu.yield
    }) : () -> ()
    %add3A_18 = arith.constant 320 : i32
    %add3A_19 = arith.addi %mul3A_8, %add3A_18 : i32
    "tpu.region"() ({
      %run_scoped3A = tpu.sem_alloc : memref<!tpu.dma_semaphore, #tpu.memory_space<semaphore_mem>>
      %dma_start3A = arith.constant 0 : i32
      %dma_start3A_84 = arith.constant 0 : i32
      %dma_start3A_85 = tpu.memref_slice %arg12[%dma_start3A, %dma_start3A_84] : memref<64x16xf32, #tpu.memory_space<vmem>> -> memref<32x16xf32, #tpu.memory_space<vmem>>
      %dma_start3A_86 = arith.constant 0 : i32
      %dma_start3A_87 = tpu.memref_slice %arg14[%add3A_19, %dma_start3A_86] : memref<5632x16xf32, #tpu.memory_space<vmem_shared>> -> memref<32x16xf32, #tpu.memory_space<vmem_shared>>
      %dma_start3A_88 = arith.constant 0 : i32
      %dma_start3A_89 = tpu.memref_slice %arg14[%add3A_19, %dma_start3A_88] : memref<5632x16xf32, #tpu.memory_space<vmem_shared>> -> memref<32x16xf32, #tpu.memory_space<vmem_shared>>
      %dma_start3A_90 = arith.constant 0 : i32
      %dma_start3A_91 = arith.constant 0 : i32
      %dma_start3A_92 = tpu.memref_slice %arg12[%dma_start3A_90, %dma_start3A_91] : memref<64x16xf32, #tpu.memory_space<vmem>> -> memref<32x16xf32, #tpu.memory_space<vmem>>
      tpu.enqueue_dma source(%dma_start3A_92 : memref<32x16xf32, #tpu.memory_space<vmem>>) target(%dma_start3A_89 : memref<32x16xf32, #tpu.memory_space<vmem_shared>>) target_semaphore(%run_scoped3A : memref<!tpu.dma_semaphore, #tpu.memory_space<semaphore_mem>>)
      %dma_wait3A = arith.constant 0 : i32
      %dma_wait3A_93 = arith.constant 0 : i32
      %dma_wait3A_94 = tpu.memref_slice %arg12[%dma_wait3A, %dma_wait3A_93] : memref<64x16xf32, #tpu.memory_space<vmem>> -> memref<32x16xf32, #tpu.memory_space<vmem>>
      %dma_wait3A_95 = arith.constant 0 : i32
      %dma_wait3A_96 = tpu.memref_slice %arg14[%add3A_19, %dma_wait3A_95] : memref<5632x16xf32, #tpu.memory_space<vmem_shared>> -> memref<32x16xf32, #tpu.memory_space<vmem_shared>>
      %dma_wait3A_97 = arith.constant 0 : i32
      %dma_wait3A_98 = tpu.memref_slice %arg14[%add3A_19, %dma_wait3A_97] : memref<5632x16xf32, #tpu.memory_space<vmem_shared>> -> memref<32x16xf32, #tpu.memory_space<vmem_shared>>
      %dma_wait3A_99 = arith.constant 0 : i32
      %dma_wait3A_100 = arith.constant 0 : i32
      %dma_wait3A_101 = tpu.memref_slice %arg12[%dma_wait3A_99, %dma_wait3A_100] : memref<64x16xf32, #tpu.memory_space<vmem>> -> memref<32x16xf32, #tpu.memory_space<vmem>>
      tpu.wait_dma2 semaphore(%run_scoped3A : memref<!tpu.dma_semaphore, #tpu.memory_space<semaphore_mem>>) src(%dma_wait3A_101 : memref<32x16xf32, #tpu.memory_space<vmem>>) dst(%dma_wait3A_98 : memref<32x16xf32, #tpu.memory_space<vmem_shared>>)
      tpu.yield
    }) : () -> ()
    %scan3A_20 = arith.constant 0 : i32
    %scan3A_21 = arith.constant 0 : i32
    %scan3A_22 = arith.constant 64 : i32
    %scan3A_23 = arith.addi %scan3A_21, %scan3A_22 : i32
    %scan3A_24 = arith.constant 1 : i32
    %scan3A_25 = scf.for %scan3A_84 = %scan3A_21 to %scan3A_23 step %scan3A_24 iter_args(%scan3A_85 = %scan3A_20) -> (i32)  : i32 {
      %broadcast_in_dim3A_86 = arith.constant 1.000000e+00 : f32
      %broadcast_in_dim3A_87 = vector.broadcast %broadcast_in_dim3A_86 : f32 to vector<16xf32>
      %swap3A_88 = arith.index_cast %scan3A_84 : i32 to index
      %swap3A_89 = arith.constant 0 : index
      %swap3A_90 = tpu.vector_load %arg12[%swap3A_88, %swap3A_89] {strides = array<i32>} : memref<64x16xf32, #tpu.memory_space<vmem>>, vector<16xf32>,
      tpu.vector_store %arg12[%swap3A_88, %swap3A_89], %broadcast_in_dim3A_87 {strides = array<i32>} : memref<64x16xf32, #tpu.memory_space<vmem>>, vector<16xf32>,
      %scan3A_91 = arith.constant 0 : i32
      scf.yield %scan3A_91 : i32
    }
    %scan3A_26 = arith.constant 64 : i32
    %scan3A_27 = arith.constant 0 : i32
    %scan3A_28 = arith.constant 0 : i32
    %scan3A_29 = arith.constant 328 : i32
    %scan3A_30 = arith.addi %scan3A_28, %scan3A_29 : i32
    %scan3A_31 = arith.constant 1 : i32
    %scan3A_32 = scf.for %scan3A_84 = %scan3A_28 to %scan3A_30 step %scan3A_31 iter_args(%scan3A_85 = %scan3A_27) -> (i32)  : i32 {
      %broadcast_in_dim3A_86 = arith.constant 0 : i32
      %broadcast_in_dim3A_87 = vector.broadcast %broadcast_in_dim3A_86 : i32 to vector<16xi32>
      %swap3A_88 = arith.index_cast %scan3A_84 : i32 to index
      %swap3A_89 = arith.constant 0 : index
      %swap3A_90 = tpu.vector_load %arg10[%swap3A_88, %swap3A_89] {strides = array<i32>} : memref<328x64xi32, #tpu.memory_space<vmem>>, vector<16xi32>,
      tpu.vector_store %arg10[%swap3A_88, %swap3A_89], %broadcast_in_dim3A_87 {strides = array<i32>} : memref<328x64xi32, #tpu.memory_space<vmem>>, vector<16xi32>,
      %broadcast_in_dim3A_91 = arith.constant 5184 : i32
      %broadcast_in_dim3A_92 = vector.broadcast %broadcast_in_dim3A_91 : i32 to vector<16xi32>
      %swap3A_93 = arith.index_cast %scan3A_84 : i32 to index
      %swap3A_94 = arith.constant 0 : index
      %swap3A_95 = tpu.vector_load %arg11[%swap3A_93, %swap3A_94] {strides = array<i32>} : memref<328x64xi32, #tpu.memory_space<vmem>>, vector<16xi32>,
      tpu.vector_store %arg11[%swap3A_93, %swap3A_94], %broadcast_in_dim3A_92 {strides = array<i32>} : memref<328x64xi32, #tpu.memory_space<vmem>>, vector<16xi32>,
      %broadcast_in_dim3A_96 = arith.constant 0 : i32
      %broadcast_in_dim3A_97 = vector.broadcast %broadcast_in_dim3A_96 : i32 to vector<16xi32>
      %swap3A_98 = arith.index_cast %scan3A_84 : i32 to index
      %swap3A_99 = arith.constant 16 : index
      %swap3A_100 = tpu.vector_load %arg10[%swap3A_98, %swap3A_99] {strides = array<i32>} : memref<328x64xi32, #tpu.memory_space<vmem>>, vector<16xi32>,
      tpu.vector_store %arg10[%swap3A_98, %swap3A_99], %broadcast_in_dim3A_97 {strides = array<i32>} : memref<328x64xi32, #tpu.memory_space<vmem>>, vector<16xi32>,
      %broadcast_in_dim3A_101 = arith.constant 5184 : i32
      %broadcast_in_dim3A_102 = vector.broadcast %broadcast_in_dim3A_101 : i32 to vector<16xi32>
      %swap3A_103 = arith.index_cast %scan3A_84 : i32 to index
      %swap3A_104 = arith.constant 16 : index
      %swap3A_105 = tpu.vector_load %arg11[%swap3A_103, %swap3A_104] {strides = array<i32>} : memref<328x64xi32, #tpu.memory_space<vmem>>, vector<16xi32>,
      tpu.vector_store %arg11[%swap3A_103, %swap3A_104], %broadcast_in_dim3A_102 {strides = array<i32>} : memref<328x64xi32, #tpu.memory_space<vmem>>, vector<16xi32>,
      %broadcast_in_dim3A_106 = arith.constant 0 : i32
      %broadcast_in_dim3A_107 = vector.broadcast %broadcast_in_dim3A_106 : i32 to vector<16xi32>
      %swap3A_108 = arith.index_cast %scan3A_84 : i32 to index
      %swap3A_109 = arith.constant 32 : index
      %swap3A_110 = tpu.vector_load %arg10[%swap3A_108, %swap3A_109] {strides = array<i32>} : memref<328x64xi32, #tpu.memory_space<vmem>>, vector<16xi32>,
      tpu.vector_store %arg10[%swap3A_108, %swap3A_109], %broadcast_in_dim3A_107 {strides = array<i32>} : memref<328x64xi32, #tpu.memory_space<vmem>>, vector<16xi32>,
      %broadcast_in_dim3A_111 = arith.constant 5184 : i32
      %broadcast_in_dim3A_112 = vector.broadcast %broadcast_in_dim3A_111 : i32 to vector<16xi32>
      %swap3A_113 = arith.index_cast %scan3A_84 : i32 to index
      %swap3A_114 = arith.constant 32 : index
      %swap3A_115 = tpu.vector_load %arg11[%swap3A_113, %swap3A_114] {strides = array<i32>} : memref<328x64xi32, #tpu.memory_space<vmem>>, vector<16xi32>,
      tpu.vector_store %arg11[%swap3A_113, %swap3A_114], %broadcast_in_dim3A_112 {strides = array<i32>} : memref<328x64xi32, #tpu.memory_space<vmem>>, vector<16xi32>,
      %broadcast_in_dim3A_116 = arith.constant 0 : i32
      %broadcast_in_dim3A_117 = vector.broadcast %broadcast_in_dim3A_116 : i32 to vector<16xi32>
      %swap3A_118 = arith.index_cast %scan3A_84 : i32 to index
      %swap3A_119 = arith.constant 48 : index
      %swap3A_120 = tpu.vector_load %arg10[%swap3A_118, %swap3A_119] {strides = array<i32>} : memref<328x64xi32, #tpu.memory_space<vmem>>, vector<16xi32>,
      tpu.vector_store %arg10[%swap3A_118, %swap3A_119], %broadcast_in_dim3A_117 {strides = array<i32>} : memref<328x64xi32, #tpu.memory_space<vmem>>, vector<16xi32>,
      %broadcast_in_dim3A_121 = arith.constant 5184 : i32
      %broadcast_in_dim3A_122 = vector.broadcast %broadcast_in_dim3A_121 : i32 to vector<16xi32>
      %swap3A_123 = arith.index_cast %scan3A_84 : i32 to index
      %swap3A_124 = arith.constant 48 : index
      %swap3A_125 = tpu.vector_load %arg11[%swap3A_123, %swap3A_124] {strides = array<i32>} : memref<328x64xi32, #tpu.memory_space<vmem>>, vector<16xi32>,
      tpu.vector_store %arg11[%swap3A_123, %swap3A_124], %broadcast_in_dim3A_122 {strides = array<i32>} : memref<328x64xi32, #tpu.memory_space<vmem>>, vector<16xi32>,
      %scan3A_126 = arith.constant 0 : i32
      scf.yield %scan3A_126 : i32
    }
    %scan3A_33 = arith.constant 328 : i32
    %broadcast_in_dim3A = arith.constant 0 : i32
    %broadcast_in_dim3A_34 = vector.broadcast %broadcast_in_dim3A : i32 to vector<16xi32>
    %scan3A_35 = arith.constant 0 : i32
    %scan3A_36 = arith.constant 160 : i32
    %scan3A_37 = arith.addi %scan3A_35, %scan3A_36 : i32
    %scan3A_38 = arith.constant 1 : i32
    %scan3A_39 = scf.for %scan3A_84 = %scan3A_35 to %scan3A_37 step %scan3A_38 iter_args(%scan3A_85 = %broadcast_in_dim3A_34) -> (vector<16xi32>)  : i32 {
      %get3A = arith.index_cast %scan3A_84 : i32 to index
      %get3A_86 = arith.constant 0 : index
      %get3A_87 = tpu.vector_load %arg8[%get3A, %get3A_86] {strides = array<i32>} : memref<160x128xi32, #tpu.memory_space<vmem>>, vector<16xi32>,
      %get3A_88 = arith.index_cast %scan3A_84 : i32 to index
      %get3A_89 = arith.constant 0 : index
      %get3A_90 = tpu.vector_load %arg9[%get3A_88, %get3A_89] {strides = array<i32>} : memref<160x128xi32, #tpu.memory_space<vmem>>, vector<16xi32>,
      %ge3A = vector.broadcast %mul3A_0 : i32 to vector<16xi32>
      %ge3A_91 = arith.cmpi sge, %get3A_90, %ge3A : vector<16xi32>
      %add3A_92 = arith.constant 5120 : i32
      %add3A_93 = arith.addi %mul3A_0, %add3A_92 : i32
      %lt3A = vector.broadcast %add3A_93 : i32 to vector<16xi32>
      %lt3A_94 = arith.cmpi slt, %get3A_90, %lt3A : vector<16xi32>
      %and3A_95 = arith.andi %ge3A_91, %lt3A_94 : vector<16xi1>
      %sub3A_96 = vector.broadcast %mul3A_0 : i32 to vector<16xi32>
      %sub3A_97 = arith.subi %get3A_90, %sub3A_96 : vector<16xi32>
      %jit3A_98 = arith.constant 1 : i32
      %jit3A_99 = arith.constant 0 : i32
      %broadcast_in_dim3A_100 = vector.broadcast %jit3A_98 : i32 to vector<16xi32>
      %broadcast_in_dim3A_101 = vector.broadcast %jit3A_99 : i32 to vector<16xi32>
      %select_n3A_102 = arith.select %and3A_95, %broadcast_in_dim3A_100, %broadcast_in_dim3A_101 : vector<16xi1>, vector<16xi32>
      %broadcast_in_dim3A_103 = arith.constant true
      %broadcast_in_dim3A_104 = vector.broadcast %broadcast_in_dim3A_103 : i1 to vector<16xi1>
      %masked_cumsum3A = tpu.scan <sum>, %select_n3A_102 masked %broadcast_in_dim3A_104 : vector<16xi32>, vector<16xi1> -> vector<16xi32>
      %add3A_105 = arith.addi %scan3A_85, %masked_cumsum3A : vector<16xi32>
      %sub3A_106 = arith.constant 1 : i32
      %sub3A_107 = vector.broadcast %sub3A_106 : i32 to vector<16xi32>
      %sub3A_108 = arith.subi %add3A_105, %sub3A_107 : vector<16xi32>
      %shift_right_arithmetic3A = arith.constant 6 : i32
      %shift_right_arithmetic3A_109 = vector.broadcast %shift_right_arithmetic3A : i32 to vector<16xi32>
      %shift_right_arithmetic3A_110 = arith.shrsi %sub3A_108, %shift_right_arithmetic3A_109 : vector<16xi32>
      %and3A_111 = arith.constant 63 : i32
      %and3A_112 = vector.broadcast %and3A_111 : i32 to vector<16xi32>
      %and3A_113 = arith.andi %sub3A_108, %and3A_112 : vector<16xi32>
      tpu.vector_store_idx %arg10[%shift_right_arithmetic3A_110, %and3A_113], %get3A_87 masked %and3A_95 : memref<328x64xi32, #tpu.memory_space<vmem>>[vector<16xi32>, vector<16xi32>], vector<16xi32>, vector<16xi1>
      %shift_right_arithmetic3A_114 = arith.constant 6 : i32
      %shift_right_arithmetic3A_115 = vector.broadcast %shift_right_arithmetic3A_114 : i32 to vector<16xi32>
      %shift_right_arithmetic3A_116 = arith.shrsi %sub3A_108, %shift_right_arithmetic3A_115 : vector<16xi32>
      %and3A_117 = arith.constant 63 : i32
      %and3A_118 = vector.broadcast %and3A_117 : i32 to vector<16xi32>
      %and3A_119 = arith.andi %sub3A_108, %and3A_118 : vector<16xi32>
      tpu.vector_store_idx %arg11[%shift_right_arithmetic3A_116, %and3A_119], %sub3A_97 masked %and3A_95 : memref<328x64xi32, #tpu.memory_space<vmem>>[vector<16xi32>, vector<16xi32>], vector<16xi32>, vector<16xi1>
      %all_reduce_population_count3A = tpu.all_reduce %and3A_95 {dim = 0 : i64, kind = #tpu.reduction_kind<sum>} : vector<16xi1> -> vector<16xi32>
      %add3A_120 = arith.addi %scan3A_85, %all_reduce_population_count3A : vector<16xi32>
      %get3A_121 = arith.index_cast %scan3A_84 : i32 to index
      %get3A_122 = arith.constant 16 : index
      %get3A_123 = tpu.vector_load %arg8[%get3A_121, %get3A_122] {strides = array<i32>} : memref<160x128xi32, #tpu.memory_space<vmem>>, vector<16xi32>,
      %get3A_124 = arith.index_cast %scan3A_84 : i32 to index
      %get3A_125 = arith.constant 16 : index
      %get3A_126 = tpu.vector_load %arg9[%get3A_124, %get3A_125] {strides = array<i32>} : memref<160x128xi32, #tpu.memory_space<vmem>>, vector<16xi32>,
      %ge3A_127 = vector.broadcast %mul3A_0 : i32 to vector<16xi32>
      %ge3A_128 = arith.cmpi sge, %get3A_126, %ge3A_127 : vector<16xi32>
      %add3A_129 = arith.constant 5120 : i32
      %add3A_130 = arith.addi %mul3A_0, %add3A_129 : i32
      %lt3A_131 = vector.broadcast %add3A_130 : i32 to vector<16xi32>
      %lt3A_132 = arith.cmpi slt, %get3A_126, %lt3A_131 : vector<16xi32>
      %and3A_133 = arith.andi %ge3A_128, %lt3A_132 : vector<16xi1>
      %sub3A_134 = vector.broadcast %mul3A_0 : i32 to vector<16xi32>
      %sub3A_135 = arith.subi %get3A_126, %sub3A_134 : vector<16xi32>
      %jit3A_136 = arith.constant 1 : i32
      %jit3A_137 = arith.constant 0 : i32
      %broadcast_in_dim3A_138 = vector.broadcast %jit3A_136 : i32 to vector<16xi32>
      %broadcast_in_dim3A_139 = vector.broadcast %jit3A_137 : i32 to vector<16xi32>
      %select_n3A_140 = arith.select %and3A_133, %broadcast_in_dim3A_138, %broadcast_in_dim3A_139 : vector<16xi1>, vector<16xi32>
      %broadcast_in_dim3A_141 = arith.constant true
      %broadcast_in_dim3A_142 = vector.broadcast %broadcast_in_dim3A_141 : i1 to vector<16xi1>
      %masked_cumsum3A_143 = tpu.scan <sum>, %select_n3A_140 masked %broadcast_in_dim3A_142 : vector<16xi32>, vector<16xi1> -> vector<16xi32>
      %add3A_144 = arith.addi %add3A_120, %masked_cumsum3A_143 : vector<16xi32>
      %sub3A_145 = arith.constant 1 : i32
      %sub3A_146 = vector.broadcast %sub3A_145 : i32 to vector<16xi32>
      %sub3A_147 = arith.subi %add3A_144, %sub3A_146 : vector<16xi32>
      %shift_right_arithmetic3A_148 = arith.constant 6 : i32
      %shift_right_arithmetic3A_149 = vector.broadcast %shift_right_arithmetic3A_148 : i32 to vector<16xi32>
      %shift_right_arithmetic3A_150 = arith.shrsi %sub3A_147, %shift_right_arithmetic3A_149 : vector<16xi32>
      %and3A_151 = arith.constant 63 : i32
      %and3A_152 = vector.broadcast %and3A_151 : i32 to vector<16xi32>
      %and3A_153 = arith.andi %sub3A_147, %and3A_152 : vector<16xi32>
      tpu.vector_store_idx %arg10[%shift_right_arithmetic3A_150, %and3A_153], %get3A_123 masked %and3A_133 : memref<328x64xi32, #tpu.memory_space<vmem>>[vector<16xi32>, vector<16xi32>], vector<16xi32>, vector<16xi1>
      %shift_right_arithmetic3A_154 = arith.constant 6 : i32
      %shift_right_arithmetic3A_155 = vector.broadcast %shift_right_arithmetic3A_154 : i32 to vector<16xi32>
      %shift_right_arithmetic3A_156 = arith.shrsi %sub3A_147, %shift_right_arithmetic3A_155 : vector<16xi32>
      %and3A_157 = arith.constant 63 : i32
      %and3A_158 = vector.broadcast %and3A_157 : i32 to vector<16xi32>
      %and3A_159 = arith.andi %sub3A_147, %and3A_158 : vector<16xi32>
      tpu.vector_store_idx %arg11[%shift_right_arithmetic3A_156, %and3A_159], %sub3A_135 masked %and3A_133 : memref<328x64xi32, #tpu.memory_space<vmem>>[vector<16xi32>, vector<16xi32>], vector<16xi32>, vector<16xi1>
      %all_reduce_population_count3A_160 = tpu.all_reduce %and3A_133 {dim = 0 : i64, kind = #tpu.reduction_kind<sum>} : vector<16xi1> -> vector<16xi32>
      %add3A_161 = arith.addi %add3A_120, %all_reduce_population_count3A_160 : vector<16xi32>
      %get3A_162 = arith.index_cast %scan3A_84 : i32 to index
      %get3A_163 = arith.constant 32 : index
      %get3A_164 = tpu.vector_load %arg8[%get3A_162, %get3A_163] {strides = array<i32>} : memref<160x128xi32, #tpu.memory_space<vmem>>, vector<16xi32>,
      %get3A_165 = arith.index_cast %scan3A_84 : i32 to index
      %get3A_166 = arith.constant 32 : index
      %get3A_167 = tpu.vector_load %arg9[%get3A_165, %get3A_166] {strides = array<i32>} : memref<160x128xi32, #tpu.memory_space<vmem>>, vector<16xi32>,
      %ge3A_168 = vector.broadcast %mul3A_0 : i32 to vector<16xi32>
      %ge3A_169 = arith.cmpi sge, %get3A_167, %ge3A_168 : vector<16xi32>
      %add3A_170 = arith.constant 5120 : i32
      %add3A_171 = arith.addi %mul3A_0, %add3A_170 : i32
      %lt3A_172 = vector.broadcast %add3A_171 : i32 to vector<16xi32>
      %lt3A_173 = arith.cmpi slt, %get3A_167, %lt3A_172 : vector<16xi32>
      %and3A_174 = arith.andi %ge3A_169, %lt3A_173 : vector<16xi1>
      %sub3A_175 = vector.broadcast %mul3A_0 : i32 to vector<16xi32>
      %sub3A_176 = arith.subi %get3A_167, %sub3A_175 : vector<16xi32>
      %jit3A_177 = arith.constant 1 : i32
      %jit3A_178 = arith.constant 0 : i32
      %broadcast_in_dim3A_179 = vector.broadcast %jit3A_177 : i32 to vector<16xi32>
      %broadcast_in_dim3A_180 = vector.broadcast %jit3A_178 : i32 to vector<16xi32>
      %select_n3A_181 = arith.select %and3A_174, %broadcast_in_dim3A_179, %broadcast_in_dim3A_180 : vector<16xi1>, vector<16xi32>
      %broadcast_in_dim3A_182 = arith.constant true
      %broadcast_in_dim3A_183 = vector.broadcast %broadcast_in_dim3A_182 : i1 to vector<16xi1>
      %masked_cumsum3A_184 = tpu.scan <sum>, %select_n3A_181 masked %broadcast_in_dim3A_183 : vector<16xi32>, vector<16xi1> -> vector<16xi32>
      %add3A_185 = arith.addi %add3A_161, %masked_cumsum3A_184 : vector<16xi32>
      %sub3A_186 = arith.constant 1 : i32
      %sub3A_187 = vector.broadcast %sub3A_186 : i32 to vector<16xi32>
      %sub3A_188 = arith.subi %add3A_185, %sub3A_187 : vector<16xi32>
      %shift_right_arithmetic3A_189 = arith.constant 6 : i32
      %shift_right_arithmetic3A_190 = vector.broadcast %shift_right_arithmetic3A_189 : i32 to vector<16xi32>
      %shift_right_arithmetic3A_191 = arith.shrsi %sub3A_188, %shift_right_arithmetic3A_190 : vector<16xi32>
      %and3A_192 = arith.constant 63 : i32
      %and3A_193 = vector.broadcast %and3A_192 : i32 to vector<16xi32>
      %and3A_194 = arith.andi %sub3A_188, %and3A_193 : vector<16xi32>
      tpu.vector_store_idx %arg10[%shift_right_arithmetic3A_191, %and3A_194], %get3A_164 masked %and3A_174 : memref<328x64xi32, #tpu.memory_space<vmem>>[vector<16xi32>, vector<16xi32>], vector<16xi32>, vector<16xi1>
      %shift_right_arithmetic3A_195 = arith.constant 6 : i32
      %shift_right_arithmetic3A_196 = vector.broadcast %shift_right_arithmetic3A_195 : i32 to vector<16xi32>
      %shift_right_arithmetic3A_197 = arith.shrsi %sub3A_188, %shift_right_arithmetic3A_196 : vector<16xi32>
      %and3A_198 = arith.constant 63 : i32
      %and3A_199 = vector.broadcast %and3A_198 : i32 to vector<16xi32>
      %and3A_200 = arith.andi %sub3A_188, %and3A_199 : vector<16xi32>
      tpu.vector_store_idx %arg11[%shift_right_arithmetic3A_197, %and3A_200], %sub3A_176 masked %and3A_174 : memref<328x64xi32, #tpu.memory_space<vmem>>[vector<16xi32>, vector<16xi32>], vector<16xi32>, vector<16xi1>
      %all_reduce_population_count3A_201 = tpu.all_reduce %and3A_174 {dim = 0 : i64, kind = #tpu.reduction_kind<sum>} : vector<16xi1> -> vector<16xi32>
      %add3A_202 = arith.addi %add3A_161, %all_reduce_population_count3A_201 : vector<16xi32>
      %get3A_203 = arith.index_cast %scan3A_84 : i32 to index
      %get3A_204 = arith.constant 48 : index
      %get3A_205 = tpu.vector_load %arg8[%get3A_203, %get3A_204] {strides = array<i32>} : memref<160x128xi32, #tpu.memory_space<vmem>>, vector<16xi32>,
      %get3A_206 = arith.index_cast %scan3A_84 : i32 to index
      %get3A_207 = arith.constant 48 : index
      %get3A_208 = tpu.vector_load %arg9[%get3A_206, %get3A_207] {strides = array<i32>} : memref<160x128xi32, #tpu.memory_space<vmem>>, vector<16xi32>,
      %ge3A_209 = vector.broadcast %mul3A_0 : i32 to vector<16xi32>
      %ge3A_210 = arith.cmpi sge, %get3A_208, %ge3A_209 : vector<16xi32>
      %add3A_211 = arith.constant 5120 : i32
      %add3A_212 = arith.addi %mul3A_0, %add3A_211 : i32
      %lt3A_213 = vector.broadcast %add3A_212 : i32 to vector<16xi32>
      %lt3A_214 = arith.cmpi slt, %get3A_208, %lt3A_213 : vector<16xi32>
      %and3A_215 = arith.andi %ge3A_210, %lt3A_214 : vector<16xi1>
      %sub3A_216 = vector.broadcast %mul3A_0 : i32 to vector<16xi32>
      %sub3A_217 = arith.subi %get3A_208, %sub3A_216 : vector<16xi32>
      %jit3A_218 = arith.constant 1 : i32
      %jit3A_219 = arith.constant 0 : i32
      %broadcast_in_dim3A_220 = vector.broadcast %jit3A_218 : i32 to vector<16xi32>
      %broadcast_in_dim3A_221 = vector.broadcast %jit3A_219 : i32 to vector<16xi32>
      %select_n3A_222 = arith.select %and3A_215, %broadcast_in_dim3A_220, %broadcast_in_dim3A_221 : vector<16xi1>, vector<16xi32>
      %broadcast_in_dim3A_223 = arith.constant true
      %broadcast_in_dim3A_224 = vector.broadcast %broadcast_in_dim3A_223 : i1 to vector<16xi1>
      %masked_cumsum3A_225 = tpu.scan <sum>, %select_n3A_222 masked %broadcast_in_dim3A_224 : vector<16xi32>, vector<16xi1> -> vector<16xi32>
      %add3A_226 = arith.addi %add3A_202, %masked_cumsum3A_225 : vector<16xi32>
      %sub3A_227 = arith.constant 1 : i32
      %sub3A_228 = vector.broadcast %sub3A_227 : i32 to vector<16xi32>
      %sub3A_229 = arith.subi %add3A_226, %sub3A_228 : vector<16xi32>
      %shift_right_arithmetic3A_230 = arith.constant 6 : i32
      %shift_right_arithmetic3A_231 = vector.broadcast %shift_right_arithmetic3A_230 : i32 to vector<16xi32>
      %shift_right_arithmetic3A_232 = arith.shrsi %sub3A_229, %shift_right_arithmetic3A_231 : vector<16xi32>
      %and3A_233 = arith.constant 63 : i32
      %and3A_234 = vector.broadcast %and3A_233 : i32 to vector<16xi32>
      %and3A_235 = arith.andi %sub3A_229, %and3A_234 : vector<16xi32>
      tpu.vector_store_idx %arg10[%shift_right_arithmetic3A_232, %and3A_235], %get3A_205 masked %and3A_215 : memref<328x64xi32, #tpu.memory_space<vmem>>[vector<16xi32>, vector<16xi32>], vector<16xi32>, vector<16xi1>
      %shift_right_arithmetic3A_236 = arith.constant 6 : i32
      %shift_right_arithmetic3A_237 = vector.broadcast %shift_right_arithmetic3A_236 : i32 to vector<16xi32>
      %shift_right_arithmetic3A_238 = arith.shrsi %sub3A_229, %shift_right_arithmetic3A_237 : vector<16xi32>
      %and3A_239 = arith.constant 63 : i32
      %and3A_240 = vector.broadcast %and3A_239 : i32 to vector<16xi32>
      %and3A_241 = arith.andi %sub3A_229, %and3A_240 : vector<16xi32>
      tpu.vector_store_idx %arg11[%shift_right_arithmetic3A_238, %and3A_241], %sub3A_217 masked %and3A_215 : memref<328x64xi32, #tpu.memory_space<vmem>>[vector<16xi32>, vector<16xi32>], vector<16xi32>, vector<16xi1>
      %all_reduce_population_count3A_242 = tpu.all_reduce %and3A_215 {dim = 0 : i64, kind = #tpu.reduction_kind<sum>} : vector<16xi1> -> vector<16xi32>
      %add3A_243 = arith.addi %add3A_202, %all_reduce_population_count3A_242 : vector<16xi32>
      %get3A_244 = arith.index_cast %scan3A_84 : i32 to index
      %get3A_245 = arith.constant 64 : index
      %get3A_246 = tpu.vector_load %arg8[%get3A_244, %get3A_245] {strides = array<i32>} : memref<160x128xi32, #tpu.memory_space<vmem>>, vector<16xi32>,
      %get3A_247 = arith.index_cast %scan3A_84 : i32 to index
      %get3A_248 = arith.constant 64 : index
      %get3A_249 = tpu.vector_load %arg9[%get3A_247, %get3A_248] {strides = array<i32>} : memref<160x128xi32, #tpu.memory_space<vmem>>, vector<16xi32>,
      %ge3A_250 = vector.broadcast %mul3A_0 : i32 to vector<16xi32>
      %ge3A_251 = arith.cmpi sge, %get3A_249, %ge3A_250 : vector<16xi32>
      %add3A_252 = arith.constant 5120 : i32
      %add3A_253 = arith.addi %mul3A_0, %add3A_252 : i32
      %lt3A_254 = vector.broadcast %add3A_253 : i32 to vector<16xi32>
      %lt3A_255 = arith.cmpi slt, %get3A_249, %lt3A_254 : vector<16xi32>
      %and3A_256 = arith.andi %ge3A_251, %lt3A_255 : vector<16xi1>
      %sub3A_257 = vector.broadcast %mul3A_0 : i32 to vector<16xi32>
      %sub3A_258 = arith.subi %get3A_249, %sub3A_257 : vector<16xi32>
      %jit3A_259 = arith.constant 1 : i32
      %jit3A_260 = arith.constant 0 : i32
      %broadcast_in_dim3A_261 = vector.broadcast %jit3A_259 : i32 to vector<16xi32>
      %broadcast_in_dim3A_262 = vector.broadcast %jit3A_260 : i32 to vector<16xi32>
      %select_n3A_263 = arith.select %and3A_256, %broadcast_in_dim3A_261, %broadcast_in_dim3A_262 : vector<16xi1>, vector<16xi32>
      %broadcast_in_dim3A_264 = arith.constant true
      %broadcast_in_dim3A_265 = vector.broadcast %broadcast_in_dim3A_264 : i1 to vector<16xi1>
      %masked_cumsum3A_266 = tpu.scan <sum>, %select_n3A_263 masked %broadcast_in_dim3A_265 : vector<16xi32>, vector<16xi1> -> vector<16xi32>
      %add3A_267 = arith.addi %add3A_243, %masked_cumsum3A_266 : vector<16xi32>
      %sub3A_268 = arith.constant 1 : i32
      %sub3A_269 = vector.broadcast %sub3A_268 : i32 to vector<16xi32>
      %sub3A_270 = arith.subi %add3A_267, %sub3A_269 : vector<16xi32>
      %shift_right_arithmetic3A_271 = arith.constant 6 : i32
      %shift_right_arithmetic3A_272 = vector.broadcast %shift_right_arithmetic3A_271 : i32 to vector<16xi32>
      %shift_right_arithmetic3A_273 = arith.shrsi %sub3A_270, %shift_right_arithmetic3A_272 : vector<16xi32>
      %and3A_274 = arith.constant 63 : i32
      %and3A_275 = vector.broadcast %and3A_274 : i32 to vector<16xi32>
      %and3A_276 = arith.andi %sub3A_270, %and3A_275 : vector<16xi32>
      tpu.vector_store_idx %arg10[%shift_right_arithmetic3A_273, %and3A_276], %get3A_246 masked %and3A_256 : memref<328x64xi32, #tpu.memory_space<vmem>>[vector<16xi32>, vector<16xi32>], vector<16xi32>, vector<16xi1>
      %shift_right_arithmetic3A_277 = arith.constant 6 : i32
      %shift_right_arithmetic3A_278 = vector.broadcast %shift_right_arithmetic3A_277 : i32 to vector<16xi32>
      %shift_right_arithmetic3A_279 = arith.shrsi %sub3A_270, %shift_right_arithmetic3A_278 : vector<16xi32>
      %and3A_280 = arith.constant 63 : i32
      %and3A_281 = vector.broadcast %and3A_280 : i32 to vector<16xi32>
      %and3A_282 = arith.andi %sub3A_270, %and3A_281 : vector<16xi32>
      tpu.vector_store_idx %arg11[%shift_right_arithmetic3A_279, %and3A_282], %sub3A_258 masked %and3A_256 : memref<328x64xi32, #tpu.memory_space<vmem>>[vector<16xi32>, vector<16xi32>], vector<16xi32>, vector<16xi1>
      %all_reduce_population_count3A_283 = tpu.all_reduce %and3A_256 {dim = 0 : i64, kind = #tpu.reduction_kind<sum>} : vector<16xi1> -> vector<16xi32>
      %add3A_284 = arith.addi %add3A_243, %all_reduce_population_count3A_283 : vector<16xi32>
      %get3A_285 = arith.index_cast %scan3A_84 : i32 to index
      %get3A_286 = arith.constant 80 : index
      %get3A_287 = tpu.vector_load %arg8[%get3A_285, %get3A_286] {strides = array<i32>} : memref<160x128xi32, #tpu.memory_space<vmem>>, vector<16xi32>,
      %get3A_288 = arith.index_cast %scan3A_84 : i32 to index
      %get3A_289 = arith.constant 80 : index
      %get3A_290 = tpu.vector_load %arg9[%get3A_288, %get3A_289] {strides = array<i32>} : memref<160x128xi32, #tpu.memory_space<vmem>>, vector<16xi32>,
      %ge3A_291 = vector.broadcast %mul3A_0 : i32 to vector<16xi32>
      %ge3A_292 = arith.cmpi sge, %get3A_290, %ge3A_291 : vector<16xi32>
      %add3A_293 = arith.constant 5120 : i32
      %add3A_294 = arith.addi %mul3A_0, %add3A_293 : i32
      %lt3A_295 = vector.broadcast %add3A_294 : i32 to vector<16xi32>
      %lt3A_296 = arith.cmpi slt, %get3A_290, %lt3A_295 : vector<16xi32>
      %and3A_297 = arith.andi %ge3A_292, %lt3A_296 : vector<16xi1>
      %sub3A_298 = vector.broadcast %mul3A_0 : i32 to vector<16xi32>
      %sub3A_299 = arith.subi %get3A_290, %sub3A_298 : vector<16xi32>
      %jit3A_300 = arith.constant 1 : i32
      %jit3A_301 = arith.constant 0 : i32
      %broadcast_in_dim3A_302 = vector.broadcast %jit3A_300 : i32 to vector<16xi32>
      %broadcast_in_dim3A_303 = vector.broadcast %jit3A_301 : i32 to vector<16xi32>
      %select_n3A_304 = arith.select %and3A_297, %broadcast_in_dim3A_302, %broadcast_in_dim3A_303 : vector<16xi1>, vector<16xi32>
      %broadcast_in_dim3A_305 = arith.constant true
      %broadcast_in_dim3A_306 = vector.broadcast %broadcast_in_dim3A_305 : i1 to vector<16xi1>
      %masked_cumsum3A_307 = tpu.scan <sum>, %select_n3A_304 masked %broadcast_in_dim3A_306 : vector<16xi32>, vector<16xi1> -> vector<16xi32>
      %add3A_308 = arith.addi %add3A_284, %masked_cumsum3A_307 : vector<16xi32>
      %sub3A_309 = arith.constant 1 : i32
      %sub3A_310 = vector.broadcast %sub3A_309 : i32 to vector<16xi32>
      %sub3A_311 = arith.subi %add3A_308, %sub3A_310 : vector<16xi32>
      %shift_right_arithmetic3A_312 = arith.constant 6 : i32
      %shift_right_arithmetic3A_313 = vector.broadcast %shift_right_arithmetic3A_312 : i32 to vector<16xi32>
      %shift_right_arithmetic3A_314 = arith.shrsi %sub3A_311, %shift_right_arithmetic3A_313 : vector<16xi32>
      %and3A_315 = arith.constant 63 : i32
      %and3A_316 = vector.broadcast %and3A_315 : i32 to vector<16xi32>
      %and3A_317 = arith.andi %sub3A_311, %and3A_316 : vector<16xi32>
      tpu.vector_store_idx %arg10[%shift_right_arithmetic3A_314, %and3A_317], %get3A_287 masked %and3A_297 : memref<328x64xi32, #tpu.memory_space<vmem>>[vector<16xi32>, vector<16xi32>], vector<16xi32>, vector<16xi1>
      %shift_right_arithmetic3A_318 = arith.constant 6 : i32
      %shift_right_arithmetic3A_319 = vector.broadcast %shift_right_arithmetic3A_318 : i32 to vector<16xi32>
      %shift_right_arithmetic3A_320 = arith.shrsi %sub3A_311, %shift_right_arithmetic3A_319 : vector<16xi32>
      %and3A_321 = arith.constant 63 : i32
      %and3A_322 = vector.broadcast %and3A_321 : i32 to vector<16xi32>
      %and3A_323 = arith.andi %sub3A_311, %and3A_322 : vector<16xi32>
      tpu.vector_store_idx %arg11[%shift_right_arithmetic3A_320, %and3A_323], %sub3A_299 masked %and3A_297 : memref<328x64xi32, #tpu.memory_space<vmem>>[vector<16xi32>, vector<16xi32>], vector<16xi32>, vector<16xi1>
      %all_reduce_population_count3A_324 = tpu.all_reduce %and3A_297 {dim = 0 : i64, kind = #tpu.reduction_kind<sum>} : vector<16xi1> -> vector<16xi32>
      %add3A_325 = arith.addi %add3A_284, %all_reduce_population_count3A_324 : vector<16xi32>
      %get3A_326 = arith.index_cast %scan3A_84 : i32 to index
      %get3A_327 = arith.constant 96 : index
      %get3A_328 = tpu.vector_load %arg8[%get3A_326, %get3A_327] {strides = array<i32>} : memref<160x128xi32, #tpu.memory_space<vmem>>, vector<16xi32>,
      %get3A_329 = arith.index_cast %scan3A_84 : i32 to index
      %get3A_330 = arith.constant 96 : index
      %get3A_331 = tpu.vector_load %arg9[%get3A_329, %get3A_330] {strides = array<i32>} : memref<160x128xi32, #tpu.memory_space<vmem>>, vector<16xi32>,
      %ge3A_332 = vector.broadcast %mul3A_0 : i32 to vector<16xi32>
      %ge3A_333 = arith.cmpi sge, %get3A_331, %ge3A_332 : vector<16xi32>
      %add3A_334 = arith.constant 5120 : i32
      %add3A_335 = arith.addi %mul3A_0, %add3A_334 : i32
      %lt3A_336 = vector.broadcast %add3A_335 : i32 to vector<16xi32>
      %lt3A_337 = arith.cmpi slt, %get3A_331, %lt3A_336 : vector<16xi32>
      %and3A_338 = arith.andi %ge3A_333, %lt3A_337 : vector<16xi1>
      %sub3A_339 = vector.broadcast %mul3A_0 : i32 to vector<16xi32>
      %sub3A_340 = arith.subi %get3A_331, %sub3A_339 : vector<16xi32>
      %jit3A_341 = arith.constant 1 : i32
      %jit3A_342 = arith.constant 0 : i32
      %broadcast_in_dim3A_343 = vector.broadcast %jit3A_341 : i32 to vector<16xi32>
      %broadcast_in_dim3A_344 = vector.broadcast %jit3A_342 : i32 to vector<16xi32>
      %select_n3A_345 = arith.select %and3A_338, %broadcast_in_dim3A_343, %broadcast_in_dim3A_344 : vector<16xi1>, vector<16xi32>
      %broadcast_in_dim3A_346 = arith.constant true
      %broadcast_in_dim3A_347 = vector.broadcast %broadcast_in_dim3A_346 : i1 to vector<16xi1>
      %masked_cumsum3A_348 = tpu.scan <sum>, %select_n3A_345 masked %broadcast_in_dim3A_347 : vector<16xi32>, vector<16xi1> -> vector<16xi32>
      %add3A_349 = arith.addi %add3A_325, %masked_cumsum3A_348 : vector<16xi32>
      %sub3A_350 = arith.constant 1 : i32
      %sub3A_351 = vector.broadcast %sub3A_350 : i32 to vector<16xi32>
      %sub3A_352 = arith.subi %add3A_349, %sub3A_351 : vector<16xi32>
      %shift_right_arithmetic3A_353 = arith.constant 6 : i32
      %shift_right_arithmetic3A_354 = vector.broadcast %shift_right_arithmetic3A_353 : i32 to vector<16xi32>
      %shift_right_arithmetic3A_355 = arith.shrsi %sub3A_352, %shift_right_arithmetic3A_354 : vector<16xi32>
      %and3A_356 = arith.constant 63 : i32
      %and3A_357 = vector.broadcast %and3A_356 : i32 to vector<16xi32>
      %and3A_358 = arith.andi %sub3A_352, %and3A_357 : vector<16xi32>
      tpu.vector_store_idx %arg10[%shift_right_arithmetic3A_355, %and3A_358], %get3A_328 masked %and3A_338 : memref<328x64xi32, #tpu.memory_space<vmem>>[vector<16xi32>, vector<16xi32>], vector<16xi32>, vector<16xi1>
      %shift_right_arithmetic3A_359 = arith.constant 6 : i32
      %shift_right_arithmetic3A_360 = vector.broadcast %shift_right_arithmetic3A_359 : i32 to vector<16xi32>
      %shift_right_arithmetic3A_361 = arith.shrsi %sub3A_352, %shift_right_arithmetic3A_360 : vector<16xi32>
      %and3A_362 = arith.constant 63 : i32
      %and3A_363 = vector.broadcast %and3A_362 : i32 to vector<16xi32>
      %and3A_364 = arith.andi %sub3A_352, %and3A_363 : vector<16xi32>
      tpu.vector_store_idx %arg11[%shift_right_arithmetic3A_361, %and3A_364], %sub3A_340 masked %and3A_338 : memref<328x64xi32, #tpu.memory_space<vmem>>[vector<16xi32>, vector<16xi32>], vector<16xi32>, vector<16xi1>
      %all_reduce_population_count3A_365 = tpu.all_reduce %and3A_338 {dim = 0 : i64, kind = #tpu.reduction_kind<sum>} : vector<16xi1> -> vector<16xi32>
      %add3A_366 = arith.addi %add3A_325, %all_reduce_population_count3A_365 : vector<16xi32>
      %get3A_367 = arith.index_cast %scan3A_84 : i32 to index
      %get3A_368 = arith.constant 112 : index
      %get3A_369 = tpu.vector_load %arg8[%get3A_367, %get3A_368] {strides = array<i32>} : memref<160x128xi32, #tpu.memory_space<vmem>>, vector<16xi32>,
      %get3A_370 = arith.index_cast %scan3A_84 : i32 to index
      %get3A_371 = arith.constant 112 : index
      %get3A_372 = tpu.vector_load %arg9[%get3A_370, %get3A_371] {strides = array<i32>} : memref<160x128xi32, #tpu.memory_space<vmem>>, vector<16xi32>,
      %ge3A_373 = vector.broadcast %mul3A_0 : i32 to vector<16xi32>
      %ge3A_374 = arith.cmpi sge, %get3A_372, %ge3A_373 : vector<16xi32>
      %add3A_375 = arith.constant 5120 : i32
      %add3A_376 = arith.addi %mul3A_0, %add3A_375 : i32
      %lt3A_377 = vector.broadcast %add3A_376 : i32 to vector<16xi32>
      %lt3A_378 = arith.cmpi slt, %get3A_372, %lt3A_377 : vector<16xi32>
      %and3A_379 = arith.andi %ge3A_374, %lt3A_378 : vector<16xi1>
      %sub3A_380 = vector.broadcast %mul3A_0 : i32 to vector<16xi32>
      %sub3A_381 = arith.subi %get3A_372, %sub3A_380 : vector<16xi32>
      %jit3A_382 = arith.constant 1 : i32
      %jit3A_383 = arith.constant 0 : i32
      %broadcast_in_dim3A_384 = vector.broadcast %jit3A_382 : i32 to vector<16xi32>
      %broadcast_in_dim3A_385 = vector.broadcast %jit3A_383 : i32 to vector<16xi32>
      %select_n3A_386 = arith.select %and3A_379, %broadcast_in_dim3A_384, %broadcast_in_dim3A_385 : vector<16xi1>, vector<16xi32>
      %broadcast_in_dim3A_387 = arith.constant true
      %broadcast_in_dim3A_388 = vector.broadcast %broadcast_in_dim3A_387 : i1 to vector<16xi1>
      %masked_cumsum3A_389 = tpu.scan <sum>, %select_n3A_386 masked %broadcast_in_dim3A_388 : vector<16xi32>, vector<16xi1> -> vector<16xi32>
      %add3A_390 = arith.addi %add3A_366, %masked_cumsum3A_389 : vector<16xi32>
      %sub3A_391 = arith.constant 1 : i32
      %sub3A_392 = vector.broadcast %sub3A_391 : i32 to vector<16xi32>
      %sub3A_393 = arith.subi %add3A_390, %sub3A_392 : vector<16xi32>
      %shift_right_arithmetic3A_394 = arith.constant 6 : i32
      %shift_right_arithmetic3A_395 = vector.broadcast %shift_right_arithmetic3A_394 : i32 to vector<16xi32>
      %shift_right_arithmetic3A_396 = arith.shrsi %sub3A_393, %shift_right_arithmetic3A_395 : vector<16xi32>
      %and3A_397 = arith.constant 63 : i32
      %and3A_398 = vector.broadcast %and3A_397 : i32 to vector<16xi32>
      %and3A_399 = arith.andi %sub3A_393, %and3A_398 : vector<16xi32>
      tpu.vector_store_idx %arg10[%shift_right_arithmetic3A_396, %and3A_399], %get3A_369 masked %and3A_379 : memref<328x64xi32, #tpu.memory_space<vmem>>[vector<16xi32>, vector<16xi32>], vector<16xi32>, vector<16xi1>
      %shift_right_arithmetic3A_400 = arith.constant 6 : i32
      %shift_right_arithmetic3A_401 = vector.broadcast %shift_right_arithmetic3A_400 : i32 to vector<16xi32>
      %shift_right_arithmetic3A_402 = arith.shrsi %sub3A_393, %shift_right_arithmetic3A_401 : vector<16xi32>
      %and3A_403 = arith.constant 63 : i32
      %and3A_404 = vector.broadcast %and3A_403 : i32 to vector<16xi32>
      %and3A_405 = arith.andi %sub3A_393, %and3A_404 : vector<16xi32>
      tpu.vector_store_idx %arg11[%shift_right_arithmetic3A_402, %and3A_405], %sub3A_381 masked %and3A_379 : memref<328x64xi32, #tpu.memory_space<vmem>>[vector<16xi32>, vector<16xi32>], vector<16xi32>, vector<16xi1>
      %all_reduce_population_count3A_406 = tpu.all_reduce %and3A_379 {dim = 0 : i64, kind = #tpu.reduction_kind<sum>} : vector<16xi1> -> vector<16xi32>
      %add3A_407 = arith.addi %add3A_366, %all_reduce_population_count3A_406 : vector<16xi32>
      scf.yield %add3A_407 : vector<16xi32>
    }
    %scan3A_40 = arith.constant 160 : i32
    %slice3A = vector.extract_strided_slice %scan3A_39 {offsets = [0], sizes = [1], strides = [1]} : vector<16xi32> to vector<1xi32>
    %squeeze3A = vector.extract %slice3A[0] : i32 from vector<1xi32>
    %add3A_41 = arith.constant 63 : i32
    %add3A_42 = arith.addi %squeeze3A, %add3A_41 : i32
    %jit3A = arith.constant 64 : i32
    %div3A = arith.divsi %add3A_42, %jit3A : i32
    %sign3A = arith.constant 0 : i32
    %sign3A_43 = arith.cmpi sgt, %add3A_42, %sign3A : i32
    %sign3A_44 = arith.extui %sign3A_43 : i1 to i32
    %sign3A_45 = arith.constant 0 : i32
    %sign3A_46 = arith.cmpi slt, %add3A_42, %sign3A_45 : i32
    %sign3A_47 = arith.extui %sign3A_46 : i1 to i32
    %sign3A_48 = arith.subi %sign3A_44, %sign3A_47 : i32
    %sign3A_49 = arith.constant 0 : i32
    %sign3A_50 = arith.cmpi sgt, %jit3A, %sign3A_49 : i32
    %sign3A_51 = arith.extui %sign3A_50 : i1 to i32
    %sign3A_52 = arith.constant 0 : i32
    %sign3A_53 = arith.cmpi slt, %jit3A, %sign3A_52 : i32
    %sign3A_54 = arith.extui %sign3A_53 : i1 to i32
    %sign3A_55 = arith.subi %sign3A_51, %sign3A_54 : i32
    %ne3A = arith.cmpi ne, %sign3A_48, %sign3A_55 : i32
    %rem3A = arith.remsi %add3A_42, %jit3A : i32
    %ne3A_56 = arith.constant 0 : i32
    %ne3A_57 = arith.cmpi ne, %rem3A, %ne3A_56 : i32
    %and3A = arith.andi %ne3A, %ne3A_57 : i1
    %sub3A = arith.constant 1 : i32
    %sub3A_58 = arith.subi %div3A, %sub3A : i32
    %select_n3A = arith.select %and3A, %sub3A_58, %div3A : i32
    %barrier3A = arith.constant 0 : index
    tpu.barrier barrier_id(%barrier3A)
    %while3A = arith.constant 0 : i32
    %while3A_59 = arith.constant 0 : i32
    %while3A_60 = arith.subi %select_n3A, %while3A : i32
    %while3A_61 = arith.addi %while3A, %while3A_60 : i32
    %while3A_62 = arith.constant 1 : i32
    %while3A_63 = arith.divsi %while3A_60, %while3A_62 : i32
    %while3A_64 = arith.muli %while3A_63, %while3A_62 : i32
    %while3A_65 = arith.addi %while3A, %while3A_64 : i32
    %while3A_66 = arith.constant 1 : i32
    %while3A_67 = scf.for %while3A_84 = %while3A to %while3A_65 step %while3A_66 iter_args(%while3A_85 = %while3A_59) -> (i32)  : i32 {
      %dma_start3A = arith.constant 0 : i32
      %dma_start3A_86 = tpu.memref_slice %arg11[%while3A_84, %dma_start3A] : memref<328x64xi32, #tpu.memory_space<vmem>> -> memref<1x64xi32, #tpu.memory_space<vmem>>
      %dma_start3A_87 = tpu.memref_squeeze %dma_start3A_86 : memref<1x64xi32, #tpu.memory_space<vmem>> -> memref<64xi32, #tpu.memory_space<vmem>>
      %dma_start3A_88 = arith.constant 0 : i32
      %dma_start3A_89 = arith.constant 0 : i32
      %dma_start3A_90 = tpu.memref_slice %arg14[%dma_start3A_88, %dma_start3A_89] : memref<5632x16xf32, #tpu.memory_space<vmem_shared>> -> memref<5632x16xf32, #tpu.memory_space<vmem_shared>>
      tpu.enqueue_indirect_dma source(%arg12 : memref<64x16xf32, #tpu.memory_space<vmem>>) target(%dma_start3A_90 : memref<5632x16xf32, #tpu.memory_space<vmem_shared>>) offsets(%dma_start3A_87 : memref<64xi32, #tpu.memory_space<vmem>>) semaphore(%arg15 : memref<!tpu.dma_semaphore, #tpu.memory_space<semaphore_mem>>) {add = true}
      %while3A_91 = arith.constant 0 : i32
      scf.yield %while3A_91 : i32
    }
    %while3A_68 = arith.constant 1 : i32
    %while3A_69 = scf.for %while3A_84 = %while3A_65 to %while3A_61 step %while3A_68 iter_args(%while3A_85 = %while3A_67) -> (i32)  : i32 {
      %dma_start3A = arith.constant 0 : i32
      %dma_start3A_86 = tpu.memref_slice %arg11[%while3A_84, %dma_start3A] : memref<328x64xi32, #tpu.memory_space<vmem>> -> memref<1x64xi32, #tpu.memory_space<vmem>>
      %dma_start3A_87 = tpu.memref_squeeze %dma_start3A_86 : memref<1x64xi32, #tpu.memory_space<vmem>> -> memref<64xi32, #tpu.memory_space<vmem>>
      %dma_start3A_88 = arith.constant 0 : i32
      %dma_start3A_89 = arith.constant 0 : i32
      %dma_start3A_90 = tpu.memref_slice %arg14[%dma_start3A_88, %dma_start3A_89] : memref<5632x16xf32, #tpu.memory_space<vmem_shared>> -> memref<5632x16xf32, #tpu.memory_space<vmem_shared>>
      tpu.enqueue_indirect_dma source(%arg12 : memref<64x16xf32, #tpu.memory_space<vmem>>) target(%dma_start3A_90 : memref<5632x16xf32, #tpu.memory_space<vmem_shared>>) offsets(%dma_start3A_87 : memref<64xi32, #tpu.memory_space<vmem>>) semaphore(%arg15 : memref<!tpu.dma_semaphore, #tpu.memory_space<semaphore_mem>>) {add = true}
      %while3A_91 = arith.constant 0 : i32
      scf.yield %while3A_91 : i32
    }
    %while3A_70 = arith.constant 0 : i32
    %while3A_71 = arith.constant 0 : i32
    %while3A_72 = arith.subi %select_n3A, %while3A_70 : i32
    %while3A_73 = arith.addi %while3A_70, %while3A_72 : i32
    %while3A_74 = arith.constant 1 : i32
    %while3A_75 = arith.divsi %while3A_72, %while3A_74 : i32
    %while3A_76 = arith.muli %while3A_75, %while3A_74 : i32
    %while3A_77 = arith.addi %while3A_70, %while3A_76 : i32
    %while3A_78 = arith.constant 1 : i32
    %while3A_79 = scf.for %while3A_84 = %while3A_70 to %while3A_77 step %while3A_78 iter_args(%while3A_85 = %while3A_71) -> (i32)  : i32 {
      %dma_wait3A = arith.constant 0 : i32
      %dma_wait3A_86 = tpu.memref_slice %arg11[%while3A_84, %dma_wait3A] : memref<328x64xi32, #tpu.memory_space<vmem>> -> memref<1x64xi32, #tpu.memory_space<vmem>>
      %dma_wait3A_87 = tpu.memref_squeeze %dma_wait3A_86 : memref<1x64xi32, #tpu.memory_space<vmem>> -> memref<64xi32, #tpu.memory_space<vmem>>
      %dma_wait3A_88 = arith.constant 0 : i32
      %dma_wait3A_89 = arith.constant 0 : i32
      %dma_wait3A_90 = tpu.memref_slice %arg14[%dma_wait3A_88, %dma_wait3A_89] : memref<5632x16xf32, #tpu.memory_space<vmem_shared>> -> memref<5632x16xf32, #tpu.memory_space<vmem_shared>>
      tpu.wait_indirect_dma semaphore(%arg15 : memref<!tpu.dma_semaphore, #tpu.memory_space<semaphore_mem>>) src(%arg12 : memref<64x16xf32, #tpu.memory_space<vmem>>) dst(%dma_wait3A_90 : memref<5632x16xf32, #tpu.memory_space<vmem_shared>>)
      %while3A_91 = arith.constant 0 : i32
      scf.yield %while3A_91 : i32
    }
    %while3A_80 = arith.constant 1 : i32
    %while3A_81 = scf.for %while3A_84 = %while3A_77 to %while3A_73 step %while3A_80 iter_args(%while3A_85 = %while3A_79) -> (i32)  : i32 {
      %dma_wait3A = arith.constant 0 : i32
      %dma_wait3A_86 = tpu.memref_slice %arg11[%while3A_84, %dma_wait3A] : memref<328x64xi32, #tpu.memory_space<vmem>> -> memref<1x64xi32, #tpu.memory_space<vmem>>
      %dma_wait3A_87 = tpu.memref_squeeze %dma_wait3A_86 : memref<1x64xi32, #tpu.memory_space<vmem>> -> memref<64xi32, #tpu.memory_space<vmem>>
      %dma_wait3A_88 = arith.constant 0 : i32
      %dma_wait3A_89 = arith.constant 0 : i32
      %dma_wait3A_90 = tpu.memref_slice %arg14[%dma_wait3A_88, %dma_wait3A_89] : memref<5632x16xf32, #tpu.memory_space<vmem_shared>> -> memref<5632x16xf32, #tpu.memory_space<vmem_shared>>
      tpu.wait_indirect_dma semaphore(%arg15 : memref<!tpu.dma_semaphore, #tpu.memory_space<semaphore_mem>>) src(%arg12 : memref<64x16xf32, #tpu.memory_space<vmem>>) dst(%dma_wait3A_90 : memref<5632x16xf32, #tpu.memory_space<vmem_shared>>)
      %while3A_91 = arith.constant 0 : i32
      scf.yield %while3A_91 : i32
    }
    "tpu.region"() ({
      %run_scoped3A = tpu.sem_alloc : memref<!tpu.dma_semaphore, #tpu.memory_space<semaphore_mem>>
      %dma_start3A = arith.constant 0 : i32
      %dma_start3A_84 = arith.constant 0 : i32
      %dma_start3A_85 = tpu.memref_slice %arg5[%arg0, %arg1, %dma_start3A, %dma_start3A_84] : memref<2x16x328x64xi32, #tpu.memory_space<hbm>> -> memref<1x1x328x64xi32, #tpu.memory_space<hbm>>
      %dma_start3A_86 = tpu.memref_squeeze %dma_start3A_85 : memref<1x1x328x64xi32, #tpu.memory_space<hbm>> -> memref<328x64xi32, #tpu.memory_space<hbm>>
      %dma_start3A_87 = arith.constant 0 : i32
      %dma_start3A_88 = arith.constant 0 : i32
      %dma_start3A_89 = tpu.memref_slice %arg5[%arg0, %arg1, %dma_start3A_87, %dma_start3A_88] : memref<2x16x328x64xi32, #tpu.memory_space<hbm>> -> memref<1x1x328x64xi32, #tpu.memory_space<hbm>>
      %dma_start3A_90 = tpu.memref_squeeze %dma_start3A_89 : memref<1x1x328x64xi32, #tpu.memory_space<hbm>> -> memref<328x64xi32, #tpu.memory_space<hbm>>
      tpu.enqueue_dma source(%arg10 : memref<328x64xi32, #tpu.memory_space<vmem>>) target(%dma_start3A_90 : memref<328x64xi32, #tpu.memory_space<hbm>>) target_semaphore(%run_scoped3A : memref<!tpu.dma_semaphore, #tpu.memory_space<semaphore_mem>>)
      %dma_wait3A = arith.constant 0 : i32
      %dma_wait3A_91 = arith.constant 0 : i32
      %dma_wait3A_92 = tpu.memref_slice %arg5[%arg0, %arg1, %dma_wait3A, %dma_wait3A_91] : memref<2x16x328x64xi32, #tpu.memory_space<hbm>> -> memref<1x1x328x64xi32, #tpu.memory_space<hbm>>
      %dma_wait3A_93 = tpu.memref_squeeze %dma_wait3A_92 : memref<1x1x328x64xi32, #tpu.memory_space<hbm>> -> memref<328x64xi32, #tpu.memory_space<hbm>>
      %dma_wait3A_94 = arith.constant 0 : i32
      %dma_wait3A_95 = arith.constant 0 : i32
      %dma_wait3A_96 = tpu.memref_slice %arg5[%arg0, %arg1, %dma_wait3A_94, %dma_wait3A_95] : memref<2x16x328x64xi32, #tpu.memory_space<hbm>> -> memref<1x1x328x64xi32, #tpu.memory_space<hbm>>
      %dma_wait3A_97 = tpu.memref_squeeze %dma_wait3A_96 : memref<1x1x328x64xi32, #tpu.memory_space<hbm>> -> memref<328x64xi32, #tpu.memory_space<hbm>>
      tpu.wait_dma2 semaphore(%run_scoped3A : memref<!tpu.dma_semaphore, #tpu.memory_space<semaphore_mem>>) src(%arg10 : memref<328x64xi32, #tpu.memory_space<vmem>>) dst(%dma_wait3A_97 : memref<328x64xi32, #tpu.memory_space<hbm>>)
      tpu.yield
    }) : () -> ()
    "tpu.region"() ({
      %run_scoped3A = tpu.sem_alloc : memref<!tpu.dma_semaphore, #tpu.memory_space<semaphore_mem>>
      %dma_start3A = arith.constant 0 : i32
      %dma_start3A_84 = arith.constant 0 : i32
      %dma_start3A_85 = tpu.memref_slice %arg6[%arg0, %arg1, %dma_start3A, %dma_start3A_84] : memref<2x16x328x64xi32, #tpu.memory_space<hbm>> -> memref<1x1x328x64xi32, #tpu.memory_space<hbm>>
      %dma_start3A_86 = tpu.memref_squeeze %dma_start3A_85 : memref<1x1x328x64xi32, #tpu.memory_space<hbm>> -> memref<328x64xi32, #tpu.memory_space<hbm>>
      %dma_start3A_87 = arith.constant 0 : i32
      %dma_start3A_88 = arith.constant 0 : i32
      %dma_start3A_89 = tpu.memref_slice %arg6[%arg0, %arg1, %dma_start3A_87, %dma_start3A_88] : memref<2x16x328x64xi32, #tpu.memory_space<hbm>> -> memref<1x1x328x64xi32, #tpu.memory_space<hbm>>
      %dma_start3A_90 = tpu.memref_squeeze %dma_start3A_89 : memref<1x1x328x64xi32, #tpu.memory_space<hbm>> -> memref<328x64xi32, #tpu.memory_space<hbm>>
      tpu.enqueue_dma source(%arg11 : memref<328x64xi32, #tpu.memory_space<vmem>>) target(%dma_start3A_90 : memref<328x64xi32, #tpu.memory_space<hbm>>) target_semaphore(%run_scoped3A : memref<!tpu.dma_semaphore, #tpu.memory_space<semaphore_mem>>)
      %dma_wait3A = arith.constant 0 : i32
      %dma_wait3A_91 = arith.constant 0 : i32
      %dma_wait3A_92 = tpu.memref_slice %arg6[%arg0, %arg1, %dma_wait3A, %dma_wait3A_91] : memref<2x16x328x64xi32, #tpu.memory_space<hbm>> -> memref<1x1x328x64xi32, #tpu.memory_space<hbm>>
      %dma_wait3A_93 = tpu.memref_squeeze %dma_wait3A_92 : memref<1x1x328x64xi32, #tpu.memory_space<hbm>> -> memref<328x64xi32, #tpu.memory_space<hbm>>
      %dma_wait3A_94 = arith.constant 0 : i32
      %dma_wait3A_95 = arith.constant 0 : i32
      %dma_wait3A_96 = tpu.memref_slice %arg6[%arg0, %arg1, %dma_wait3A_94, %dma_wait3A_95] : memref<2x16x328x64xi32, #tpu.memory_space<hbm>> -> memref<1x1x328x64xi32, #tpu.memory_space<hbm>>
      %dma_wait3A_97 = tpu.memref_squeeze %dma_wait3A_96 : memref<1x1x328x64xi32, #tpu.memory_space<hbm>> -> memref<328x64xi32, #tpu.memory_space<hbm>>
      tpu.wait_dma2 semaphore(%run_scoped3A : memref<!tpu.dma_semaphore, #tpu.memory_space<semaphore_mem>>) src(%arg11 : memref<328x64xi32, #tpu.memory_space<vmem>>) dst(%dma_wait3A_97 : memref<328x64xi32, #tpu.memory_space<hbm>>)
      tpu.yield
    }) : () -> ()
    %swap3A = arith.constant 0 : index
    %swap3A_82 = tpu.vector_load %arg13[%swap3A] {strides = array<i32>} : memref<16xi32, #tpu.memory_space<vmem>>, vector<16xi32>,
    tpu.vector_store %arg13[%swap3A], %scan3A_39 {strides = array<i32>} : memref<16xi32, #tpu.memory_space<vmem>>, vector<16xi32>,
    "tpu.region"() ({
      %run_scoped3A = tpu.sem_alloc : memref<!tpu.dma_semaphore, #tpu.memory_space<semaphore_mem>>
      %dma_start3A = arith.constant 0 : i32
      %dma_start3A_84 = tpu.memref_slice %arg7[%arg0, %arg1, %dma_start3A] : memref<2x16x16xi32, #tpu.memory_space<hbm>> -> memref<1x1x16xi32, #tpu.memory_space<hbm>>
      %dma_start3A_85 = tpu.memref_squeeze %dma_start3A_84 : memref<1x1x16xi32, #tpu.memory_space<hbm>> -> memref<16xi32, #tpu.memory_space<hbm>>
      %dma_start3A_86 = arith.constant 0 : i32
      %dma_start3A_87 = tpu.memref_slice %arg7[%arg0, %arg1, %dma_start3A_86] : memref<2x16x16xi32, #tpu.memory_space<hbm>> -> memref<1x1x16xi32, #tpu.memory_space<hbm>>
      %dma_start3A_88 = tpu.memref_squeeze %dma_start3A_87 : memref<1x1x16xi32, #tpu.memory_space<hbm>> -> memref<16xi32, #tpu.memory_space<hbm>>
      tpu.enqueue_dma source(%arg13 : memref<16xi32, #tpu.memory_space<vmem>>) target(%dma_start3A_88 : memref<16xi32, #tpu.memory_space<hbm>>) target_semaphore(%run_scoped3A : memref<!tpu.dma_semaphore, #tpu.memory_space<semaphore_mem>>)
      %dma_wait3A = arith.constant 0 : i32
      %dma_wait3A_89 = tpu.memref_slice %arg7[%arg0, %arg1, %dma_wait3A] : memref<2x16x16xi32, #tpu.memory_space<hbm>> -> memref<1x1x16xi32, #tpu.memory_space<hbm>>
      %dma_wait3A_90 = tpu.memref_squeeze %dma_wait3A_89 : memref<1x1x16xi32, #tpu.memory_space<hbm>> -> memref<16xi32, #tpu.memory_space<hbm>>
      %dma_wait3A_91 = arith.constant 0 : i32
      %dma_wait3A_92 = tpu.memref_slice %arg7[%arg0, %arg1, %dma_wait3A_91] : memref<2x16x16xi32, #tpu.memory_space<hbm>> -> memref<1x1x16xi32, #tpu.memory_space<hbm>>
      %dma_wait3A_93 = tpu.memref_squeeze %dma_wait3A_92 : memref<1x1x16xi32, #tpu.memory_space<hbm>> -> memref<16xi32, #tpu.memory_space<hbm>>
      tpu.wait_dma2 semaphore(%run_scoped3A : memref<!tpu.dma_semaphore, #tpu.memory_space<semaphore_mem>>) src(%arg13 : memref<16xi32, #tpu.memory_space<vmem>>) dst(%dma_wait3A_93 : memref<16xi32, #tpu.memory_space<hbm>>)
      tpu.yield
    }) : () -> ()
    %barrier3A_83 = arith.constant 0 : index
    tpu.barrier barrier_id(%barrier3A_83)
    "tpu.region"() ({
      %run_scoped3A = tpu.sem_alloc : memref<!tpu.dma_semaphore, #tpu.memory_space<semaphore_mem>>
      %dma_start3A = arith.constant 0 : i32
      %dma_start3A_84 = tpu.memref_slice %arg4[%arg0, %mul3A_8, %dma_start3A] : memref<2x5632x16xf32, #tpu.memory_space<hbm>> -> memref<1x352x16xf32, #tpu.memory_space<hbm>>
      %dma_start3A_85 = tpu.memref_squeeze %dma_start3A_84 : memref<1x352x16xf32, #tpu.memory_space<hbm>> -> memref<352x16xf32, #tpu.memory_space<hbm>>
      %dma_start3A_86 = arith.constant 0 : i32
      %dma_start3A_87 = tpu.memref_slice %arg14[%mul3A_8, %dma_start3A_86] : memref<5632x16xf32, #tpu.memory_space<vmem_shared>> -> memref<352x16xf32, #tpu.memory_space<vmem_shared>>
      tpu.enqueue_dma source(%dma_start3A_87 : memref<352x16xf32, #tpu.memory_space<vmem_shared>>) target(%dma_start3A_85 : memref<352x16xf32, #tpu.memory_space<hbm>>) target_semaphore(%run_scoped3A : memref<!tpu.dma_semaphore, #tpu.memory_space<semaphore_mem>>)
      %dma_wait3A = arith.constant 0 : i32
      %dma_wait3A_88 = tpu.memref_slice %arg4[%arg0, %mul3A_8, %dma_wait3A] : memref<2x5632x16xf32, #tpu.memory_space<hbm>> -> memref<1x352x16xf32, #tpu.memory_space<hbm>>
      %dma_wait3A_89 = tpu.memref_squeeze %dma_wait3A_88 : memref<1x352x16xf32, #tpu.memory_space<hbm>> -> memref<352x16xf32, #tpu.memory_space<hbm>>
      %dma_wait3A_90 = arith.constant 0 : i32
      %dma_wait3A_91 = tpu.memref_slice %arg14[%mul3A_8, %dma_wait3A_90] : memref<5632x16xf32, #tpu.memory_space<vmem_shared>> -> memref<352x16xf32, #tpu.memory_space<vmem_shared>>
      tpu.wait_dma2 semaphore(%run_scoped3A : memref<!tpu.dma_semaphore, #tpu.memory_space<semaphore_mem>>) src(%dma_wait3A_91 : memref<352x16xf32, #tpu.memory_space<vmem_shared>>) dst(%dma_wait3A_89 : memref<352x16xf32, #tpu.memory_space<hbm>>)
      tpu.yield
    }) : () -> ()
    return
  }
}

module attributes {stable_mosaic.version = 14 : i64} {
  func.func @_lin1_body(%arg0: memref<10000x128xf32, #tpu.memory_space<vmem>>, %arg1: memref<128x128xf32, #tpu.memory_space<vmem>>, %arg2: memref<2x5632x16xf32, #tpu.memory_space<vmem>>, %arg3: memref<10000x128xf32, #tpu.memory_space<vmem>>) attributes {dimension_semantics = [], scalar_prefetch = 0 : i64, scratch_operands = 0 : i64, tpu.core_type = #tpu.core_type<tc>} {
    %get3A = arith.constant 0 : index
    %get3A_0 = arith.constant 0 : index
    %get3A_1 = arith.constant 0 : index
    %get3A_2 = vector.load %arg2[%get3A, %get3A_0, %get3A_1] : memref<2x5632x16xf32, #tpu.memory_space<vmem>>, vector<1x5120x1xf32>
    %get3A_3 = vector.shape_cast %get3A_2 : vector<1x5120x1xf32> to vector<5120x1xf32>
    %get3A_4 = arith.constant 1 : index
    %get3A_5 = arith.constant 0 : index
    %get3A_6 = arith.constant 0 : index
    %get3A_7 = vector.load %arg2[%get3A_4, %get3A_5, %get3A_6] : memref<2x5632x16xf32, #tpu.memory_space<vmem>>, vector<1x4880x1xf32>
    %get3A_8 = vector.shape_cast %get3A_7 : vector<1x4880x1xf32> to vector<4880x1xf32>
    %concatenate3A = tpu.concatenate %get3A_3, %get3A_8 in 0 : vector<5120x1xf32>, vector<4880x1xf32> -> vector<10000x1xf32>
    %add3A = arith.constant 1.000000e+00 : f32
    %add3A_9 = vector.broadcast %add3A : f32 to vector<10000x1xf32>
    %add3A_10 = arith.addf %add3A_9, %concatenate3A : vector<10000x1xf32>
    %rsqrt3A = math.rsqrt %add3A_10 : vector<10000x1xf32>
    %get3A_11 = arith.constant 0 : index
    %get3A_12 = arith.constant 0 : index
    %get3A_13 = vector.load %arg0[%get3A_11, %get3A_12] : memref<10000x128xf32, #tpu.memory_space<vmem>>, vector<10000x128xf32>
    %get3A_14 = arith.constant 0 : index
    %get3A_15 = arith.constant 0 : index
    %get3A_16 = vector.load %arg1[%get3A_14, %get3A_15] : memref<128x128xf32, #tpu.memory_space<vmem>>, vector<128x128xf32>
    %dot_general3A = arith.constant dense<0.000000e+00> : vector<10000x128xf32>
    %dot_general3A_17 = tpu.matmul %get3A_13, %get3A_16, %dot_general3A {dimension_numbers = #tpu.dot_dimension_numbers<[1], [0], [0], [1], [0, 0, 1, 1], [], []>, transpose_lhs_hint = false} : vector<10000x128xf32>, vector<128x128xf32>, vector<10000x128xf32> -> vector<10000x128xf32>
    %mul3A = vector.broadcast %rsqrt3A : vector<10000x1xf32> to vector<10000x128xf32>
    %mul3A_18 = arith.mulf %dot_general3A_17, %mul3A : vector<10000x128xf32>
    %swap3A = arith.constant 0 : index
    %swap3A_19 = arith.constant 0 : index
    %swap3A_20 = vector.load %arg3[%swap3A, %swap3A_19] : memref<10000x128xf32, #tpu.memory_space<vmem>>, vector<10000x128xf32>
    tpu.vector_store %arg3[%swap3A, %swap3A_19], %mul3A_18 {strides = array<i32>} : memref<10000x128xf32, #tpu.memory_space<vmem>>, vector<10000x128xf32>,
    return
  }
}

module attributes {stable_mosaic.version = 14 : i64} {
  func.func @_mid_body(%arg0: memref<10000x128xf32, #tpu.memory_space<vmem>>, %arg1: memref<2x5632x128xf32, #tpu.memory_space<vmem>>, %arg2: memref<2x5632x16xf32, #tpu.memory_space<vmem>>, %arg3: memref<128xf32, #tpu.memory_space<vmem>>, %arg4: memref<128x128xf32, #tpu.memory_space<vmem>>, %arg5: memref<10000x128xf32, #tpu.memory_space<vmem>>) attributes {dimension_semantics = [], scalar_prefetch = 0 : i64, scratch_operands = 0 : i64, tpu.core_type = #tpu.core_type<tc>} {
    %get3A = arith.constant 0 : index
    %get3A_0 = arith.constant 0 : index
    %get3A_1 = arith.constant 0 : index
    %get3A_2 = vector.load %arg2[%get3A, %get3A_0, %get3A_1] : memref<2x5632x16xf32, #tpu.memory_space<vmem>>, vector<1x5120x1xf32>
    %get3A_3 = vector.shape_cast %get3A_2 : vector<1x5120x1xf32> to vector<5120x1xf32>
    %get3A_4 = arith.constant 1 : index
    %get3A_5 = arith.constant 0 : index
    %get3A_6 = arith.constant 0 : index
    %get3A_7 = vector.load %arg2[%get3A_4, %get3A_5, %get3A_6] : memref<2x5632x16xf32, #tpu.memory_space<vmem>>, vector<1x4880x1xf32>
    %get3A_8 = vector.shape_cast %get3A_7 : vector<1x4880x1xf32> to vector<4880x1xf32>
    %concatenate3A = tpu.concatenate %get3A_3, %get3A_8 in 0 : vector<5120x1xf32>, vector<4880x1xf32> -> vector<10000x1xf32>
    %add3A = arith.constant 1.000000e+00 : f32
    %add3A_9 = vector.broadcast %add3A : f32 to vector<10000x1xf32>
    %add3A_10 = arith.addf %add3A_9, %concatenate3A : vector<10000x1xf32>
    %rsqrt3A = math.rsqrt %add3A_10 : vector<10000x1xf32>
    %get3A_11 = arith.constant 0 : index
    %get3A_12 = arith.constant 0 : index
    %get3A_13 = arith.constant 0 : index
    %get3A_14 = vector.load %arg1[%get3A_11, %get3A_12, %get3A_13] : memref<2x5632x128xf32, #tpu.memory_space<vmem>>, vector<1x5120x128xf32>
    %get3A_15 = vector.shape_cast %get3A_14 : vector<1x5120x128xf32> to vector<5120x128xf32>
    %get3A_16 = arith.constant 1 : index
    %get3A_17 = arith.constant 0 : index
    %get3A_18 = arith.constant 0 : index
    %get3A_19 = vector.load %arg1[%get3A_16, %get3A_17, %get3A_18] : memref<2x5632x128xf32, #tpu.memory_space<vmem>>, vector<1x4880x128xf32>
    %get3A_20 = vector.shape_cast %get3A_19 : vector<1x4880x128xf32> to vector<4880x128xf32>
    %concatenate3A_21 = tpu.concatenate %get3A_15, %get3A_20 in 0 : vector<5120x128xf32>, vector<4880x128xf32> -> vector<10000x128xf32>
    %get3A_22 = arith.constant 0 : index
    %get3A_23 = arith.constant 0 : index
    %get3A_24 = vector.load %arg0[%get3A_22, %get3A_23] : memref<10000x128xf32, #tpu.memory_space<vmem>>, vector<10000x128xf32>
    %add3A_25 = arith.addf %concatenate3A_21, %get3A_24 : vector<10000x128xf32>
    %mul3A = vector.broadcast %rsqrt3A : vector<10000x1xf32> to vector<10000x128xf32>
    %mul3A_26 = arith.mulf %add3A_25, %mul3A : vector<10000x128xf32>
    %get3A_27 = arith.constant 0 : index
    %get3A_28 = vector.load %arg3[%get3A_27] : memref<128xf32, #tpu.memory_space<vmem>>, vector<128xf32>
    %broadcast_in_dim3A = vector.shape_cast %get3A_28 : vector<128xf32> to vector<1x128xf32>
    %add3A_29 = vector.broadcast %broadcast_in_dim3A : vector<1x128xf32> to vector<10000x128xf32>
    %add3A_30 = arith.addf %mul3A_26, %add3A_29 : vector<10000x128xf32>
    %max3A = arith.constant 0.000000e+00 : f32
    %max3A_31 = vector.broadcast %max3A : f32 to vector<10000x128xf32>
    %max3A_32 = arith.maximumf %add3A_30, %max3A_31 : vector<10000x128xf32>
    %get3A_33 = arith.constant 0 : index
    %get3A_34 = arith.constant 0 : index
    %get3A_35 = vector.load %arg4[%get3A_33, %get3A_34] : memref<128x128xf32, #tpu.memory_space<vmem>>, vector<128x128xf32>
    %dot_general3A = arith.constant dense<0.000000e+00> : vector<10000x128xf32>
    %dot_general3A_36 = tpu.matmul %max3A_32, %get3A_35, %dot_general3A {dimension_numbers = #tpu.dot_dimension_numbers<[1], [0], [0], [1], [0, 0, 1, 1], [], []>, transpose_lhs_hint = false} : vector<10000x128xf32>, vector<128x128xf32>, vector<10000x128xf32> -> vector<10000x128xf32>
    %mul3A_37 = vector.broadcast %rsqrt3A : vector<10000x1xf32> to vector<10000x128xf32>
    %mul3A_38 = arith.mulf %dot_general3A_36, %mul3A_37 : vector<10000x128xf32>
    %swap3A = arith.constant 0 : index
    %swap3A_39 = arith.constant 0 : index
    %swap3A_40 = vector.load %arg5[%swap3A, %swap3A_39] : memref<10000x128xf32, #tpu.memory_space<vmem>>, vector<10000x128xf32>
    tpu.vector_store %arg5[%swap3A, %swap3A_39], %mul3A_38 {strides = array<i32>} : memref<10000x128xf32, #tpu.memory_space<vmem>>, vector<10000x128xf32>,
    return
  }
}

module attributes {stable_mosaic.version = 14 : i64} {
  func.func @_out_body(%arg0: memref<10000x128xf32, #tpu.memory_space<vmem>>, %arg1: memref<2x5632x128xf32, #tpu.memory_space<vmem>>, %arg2: memref<2x5632x16xf32, #tpu.memory_space<vmem>>, %arg3: memref<128xf32, #tpu.memory_space<vmem>>, %arg4: memref<10000x128xf32, #tpu.memory_space<vmem>>) attributes {dimension_semantics = [], scalar_prefetch = 0 : i64, scratch_operands = 0 : i64, tpu.core_type = #tpu.core_type<tc>} {
    %get3A = arith.constant 0 : index
    %get3A_0 = arith.constant 0 : index
    %get3A_1 = arith.constant 0 : index
    %get3A_2 = vector.load %arg2[%get3A, %get3A_0, %get3A_1] : memref<2x5632x16xf32, #tpu.memory_space<vmem>>, vector<1x5120x1xf32>
    %get3A_3 = vector.shape_cast %get3A_2 : vector<1x5120x1xf32> to vector<5120x1xf32>
    %get3A_4 = arith.constant 1 : index
    %get3A_5 = arith.constant 0 : index
    %get3A_6 = arith.constant 0 : index
    %get3A_7 = vector.load %arg2[%get3A_4, %get3A_5, %get3A_6] : memref<2x5632x16xf32, #tpu.memory_space<vmem>>, vector<1x4880x1xf32>
    %get3A_8 = vector.shape_cast %get3A_7 : vector<1x4880x1xf32> to vector<4880x1xf32>
    %concatenate3A = tpu.concatenate %get3A_3, %get3A_8 in 0 : vector<5120x1xf32>, vector<4880x1xf32> -> vector<10000x1xf32>
    %add3A = arith.constant 1.000000e+00 : f32
    %add3A_9 = vector.broadcast %add3A : f32 to vector<10000x1xf32>
    %add3A_10 = arith.addf %add3A_9, %concatenate3A : vector<10000x1xf32>
    %rsqrt3A = math.rsqrt %add3A_10 : vector<10000x1xf32>
    %get3A_11 = arith.constant 0 : index
    %get3A_12 = arith.constant 0 : index
    %get3A_13 = arith.constant 0 : index
    %get3A_14 = vector.load %arg1[%get3A_11, %get3A_12, %get3A_13] : memref<2x5632x128xf32, #tpu.memory_space<vmem>>, vector<1x5120x128xf32>
    %get3A_15 = vector.shape_cast %get3A_14 : vector<1x5120x128xf32> to vector<5120x128xf32>
    %get3A_16 = arith.constant 1 : index
    %get3A_17 = arith.constant 0 : index
    %get3A_18 = arith.constant 0 : index
    %get3A_19 = vector.load %arg1[%get3A_16, %get3A_17, %get3A_18] : memref<2x5632x128xf32, #tpu.memory_space<vmem>>, vector<1x4880x128xf32>
    %get3A_20 = vector.shape_cast %get3A_19 : vector<1x4880x128xf32> to vector<4880x128xf32>
    %concatenate3A_21 = tpu.concatenate %get3A_15, %get3A_20 in 0 : vector<5120x128xf32>, vector<4880x128xf32> -> vector<10000x128xf32>
    %get3A_22 = arith.constant 0 : index
    %get3A_23 = arith.constant 0 : index
    %get3A_24 = vector.load %arg0[%get3A_22, %get3A_23] : memref<10000x128xf32, #tpu.memory_space<vmem>>, vector<10000x128xf32>
    %add3A_25 = arith.addf %concatenate3A_21, %get3A_24 : vector<10000x128xf32>
    %mul3A = vector.broadcast %rsqrt3A : vector<10000x1xf32> to vector<10000x128xf32>
    %mul3A_26 = arith.mulf %add3A_25, %mul3A : vector<10000x128xf32>
    %get3A_27 = arith.constant 0 : index
    %get3A_28 = vector.load %arg3[%get3A_27] : memref<128xf32, #tpu.memory_space<vmem>>, vector<128xf32>
    %broadcast_in_dim3A = vector.shape_cast %get3A_28 : vector<128xf32> to vector<1x128xf32>
    %add3A_29 = vector.broadcast %broadcast_in_dim3A : vector<1x128xf32> to vector<10000x128xf32>
    %add3A_30 = arith.addf %mul3A_26, %add3A_29 : vector<10000x128xf32>
    %swap3A = arith.constant 0 : index
    %swap3A_31 = arith.constant 0 : index
    %swap3A_32 = vector.load %arg4[%swap3A, %swap3A_31] : memref<10000x128xf32, #tpu.memory_space<vmem>>, vector<10000x128xf32>
    tpu.vector_store %arg4[%swap3A, %swap3A_31], %add3A_30 {strides = array<i32>} : memref<10000x128xf32, #tpu.memory_space<vmem>>, vector<10000x128xf32>,
    return
  }
}

</mosaic_0001>

<sc_bundles>
// kernel: kernel.11.cloned.1.call-start
scs
__scs_entry_jumppad:
0x0: {  	(pc) =	sbr.rel $0x88, $3  }
0x1: {  	(tag) =	ssettag $0x0;
	lr =	simm.s32 $0x1  }
0x2: {  	[smem:$0x3F9B] =	sst lr;
	_ =	strace $0xD0000000  }
0x3: {  	_ = 	snop  }
0x4: {  	_ = 	snop  }
0x5: {  	_ = 	snop  }
0x6: {  	_ = 	snop  }
0x7: {  	_ = 	snop  }
__scs_overlays_trampoline_lowered:
0x8: {  	[smem:$0x3FAA] =	sst s0  }
0x9: {  	[smem:$0x3FAB] =	sst s1  }
0xa: {  	[smem:$0x3FAC] =	sst s2  }
0xb: {  	[smem:$0x3FAD] =	sst s3  }
0xc: {  	[smem:$0x3FAE] =	sst s4  }
0xd: {  	[smem:$0x3FAF] =	sst s5  }
0xe: {  	[smem:$0x3FB0] =	sst s6  }
0xf: {  	[smem:$0x3FB1] =	sst s7  }
0x10: {  	[smem:$0x3FB2] =	sst s8  }
0x11: {  	[smem:$0x3FB3] =	sst s9;
	s0 =	simm.s32 @!p0 $0x0  }
0x12: {  	s1 =	sld [smem:$0x3F99];
	s0 =	simm.s32 @p0 $0x1  }
0x13: {  	[smem:$0x3FB4] =	sst s0;
	s0 =	simm.s32 @!p1 $0x0  }
0x14: {  	s2 =	sld [smem:$0x3F98];
	s0 =	simm.s32 @p1 $0x1  }
0x15: {  	[smem:$0x3FB5] =	sst s0;
	s0 =	simm.s32 @!p2 $0x0  }
0x16: {  	s3 =	sld [smem:$0x3FDB];
	s0 =	simm.s32 @p2 $0x1  }
0x17: {  	s4 =	simm.s32 $0x1BF5;
	[smem:$0x3FB7] =	sst s0  }
0x18: {  	s0 =	sld [smem:$0x3F9A];
	_ =	swait.ge [sflag:s4], $0x0  }
0x19: {  	s7 =	sld [smem:$0x3F9B]  }
0x1a: {  	s8 =	sadd.s32 $0xFFFFE003, lr  }
0x1b: {  	s9 =	sadd.s32 $0xFFFFFEF7, lr;
	s5 =	simm.s32 $0xFFFFFFFF;
	p2 =	slt.u32 s8, $0xFFFFF086  }
0x1c: {  	p1 =	slt.u32 s9, $0xF7A;
	s5 =	simm.s32 @!p2 $0x0  }
0x1d: {  	s5 =	simm.s32 @p1 $0x1;
	p0 =	seq.s32 s7, s2  }
0x1e: {  	s7 =	smul.u32 @!p0 $0xF7A, s2;
	p2 =	seq.s32 @!p0 s5, $0x0  }
0x1f: {  	s9 =	smul.u32 $0xF7A, s1;
	s8 =	simm.s32 @!p0 $0x1BF5;
	p2 =	por !p2, p0  }
0x20: {  	[sflag:s8] =	ssyncset.s32 @!p0 $0xFFFFF086;
	s6 =	sadd.s32 @!p0 s3, s7;
	s7 =	simm.s32 @!p0 $0x108  }
0x21: {  	s3 =	sadd.s32 s3, s9;
	s6 =	sadd.s32 @!p0 $0x88, s6;
	s7 =	simm.s32 @p2 $0x1082  }
0x22: {  	[simem:s7], [sflag:s8] =	dma.local @!p0 [hbm:s6], $0xF7A  }
0x23: {  	s9 =	sor.u32 $0xD0000000, s2;
	s6 =	simm.s32 $0x108;
	_ =	swait.ge @!p0 [sflag:s8], $0x0  }
0x24: {  	s3 =	sadd.s32 $0x88, s3;
	s6 =	simm.s32 @!p1 $0x1082;
	[sflag:s4] =	ssyncset.s32 $0xFFFFF086  }
0x25: {  	[simem:s6], [sflag:s4] =	dma.local [hbm:s3], $0xF7A  }
0x26: {  	[smem:$0x3F9B] =	sst s1;
	(tag) =	ssettag s2;
	_ =	strace s9  }
0x27: {  	s1 =	sld [smem:$0x3FAB]  }
0x28: {  	s2 =	sld [smem:$0x3FAC]  }
0x29: {  	s4 =	sld [smem:$0x3FAE]  }
0x2a: {  	p0 =	seq.s32 s5, $0x0;
	s5 =	sld [smem:$0x3FAF]  }
0x2b: {  	s6 =	sld [smem:$0x3FB0]  }
0x2c: {  	s7 =	sld [smem:$0x3FB1]  }
0x2d: {  	s3 =	simm.s32 $0x108;
	s8 =	sld [smem:$0x3FB2]  }
0x2e: {  	s3 =	simm.s32 @!p0 $0x1082;
	s9 =	sld [smem:$0x3FB3]  }
0x2f: {  	lr =	sadd.s32 s0, s3;
	s0 =	sld [smem:$0x3FAA]  }
0x30: {  	s3 =	sld [smem:$0x3FAD]  }
0x31: {  	[smem:$0x3FB6] =	sst s10  }
0x32: {  	s10 =	sld [smem:$0x3FB4];
	_ =	sdelay $0x3  }
0x33: {  	p0 =	seq.s32 s10, $0x1;
	s10 =	sld [smem:$0x3FB6];
	_ =	sdelay $0x3  }
0x34: {  	[smem:$0x3FB6] =	sst s10  }
0x35: {  	s10 =	sld [smem:$0x3FB5];
	_ =	sdelay $0x3  }
0x36: {  	p1 =	seq.s32 s10, $0x1;
	s10 =	sld [smem:$0x3FB6];
	_ =	sdelay $0x3  }
0x37: {  	[smem:$0x3FB6] =	sst s10  }
0x38: {  	s10 =	sld [smem:$0x3FB7]  }
0x39: {  	_ = 	snop;
	(pc) =	sbr.ind lr, $3  }
0x3a: {  	_ = 	snop  }
0x3b: {  	_ = 	snop  }
0x3c: {  	p2 =	seq.s32 s10, $0x1;
	s10 =	sld [smem:$0x3FB6]  }
0x3d: {  	_ =	shalt  }
0x3e: {  	_ =	shalt  }
0x3f: {  	_ =	shalt  }
0x40: {  	_ =	shalt  }
0x41: {  	_ =	shalt  }
0x42: {  	_ =	shalt  }
0x43: {  	_ =	shalt  }
0x44: {  	_ =	shalt  }
0x45: {  	_ =	shalt  }
0x46: {  	_ =	shalt  }
0x47: {  	_ =	shalt  }
0x48: {  	_ =	shalt  }
0x49: {  	_ =	shalt  }
0x4a: {  	_ =	shalt  }
0x4b: {  	_ =	shalt  }
0x4c: {  	_ =	shalt  }
0x4d: {  	_ =	shalt  }
0x4e: {  	_ =	shalt  }
0x4f: {  	_ =	shalt  }
0x50: {  	_ =	shalt  }
0x51: {  	_ =	shalt  }
0x52: {  	_ =	shalt  }
0x53: {  	_ =	shalt  }
0x54: {  	_ =	shalt  }
0x55: {  	_ =	shalt  }
0x56: {  	_ =	shalt  }
0x57: {  	_ =	shalt  }
0x58: {  	_ =	shalt  }
0x59: {  	_ =	shalt  }
0x5a: {  	_ =	shalt  }
0x5b: {  	_ =	shalt  }
0x5c: {  	_ =	shalt  }
0x5d: {  	_ =	shalt  }
0x5e: {  	_ =	shalt  }
0x5f: {  	_ =	shalt  }
0x60: {  	_ =	shalt  }
0x61: {  	_ =	shalt  }
0x62: {  	_ =	shalt  }
0x63: {  	_ =	shalt  }
0x64: {  	_ =	shalt  }
0x65: {  	_ =	shalt  }
0x66: {  	_ =	shalt  }
0x67: {  	_ =	shalt  }
0x68: {  	_ =	shalt  }
0x69: {  	_ =	shalt  }
0x6a: {  	_ =	shalt  }
0x6b: {  	_ =	shalt  }
0x6c: {  	_ =	shalt  }
0x6d: {  	_ =	shalt  }
0x6e: {  	_ =	shalt  }
0x6f: {  	_ =	shalt  }
0x70: {  	_ =	shalt  }
0x71: {  	_ =	shalt  }
0x72: {  	_ =	shalt  }
0x73: {  	_ =	shalt  }
0x74: {  	_ =	shalt  }
0x75: {  	_ =	shalt  }
0x76: {  	_ =	shalt  }
0x77: {  	_ =	shalt  }
0x78: {  	_ =	shalt  }
0x79: {  	_ =	shalt  }
0x7a: {  	_ =	shalt  }
0x7b: {  	_ =	shalt  }
0x7c: {  	_ =	shalt  }
0x7d: {  	_ =	shalt  }
0x7e: {  	_ =	shalt  }
0x7f: {  	_ =	shalt  }
0x80: {  	_ =	shalt  }
0x81: {  	_ =	shalt  }
0x82: {  	_ =	shalt  }
0x83: {  	_ =	shalt  }
0x84: {  	_ =	shalt  }
0x85: {  	_ =	shalt  }
0x86: {  	_ =	shalt  }
0x87: {  	_ =	shalt  }
.Lfunc_end0:
.L_simem_size_0:
called_computation.1_lowered:
.L_overlay_start_0:
0x88: {  	s2 =	sld [smem:$0x3FD9]  }
0x89: {  	s3 =	sld [smem:$0x3FFE];
	_ =	sdelay $0x1  }
0x8a: {  	s1 =	srdreg.scid  }
0x8b: {  	s0 =	sand.u32 $0x1, s1  }
0x8c: {  	s17 =	sshll.u32 s0, $0xA;
	s2 =	sadd.s32 s3, s2  }
0x8d: {  	s2 =	sadd.s32 s2, s17  }
0x8e: {  	[smem:$0x3FC2] =	sst s2  }
0x8f: {  	_ = 	snop  }
0x90: {  	s2 =	sld [smem:$0x3FD0];
	(tm) =	ssettm $0x1  }
0x91: {  	s18 =	sld [smem:$0x3FFB];
	_ =	sdelay $0x3  }
0x92: {  	_ =	strace s18  }
0x93: {  	s3 =	sld [smem:$0x3FFC];
	_ =	sdelay $0x3  }
0x94: {  	_ =	strace s3  }
0x95: {  	s3 =	sld [smem:$0x3FFD];
	_ =	sdelay $0x3  }
0x96: {  	_ =	strace s3  }
0x97: {  	_ =	strace $0x8FFFFFFF  }
0x98: {  	s19 =	sld [smem:$0x3FDB];
	_ =	sdelay $0x1  }
0x99: {  	s4 =	simm.s32 $_scs_section_size  }
0x9a: {  	s5 =	simm.s32 $_size__tile_overlayer_lowered;
	s6 =	simm.s32 $_tile_overlayer_lowered  }
0x9b: {  	s22 =	simm.s32 $0x1BFF;
	s21 =	sshll.u32 s6, $0x1;
	s3 =	sadd.s32 s4, s19  }
0x9c: {  	s7 =	simm.s32 $0x0;
	s20 =	sshll.u32 s5, $0x1;
	s5 =	sadd.s32 s21, s3  }
0x9d: {  	[timem:s7], [sflag:s22] =	dma.local [hbm:s5], s20  }
0x9e: {  	_ =	swait.ge [sflag:s22], s20  }
0x9f: {  	s4 =	ssub.s32 $0x0, s20;
	[sflag:s22] =	ssyncset.done $0x0  }
0xa0: {  	[sflag:s22] =	ssyncadd.s32 s4;
	_ =	sdelay $0x1  }
0xa1: {  	s23 =	simm.s32 $0x1B8B  }
0xa2: {  	_ =	swait.ge [sflag:s23], $0x1  }
0xa3: {  	[sflag:s23] =	ssyncset.done $0x0  }
0xa4: {  	s25 =	simm.s32 $0x1B8E;
	s24 =	sld [smem:$0x3FFE];
	[sflag:s23] =	ssyncadd.s32 $0xFFFFFFFF  }
0xa5: {  	s26 =	simm.s32 $execute0_lowered;
	[smem:$0x3FD2] =	sst s25  }
0xa6: {  	s5 =	sshll.u32 s26, $0x1;
	_ =	strace $0x80000049;
	[dreg:$0x1] =	wrdreg $0xFFFFFFFF  }
0xa7: {  	s28 =	simm.s32 $_size_execute0_lowered;
	s3 =	sadd.s32 s3, s5;
	[dreg:$0x0] =	wrdreg $0x0  }
0xa8: {  	s5 =	sshll.u32 s28, $0x1;
	[dreg:$0x2] =	wrdreg s3  }
0xa9: {  	[dreg:$0x3] =	wrdreg s5  }
0xaa: {  	[dreg:$0x4] =	wrdreg $0xC0  }
0xab: {  	_ =	task [dreg:s7], $0x5FFFF  }
0xac: {  	[dreg:$0x1] =	wrdreg $0xFFFFFFFF  }
0xad: {  	[dreg:$0x0] =	wrdreg $0x60  }
0xae: {  	[dreg:$0x2] =	wrdreg s2  }
0xaf: {  	[dreg:$0x3] =	wrdreg s24  }
0xb0: {  	[dreg:$0x4] =	wrdreg $0x144100  }
0xb1: {  	[dreg:$0x5] =	wrdreg $0x9  }
0xb2: {  	_ =	task.clear_ibuf [dreg:s7], $0x6FFFF;
	_ =	strace $0x90000049  }
0xb3: {  	s29 =	simm.s32 $0x9;
	_ =	strace $0x8000004B  }
0xb4: {  	_ =	swait.ge [sflag:s29], $0x1  }
0xb5: {  	[sflag:s29] =	ssyncadd.s32 $0xFFFFFFFF  }
0xb6: {  	_ =	strace $0x9000004B  }
0xb7: {  	_ =	sfence  }
0xb8: {  	s30 =	sld [smem:$0x0];
	_ =	sdelay $0x2  }
0xb9: {  	s31 =	sshll.u32 s1, $0xD;
	s1 =	sshrl.u32 s1, $0x2  }
0xba: {  	s3 =	sand.u32 $0x4000, s31;
	s1 =	sadd.s32 s1, s30  }
0xbb: {  	s0 =	sor.u32 s3, s0;
	s1 =	sshll.u32 s1, $0x11  }
0xbc: {  	s0 =	sor.u32 s1, s0  }
0xbd: {  	s0 =	sadd.s32 $0x8F2B, s0  }
0xbe: {  	[sflag:s0] =	ssyncadd.remote.s32 $0x1  }
0xbf: {  	_ =	sfence.sel $0xFFFF  }
0xc0: {  	[dreg:$0x0] =	wrdreg $0xFFFFFFFF;
	(pc) =	sbr.abs _section_cstart, $3  }
0xc1: {  	[dreg:$0x1] =	wrdreg $0xFFFFFFFF  }
0xc2: {  	_ =	task.clear_ibuf [dreg:s7], $0x2FFFF;
	_ =	strace $0x9FFFFFFF  }
0xc3: {  	(tm) =	ssettm $0x7FFFFFFF  }
tec
execute0_lowered:
.L_overlay_start_1:
0x0: {  	(tag) =	ssettag $0x1  }
0x1: {  	s1 =	rddreg [dreg:$0x0]  }
0x2: {  	s0 =	srdreg.scid;
	s2 =	rddreg [dreg:$0x1]  }
0x3: {  	s10 =	stileid.u32;
	s3 =	rddreg [dreg:$0x2];
	s4 =	simm.s32 $0x0  }
0x4: {  	s25 =	simm.s32 $0x10410;
	s26 =	simm.s32 $0x12410;
	s6 =	smul.u32 $0x5200, s10  }
0x5: {  	s28 =	simm.s32 $0x6;
	s29 =	simm.s32 $0x4;
	s7 =	smul.u32 $0xB000, s10  }
0x6: {  	s0 =	sand.u32 $0x1, s0;
	s8 =	sshll.u32 s10, $0x1;
	s10 =	smul.u32 $0x2C000, s10  }
0x7: {  	s30 =	simm.s32 $0x7;
	[smem:$0x7FF] =	sst s4;
	s5 =	smul.u32 $0x52000, s0  }
0x8: {  	s31 =	simm.s32 $0x5;
	s16 =	smul.u32 $0xB0000, s0;
	_ =	strace $0x8000004A  }
0x9: {  	s8 =	sadd.s32 s8, s2;
	s9 =	ssub.s32 $0x2, s0;
	[dreg:$0x5] =	wrdreg s25  }
0xa: {  	s0 =	sshll.u32 s0, $0x5;
	[dreg:$0x6] =	wrdreg s26;
	s25 =	simm.s32 $0x2  }
0xb: {  	s26 =	simm.s32 $0x3;
	s17 =	sshrl.u32 s9, $0x1;
	s0 =	sadd.s32 s0, s8  }
0xc: {  	s19 =	sshrl.u32 s10, $0x2;
	s8 =	sadd.s32 s7, s3;
	s5 =	sadd.s32 s6, s5  }
0xd: {  	s6 =	sadd.s32 s7, s16;
	s0 =	sadd.s32 $0x3B800, s0;
	s20 =	sadd.s32 s19, s3  }
0xe: {  	s16 =	simm.s32 $0xB;
	s19 =	simm.s32 $0x1;
	s5 =	sshrl.u32 s5, $0x3  }
0xf: {  	s6 =	sshrl.u32 s6, $0x3;
	[dreg:$0x9] =	wrdreg s0;
	s21 =	sadd.s32 $0x4000, s20  }
0x10: {  	s22 =	sadd.s32 $0x6000, s20;
	s23 =	sadd.s32 $0x8000, s20;
	[dreg:$0xb] =	wrdreg s21  }
0x11: {  	s0 =	sadd.s32 $0xA000, s20;
	s5 =	sadd.s32 s5, s2;
	[dreg:$0xc] =	wrdreg s22  }
0x12: {  	s2 =	sadd.s32 s6, s2;
	s6 =	ssub.s32 s9, s17;
	[dreg:$0xd] =	wrdreg s23  }
0x13: {  	[dreg:$0xe] =	wrdreg s0;
	s21 =	simm.s32 $0x40;
	s22 =	simm.s32 $0xC410  }
0x14: {  	s0 =	simm.s32 $0x9;
	s17 =	simm.s32 $0xA;
	s18 =	sadd.s32 $0x12800, s5  }
0x15: {  	s5 =	sadd.s32 $0x27000, s5;
	s24 =	sadd.s32 $0x3BA00, s2;
	[dreg:$0x7] =	wrdreg s18  }
0x16: {  	s15 =	smax.u32 s6, $0x1;
	s2 =	simm.s32 $0x8;
	[dreg:$0x8] =	wrdreg s5  }
0x17: {  	s5 =	sadd.s32 $0x2000, s20;
	[dreg:$0xf] =	wrdreg s24;
	s20 =	simm.s32 $0xA410  }
0x18: {  	v0 =	vimm.f32 $0.0e+00;
	s24 =	simm.s32 $0xE410;
	s18 =	simm.s32 $0x0;
	[dreg:$0xa] =	wrdreg s5  }
.LBB2_1:
0x19: {  	s5 =	rddreg [dreg:$0x7]  }
0x1a: {  	[tilespmem:s4], [sflag:$0xB] =	stream.linear.gather [hbm4b:s5+s4], $0x5200, $0x38;
	[tilespmem:$0x1F410] =	vst v63  }
0x1b: {  	_ =	swait.ge [sflag:s16], $0x5200  }
0x1c: {  	[sflag:s16] =	ssyncset.done $0x0  }
0x1d: {  	s6 =	simm.s32 $0x5200;
	s13 =	rddreg [dreg:$0x8];
	[sflag:s16] =	ssyncadd.s32 $0xFFFFAE00  }
0x1e: {  	[tilespmem:s6], [sflag:$0xB] =	stream.linear.gather [hbm4b:s13+s4], $0x5200, $0x38;
	[tilespmem:$0x1F410] =	vst v63  }
0x1f: {  	_ =	swait.ge [sflag:s16], $0x5200  }
0x20: {  	[sflag:s16] =	ssyncset.done $0x0  }
0x21: {  	s23 =	simm.s32 $0xA400;
	s14 =	rddreg [dreg:$0x9];
	[sflag:s16] =	ssyncadd.s32 $0xFFFFAE00  }
0x22: {  	[tilespmem:s23], [sflag:$0xB] =	stream.linear.gather [hbm4b:s14+s4], $0x10, $0x38;
	[tilespmem:$0x1F410] =	vst v63  }
0x23: {  	_ =	swait.ge [sflag:s16], $0x10  }
0x24: {  	[sflag:s16] =	ssyncset.done $0x0  }
0x25: {  	[sflag:s16] =	ssyncadd.s32 $0xFFFFFFF0  }
0x26: {  	s5 =	simm.s32 $0x0;
	s6 =	simm.s32 $0x200;
	v1 =	vld [tilespmem:$0xA400]  }
.LBB2_2:
0x27: {  	p0 =	sne.s32 s6, $0x7E00;
	[tilespmem:s5+$0xA480] =	vst v0  }
0x28: {  	[tilespmem:s5+$0xA410] =	vst v0  }
0x29: {  	[tilespmem:s5+$0xA420] =	vst v0  }
.Ltmp0:
0x2a: {  	[tilespmem:s5+$0xA430] =	vst v0;
	(pc) =	sbr.rel @p0 .LBB2_2-.Ltmp0, $4  }
0x2b: {  	[tilespmem:s5+$0xA440] =	vst v0  }
0x2c: {  	[tilespmem:s5+$0xA450] =	vst v0  }
0x2d: {  	[tilespmem:s5+$0xA460] =	vst v0  }
0x2e: {  	[tilespmem:s5+$0xA470] =	vst v0;
	s5 =	sshra.s32 s6, $0x2;
	s6 =	sadd.s32 $0x200, s6  }
0x2f: {  	(v2sf) =	vpush v1, $0x0;
	_ =	sdelay $0x5  }
0x30: {  	[tilespmem:s5+$0xA480] =	vst v0  }
0x31: {  	[tilespmem:s5+$0xA410] =	vst v0  }
0x32: {  	[tilespmem:s5+$0xA420] =	vst v0  }
0x33: {  	[tilespmem:s5+$0xA430] =	vst v0  }
0x34: {  	[tilespmem:s5+$0xA440] =	vst v0  }
0x35: {  	[tilespmem:s5+$0xA450] =	vst v0  }
0x36: {  	[tilespmem:s5+$0xA460] =	vst v0  }
0x37: {  	[tilespmem:s5+$0xA470] =	vst v0  }
0x38: {  	[spmem:s8] =	stream.linear.scatter [tilespmem:s20], [sflag:$0xB], $0x2000, $0x38;
	[tilespmem:$0x1F410] =	vst v63  }
0x39: {  	s6 =	spop (v2sf)  }
0x3a: {  	s6 =	sadd.s32 $0x3F, s6;
	_ =	swait.ge [sflag:s16], $0x2000  }
0x3b: {  	s7 =	sshra.s32 s6, $0x1F;
	s9 =	sand.u32 $0x3F, s6;
	p0 =	slt.s32 s6, $0x1  }
0x3c: {  	[sflag:s16] =	ssyncset.done $0x0;
	s11 =	rddreg [dreg:$0xa];
	p1 =	sne.s32 s9, $0x0  }
0x3d: {  	s7 =	sshrl.u32 s7, $0x1A;
	[sflag:s16] =	ssyncadd.s32 $0xFFFFE000;
	p0 =	por !p0, !p1  }
0x3e: {  	[spmem:s11] =	stream.linear.scatter [tilespmem:s20], [sflag:$0xB], $0x2000, $0x38;
	[tilespmem:$0x1F410] =	vst v63  }
0x3f: {  	s10 =	sadd.s32 s7, s6;
	s6 =	simm.s32 $0x1;
	p0 =	por !p0, !p0  }
0x40: {  	s5 =	sshra.s32 s10, $0x6;
	_ =	swait.ge [sflag:s16], $0x2000;
	s6 =	simm.s32 @!p0 $0x0  }
0x41: {  	[sflag:s16] =	ssyncset.done $0x0;
	s5 =	ssub.s32 s5, s6  }
0x42: {  	s14 =	rddreg [dreg:$0xb];
	[sflag:s16] =	ssyncadd.s32 $0xFFFFE000;
	s12 =	sadd.s32 $0x4, s5  }
0x43: {  	[spmem:s14] =	stream.linear.scatter [tilespmem:s20], [sflag:$0xB], $0x2000, $0x38;
	[tilespmem:$0x1F410] =	vst v63  }
0x44: {  	s13 =	smulhi.u32 $0x66666667, s12;
	s6 =	sshra.s32 s12, $0x1F  }
0x45: {  	_ =	swait.ge [sflag:s16], $0x2000;
	s6 =	smul.u32 $0x66666667, s6  }
0x46: {  	[sflag:s16] =	ssyncset.done $0x0  }
0x47: {  	s23 =	rddreg [dreg:$0xc];
	[sflag:s16] =	ssyncadd.s32 $0xFFFFE000;
	s6 =	sadd.s32 s6, s13  }
0x48: {  	[spmem:s23] =	stream.linear.scatter [tilespmem:s20], [sflag:$0xB], $0x2000, $0x38;
	[tilespmem:$0x1F410] =	vst v63  }
0x49: {  	s7 =	sshrl.u32 s6, $0x1F;
	s6 =	sshra.s32 s6, $0x1;
	_ =	swait.ge [sflag:s16], $0x2000  }
0x4a: {  	s10 =	ssub.s32 $0xFFFFFFFC, s5;
	s6 =	sadd.s32 s7, s6;
	[sflag:s16] =	ssyncset.done $0x0  }
0x4b: {  	s11 =	rddreg [dreg:$0xd];
	s9 =	smul.u32 $0xFFFFFFFB, s6;
	[sflag:s16] =	ssyncadd.s32 $0xFFFFE000  }
0x4c: {  	[spmem:s11] =	stream.linear.scatter [tilespmem:s20], [sflag:$0xB], $0x2000, $0x38;
	[tilespmem:$0x1F410] =	vst v63  }
0x4d: {  	p5 =	slt.s32 s5, $0xFFFFFFFD;
	p6 =	sne.s32 s9, s10  }
0x4e: {  	_ =	swait.ge [sflag:s16], $0x2000;
	p0 =	por !p5, !p6  }
0x4f: {  	s5 =	simm.s32 $0x1;
	[sflag:s16] =	ssyncset.done $0x0;
	p0 =	por !p0, !p0  }
0x50: {  	s12 =	rddreg [dreg:$0xe];
	[sflag:s16] =	ssyncadd.s32 $0xFFFFE000;
	s5 =	simm.s32 @!p0 $0x0  }
0x51: {  	[spmem:s12] =	stream.linear.scatter [tilespmem:s20], [sflag:$0xB], $0x1000, $0x38;
	[tilespmem:$0x1F410] =	vst v63  }
0x52: {  	s5 =	ssub.s32 s6, s5;
	_ =	swait.ge [sflag:s16], $0x1000  }
0x53: {  	s5 =	smul.u32 $0x5, s5;
	[sflag:s16] =	ssyncset.done $0x0  }
0x54: {  	s7 =	simm.s32 $0x0;
	[sflag:s16] =	ssyncadd.s32 $0xFFFFF000  }
0x55: {  	p0 =	sgt.s32 s5, $0x5;
	[bflag:$0x0] =	sbarrier.arrive $0xFFFF;
	s23 =	smov.u32 s5  }
0x56: {  	[tilespmem:s20], [sflag:$0x1] =	stream.indirect.gather [hbm4b:s1+s21], $0x80, s7, s21, $0xb8;
	[tilespmem:$0x1F410] =	vst v63  }
0x57: {  	s23 =	simm.s32 @!p0 $0x5  }
0x58: {  	s13 =	smulhi.u32 $0x66666667, s23  }
0x59: {  	[tilespmem:s22], [sflag:$0x2] =	stream.indirect.gather [hbm4b:s1+s21], $0x80, s21, s21, $0xb8;
	[tilespmem:$0x1F410] =	vst v63  }
0x5a: {  	s6 =	sshrl.u32 s13, $0x1  }
0x5b: {  	s14 =	simm.s32 $0x80;
	s6 =	smul.u32 $0x5, s6  }
0x5c: {  	[tilespmem:s24], [sflag:$0x3] =	stream.indirect.gather [hbm4b:s1+s21], $0x80, s14, s21, $0xb8;
	[tilespmem:$0x1F410] =	vst v63  }
0x5d: {  	[dreg:$0x4] =	wrdreg s6;
	s6 =	simm.s32 $0x0  }
.LBB2_4:
0x5e: {  	_ =	swait.ge [sflag:s19], $0x2000  }
0x5f: {  	p0 =	seq.s32 s7, $0x0;
	[sflag:s19] =	ssyncset.done $0x0  }
0x60: {  	s9 =	simm.s32 @!p0 $0x9;
	[sflag:s19] =	ssyncadd.s32 $0xFFFFE000  }
0x61: {  	s10 =	sadd.s32 $0x3, s7;
	_ =	swait.ge @!p0 [sflag:s9], $0x2000  }
0x62: {  	p1 =	sge.u32 s10, s23;
	[sflag:s9] =	ssyncset.done @!p0 $0x0  }
0x63: {  	[sflag:s9] =	ssyncadd.s32 @!p0 $0xFFFFE000;
	s9 =	sshra.s32 @!p1 s6, $0x2  }
0x64: {  	s10 =	simm.s32 @!p1 $0x40;
	s11 =	simm.s32 @!p1 $0x10410;
	s9 =	sadd.s32 @!p1 $0xC0, s9  }
0x65: {  	[tilespmem:s11], [sflag:$0x4] =	stream.indirect.gather @!p1 [hbm4b:s1+s10], $0x80, s9, s10, $0xb8;
	[tilespmem:$0x1F410] =	vst v63  }
0x66: {  	s9 =	sshra.s32 s6, $0x2  }
0x67: {  	s11 =	sadd.s32 $0x5200, s9  }
0x68: {  	[spmem:s3] =	stream.indirect.scatter.add.f32 [tilespmem:s20], [sflag:$0x6], $0x80, s11, s21, $0xb8;
	[tilespmem:$0x1F410] =	vst v63  }
0x69: {  	_ =	swait.ge [sflag:s25], $0x2000  }
0x6a: {  	[sflag:s25] =	ssyncset.done $0x0  }
0x6b: {  	s10 =	simm.s32 @!p0 $0xA;
	[sflag:s25] =	ssyncadd.s32 $0xFFFFE000  }
0x6c: {  	s12 =	sadd.s32 $0x4, s7;
	_ =	swait.ge @!p0 [sflag:s10], $0x2000  }
0x6d: {  	p1 =	sge.u32 s12, s23;
	[sflag:s10] =	ssyncset.done @!p0 $0x0  }
0x6e: {  	[sflag:s10] =	ssyncadd.s32 @!p0 $0xFFFFE000;
	s10 =	sshra.s32 @!p1 s6, $0x2  }
0x6f: {  	s12 =	simm.s32 @!p1 $0x12410;
	s11 =	simm.s32 @!p1 $0x40;
	s10 =	sadd.s32 @!p1 $0x100, s10  }
0x70: {  	[tilespmem:s12], [sflag:$0x5] =	stream.indirect.gather @!p1 [hbm4b:s1+s11], $0x80, s10, s11, $0xb8;
	[tilespmem:$0x1F410] =	vst v63  }
0x71: {  	s13 =	sadd.s32 $0x5240, s9  }
0x72: {  	[spmem:s3] =	stream.indirect.scatter.add.f32 [tilespmem:s22], [sflag:$0x7], $0x80, s13, s21, $0xb8;
	[tilespmem:$0x1F410] =	vst v63  }
0x73: {  	_ =	swait.ge [sflag:s26], $0x2000  }
0x74: {  	[sflag:s26] =	ssyncset.done $0x0  }
0x75: {  	s10 =	sadd.s32 $0x5, s7;
	[sflag:s26] =	ssyncadd.s32 $0xFFFFE000  }
0x76: {  	p0 =	sle.s32 s5, s10;
	_ =	swait.ge [sflag:s28], $0x2000  }
0x77: {  	s11 =	sshra.s32 @!p0 s6, $0x2;
	s12 =	simm.s32 @!p0 $0x40;
	[sflag:s28] =	ssyncset.done $0x0  }
0x78: {  	s13 =	simm.s32 @!p0 $0xA410;
	s11 =	sadd.s32 @!p0 $0x140, s11;
	[sflag:s28] =	ssyncadd.s32 $0xFFFFE000  }
0x79: {  	[tilespmem:s13], [sflag:$0x1] =	stream.indirect.gather @!p0 [hbm4b:s1+s12], $0x80, s11, s12, $0xb8;
	[tilespmem:$0x1F410] =	vst v63  }
0x7a: {  	s14 =	sadd.s32 $0x5280, s9  }
0x7b: {  	[spmem:s3] =	stream.indirect.scatter.add.f32 [tilespmem:s24], [sflag:$0x8], $0x80, s14, s21, $0xb8;
	[tilespmem:$0x1F410] =	vst v63  }
0x7c: {  	_ =	swait.ge [sflag:s29], $0x2000  }
0x7d: {  	[sflag:s29] =	ssyncset.done $0x0  }
0x7e: {  	s12 =	sadd.s32 $0x6, s7;
	[sflag:s29] =	ssyncadd.s32 $0xFFFFE000  }
0x7f: {  	p0 =	sge.u32 s12, s23;
	_ =	swait.ge [sflag:s30], $0x2000  }
0x80: {  	s11 =	sshra.s32 @!p0 s6, $0x2;
	s12 =	simm.s32 @!p0 $0x40;
	[sflag:s30] =	ssyncset.done $0x0  }
0x81: {  	s13 =	simm.s32 @!p0 $0xC410;
	s11 =	sadd.s32 @!p0 $0x180, s11;
	[sflag:s30] =	ssyncadd.s32 $0xFFFFE000  }
0x82: {  	[tilespmem:s13], [sflag:$0x2] =	stream.indirect.gather @!p0 [hbm4b:s1+s12], $0x80, s11, s12, $0xb8;
	[tilespmem:$0x1F410] =	vst v63  }
0x83: {  	s14 =	rddreg [dreg:$0x5];
	s13 =	sadd.s32 $0x52C0, s9  }
0x84: {  	[spmem:s3] =	stream.indirect.scatter.add.f32 [tilespmem:s14], [sflag:$0x9], $0x80, s13, s21, $0xb8;
	[tilespmem:$0x1F410] =	vst v63  }
0x85: {  	_ =	swait.ge [sflag:s31], $0x2000  }
0x86: {  	s12 =	sadd.s32 $0x7, s7;
	[sflag:s31] =	ssyncset.done $0x0  }
0x87: {  	p0 =	sge.u32 s12, s23;
	[sflag:s31] =	ssyncadd.s32 $0xFFFFE000  }
0x88: {  	s7 =	sshra.s32 @!p0 s6, $0x2;
	_ =	swait.ge [sflag:s2], $0x2000  }
0x89: {  	s11 =	simm.s32 @!p0 $0x40;
	s12 =	simm.s32 @!p0 $0xE410;
	[sflag:s2] =	ssyncset.done $0x0  }
0x8a: {  	s7 =	sadd.s32 @!p0 $0x1C0, s7;
	s14 =	rddreg [dreg:$0x4];
	[sflag:s2] =	ssyncadd.s32 $0xFFFFE000  }
0x8b: {  	[tilespmem:s12], [sflag:$0x3] =	stream.indirect.gather @!p0 [hbm4b:s1+s11], $0x80, s7, s11, $0xb8;
	[tilespmem:$0x1F410] =	vst v63  }
0x8c: {  	p0 =	sne.s32 s14, s10  }
.Ltmp1:
0x8d: {  	_ = 	snop;
	(pc) =	sbr.rel @p0 .LBB2_4-.Ltmp1, $4  }
0x8e: {  	_ = 	snop  }
0x8f: {  	s9 =	sadd.s32 $0x5300, s9  }
0x90: {  	s6 =	sadd.s32 $0x500, s6;
	s13 =	rddreg [dreg:$0x6];
	s7 =	smov.u32 s10  }
0x91: {  	[spmem:s3] =	stream.indirect.scatter.add.f32 [tilespmem:s13], [sflag:$0xA], $0x80, s9, s21, $0xb8;
	[tilespmem:$0x1F410] =	vst v63  }
0x92: {  	_ =	swait.ge [sflag:s0], $0x2000  }
0x93: {  	[sflag:s0] =	ssyncset.done $0x0  }
0x94: {  	[sflag:s0] =	ssyncadd.s32 $0xFFFFE000  }
0x95: {  	_ =	swait.ge [sflag:s17], $0x2000  }
0x96: {  	s5 =	stileid.u32;
	[sflag:s17] =	ssyncset.done $0x0  }
0x97: {  	s6 =	sshrl.u32 s8, $0x3;
	s18 =	sadd.s32 $0x1, s18;
	[sflag:s17] =	ssyncadd.s32 $0xFFFFE000  }
0x98: {  	s5 =	sshll.u32 s5, $0x6;
	p0 =	sne.s32 s18, s15;
	[bflag:$0x0] =	sbarrier.arrive $0xFFFF  }
.Ltmp2:
0x99: {  	s5 =	sor.u32 $0x1C0B, s5;
	s7 =	rddreg [dreg:$0xf];
	(pc) =	sbr.rel @p0 .LBB2_1-.Ltmp2, $4  }
0x9a: {  	[hbm:s7], [sflag:s5] =	dma.local [spmem:s6], $0x1600  }
0x9b: {  	_ =	swait.ge [sflag:s16], $0x1600  }
0x9c: {  	[sflag:s16] =	ssyncset.done $0x0  }
0x9d: {  	[sflag:s16] =	ssyncadd.s32 $0xFFFFEA00  }
0x9e: {  	_ =	sfence.sel $0x180000  }
0x9f: {  	[bflag:$0x0] =	sbarrier.arrive $0xFFFF  }
0xa0: {  	_ =	strace $0x9000004A  }
0xa1: {  	s0 =	stileid.u32;
	[bflag:$0x2] =	sbarrier.arrive $0xFFFF  }
0xa2: {  	p0 =	sne.s32 s0, $0x0;
	s0 =	rddreg [dreg:$0x3]  }
0xa3: {  	s0 =	sadd.s32 @!p0 $0x100000, s0  }
0xa4: {  	[sflag:s0] =	ssyncadd.tile.s32 @!p0 $0x1;
	_ =	shalt  }
.Lfunc_end2:
_tile_overlayer_lowered:
.L_overlay_start_2:
0xa5: {  	(tag) =	ssettag $0x2  }
0xa6: {  	s0 =	rddreg [dreg:$0x0];
	s2 =	stileid.u32  }
0xa7: {  	s1 =	rddreg [dreg:$0x1];
	p0 =	sne.s32 s2, $0x0  }
0xa8: {  	s3 =	rddreg [dreg:$0x2];
	[bflag:$0x3] =	sbarrier.arrive $0xFFFF;
	s2 =	simm.s32 @!p0 $0x1C0B  }
0xa9: {  	[timem:s3], [sflag:s2] =	dma.local @!p0 [hbm:s0], s1  }
0xaa: {  	s0 =	simm.s32 @!p0 $0xB  }
0xab: {  	_ =	swait.ge @!p0 [sflag:s0], s1  }
0xac: {  	s1 =	ssub.s32 @!p0 $0x0, s1;
	[sflag:s0] =	ssyncset.done @!p0 $0x0  }
0xad: {  	[sflag:s0] =	ssyncadd.s32 @!p0 s1  }
0xae: {  	[bflag:$0x3] =	sbarrier.arrive $0xFFFF  }
0xaf: {  	_ =	shalt  }

// kernel: kernel.14.cloned.1.call-start
scs
__scs_entry_jumppad:
0x0: {  	(pc) =	sbr.rel $0x88, $3  }
0x1: {  	(tag) =	ssettag $0x0;
	lr =	simm.s32 $0x1  }
0x2: {  	[smem:$0x3F9B] =	sst lr;
	_ =	strace $0xD0000000  }
0x3: {  	_ = 	snop  }
0x4: {  	_ = 	snop  }
0x5: {  	_ = 	snop  }
0x6: {  	_ = 	snop  }
0x7: {  	_ = 	snop  }
__scs_overlays_trampoline_lowered:
0x8: {  	[smem:$0x3FAA] =	sst s0  }
0x9: {  	[smem:$0x3FAB] =	sst s1  }
0xa: {  	[smem:$0x3FAC] =	sst s2  }
0xb: {  	[smem:$0x3FAD] =	sst s3  }
0xc: {  	[smem:$0x3FAE] =	sst s4  }
0xd: {  	[smem:$0x3FAF] =	sst s5  }
0xe: {  	[smem:$0x3FB0] =	sst s6  }
0xf: {  	[smem:$0x3FB1] =	sst s7  }
0x10: {  	[smem:$0x3FB2] =	sst s8  }
0x11: {  	[smem:$0x3FB3] =	sst s9;
	s0 =	simm.s32 @!p0 $0x0  }
0x12: {  	s1 =	sld [smem:$0x3F99];
	s0 =	simm.s32 @p0 $0x1  }
0x13: {  	[smem:$0x3FB4] =	sst s0;
	s0 =	simm.s32 @!p1 $0x0  }
0x14: {  	s2 =	sld [smem:$0x3F98];
	s0 =	simm.s32 @p1 $0x1  }
0x15: {  	[smem:$0x3FB5] =	sst s0;
	s0 =	simm.s32 @!p2 $0x0  }
0x16: {  	s3 =	sld [smem:$0x3FDB];
	s0 =	simm.s32 @p2 $0x1  }
0x17: {  	s4 =	simm.s32 $0x1BF5;
	[smem:$0x3FB7] =	sst s0  }
0x18: {  	s0 =	sld [smem:$0x3F9A];
	_ =	swait.ge [sflag:s4], $0x0  }
0x19: {  	s7 =	sld [smem:$0x3F9B]  }
0x1a: {  	s8 =	sadd.s32 $0xFFFFE003, lr  }
0x1b: {  	s9 =	sadd.s32 $0xFFFFFEF7, lr;
	s5 =	simm.s32 $0xFFFFFFFF;
	p2 =	slt.u32 s8, $0xFFFFF086  }
0x1c: {  	p1 =	slt.u32 s9, $0xF7A;
	s5 =	simm.s32 @!p2 $0x0  }
0x1d: {  	s5 =	simm.s32 @p1 $0x1;
	p0 =	seq.s32 s7, s2  }
0x1e: {  	s7 =	smul.u32 @!p0 $0xF7A, s2;
	p2 =	seq.s32 @!p0 s5, $0x0  }
0x1f: {  	s9 =	smul.u32 $0xF7A, s1;
	s8 =	simm.s32 @!p0 $0x1BF5;
	p2 =	por !p2, p0  }
0x20: {  	[sflag:s8] =	ssyncset.s32 @!p0 $0xFFFFF086;
	s6 =	sadd.s32 @!p0 s3, s7;
	s7 =	simm.s32 @!p0 $0x108  }
0x21: {  	s3 =	sadd.s32 s3, s9;
	s6 =	sadd.s32 @!p0 $0x88, s6;
	s7 =	simm.s32 @p2 $0x1082  }
0x22: {  	[simem:s7], [sflag:s8] =	dma.local @!p0 [hbm:s6], $0xF7A  }
0x23: {  	s9 =	sor.u32 $0xD0000000, s2;
	s6 =	simm.s32 $0x108;
	_ =	swait.ge @!p0 [sflag:s8], $0x0  }
0x24: {  	s3 =	sadd.s32 $0x88, s3;
	s6 =	simm.s32 @!p1 $0x1082;
	[sflag:s4] =	ssyncset.s32 $0xFFFFF086  }
0x25: {  	[simem:s6], [sflag:s4] =	dma.local [hbm:s3], $0xF7A  }
0x26: {  	[smem:$0x3F9B] =	sst s1;
	(tag) =	ssettag s2;
	_ =	strace s9  }
0x27: {  	s1 =	sld [smem:$0x3FAB]  }
0x28: {  	s2 =	sld [smem:$0x3FAC]  }
0x29: {  	s4 =	sld [smem:$0x3FAE]  }
0x2a: {  	p0 =	seq.s32 s5, $0x0;
	s5 =	sld [smem:$0x3FAF]  }
0x2b: {  	s6 =	sld [smem:$0x3FB0]  }
0x2c: {  	s7 =	sld [smem:$0x3FB1]  }
0x2d: {  	s3 =	simm.s32 $0x108;
	s8 =	sld [smem:$0x3FB2]  }
0x2e: {  	s3 =	simm.s32 @!p0 $0x1082;
	s9 =	sld [smem:$0x3FB3]  }
0x2f: {  	lr =	sadd.s32 s0, s3;
	s0 =	sld [smem:$0x3FAA]  }
0x30: {  	s3 =	sld [smem:$0x3FAD]  }
0x31: {  	[smem:$0x3FB6] =	sst s10  }
0x32: {  	s10 =	sld [smem:$0x3FB4];
	_ =	sdelay $0x3  }
0x33: {  	p0 =	seq.s32 s10, $0x1;
	s10 =	sld [smem:$0x3FB6];
	_ =	sdelay $0x3  }
0x34: {  	[smem:$0x3FB6] =	sst s10  }
0x35: {  	s10 =	sld [smem:$0x3FB5];
	_ =	sdelay $0x3  }
0x36: {  	p1 =	seq.s32 s10, $0x1;
	s10 =	sld [smem:$0x3FB6];
	_ =	sdelay $0x3  }
0x37: {  	[smem:$0x3FB6] =	sst s10  }
0x38: {  	s10 =	sld [smem:$0x3FB7]  }
0x39: {  	_ = 	snop;
	(pc) =	sbr.ind lr, $3  }
0x3a: {  	_ = 	snop  }
0x3b: {  	_ = 	snop  }
0x3c: {  	p2 =	seq.s32 s10, $0x1;
	s10 =	sld [smem:$0x3FB6]  }
0x3d: {  	_ =	shalt  }
0x3e: {  	_ =	shalt  }
0x3f: {  	_ =	shalt  }
0x40: {  	_ =	shalt  }
0x41: {  	_ =	shalt  }
0x42: {  	_ =	shalt  }
0x43: {  	_ =	shalt  }
0x44: {  	_ =	shalt  }
0x45: {  	_ =	shalt  }
0x46: {  	_ =	shalt  }
0x47: {  	_ =	shalt  }
0x48: {  	_ =	shalt  }
0x49: {  	_ =	shalt  }
0x4a: {  	_ =	shalt  }
0x4b: {  	_ =	shalt  }
0x4c: {  	_ =	shalt  }
0x4d: {  	_ =	shalt  }
0x4e: {  	_ =	shalt  }
0x4f: {  	_ =	shalt  }
0x50: {  	_ =	shalt  }
0x51: {  	_ =	shalt  }
0x52: {  	_ =	shalt  }
0x53: {  	_ =	shalt  }
0x54: {  	_ =	shalt  }
0x55: {  	_ =	shalt  }
0x56: {  	_ =	shalt  }
0x57: {  	_ =	shalt  }
0x58: {  	_ =	shalt  }
0x59: {  	_ =	shalt  }
0x5a: {  	_ =	shalt  }
0x5b: {  	_ =	shalt  }
0x5c: {  	_ =	shalt  }
0x5d: {  	_ =	shalt  }
0x5e: {  	_ =	shalt  }
0x5f: {  	_ =	shalt  }
0x60: {  	_ =	shalt  }
0x61: {  	_ =	shalt  }
0x62: {  	_ =	shalt  }
0x63: {  	_ =	shalt  }
0x64: {  	_ =	shalt  }
0x65: {  	_ =	shalt  }
0x66: {  	_ =	shalt  }
0x67: {  	_ =	shalt  }
0x68: {  	_ =	shalt  }
0x69: {  	_ =	shalt  }
0x6a: {  	_ =	shalt  }
0x6b: {  	_ =	shalt  }
0x6c: {  	_ =	shalt  }
0x6d: {  	_ =	shalt  }
0x6e: {  	_ =	shalt  }
0x6f: {  	_ =	shalt  }
0x70: {  	_ =	shalt  }
0x71: {  	_ =	shalt  }
0x72: {  	_ =	shalt  }
0x73: {  	_ =	shalt  }
0x74: {  	_ =	shalt  }
0x75: {  	_ =	shalt  }
0x76: {  	_ =	shalt  }
0x77: {  	_ =	shalt  }
0x78: {  	_ =	shalt  }
0x79: {  	_ =	shalt  }
0x7a: {  	_ =	shalt  }
0x7b: {  	_ =	shalt  }
0x7c: {  	_ =	shalt  }
0x7d: {  	_ =	shalt  }
0x7e: {  	_ =	shalt  }
0x7f: {  	_ =	shalt  }
0x80: {  	_ =	shalt  }
0x81: {  	_ =	shalt  }
0x82: {  	_ =	shalt  }
0x83: {  	_ =	shalt  }
0x84: {  	_ =	shalt  }
0x85: {  	_ =	shalt  }
0x86: {  	_ =	shalt  }
0x87: {  	_ =	shalt  }
.Lfunc_end0:
.L_simem_size_0:
called_computation.2_lowered:
.L_overlay_start_0:
0x88: {  	s2 =	sld [smem:$0x3FD9]  }
0x89: {  	s3 =	sld [smem:$0x3FFE];
	_ =	sdelay $0x1  }
0x8a: {  	s1 =	srdreg.scid  }
0x8b: {  	s0 =	sand.u32 $0x1, s1  }
0x8c: {  	s17 =	sshll.u32 s0, $0xA;
	s2 =	sadd.s32 s3, s2  }
0x8d: {  	s2 =	sadd.s32 s2, s17  }
0x8e: {  	[smem:$0x3FC2] =	sst s2  }
0x8f: {  	_ = 	snop  }
0x90: {  	s2 =	sld [smem:$0x3FD0];
	(tm) =	ssettm $0x1  }
0x91: {  	s18 =	sld [smem:$0x3FFB];
	_ =	sdelay $0x3  }
0x92: {  	_ =	strace s18  }
0x93: {  	s3 =	sld [smem:$0x3FFC];
	_ =	sdelay $0x3  }
0x94: {  	_ =	strace s3  }
0x95: {  	s3 =	sld [smem:$0x3FFD];
	_ =	sdelay $0x3  }
0x96: {  	_ =	strace s3  }
0x97: {  	_ =	strace $0x8FFFFFFF  }
0x98: {  	s19 =	sld [smem:$0x3FDB];
	_ =	sdelay $0x1  }
0x99: {  	s4 =	simm.s32 $_scs_section_size  }
0x9a: {  	s5 =	simm.s32 $_size__tile_overlayer_lowered;
	s6 =	simm.s32 $_tile_overlayer_lowered  }
0x9b: {  	s22 =	simm.s32 $0x1BFF;
	s21 =	sshll.u32 s6, $0x1;
	s3 =	sadd.s32 s4, s19  }
0x9c: {  	s7 =	simm.s32 $0x0;
	s20 =	sshll.u32 s5, $0x1;
	s5 =	sadd.s32 s21, s3  }
0x9d: {  	[timem:s7], [sflag:s22] =	dma.local [hbm:s5], s20  }
0x9e: {  	_ =	swait.ge [sflag:s22], s20  }
0x9f: {  	s4 =	ssub.s32 $0x0, s20;
	[sflag:s22] =	ssyncset.done $0x0  }
0xa0: {  	[sflag:s22] =	ssyncadd.s32 s4;
	_ =	sdelay $0x1  }
0xa1: {  	s23 =	simm.s32 $0x1B8B  }
0xa2: {  	_ =	swait.ge [sflag:s23], $0x1  }
0xa3: {  	[sflag:s23] =	ssyncset.done $0x0  }
0xa4: {  	s25 =	simm.s32 $0x1B8E;
	s24 =	sld [smem:$0x3FFE];
	[sflag:s23] =	ssyncadd.s32 $0xFFFFFFFF  }
0xa5: {  	s26 =	simm.s32 $execute0_lowered;
	[smem:$0x3FD2] =	sst s25  }
0xa6: {  	s5 =	sshll.u32 s26, $0x1;
	_ =	strace $0x8000004C;
	[dreg:$0x1] =	wrdreg $0xFFFFFFFF  }
0xa7: {  	s28 =	simm.s32 $_size_execute0_lowered;
	s3 =	sadd.s32 s3, s5;
	[dreg:$0x0] =	wrdreg $0x0  }
0xa8: {  	s5 =	sshll.u32 s28, $0x1;
	[dreg:$0x2] =	wrdreg s3  }
0xa9: {  	[dreg:$0x3] =	wrdreg s5  }
0xaa: {  	[dreg:$0x4] =	wrdreg $0xC0  }
0xab: {  	_ =	task [dreg:s7], $0x5FFFF  }
0xac: {  	[dreg:$0x1] =	wrdreg $0xFFFFFFFF  }
0xad: {  	[dreg:$0x0] =	wrdreg $0x60  }
0xae: {  	[dreg:$0x2] =	wrdreg s2  }
0xaf: {  	[dreg:$0x3] =	wrdreg s24  }
0xb0: {  	[dreg:$0x4] =	wrdreg $0x144100  }
0xb1: {  	[dreg:$0x5] =	wrdreg $0x9  }
0xb2: {  	_ =	task.clear_ibuf [dreg:s7], $0x6FFFF;
	_ =	strace $0x9000004C  }
0xb3: {  	s29 =	simm.s32 $0x9;
	_ =	strace $0x8000004E  }
0xb4: {  	_ =	swait.ge [sflag:s29], $0x1  }
0xb5: {  	[sflag:s29] =	ssyncadd.s32 $0xFFFFFFFF  }
0xb6: {  	_ =	strace $0x9000004E  }
0xb7: {  	_ =	sfence  }
0xb8: {  	s30 =	sld [smem:$0x0];
	_ =	sdelay $0x2  }
0xb9: {  	s31 =	sshll.u32 s1, $0xD;
	s1 =	sshrl.u32 s1, $0x2  }
0xba: {  	s3 =	sand.u32 $0x4000, s31;
	s1 =	sadd.s32 s1, s30  }
0xbb: {  	s0 =	sor.u32 s3, s0;
	s1 =	sshll.u32 s1, $0x11  }
0xbc: {  	s0 =	sor.u32 s1, s0  }
0xbd: {  	s0 =	sadd.s32 $0x8F2B, s0  }
0xbe: {  	[sflag:s0] =	ssyncadd.remote.s32 $0x1  }
0xbf: {  	_ =	sfence.sel $0xFFFF  }
0xc0: {  	[dreg:$0x0] =	wrdreg $0xFFFFFFFF;
	(pc) =	sbr.abs _section_cstart, $3  }
0xc1: {  	[dreg:$0x1] =	wrdreg $0xFFFFFFFF  }
0xc2: {  	_ =	task.clear_ibuf [dreg:s7], $0x2FFFF;
	_ =	strace $0x9FFFFFFF  }
0xc3: {  	(tm) =	ssettm $0x7FFFFFFF  }
tec
execute0_lowered:
.L_overlay_start_1:
0x0: {  	(tag) =	ssettag $0x1  }
0x1: {  	s1 =	rddreg [dreg:$0x0]  }
0x2: {  	s0 =	srdreg.scid;
	s2 =	rddreg [dreg:$0x1]  }
0x3: {  	s10 =	stileid.u32;
	s3 =	rddreg [dreg:$0x2];
	s4 =	simm.s32 $0x0  }
0x4: {  	s25 =	simm.s32 $0x10410;
	s26 =	simm.s32 $0x12410;
	s6 =	smul.u32 $0x5200, s10  }
0x5: {  	s28 =	simm.s32 $0x6;
	s29 =	simm.s32 $0x4;
	s7 =	smul.u32 $0xB000, s10  }
0x6: {  	s0 =	sand.u32 $0x1, s0;
	s8 =	sshll.u32 s10, $0x1;
	s10 =	smul.u32 $0x2C000, s10  }
0x7: {  	s30 =	simm.s32 $0x7;
	[smem:$0x7FF] =	sst s4;
	s5 =	smul.u32 $0x52000, s0  }
0x8: {  	s31 =	simm.s32 $0x5;
	s16 =	smul.u32 $0xB0000, s0;
	_ =	strace $0x8000004D  }
0x9: {  	s8 =	sadd.s32 s8, s2;
	s9 =	ssub.s32 $0x2, s0;
	[dreg:$0x5] =	wrdreg s25  }
0xa: {  	s0 =	sshll.u32 s0, $0x5;
	[dreg:$0x6] =	wrdreg s26;
	s25 =	simm.s32 $0x2  }
0xb: {  	s26 =	simm.s32 $0x3;
	s17 =	sshrl.u32 s9, $0x1;
	s0 =	sadd.s32 s0, s8  }
0xc: {  	s19 =	sshrl.u32 s10, $0x2;
	s8 =	sadd.s32 s7, s3;
	s5 =	sadd.s32 s6, s5  }
0xd: {  	s6 =	sadd.s32 s7, s16;
	s0 =	sadd.s32 $0x3B800, s0;
	s20 =	sadd.s32 s19, s3  }
0xe: {  	s16 =	simm.s32 $0xB;
	s19 =	simm.s32 $0x1;
	s5 =	sshrl.u32 s5, $0x3  }
0xf: {  	s6 =	sshrl.u32 s6, $0x3;
	[dreg:$0x9] =	wrdreg s0;
	s21 =	sadd.s32 $0x4000, s20  }
0x10: {  	s22 =	sadd.s32 $0x6000, s20;
	s23 =	sadd.s32 $0x8000, s20;
	[dreg:$0xb] =	wrdreg s21  }
0x11: {  	s0 =	sadd.s32 $0xA000, s20;
	s5 =	sadd.s32 s5, s2;
	[dreg:$0xc] =	wrdreg s22  }
0x12: {  	s2 =	sadd.s32 s6, s2;
	s6 =	ssub.s32 s9, s17;
	[dreg:$0xd] =	wrdreg s23  }
0x13: {  	[dreg:$0xe] =	wrdreg s0;
	s21 =	simm.s32 $0x40;
	s22 =	simm.s32 $0xC410  }
0x14: {  	s0 =	simm.s32 $0x9;
	s17 =	simm.s32 $0xA;
	s18 =	sadd.s32 $0x12800, s5  }
0x15: {  	s5 =	sadd.s32 $0x27000, s5;
	s24 =	sadd.s32 $0x3BA00, s2;
	[dreg:$0x7] =	wrdreg s18  }
0x16: {  	s15 =	smax.u32 s6, $0x1;
	s2 =	simm.s32 $0x8;
	[dreg:$0x8] =	wrdreg s5  }
0x17: {  	s5 =	sadd.s32 $0x2000, s20;
	[dreg:$0xf] =	wrdreg s24;
	s20 =	simm.s32 $0xA410  }
0x18: {  	v0 =	vimm.f32 $0.0e+00;
	s24 =	simm.s32 $0xE410;
	s18 =	simm.s32 $0x0;
	[dreg:$0xa] =	wrdreg s5  }
.LBB2_1:
0x19: {  	s5 =	rddreg [dreg:$0x7]  }
0x1a: {  	[tilespmem:s4], [sflag:$0xB] =	stream.linear.gather [hbm4b:s5+s4], $0x5200, $0x38;
	[tilespmem:$0x1F410] =	vst v63  }
0x1b: {  	_ =	swait.ge [sflag:s16], $0x5200  }
0x1c: {  	[sflag:s16] =	ssyncset.done $0x0  }
0x1d: {  	s6 =	simm.s32 $0x5200;
	s13 =	rddreg [dreg:$0x8];
	[sflag:s16] =	ssyncadd.s32 $0xFFFFAE00  }
0x1e: {  	[tilespmem:s6], [sflag:$0xB] =	stream.linear.gather [hbm4b:s13+s4], $0x5200, $0x38;
	[tilespmem:$0x1F410] =	vst v63  }
0x1f: {  	_ =	swait.ge [sflag:s16], $0x5200  }
0x20: {  	[sflag:s16] =	ssyncset.done $0x0  }
0x21: {  	s23 =	simm.s32 $0xA400;
	s14 =	rddreg [dreg:$0x9];
	[sflag:s16] =	ssyncadd.s32 $0xFFFFAE00  }
0x22: {  	[tilespmem:s23], [sflag:$0xB] =	stream.linear.gather [hbm4b:s14+s4], $0x10, $0x38;
	[tilespmem:$0x1F410] =	vst v63  }
0x23: {  	_ =	swait.ge [sflag:s16], $0x10  }
0x24: {  	[sflag:s16] =	ssyncset.done $0x0  }
0x25: {  	[sflag:s16] =	ssyncadd.s32 $0xFFFFFFF0  }
0x26: {  	s5 =	simm.s32 $0x0;
	s6 =	simm.s32 $0x200;
	v1 =	vld [tilespmem:$0xA400]  }
.LBB2_2:
0x27: {  	p0 =	sne.s32 s6, $0x7E00;
	[tilespmem:s5+$0xA480] =	vst v0  }
0x28: {  	[tilespmem:s5+$0xA410] =	vst v0  }
0x29: {  	[tilespmem:s5+$0xA420] =	vst v0  }
.Ltmp0:
0x2a: {  	[tilespmem:s5+$0xA430] =	vst v0;
	(pc) =	sbr.rel @p0 .LBB2_2-.Ltmp0, $4  }
0x2b: {  	[tilespmem:s5+$0xA440] =	vst v0  }
0x2c: {  	[tilespmem:s5+$0xA450] =	vst v0  }
0x2d: {  	[tilespmem:s5+$0xA460] =	vst v0  }
0x2e: {  	[tilespmem:s5+$0xA470] =	vst v0;
	s5 =	sshra.s32 s6, $0x2;
	s6 =	sadd.s32 $0x200, s6  }
0x2f: {  	(v2sf) =	vpush v1, $0x0;
	_ =	sdelay $0x5  }
0x30: {  	[tilespmem:s5+$0xA480] =	vst v0  }
0x31: {  	[tilespmem:s5+$0xA410] =	vst v0  }
0x32: {  	[tilespmem:s5+$0xA420] =	vst v0  }
0x33: {  	[tilespmem:s5+$0xA430] =	vst v0  }
0x34: {  	[tilespmem:s5+$0xA440] =	vst v0  }
0x35: {  	[tilespmem:s5+$0xA450] =	vst v0  }
0x36: {  	[tilespmem:s5+$0xA460] =	vst v0  }
0x37: {  	[tilespmem:s5+$0xA470] =	vst v0  }
0x38: {  	[spmem:s8] =	stream.linear.scatter [tilespmem:s20], [sflag:$0xB], $0x2000, $0x38;
	[tilespmem:$0x1F410] =	vst v63  }
0x39: {  	s6 =	spop (v2sf)  }
0x3a: {  	s6 =	sadd.s32 $0x3F, s6;
	_ =	swait.ge [sflag:s16], $0x2000  }
0x3b: {  	s7 =	sshra.s32 s6, $0x1F;
	s9 =	sand.u32 $0x3F, s6;
	p0 =	slt.s32 s6, $0x1  }
0x3c: {  	[sflag:s16] =	ssyncset.done $0x0;
	s11 =	rddreg [dreg:$0xa];
	p1 =	sne.s32 s9, $0x0  }
0x3d: {  	s7 =	sshrl.u32 s7, $0x1A;
	[sflag:s16] =	ssyncadd.s32 $0xFFFFE000;
	p0 =	por !p0, !p1  }
0x3e: {  	[spmem:s11] =	stream.linear.scatter [tilespmem:s20], [sflag:$0xB], $0x2000, $0x38;
	[tilespmem:$0x1F410] =	vst v63  }
0x3f: {  	s10 =	sadd.s32 s7, s6;
	s6 =	simm.s32 $0x1;
	p0 =	por !p0, !p0  }
0x40: {  	s5 =	sshra.s32 s10, $0x6;
	_ =	swait.ge [sflag:s16], $0x2000;
	s6 =	simm.s32 @!p0 $0x0  }
0x41: {  	[sflag:s16] =	ssyncset.done $0x0;
	s5 =	ssub.s32 s5, s6  }
0x42: {  	s14 =	rddreg [dreg:$0xb];
	[sflag:s16] =	ssyncadd.s32 $0xFFFFE000;
	s12 =	sadd.s32 $0x4, s5  }
0x43: {  	[spmem:s14] =	stream.linear.scatter [tilespmem:s20], [sflag:$0xB], $0x2000, $0x38;
	[tilespmem:$0x1F410] =	vst v63  }
0x44: {  	s13 =	smulhi.u32 $0x66666667, s12;
	s6 =	sshra.s32 s12, $0x1F  }
0x45: {  	_ =	swait.ge [sflag:s16], $0x2000;
	s6 =	smul.u32 $0x66666667, s6  }
0x46: {  	[sflag:s16] =	ssyncset.done $0x0  }
0x47: {  	s23 =	rddreg [dreg:$0xc];
	[sflag:s16] =	ssyncadd.s32 $0xFFFFE000;
	s6 =	sadd.s32 s6, s13  }
0x48: {  	[spmem:s23] =	stream.linear.scatter [tilespmem:s20], [sflag:$0xB], $0x2000, $0x38;
	[tilespmem:$0x1F410] =	vst v63  }
0x49: {  	s7 =	sshrl.u32 s6, $0x1F;
	s6 =	sshra.s32 s6, $0x1;
	_ =	swait.ge [sflag:s16], $0x2000  }
0x4a: {  	s10 =	ssub.s32 $0xFFFFFFFC, s5;
	s6 =	sadd.s32 s7, s6;
	[sflag:s16] =	ssyncset.done $0x0  }
0x4b: {  	s11 =	rddreg [dreg:$0xd];
	s9 =	smul.u32 $0xFFFFFFFB, s6;
	[sflag:s16] =	ssyncadd.s32 $0xFFFFE000  }
0x4c: {  	[spmem:s11] =	stream.linear.scatter [tilespmem:s20], [sflag:$0xB], $0x2000, $0x38;
	[tilespmem:$0x1F410] =	vst v63  }
0x4d: {  	p5 =	slt.s32 s5, $0xFFFFFFFD;
	p6 =	sne.s32 s9, s10  }
0x4e: {  	_ =	swait.ge [sflag:s16], $0x2000;
	p0 =	por !p5, !p6  }
0x4f: {  	s5 =	simm.s32 $0x1;
	[sflag:s16] =	ssyncset.done $0x0;
	p0 =	por !p0, !p0  }
0x50: {  	s12 =	rddreg [dreg:$0xe];
	[sflag:s16] =	ssyncadd.s32 $0xFFFFE000;
	s5 =	simm.s32 @!p0 $0x0  }
0x51: {  	[spmem:s12] =	stream.linear.scatter [tilespmem:s20], [sflag:$0xB], $0x1000, $0x38;
	[tilespmem:$0x1F410] =	vst v63  }
0x52: {  	s5 =	ssub.s32 s6, s5;
	_ =	swait.ge [sflag:s16], $0x1000  }
0x53: {  	s5 =	smul.u32 $0x5, s5;
	[sflag:s16] =	ssyncset.done $0x0  }
0x54: {  	s7 =	simm.s32 $0x0;
	[sflag:s16] =	ssyncadd.s32 $0xFFFFF000  }
0x55: {  	p0 =	sgt.s32 s5, $0x5;
	[bflag:$0x0] =	sbarrier.arrive $0xFFFF;
	s23 =	smov.u32 s5  }
0x56: {  	[tilespmem:s20], [sflag:$0x1] =	stream.indirect.gather [hbm4b:s1+s21], $0x80, s7, s21, $0xb8;
	[tilespmem:$0x1F410] =	vst v63  }
0x57: {  	s23 =	simm.s32 @!p0 $0x5  }
0x58: {  	s13 =	smulhi.u32 $0x66666667, s23  }
0x59: {  	[tilespmem:s22], [sflag:$0x2] =	stream.indirect.gather [hbm4b:s1+s21], $0x80, s21, s21, $0xb8;
	[tilespmem:$0x1F410] =	vst v63  }
0x5a: {  	s6 =	sshrl.u32 s13, $0x1  }
0x5b: {  	s14 =	simm.s32 $0x80;
	s6 =	smul.u32 $0x5, s6  }
0x5c: {  	[tilespmem:s24], [sflag:$0x3] =	stream.indirect.gather [hbm4b:s1+s21], $0x80, s14, s21, $0xb8;
	[tilespmem:$0x1F410] =	vst v63  }
0x5d: {  	[dreg:$0x4] =	wrdreg s6;
	s6 =	simm.s32 $0x0  }
.LBB2_4:
0x5e: {  	_ =	swait.ge [sflag:s19], $0x2000  }
0x5f: {  	p0 =	seq.s32 s7, $0x0;
	[sflag:s19] =	ssyncset.done $0x0  }
0x60: {  	s9 =	simm.s32 @!p0 $0x9;
	[sflag:s19] =	ssyncadd.s32 $0xFFFFE000  }
0x61: {  	s10 =	sadd.s32 $0x3, s7;
	_ =	swait.ge @!p0 [sflag:s9], $0x2000  }
0x62: {  	p1 =	sge.u32 s10, s23;
	[sflag:s9] =	ssyncset.done @!p0 $0x0  }
0x63: {  	[sflag:s9] =	ssyncadd.s32 @!p0 $0xFFFFE000;
	s9 =	sshra.s32 @!p1 s6, $0x2  }
0x64: {  	s10 =	simm.s32 @!p1 $0x40;
	s11 =	simm.s32 @!p1 $0x10410;
	s9 =	sadd.s32 @!p1 $0xC0, s9  }
0x65: {  	[tilespmem:s11], [sflag:$0x4] =	stream.indirect.gather @!p1 [hbm4b:s1+s10], $0x80, s9, s10, $0xb8;
	[tilespmem:$0x1F410] =	vst v63  }
0x66: {  	s9 =	sshra.s32 s6, $0x2  }
0x67: {  	s11 =	sadd.s32 $0x5200, s9  }
0x68: {  	[spmem:s3] =	stream.indirect.scatter.add.f32 [tilespmem:s20], [sflag:$0x6], $0x80, s11, s21, $0xb8;
	[tilespmem:$0x1F410] =	vst v63  }
0x69: {  	_ =	swait.ge [sflag:s25], $0x2000  }
0x6a: {  	[sflag:s25] =	ssyncset.done $0x0  }
0x6b: {  	s10 =	simm.s32 @!p0 $0xA;
	[sflag:s25] =	ssyncadd.s32 $0xFFFFE000  }
0x6c: {  	s12 =	sadd.s32 $0x4, s7;
	_ =	swait.ge @!p0 [sflag:s10], $0x2000  }
0x6d: {  	p1 =	sge.u32 s12, s23;
	[sflag:s10] =	ssyncset.done @!p0 $0x0  }
0x6e: {  	[sflag:s10] =	ssyncadd.s32 @!p0 $0xFFFFE000;
	s10 =	sshra.s32 @!p1 s6, $0x2  }
0x6f: {  	s12 =	simm.s32 @!p1 $0x12410;
	s11 =	simm.s32 @!p1 $0x40;
	s10 =	sadd.s32 @!p1 $0x100, s10  }
0x70: {  	[tilespmem:s12], [sflag:$0x5] =	stream.indirect.gather @!p1 [hbm4b:s1+s11], $0x80, s10, s11, $0xb8;
	[tilespmem:$0x1F410] =	vst v63  }
0x71: {  	s13 =	sadd.s32 $0x5240, s9  }
0x72: {  	[spmem:s3] =	stream.indirect.scatter.add.f32 [tilespmem:s22], [sflag:$0x7], $0x80, s13, s21, $0xb8;
	[tilespmem:$0x1F410] =	vst v63  }
0x73: {  	_ =	swait.ge [sflag:s26], $0x2000  }
0x74: {  	[sflag:s26] =	ssyncset.done $0x0  }
0x75: {  	s10 =	sadd.s32 $0x5, s7;
	[sflag:s26] =	ssyncadd.s32 $0xFFFFE000  }
0x76: {  	p0 =	sle.s32 s5, s10;
	_ =	swait.ge [sflag:s28], $0x2000  }
0x77: {  	s11 =	sshra.s32 @!p0 s6, $0x2;
	s12 =	simm.s32 @!p0 $0x40;
	[sflag:s28] =	ssyncset.done $0x0  }
0x78: {  	s13 =	simm.s32 @!p0 $0xA410;
	s11 =	sadd.s32 @!p0 $0x140, s11;
	[sflag:s28] =	ssyncadd.s32 $0xFFFFE000  }
0x79: {  	[tilespmem:s13], [sflag:$0x1] =	stream.indirect.gather @!p0 [hbm4b:s1+s12], $0x80, s11, s12, $0xb8;
	[tilespmem:$0x1F410] =	vst v63  }
0x7a: {  	s14 =	sadd.s32 $0x5280, s9  }
0x7b: {  	[spmem:s3] =	stream.indirect.scatter.add.f32 [tilespmem:s24], [sflag:$0x8], $0x80, s14, s21, $0xb8;
	[tilespmem:$0x1F410] =	vst v63  }
0x7c: {  	_ =	swait.ge [sflag:s29], $0x2000  }
0x7d: {  	[sflag:s29] =	ssyncset.done $0x0  }
0x7e: {  	s12 =	sadd.s32 $0x6, s7;
	[sflag:s29] =	ssyncadd.s32 $0xFFFFE000  }
0x7f: {  	p0 =	sge.u32 s12, s23;
	_ =	swait.ge [sflag:s30], $0x2000  }
0x80: {  	s11 =	sshra.s32 @!p0 s6, $0x2;
	s12 =	simm.s32 @!p0 $0x40;
	[sflag:s30] =	ssyncset.done $0x0  }
0x81: {  	s13 =	simm.s32 @!p0 $0xC410;
	s11 =	sadd.s32 @!p0 $0x180, s11;
	[sflag:s30] =	ssyncadd.s32 $0xFFFFE000  }
0x82: {  	[tilespmem:s13], [sflag:$0x2] =	stream.indirect.gather @!p0 [hbm4b:s1+s12], $0x80, s11, s12, $0xb8;
	[tilespmem:$0x1F410] =	vst v63  }
0x83: {  	s14 =	rddreg [dreg:$0x5];
	s13 =	sadd.s32 $0x52C0, s9  }
0x84: {  	[spmem:s3] =	stream.indirect.scatter.add.f32 [tilespmem:s14], [sflag:$0x9], $0x80, s13, s21, $0xb8;
	[tilespmem:$0x1F410] =	vst v63  }
0x85: {  	_ =	swait.ge [sflag:s31], $0x2000  }
0x86: {  	s12 =	sadd.s32 $0x7, s7;
	[sflag:s31] =	ssyncset.done $0x0  }
0x87: {  	p0 =	sge.u32 s12, s23;
	[sflag:s31] =	ssyncadd.s32 $0xFFFFE000  }
0x88: {  	s7 =	sshra.s32 @!p0 s6, $0x2;
	_ =	swait.ge [sflag:s2], $0x2000  }
0x89: {  	s11 =	simm.s32 @!p0 $0x40;
	s12 =	simm.s32 @!p0 $0xE410;
	[sflag:s2] =	ssyncset.done $0x0  }
0x8a: {  	s7 =	sadd.s32 @!p0 $0x1C0, s7;
	s14 =	rddreg [dreg:$0x4];
	[sflag:s2] =	ssyncadd.s32 $0xFFFFE000  }
0x8b: {  	[tilespmem:s12], [sflag:$0x3] =	stream.indirect.gather @!p0 [hbm4b:s1+s11], $0x80, s7, s11, $0xb8;
	[tilespmem:$0x1F410] =	vst v63  }
0x8c: {  	p0 =	sne.s32 s14, s10  }
.Ltmp1:
0x8d: {  	_ = 	snop;
	(pc) =	sbr.rel @p0 .LBB2_4-.Ltmp1, $4  }
0x8e: {  	_ = 	snop  }
0x8f: {  	s9 =	sadd.s32 $0x5300, s9  }
0x90: {  	s6 =	sadd.s32 $0x500, s6;
	s13 =	rddreg [dreg:$0x6];
	s7 =	smov.u32 s10  }
0x91: {  	[spmem:s3] =	stream.indirect.scatter.add.f32 [tilespmem:s13], [sflag:$0xA], $0x80, s9, s21, $0xb8;
	[tilespmem:$0x1F410] =	vst v63  }
0x92: {  	_ =	swait.ge [sflag:s0], $0x2000  }
0x93: {  	[sflag:s0] =	ssyncset.done $0x0  }
0x94: {  	[sflag:s0] =	ssyncadd.s32 $0xFFFFE000  }
0x95: {  	_ =	swait.ge [sflag:s17], $0x2000  }
0x96: {  	s5 =	stileid.u32;
	[sflag:s17] =	ssyncset.done $0x0  }
0x97: {  	s6 =	sshrl.u32 s8, $0x3;
	s18 =	sadd.s32 $0x1, s18;
	[sflag:s17] =	ssyncadd.s32 $0xFFFFE000  }
0x98: {  	s5 =	sshll.u32 s5, $0x6;
	p0 =	sne.s32 s18, s15;
	[bflag:$0x0] =	sbarrier.arrive $0xFFFF  }
.Ltmp2:
0x99: {  	s5 =	sor.u32 $0x1C0B, s5;
	s7 =	rddreg [dreg:$0xf];
	(pc) =	sbr.rel @p0 .LBB2_1-.Ltmp2, $4  }
0x9a: {  	[hbm:s7], [sflag:s5] =	dma.local [spmem:s6], $0x1600  }
0x9b: {  	_ =	swait.ge [sflag:s16], $0x1600  }
0x9c: {  	[sflag:s16] =	ssyncset.done $0x0  }
0x9d: {  	[sflag:s16] =	ssyncadd.s32 $0xFFFFEA00  }
0x9e: {  	_ =	sfence.sel $0x180000  }
0x9f: {  	[bflag:$0x0] =	sbarrier.arrive $0xFFFF  }
0xa0: {  	_ =	strace $0x9000004D  }
0xa1: {  	s0 =	stileid.u32;
	[bflag:$0x2] =	sbarrier.arrive $0xFFFF  }
0xa2: {  	p0 =	sne.s32 s0, $0x0;
	s0 =	rddreg [dreg:$0x3]  }
0xa3: {  	s0 =	sadd.s32 @!p0 $0x100000, s0  }
0xa4: {  	[sflag:s0] =	ssyncadd.tile.s32 @!p0 $0x1;
	_ =	shalt  }
.Lfunc_end2:
_tile_overlayer_lowered:
.L_overlay_start_2:
0xa5: {  	(tag) =	ssettag $0x2  }
0xa6: {  	s0 =	rddreg [dreg:$0x0];
	s2 =	stileid.u32  }
0xa7: {  	s1 =	rddreg [dreg:$0x1];
	p0 =	sne.s32 s2, $0x0  }
0xa8: {  	s3 =	rddreg [dreg:$0x2];
	[bflag:$0x3] =	sbarrier.arrive $0xFFFF;
	s2 =	simm.s32 @!p0 $0x1C0B  }
0xa9: {  	[timem:s3], [sflag:s2] =	dma.local @!p0 [hbm:s0], s1  }
0xaa: {  	s0 =	simm.s32 @!p0 $0xB  }
0xab: {  	_ =	swait.ge @!p0 [sflag:s0], s1  }
0xac: {  	s1 =	ssub.s32 @!p0 $0x0, s1;
	[sflag:s0] =	ssyncset.done @!p0 $0x0  }
0xad: {  	[sflag:s0] =	ssyncadd.s32 @!p0 s1  }
0xae: {  	[bflag:$0x3] =	sbarrier.arrive $0xFFFF  }
0xaf: {  	_ =	shalt  }

// kernel: kernel.8.cloned.1.call-start
scs
__scs_entry_jumppad:
0x0: {  	(pc) =	sbr.rel $0x88, $3  }
0x1: {  	(tag) =	ssettag $0x0;
	lr =	simm.s32 $0x1  }
0x2: {  	[smem:$0x3F9B] =	sst lr;
	_ =	strace $0xD0000000  }
0x3: {  	_ = 	snop  }
0x4: {  	_ = 	snop  }
0x5: {  	_ = 	snop  }
0x6: {  	_ = 	snop  }
0x7: {  	_ = 	snop  }
__scs_overlays_trampoline_lowered:
0x8: {  	[smem:$0x3FAA] =	sst s0  }
0x9: {  	[smem:$0x3FAB] =	sst s1  }
0xa: {  	[smem:$0x3FAC] =	sst s2  }
0xb: {  	[smem:$0x3FAD] =	sst s3  }
0xc: {  	[smem:$0x3FAE] =	sst s4  }
0xd: {  	[smem:$0x3FAF] =	sst s5  }
0xe: {  	[smem:$0x3FB0] =	sst s6  }
0xf: {  	[smem:$0x3FB1] =	sst s7  }
0x10: {  	[smem:$0x3FB2] =	sst s8  }
0x11: {  	[smem:$0x3FB3] =	sst s9;
	s0 =	simm.s32 @!p0 $0x0  }
0x12: {  	s1 =	sld [smem:$0x3F99];
	s0 =	simm.s32 @p0 $0x1  }
0x13: {  	[smem:$0x3FB4] =	sst s0;
	s0 =	simm.s32 @!p1 $0x0  }
0x14: {  	s2 =	sld [smem:$0x3F98];
	s0 =	simm.s32 @p1 $0x1  }
0x15: {  	[smem:$0x3FB5] =	sst s0;
	s0 =	simm.s32 @!p2 $0x0  }
0x16: {  	s3 =	sld [smem:$0x3FDB];
	s0 =	simm.s32 @p2 $0x1  }
0x17: {  	s4 =	simm.s32 $0x1BF5;
	[smem:$0x3FB7] =	sst s0  }
0x18: {  	s0 =	sld [smem:$0x3F9A];
	_ =	swait.ge [sflag:s4], $0x0  }
0x19: {  	s7 =	sld [smem:$0x3F9B]  }
0x1a: {  	s8 =	sadd.s32 $0xFFFFE003, lr  }
0x1b: {  	s9 =	sadd.s32 $0xFFFFFEF7, lr;
	s5 =	simm.s32 $0xFFFFFFFF;
	p2 =	slt.u32 s8, $0xFFFFF086  }
0x1c: {  	p1 =	slt.u32 s9, $0xF7A;
	s5 =	simm.s32 @!p2 $0x0  }
0x1d: {  	s5 =	simm.s32 @p1 $0x1;
	p0 =	seq.s32 s7, s2  }
0x1e: {  	s7 =	smul.u32 @!p0 $0xF7A, s2;
	p2 =	seq.s32 @!p0 s5, $0x0  }
0x1f: {  	s9 =	smul.u32 $0xF7A, s1;
	s8 =	simm.s32 @!p0 $0x1BF5;
	p2 =	por !p2, p0  }
0x20: {  	[sflag:s8] =	ssyncset.s32 @!p0 $0xFFFFF086;
	s6 =	sadd.s32 @!p0 s3, s7;
	s7 =	simm.s32 @!p0 $0x108  }
0x21: {  	s3 =	sadd.s32 s3, s9;
	s6 =	sadd.s32 @!p0 $0x88, s6;
	s7 =	simm.s32 @p2 $0x1082  }
0x22: {  	[simem:s7], [sflag:s8] =	dma.local @!p0 [hbm:s6], $0xF7A  }
0x23: {  	s9 =	sor.u32 $0xD0000000, s2;
	s6 =	simm.s32 $0x108;
	_ =	swait.ge @!p0 [sflag:s8], $0x0  }
0x24: {  	s3 =	sadd.s32 $0x88, s3;
	s6 =	simm.s32 @!p1 $0x1082;
	[sflag:s4] =	ssyncset.s32 $0xFFFFF086  }
0x25: {  	[simem:s6], [sflag:s4] =	dma.local [hbm:s3], $0xF7A  }
0x26: {  	[smem:$0x3F9B] =	sst s1;
	(tag) =	ssettag s2;
	_ =	strace s9  }
0x27: {  	s1 =	sld [smem:$0x3FAB]  }
0x28: {  	s2 =	sld [smem:$0x3FAC]  }
0x29: {  	s4 =	sld [smem:$0x3FAE]  }
0x2a: {  	p0 =	seq.s32 s5, $0x0;
	s5 =	sld [smem:$0x3FAF]  }
0x2b: {  	s6 =	sld [smem:$0x3FB0]  }
0x2c: {  	s7 =	sld [smem:$0x3FB1]  }
0x2d: {  	s3 =	simm.s32 $0x108;
	s8 =	sld [smem:$0x3FB2]  }
0x2e: {  	s3 =	simm.s32 @!p0 $0x1082;
	s9 =	sld [smem:$0x3FB3]  }
0x2f: {  	lr =	sadd.s32 s0, s3;
	s0 =	sld [smem:$0x3FAA]  }
0x30: {  	s3 =	sld [smem:$0x3FAD]  }
0x31: {  	[smem:$0x3FB6] =	sst s10  }
0x32: {  	s10 =	sld [smem:$0x3FB4];
	_ =	sdelay $0x3  }
0x33: {  	p0 =	seq.s32 s10, $0x1;
	s10 =	sld [smem:$0x3FB6];
	_ =	sdelay $0x3  }
0x34: {  	[smem:$0x3FB6] =	sst s10  }
0x35: {  	s10 =	sld [smem:$0x3FB5];
	_ =	sdelay $0x3  }
0x36: {  	p1 =	seq.s32 s10, $0x1;
	s10 =	sld [smem:$0x3FB6];
	_ =	sdelay $0x3  }
0x37: {  	[smem:$0x3FB6] =	sst s10  }
0x38: {  	s10 =	sld [smem:$0x3FB7]  }
0x39: {  	_ = 	snop;
	(pc) =	sbr.ind lr, $3  }
0x3a: {  	_ = 	snop  }
0x3b: {  	_ = 	snop  }
0x3c: {  	p2 =	seq.s32 s10, $0x1;
	s10 =	sld [smem:$0x3FB6]  }
0x3d: {  	_ =	shalt  }
0x3e: {  	_ =	shalt  }
0x3f: {  	_ =	shalt  }
0x40: {  	_ =	shalt  }
0x41: {  	_ =	shalt  }
0x42: {  	_ =	shalt  }
0x43: {  	_ =	shalt  }
0x44: {  	_ =	shalt  }
0x45: {  	_ =	shalt  }
0x46: {  	_ =	shalt  }
0x47: {  	_ =	shalt  }
0x48: {  	_ =	shalt  }
0x49: {  	_ =	shalt  }
0x4a: {  	_ =	shalt  }
0x4b: {  	_ =	shalt  }
0x4c: {  	_ =	shalt  }
0x4d: {  	_ =	shalt  }
0x4e: {  	_ =	shalt  }
0x4f: {  	_ =	shalt  }
0x50: {  	_ =	shalt  }
0x51: {  	_ =	shalt  }
0x52: {  	_ =	shalt  }
0x53: {  	_ =	shalt  }
0x54: {  	_ =	shalt  }
0x55: {  	_ =	shalt  }
0x56: {  	_ =	shalt  }
0x57: {  	_ =	shalt  }
0x58: {  	_ =	shalt  }
0x59: {  	_ =	shalt  }
0x5a: {  	_ =	shalt  }
0x5b: {  	_ =	shalt  }
0x5c: {  	_ =	shalt  }
0x5d: {  	_ =	shalt  }
0x5e: {  	_ =	shalt  }
0x5f: {  	_ =	shalt  }
0x60: {  	_ =	shalt  }
0x61: {  	_ =	shalt  }
0x62: {  	_ =	shalt  }
0x63: {  	_ =	shalt  }
0x64: {  	_ =	shalt  }
0x65: {  	_ =	shalt  }
0x66: {  	_ =	shalt  }
0x67: {  	_ =	shalt  }
0x68: {  	_ =	shalt  }
0x69: {  	_ =	shalt  }
0x6a: {  	_ =	shalt  }
0x6b: {  	_ =	shalt  }
0x6c: {  	_ =	shalt  }
0x6d: {  	_ =	shalt  }
0x6e: {  	_ =	shalt  }
0x6f: {  	_ =	shalt  }
0x70: {  	_ =	shalt  }
0x71: {  	_ =	shalt  }
0x72: {  	_ =	shalt  }
0x73: {  	_ =	shalt  }
0x74: {  	_ =	shalt  }
0x75: {  	_ =	shalt  }
0x76: {  	_ =	shalt  }
0x77: {  	_ =	shalt  }
0x78: {  	_ =	shalt  }
0x79: {  	_ =	shalt  }
0x7a: {  	_ =	shalt  }
0x7b: {  	_ =	shalt  }
0x7c: {  	_ =	shalt  }
0x7d: {  	_ =	shalt  }
0x7e: {  	_ =	shalt  }
0x7f: {  	_ =	shalt  }
0x80: {  	_ =	shalt  }
0x81: {  	_ =	shalt  }
0x82: {  	_ =	shalt  }
0x83: {  	_ =	shalt  }
0x84: {  	_ =	shalt  }
0x85: {  	_ =	shalt  }
0x86: {  	_ =	shalt  }
0x87: {  	_ =	shalt  }
.Lfunc_end0:
.L_simem_size_0:
called_computation_lowered:
.L_overlay_start_0:
0x88: {  	s2 =	sld [smem:$0x3FD9]  }
0x89: {  	s3 =	sld [smem:$0x3FFE];
	_ =	sdelay $0x1  }
0x8a: {  	s1 =	srdreg.scid  }
0x8b: {  	s0 =	sand.u32 $0x1, s1  }
0x8c: {  	s17 =	sshll.u32 s0, $0xA;
	s2 =	sadd.s32 s3, s2  }
0x8d: {  	s2 =	sadd.s32 s2, s17  }
0x8e: {  	[smem:$0x3FC2] =	sst s2  }
0x8f: {  	_ = 	snop  }
0x90: {  	s2 =	sld [smem:$0x3FD0];
	(tm) =	ssettm $0x1  }
0x91: {  	s18 =	sld [smem:$0x3FFB];
	_ =	sdelay $0x3  }
0x92: {  	_ =	strace s18  }
0x93: {  	s3 =	sld [smem:$0x3FFC];
	_ =	sdelay $0x3  }
0x94: {  	_ =	strace s3  }
0x95: {  	s3 =	sld [smem:$0x3FFD];
	_ =	sdelay $0x3  }
0x96: {  	_ =	strace s3  }
0x97: {  	_ =	strace $0x8FFFFFFF  }
0x98: {  	s19 =	sld [smem:$0x3FDB];
	_ =	sdelay $0x1  }
0x99: {  	s4 =	simm.s32 $_scs_section_size  }
0x9a: {  	s5 =	simm.s32 $_size__tile_overlayer_lowered;
	s6 =	simm.s32 $_tile_overlayer_lowered  }
0x9b: {  	s22 =	simm.s32 $0x1BFF;
	s21 =	sshll.u32 s6, $0x1;
	s3 =	sadd.s32 s4, s19  }
0x9c: {  	s7 =	simm.s32 $0x0;
	s20 =	sshll.u32 s5, $0x1;
	s5 =	sadd.s32 s21, s3  }
0x9d: {  	[timem:s7], [sflag:s22] =	dma.local [hbm:s5], s20  }
0x9e: {  	_ =	swait.ge [sflag:s22], s20  }
0x9f: {  	s4 =	ssub.s32 $0x0, s20;
	[sflag:s22] =	ssyncset.done $0x0  }
0xa0: {  	[sflag:s22] =	ssyncadd.s32 s4;
	_ =	sdelay $0x1  }
0xa1: {  	s23 =	simm.s32 $0x1B8B  }
0xa2: {  	_ =	swait.ge [sflag:s23], $0x1  }
0xa3: {  	[sflag:s23] =	ssyncset.done $0x0  }
0xa4: {  	s25 =	simm.s32 $0x1B8E;
	s24 =	sld [smem:$0x3FFE];
	[sflag:s23] =	ssyncadd.s32 $0xFFFFFFFF  }
0xa5: {  	s26 =	simm.s32 $execute0_lowered;
	[smem:$0x3FD2] =	sst s25  }
0xa6: {  	s5 =	sshll.u32 s26, $0x1;
	_ =	strace $0x80000046;
	[dreg:$0x1] =	wrdreg $0xFFFFFFFF  }
0xa7: {  	s28 =	simm.s32 $_size_execute0_lowered;
	s3 =	sadd.s32 s3, s5;
	[dreg:$0x0] =	wrdreg $0x0  }
0xa8: {  	s5 =	sshll.u32 s28, $0x1;
	[dreg:$0x2] =	wrdreg s3  }
0xa9: {  	[dreg:$0x3] =	wrdreg s5  }
0xaa: {  	[dreg:$0x4] =	wrdreg $0xC0  }
0xab: {  	_ =	task [dreg:s7], $0x5FFFF  }
0xac: {  	[dreg:$0x1] =	wrdreg $0xFFFFFFFF  }
0xad: {  	[dreg:$0x0] =	wrdreg $0x60  }
0xae: {  	[dreg:$0x2] =	wrdreg s2  }
0xaf: {  	[dreg:$0x3] =	wrdreg s24  }
0xb0: {  	[dreg:$0x4] =	wrdreg $0x148100  }
0xb1: {  	[dreg:$0x5] =	wrdreg $0x9  }
0xb2: {  	_ =	task.clear_ibuf [dreg:s7], $0x6FFFF;
	_ =	strace $0x90000046  }
0xb3: {  	s29 =	simm.s32 $0x9;
	_ =	strace $0x80000048  }
0xb4: {  	_ =	swait.ge [sflag:s29], $0x1  }
0xb5: {  	[sflag:s29] =	ssyncadd.s32 $0xFFFFFFFF  }
0xb6: {  	_ =	strace $0x90000048  }
0xb7: {  	_ =	sfence  }
0xb8: {  	s30 =	sld [smem:$0x0];
	_ =	sdelay $0x2  }
0xb9: {  	s31 =	sshll.u32 s1, $0xD;
	s1 =	sshrl.u32 s1, $0x2  }
0xba: {  	s3 =	sand.u32 $0x4000, s31;
	s1 =	sadd.s32 s1, s30  }
0xbb: {  	s0 =	sor.u32 s3, s0;
	s1 =	sshll.u32 s1, $0x11  }
0xbc: {  	s0 =	sor.u32 s1, s0  }
0xbd: {  	s0 =	sadd.s32 $0x8F2B, s0  }
0xbe: {  	[sflag:s0] =	ssyncadd.remote.s32 $0x1  }
0xbf: {  	_ =	sfence.sel $0xFFFF  }
0xc0: {  	[dreg:$0x0] =	wrdreg $0xFFFFFFFF;
	(pc) =	sbr.abs _section_cstart, $3  }
0xc1: {  	[dreg:$0x1] =	wrdreg $0xFFFFFFFF  }
0xc2: {  	_ =	task.clear_ibuf [dreg:s7], $0x2FFFF;
	_ =	strace $0x9FFFFFFF  }
0xc3: {  	(tm) =	ssettm $0x7FFFFFFF  }
tec
execute0_lowered:
.L_overlay_start_1:
0x0: {  	(tag) =	ssettag $0x1  }
0x1: {  	s4 =	rddreg [dreg:$0x0];
	s0 =	stileid.u32  }
0x2: {  	s1 =	srdreg.scid;
	s6 =	rddreg [dreg:$0x1]  }
0x3: {  	s2 =	rddreg [dreg:$0x2];
	s5 =	smul.u32 $0xA00, s0  }
0x4: {  	s3 =	simm.s32 $0x0;
	s18 =	simm.s32 $0x5000;
	s7 =	smul.u32 $0x1600, s0  }
0x5: {  	s19 =	simm.s32 $0x14400;
	s22 =	simm.s32 $0x1;
	s10 =	smul.u32 $0x5200, s0  }
0x6: {  	s12 =	sand.u32 $0x1, s1;
	s1 =	rddreg [dreg:$0x3];
	s26 =	smul.u32 $0x5800, s0  }
0x7: {  	s23 =	simm.s32 $0x40;
	[smem:$0x7FF] =	sst s3;
	s8 =	smul.u32 $0x16000, s12  }
0x8: {  	s28 =	sshll.u32 s0, $0x1;
	s9 =	smul.u32 $0x52000, s12;
	_ =	strace $0x80000047  }
0x9: {  	s25 =	ssub.s32 $0x2, s12;
	s16 =	sadd.s32 s28, s6;
	s20 =	smul.u32 $0x1400, s12  }
0xa: {  	s31 =	sshll.u32 s12, $0x5;
	s11 =	sadd.s32 s5, s6;
	s14 =	sshrl.u32 s25, $0x1  }
0xb: {  	s29 =	sshrl.u32 s26, $0x2;
	s4 =	sadd.s32 s4, s5;
	s8 =	sadd.s32 s7, s8  }
0xc: {  	s24 =	sadd.s32 s10, s9;
	s17 =	ssub.s32 s25, s14;
	s30 =	sadd.s32 s29, s2  }
0xd: {  	s5 =	sadd.s32 $0x3000, s11;
	s21 =	sadd.s32 $0x1400, s20;
	s14 =	sadd.s32 s31, s16  }
0xe: {  	v0 =	vmov s20;
	s20 =	simm.s32 $0xA000;
	s25 =	simm.s32 $0x0;
	s8 =	sshrl.u32 s8, $0x3  }
0xf: {  	s9 =	sadd.s32 $0xC00, s30;
	s10 =	sadd.s32 $0x1000, s30;
	s11 =	sadd.s32 $0x1400, s30  }
.Ltmp0:
0x10: {  	s14 =	sadd.s32 $0x3B800, s14;
	s16 =	smax.u32 s17, $0x1;
	(pc) =	sbr.rel .LBB2_1-.Ltmp0, $4  }
0x11: {  	s17 =	simm.s32 $0x2;
	s15 =	sadd.s32 s8, s6;
	s8 =	sshrl.u32 s24, $0x3  }
0x12: {  	v1 =	vmov s21;
	s21 =	simm.s32 $0xF200;
	s24 =	simm.s32 $0x14800;
	s13 =	sadd.s32 s8, s6  }
0x13: {  	v2 =	vimm.f32 $0.0e+00;
	s6 =	sadd.s32 s7, s2;
	s7 =	sadd.s32 $0x400, s30;
	s8 =	sadd.s32 $0x800, s30  }
0x14: {  	v3 =	vimm.f32 $1.000000000e+00;
	v4 =	vimm.s32 $0x1440;
	v5 =	vimm.s32 $0x0;
	s15 =	sadd.s32 $0xD000, s15;
	s12 =	sadd.s32 $0x12800, s13;
	s13 =	sadd.s32 $0x27000, s13  }
.LBB2_14:
0x15: {  	[sflag:s22] =	ssyncadd.s32 $0xFFFFFC00  }
.LBB2_15:
0x16: {  	[hbm4b:s12+s3] =	stream.linear.scatter [tilespmem:s20], [sflag:$0x2], $0x5200, $0x38;
	[tilespmem:$0x15E10] =	vst v63  }
0x17: {  	_ =	swait.ge [sflag:s17], $0x5200  }
0x18: {  	[sflag:s17] =	ssyncset.done $0x0  }
0x19: {  	[sflag:s17] =	ssyncadd.s32 $0xFFFFAE00  }
0x1a: {  	[hbm4b:s13+s3] =	stream.linear.scatter [tilespmem:s21], [sflag:$0x2], $0x5200, $0x38;
	[tilespmem:$0x15E10] =	vst v63  }
0x1b: {  	_ =	swait.ge [sflag:s17], $0x5200  }
0x1c: {  	[sflag:s17] =	ssyncset.done $0x0  }
0x1d: {  	[sflag:s17] =	ssyncadd.s32 $0xFFFFAE00  }
0x1e: {  	[tilespmem:$0x14800] =	vst v6  }
0x1f: {  	[hbm4b:s14+s3] =	stream.linear.scatter [tilespmem:s24], [sflag:$0x2], $0x10, $0x38;
	[tilespmem:$0x15E10] =	vst v63  }
0x20: {  	_ =	swait.ge [sflag:s17], $0x10  }
0x21: {  	s26 =	sshll.u32 s0, $0x6;
	s25 =	sadd.s32 $0x1, s25;
	[sflag:s17] =	ssyncset.done $0x0  }
0x22: {  	s28 =	sshrl.u32 s6, $0x3;
	p0 =	sne.s32 s25, s16;
	[sflag:s17] =	ssyncadd.s32 $0xFFFFFFF0  }
.Ltmp1:
0x23: {  	s26 =	sor.u32 $0x1C02, s26;
	[bflag:$0x0] =	sbarrier.arrive $0xFFFF;
	(pc) =	sbr.rel @!p0 .LBB2_16-.Ltmp1, $4  }
0x24: {  	[hbm:s15], [sflag:s26] =	dma.local [spmem:s28], $0x2C0  }
0x25: {  	_ =	swait.ge [sflag:s17], $0x2C0  }
0x26: {  	[sflag:s17] =	ssyncset.done $0x0  }
0x27: {  	[sflag:s17] =	ssyncadd.s32 $0xFFFFFD40  }
.LBB2_1:
0x28: {  	[tilespmem:s3], [sflag:$0x2] =	stream.linear.gather [hbm4b:s4+s3], $0x5000, $0x38;
	[tilespmem:$0x15E10] =	vst v63  }
0x29: {  	_ =	swait.ge [sflag:s17], $0x5000  }
0x2a: {  	[sflag:s17] =	ssyncset.done $0x0  }
0x2b: {  	[sflag:s17] =	ssyncadd.s32 $0xFFFFB000  }
0x2c: {  	[tilespmem:s18], [sflag:$0x2] =	stream.linear.gather [hbm4b:s5+s3], $0x5000, $0x38;
	[tilespmem:$0x15E10] =	vst v63  }
0x2d: {  	_ =	swait.ge [sflag:s17], $0x5000  }
0x2e: {  	[sflag:s17] =	ssyncset.done $0x0  }
0x2f: {  	s26 =	simm.s32 $0x40;
	s28 =	simm.s32 $0x0;
	[sflag:s17] =	ssyncadd.s32 $0xFFFFB000  }
.LBB2_2:
0x30: {  	p0 =	sne.s32 s26, $0xFC0;
	[tilespmem:s28+$0x14400] =	vst v2;
	s28 =	smov.u32 s26;
	s26 =	sadd.s32 $0x40, s26  }
.Ltmp2:
0x31: {  	(pc) =	sbr.rel @p0 .LBB2_2-.Ltmp2, $2  }
0x32: {  	_ =	sdelay $0x2  }
0x33: {  	s28 =	sshra.s32 s28, $0x2  }
0x34: {  	[tilespmem:s28+$0x14400] =	vst v2  }
0x35: {  	[spmem:s6] =	stream.linear.scatter [tilespmem:s19], [sflag:$0x2], $0x400, $0x38;
	[tilespmem:$0x15E10] =	vst v63  }
0x36: {  	_ =	swait.ge [sflag:s17], $0x400  }
0x37: {  	[sflag:s17] =	ssyncset.done $0x0  }
0x38: {  	[sflag:s17] =	ssyncadd.s32 $0xFFFFFC00  }
0x39: {  	[spmem:s7] =	stream.linear.scatter [tilespmem:s19], [sflag:$0x2], $0x400, $0x38;
	[tilespmem:$0x15E10] =	vst v63  }
0x3a: {  	_ =	swait.ge [sflag:s17], $0x400  }
0x3b: {  	[sflag:s17] =	ssyncset.done $0x0  }
0x3c: {  	[sflag:s17] =	ssyncadd.s32 $0xFFFFFC00  }
0x3d: {  	[spmem:s8] =	stream.linear.scatter [tilespmem:s19], [sflag:$0x2], $0x400, $0x38;
	[tilespmem:$0x15E10] =	vst v63  }
0x3e: {  	_ =	swait.ge [sflag:s17], $0x400  }
0x3f: {  	[sflag:s17] =	ssyncset.done $0x0  }
0x40: {  	[sflag:s17] =	ssyncadd.s32 $0xFFFFFC00  }
0x41: {  	[spmem:s9] =	stream.linear.scatter [tilespmem:s19], [sflag:$0x2], $0x400, $0x38;
	[tilespmem:$0x15E10] =	vst v63  }
0x42: {  	_ =	swait.ge [sflag:s17], $0x400  }
0x43: {  	[sflag:s17] =	ssyncset.done $0x0  }
0x44: {  	[sflag:s17] =	ssyncadd.s32 $0xFFFFFC00  }
0x45: {  	[spmem:s10] =	stream.linear.scatter [tilespmem:s19], [sflag:$0x2], $0x400, $0x38;
	[tilespmem:$0x15E10] =	vst v63  }
0x46: {  	_ =	swait.ge [sflag:s17], $0x400  }
0x47: {  	[sflag:s17] =	ssyncset.done $0x0  }
0x48: {  	[sflag:s17] =	ssyncadd.s32 $0xFFFFFC00  }
0x49: {  	[spmem:s11] =	stream.linear.scatter [tilespmem:s19], [sflag:$0x2], $0x200, $0x38;
	[tilespmem:$0x15E10] =	vst v63  }
0x4a: {  	_ =	swait.ge [sflag:s17], $0x200  }
0x4b: {  	[sflag:s17] =	ssyncset.done $0x0  }
0x4c: {  	s26 =	simm.s32 $0x40;
	s28 =	simm.s32 $0x0;
	[sflag:s17] =	ssyncadd.s32 $0xFFFFFE00  }
.LBB2_4:
0x4d: {  	p0 =	sne.s32 s26, $0xFC0;
	[tilespmem:s28+$0x14400] =	vst v3;
	s28 =	smov.u32 s26;
	s26 =	sadd.s32 $0x40, s26  }
.Ltmp3:
0x4e: {  	(pc) =	sbr.rel @p0 .LBB2_4-.Ltmp3, $2  }
0x4f: {  	_ =	sdelay $0x2  }
0x50: {  	s28 =	sshra.s32 s28, $0x2  }
0x51: {  	[tilespmem:s28+$0x14400] =	vst v3;
	s26 =	simm.s32 $0x0;
	s28 =	simm.s32 $0x100  }
.LBB2_6:
0x52: {  	p0 =	sne.s32 s28, $0x14700;
	v6 =	vimm.s32 $0x0;
	[tilespmem:s26+$0xF230] =	vst v4  }
0x53: {  	[tilespmem:s26+$0xA000] =	vst v6  }
0x54: {  	[tilespmem:s26+$0xF200] =	vst v4  }
.Ltmp4:
0x55: {  	[tilespmem:s26+$0xA010] =	vst v6;
	(pc) =	sbr.rel @p0 .LBB2_6-.Ltmp4, $4  }
0x56: {  	[tilespmem:s26+$0xF210] =	vst v4  }
0x57: {  	[tilespmem:s26+$0xA020] =	vst v6  }
0x58: {  	[tilespmem:s26+$0xF220] =	vst v4  }
0x59: {  	[tilespmem:s26+$0xA030] =	vst v6;
	s26 =	sshra.s32 s28, $0x2;
	s28 =	sadd.s32 $0x100, s28  }
0x5a: {  	[tilespmem:s26+$0xF230] =	vst v4  }
0x5b: {  	[tilespmem:s26+$0xA000] =	vst v6  }
0x5c: {  	[tilespmem:s26+$0xF200] =	vst v4  }
0x5d: {  	[tilespmem:s26+$0xA010] =	vst v6  }
0x5e: {  	[tilespmem:s26+$0xF210] =	vst v4  }
0x5f: {  	[tilespmem:s26+$0xA020] =	vst v6  }
0x60: {  	[tilespmem:s26+$0xF220] =	vst v4  }
0x61: {  	[tilespmem:s26+$0xA030] =	vst v6;
	s26 =	simm.s32 $0x0  }
.LBB2_8:
0x62: {  	s28 =	sshra.s32 s26, $0x2  }
0x63: {  	v7 =	vld [tilespmem:s28+$0x5000];
	_ =	sdelay $0x4  }
0x64: {  	vm0 =	vge.s32 v7, v0;
	vm1 =	vlt.s32 v7, v1  }
0x65: {  	vm0 =	vmand vm0, vm1  }
0x66: {  	v8 =	vsel vm0, $0x1, v5  }
0x67: {  	(xrf0) =	vadd.scan.msk.s32 $0xffff, v8;
	_ =	sdelay $0x5  }
0x68: {  	v8, _, _ =	vpop (xrf0)  }
0x69: {  	v8 =	vadd.s32 v8, v6  }
0x6a: {  	v9 =	vld [tilespmem:s28+$0x0];
	v8 =	vadd.s32 $0xFFFFFFFF, v8;
	_ =	sdelay $0x4  }
0x6b: {  	v7 =	vsub.s32 v7, v0;
	[tilespmem:v8+s20+$0x0] =	vst.idx.msk vm0, v9  }
0x6c: {  	[tilespmem:v8+s21+$0x0] =	vst.idx.msk vm0, v7  }
0x6d: {  	v7 =	vld [tilespmem:s28+$0x5010];
	_ =	sdelay $0x4  }
0x6e: {  	vm15 =	vge.s32 v7, v0;
	vm2 =	vlt.s32 v7, v1  }
0x6f: {  	vm1 =	vmand vm15, vm2  }
0x70: {  	v8 =	vsel vm1, $0x1, v5  }
0x71: {  	(xrf0) =	vadd.scan.msk.s32 $0xffff, v8;
	_ =	sdelay $0x1  }
0x72: {  	v8 =	vmpcnt.ones.xlane vm0;
	_ =	sdelay $0x3  }
0x73: {  	v6 =	vadd.s32 v6, v8;
	v8, _, _ =	vpop (xrf0)  }
0x74: {  	v8 =	vadd.s32 v8, v6  }
0x75: {  	v9 =	vld [tilespmem:s28+$0x10];
	v8 =	vadd.s32 $0xFFFFFFFF, v8;
	_ =	sdelay $0x4  }
0x76: {  	v7 =	vsub.s32 v7, v0;
	[tilespmem:v8+s20+$0x0] =	vst.idx.msk vm1, v9  }
0x77: {  	[tilespmem:v8+s21+$0x0] =	vst.idx.msk vm1, v7  }
0x78: {  	v7 =	vld [tilespmem:s28+$0x5020];
	_ =	sdelay $0x4  }
0x79: {  	vm4 =	vge.s32 v7, v0;
	vm5 =	vlt.s32 v7, v1  }
0x7a: {  	vm0 =	vmand vm4, vm5  }
0x7b: {  	v8 =	vsel vm0, $0x1, v5  }
0x7c: {  	(xrf0) =	vadd.scan.msk.s32 $0xffff, v8;
	_ =	sdelay $0x1  }
0x7d: {  	v8 =	vmpcnt.ones.xlane vm1;
	_ =	sdelay $0x3  }
0x7e: {  	v6 =	vadd.s32 v6, v8;
	v8, _, _ =	vpop (xrf0)  }
0x7f: {  	v8 =	vadd.s32 v8, v6  }
0x80: {  	v9 =	vld [tilespmem:s28+$0x20];
	v8 =	vadd.s32 $0xFFFFFFFF, v8;
	_ =	sdelay $0x4  }
0x81: {  	v7 =	vsub.s32 v7, v0;
	[tilespmem:v8+s20+$0x0] =	vst.idx.msk vm0, v9  }
0x82: {  	[tilespmem:v8+s21+$0x0] =	vst.idx.msk vm0, v7  }
0x83: {  	v7 =	vld [tilespmem:s28+$0x5030];
	_ =	sdelay $0x4  }
0x84: {  	vm6 =	vge.s32 v7, v0;
	vm7 =	vlt.s32 v7, v1  }
0x85: {  	vm1 =	vmand vm6, vm7  }
0x86: {  	v8 =	vsel vm1, $0x1, v5  }
0x87: {  	(xrf0) =	vadd.scan.msk.s32 $0xffff, v8;
	_ =	sdelay $0x1  }
0x88: {  	v8 =	vmpcnt.ones.xlane vm0;
	_ =	sdelay $0x3  }
0x89: {  	v6 =	vadd.s32 v6, v8;
	v8, _, _ =	vpop (xrf0)  }
0x8a: {  	v8 =	vadd.s32 v8, v6  }
0x8b: {  	v9 =	vld [tilespmem:s28+$0x30];
	v8 =	vadd.s32 $0xFFFFFFFF, v8;
	_ =	sdelay $0x4  }
0x8c: {  	v7 =	vsub.s32 v7, v0;
	[tilespmem:v8+s20+$0x0] =	vst.idx.msk vm1, v9  }
0x8d: {  	[tilespmem:v8+s21+$0x0] =	vst.idx.msk vm1, v7  }
0x8e: {  	v7 =	vld [tilespmem:s28+$0x5040];
	_ =	sdelay $0x4  }
0x8f: {  	vm8 =	vge.s32 v7, v0;
	vm9 =	vlt.s32 v7, v1  }
0x90: {  	vm0 =	vmand vm8, vm9  }
0x91: {  	v8 =	vsel vm0, $0x1, v5  }
0x92: {  	(xrf0) =	vadd.scan.msk.s32 $0xffff, v8;
	_ =	sdelay $0x1  }
0x93: {  	v8 =	vmpcnt.ones.xlane vm1;
	_ =	sdelay $0x3  }
0x94: {  	v6 =	vadd.s32 v6, v8;
	v8, _, _ =	vpop (xrf0)  }
0x95: {  	v8 =	vadd.s32 v8, v6  }
0x96: {  	v9 =	vld [tilespmem:s28+$0x40];
	v8 =	vadd.s32 $0xFFFFFFFF, v8;
	_ =	sdelay $0x4  }
0x97: {  	v7 =	vsub.s32 v7, v0;
	[tilespmem:v8+s20+$0x0] =	vst.idx.msk vm0, v9  }
0x98: {  	[tilespmem:v8+s21+$0x0] =	vst.idx.msk vm0, v7  }
0x99: {  	v7 =	vld [tilespmem:s28+$0x5050];
	_ =	sdelay $0x4  }
0x9a: {  	vm10 =	vge.s32 v7, v0;
	vm11 =	vlt.s32 v7, v1  }
0x9b: {  	vm1 =	vmand vm10, vm11  }
0x9c: {  	v8 =	vsel vm1, $0x1, v5  }
0x9d: {  	(xrf0) =	vadd.scan.msk.s32 $0xffff, v8;
	_ =	sdelay $0x1  }
0x9e: {  	v8 =	vmpcnt.ones.xlane vm0;
	_ =	sdelay $0x3  }
0x9f: {  	v6 =	vadd.s32 v6, v8;
	v8, _, _ =	vpop (xrf0)  }
0xa0: {  	v8 =	vadd.s32 v8, v6  }
0xa1: {  	v9 =	vld [tilespmem:s28+$0x50];
	v8 =	vadd.s32 $0xFFFFFFFF, v8;
	_ =	sdelay $0x4  }
0xa2: {  	v7 =	vsub.s32 v7, v0;
	[tilespmem:v8+s20+$0x0] =	vst.idx.msk vm1, v9  }
0xa3: {  	[tilespmem:v8+s21+$0x0] =	vst.idx.msk vm1, v7  }
0xa4: {  	v7 =	vld [tilespmem:s28+$0x5060];
	_ =	sdelay $0x4  }
0xa5: {  	vm12 =	vge.s32 v7, v0;
	vm13 =	vlt.s32 v7, v1  }
0xa6: {  	vm0 =	vmand vm12, vm13  }
0xa7: {  	v8 =	vsel vm0, $0x1, v5  }
0xa8: {  	(xrf0) =	vadd.scan.msk.s32 $0xffff, v8;
	_ =	sdelay $0x1  }
0xa9: {  	v8 =	vmpcnt.ones.xlane vm1;
	_ =	sdelay $0x3  }
0xaa: {  	v6 =	vadd.s32 v6, v8;
	v8, _, _ =	vpop (xrf0)  }
0xab: {  	v8 =	vadd.s32 v8, v6  }
0xac: {  	v9 =	vld [tilespmem:s28+$0x60];
	v8 =	vadd.s32 $0xFFFFFFFF, v8;
	_ =	sdelay $0x4  }
0xad: {  	v7 =	vsub.s32 v7, v0;
	[tilespmem:v8+s20+$0x0] =	vst.idx.msk vm0, v9  }
0xae: {  	[tilespmem:v8+s21+$0x0] =	vst.idx.msk vm0, v7  }
0xaf: {  	v7 =	vld [tilespmem:s28+$0x5070];
	_ =	sdelay $0x4  }
0xb0: {  	vm14 =	vge.s32 v7, v0;
	vm15 =	vlt.s32 v7, v1  }
0xb1: {  	vm1 =	vmand vm14, vm15  }
0xb2: {  	v8 =	vsel vm1, $0x1, v5  }
0xb3: {  	(xrf0) =	vadd.scan.msk.s32 $0xffff, v8;
	_ =	sdelay $0x1  }
0xb4: {  	v8 =	vmpcnt.ones.xlane vm0;
	_ =	sdelay $0x3  }
0xb5: {  	v6 =	vadd.s32 v6, v8;
	v8, _, _ =	vpop (xrf0)  }
0xb6: {  	v8 =	vadd.s32 v8, v6  }
0xb7: {  	v9 =	vld [tilespmem:s28+$0x70];
	v8 =	vadd.s32 $0xFFFFFFFF, v8  }
0xb8: {  	p0 =	sne.s32 s26, $0x13E00  }
.Ltmp5:
0xb9: {  	_ = 	snop;
	(pc) =	sbr.rel @p0 .LBB2_8-.Ltmp5, $4  }
0xba: {  	_ = 	snop  }
0xbb: {  	v10 =	vmpcnt.ones.xlane vm1  }
0xbc: {  	v7 =	vsub.s32 v7, v0;
	[tilespmem:v8+s20+$0x0] =	vst.idx.msk vm1, v9  }
0xbd: {  	s26 =	sadd.s32 $0x200, s26;
	v6 =	vadd.s32 v6, v10;
	[tilespmem:v8+s21+$0x0] =	vst.idx.msk vm1, v7  }
0xbe: {  	(v2sf) =	vpush v6, $0x0;
	_ =	sdelay $0xe  }
0xbf: {  	s26 =	spop (v2sf)  }
0xc0: {  	s26 =	sadd.s32 $0x3F, s26  }
0xc1: {  	s28 =	sand.u32 $0x3F, s26  }
0xc2: {  	p1 =	slt.s32 s26, $0x1;
	p0 =	sne.s32 s28, $0x0;
	s28 =	sshra.s32 s26, $0x1F  }
0xc3: {  	s28 =	sshrl.u32 s28, $0x1A;
	p0 =	por !p1, !p0  }
0xc4: {  	s26 =	sadd.s32 s28, s26;
	p0 =	por !p0, !p0;
	s28 =	simm.s32 $0x1  }
0xc5: {  	s26 =	sshra.s32 s26, $0x6;
	s28 =	simm.s32 @!p0 $0x0  }
0xc6: {  	s26 =	ssub.s32 s26, s28  }
0xc7: {  	p0 =	slt.s32 s26, $0x1  }
.Ltmp6:
0xc8: {  	_ = 	snop;
	(pc) =	sbr.rel @p0 .LBB2_15-.Ltmp6, $3  }
0xc9: {  	_ =	sdelay $0x1  }
0xca: {  	[bflag:$0x0] =	sbarrier.arrive $0xFFFF  }
0xcb: {  	s28 =	simm.s32 $0xF200  }
0xcc: {  	p0 =	sne.s32 s26, $0x1  }
.Ltmp7:
0xcd: {  	_ = 	snop;
	(pc) =	sbr.rel @!p0 .LBB2_12-.Ltmp7, $3  }
0xce: {  	_ =	sdelay $0x1  }
0xcf: {  	[spmem:s2] =	stream.indirect.scatter.add.f32 [tilespmem:s19], [sflag:$0x1], $0x10, s28, s23, $0xb8;
	[tilespmem:$0x15E10] =	vst v63  }
0xd0: {  	s29 =	sadd.s32 $0xFFFFFFFF, s26  }
.LBB2_11:
0xd1: {  	p0 =	sne.s32 s29, $0x1  }
.Ltmp8:
0xd2: {  	_ = 	snop;
	(pc) =	sbr.rel @p0 .LBB2_11-.Ltmp8, $3  }
0xd3: {  	_ = 	snop  }
0xd4: {  	s29 =	sadd.s32 $0xFFFFFFFF, s29;
	s28 =	sadd.s32 $0x40, s28;
	_ =	sdelay $0x1  }
0xd5: {  	[spmem:s2] =	stream.indirect.scatter.add.f32 [tilespmem:s19], [sflag:$0x1], $0x10, s28, s23, $0xb8;
	[tilespmem:$0x15E10] =	vst v63  }
.LBB2_12:
0xd6: {  	p0 =	sne.s32 s26, $0x1  }
.Ltmp9:
0xd7: {  	_ = 	snop;
	(pc) =	sbr.rel @!p0 .LBB2_14-.Ltmp9, $3  }
0xd8: {  	_ =	sdelay $0x1  }
0xd9: {  	_ =	swait.ge [sflag:s22], $0x400  }
0xda: {  	s26 =	sadd.s32 $0xFFFFFFFF, s26;
	[sflag:s22] =	ssyncset.done $0x0  }
.LBB2_13:
0xdb: {  	p0 =	sne.s32 s26, $0x1;
	s26 =	sadd.s32 $0xFFFFFFFF, s26;
	[sflag:s22] =	ssyncadd.s32 $0xFFFFFC00  }
.Ltmp10:
0xdc: {  	(pc) =	sbr.rel @p0 .LBB2_13-.Ltmp10, $3  }
0xdd: {  	_ =	sdelay $0x1  }
0xde: {  	_ =	swait.ge [sflag:s22], $0x400  }
0xdf: {  	[sflag:s22] =	ssyncset.done $0x0  }
.Ltmp11:
0xe0: {  	_ = 	snop;
	(pc) =	sbr.rel .LBB2_14-.Ltmp11, $1  }
0xe1: {  	_ =	sdelay $0x3  }
.LBB2_16:
0xe2: {  	_ =	sfence.sel $0x180000  }
0xe3: {  	[bflag:$0x0] =	sbarrier.arrive $0xFFFF  }
0xe4: {  	p0 =	sne.s32 s0, $0x0;
	_ =	strace $0x90000047  }
0xe5: {  	s0 =	sadd.s32 @!p0 $0x100000, s1;
	[bflag:$0x2] =	sbarrier.arrive $0xFFFF  }
0xe6: {  	[sflag:s0] =	ssyncadd.tile.s32 @!p0 $0x1;
	_ =	shalt  }
.Lfunc_end2:
_tile_overlayer_lowered:
.L_overlay_start_2:
0xe7: {  	(tag) =	ssettag $0x2  }
0xe8: {  	s0 =	rddreg [dreg:$0x0];
	s2 =	stileid.u32  }
0xe9: {  	s1 =	rddreg [dreg:$0x1];
	p0 =	sne.s32 s2, $0x0  }
0xea: {  	s3 =	rddreg [dreg:$0x2];
	[bflag:$0x3] =	sbarrier.arrive $0xFFFF;
	s2 =	simm.s32 @!p0 $0x1C02  }
0xeb: {  	[timem:s3], [sflag:s2] =	dma.local @!p0 [hbm:s0], s1  }
0xec: {  	s0 =	simm.s32 @!p0 $0x2  }
0xed: {  	_ =	swait.ge @!p0 [sflag:s0], s1  }
0xee: {  	s1 =	ssub.s32 @!p0 $0x0, s1;
	[sflag:s0] =	ssyncset.done @!p0 $0x0  }
0xef: {  	[sflag:s0] =	ssyncadd.s32 @!p0 s1  }
0xf0: {  	[bflag:$0x3] =	sbarrier.arrive $0xFFFF  }
0xf1: {  	_ =	shalt  }

</sc_bundles>
